<compile_context>
chip_gen: v7x
topology: tpu7x:2x2x1
jax: 0.10.2.dev20260603
libtpu: 0.0.44.dev20260713+nightly
codegen_flags: <defaults>
</compile_context>

<pallas_src>
import functools

import jax
import jax.numpy as jnp
from jax import lax
from jax.experimental import pallas as pl
from jax.experimental.pallas import tpu as pltpu
from jax.experimental.pallas import tpu_sc as plsc

_BATCH = 16384
_D_STATE = 512
_D_OUT = 512
_EMBED = 16

_NW = 32
_BPW = _BATCH // _NW
_G = 16
_NG = _BPW // _G
_NBUF = 3

_TB = 1024
_CB = 4096


def _sc_gather_t(table_t, idx):
    mesh = plsc.VectorSubcoreMesh(core_axis_name="c", subcore_axis_name="s")

    @functools.partial(
        pl.kernel,
        out_type=jax.ShapeDtypeStruct((_EMBED, _BATCH), table_t.dtype),
        mesh=mesh,
        compiler_params=pltpu.CompilerParams(
            use_tc_tiling_on_sc=True, needs_layout_passes=False
        ),
        scratch_types=[
            pltpu.VMEM((_BPW,), jnp.int32),
            pltpu.VMEM((_NBUF, _EMBED, _G * 128), jnp.float32),
            pltpu.VMEM((_EMBED, _BPW), jnp.float32),
            pltpu.SemaphoreType.DMA,
            pltpu.SemaphoreType.DMA,
            pltpu.SemaphoreType.DMA,
            pltpu.SemaphoreType.DMA,
        ],
    )
    def run(tab_hbm, idx_hbm, out_hbm, idx_v, slabs, acc,
            sem0, sem1, sem2, osem):
        wid = lax.axis_index("s") * 2 + lax.axis_index("c")
        base = wid * _BPW
        pltpu.async_copy(idx_hbm.at[pl.ds(base, _BPW)], idx_v, sem0).wait()

        sems = (sem0, sem1, sem2)
        lane_iota = lax.iota(jnp.int32, 16)

        def fetch_group(g, buf):
            v = idx_v[pl.ds(g * _G, _G)]
            for k in range(_G):
                lane0 = pl.multiple_of((v[k] >> 7) << 7, 128)
                pltpu.make_async_copy(
                    tab_hbm.at[:, pl.ds(lane0, 128)],
                    slabs.at[buf, :, pl.ds(k * 128, 128)],
                    sems[buf],
                ).start()

        def drain_group(buf):
            pltpu.make_async_copy(
                tab_hbm.at[:, pl.ds(0, _G * 128)],
                slabs.at[buf],
                sems[buf],
            ).wait()

        def extract_group(g, buf):
            v = idx_v[pl.ds(g * _G, _G)]
            src_cols = lane_iota * 128 + (v & 127)
            dst_cols = lane_iota + g * _G
            for e in range(_EMBED):
                row = jnp.full((16,), e, jnp.int32)
                vals = plsc.load_gather(slabs.at[buf], [row, src_cols])
                plsc.store_scatter(acc, [row, dst_cols], vals)

        for b in range(_NBUF - 1):
            fetch_group(b, b)

        @pl.loop(0, _NG - 2, step=_NBUF)
        def _(g):
            for b in range(_NBUF):
                fetch_group(g + b + _NBUF - 1, (b + _NBUF - 1) % _NBUF)
                drain_group(b)
                extract_group(g + b, b)

        for b in range(2):
            drain_group(b)
            extract_group(_NG - 2 + b, b)

        pltpu.async_copy(acc, out_hbm.at[:, pl.ds(base, _BPW)], osem).wait()

    return run(table_t, idx)


def _tc_matmul_rnn(state, W_enc, rnn_hxs):
    def body(s_ref, w_ref, r_ref, o_ref, r_out_ref):
        s = s_ref[...].astype(jnp.bfloat16)
        w = w_ref[...].astype(jnp.bfloat16)
        o_ref[...] = lax.dot_general(
            w, s, (((0,), (1,)), ((), ())),
            preferred_element_type=jnp.float32,
        )
        r_out_ref[...] = r_ref[...]

    return pl.pallas_call(
        body,
        grid=(_BATCH // _TB,),
        in_specs=[
            pl.BlockSpec((_TB, _D_STATE), lambda i: (i, 0)),
            pl.BlockSpec((_D_STATE, _D_OUT), lambda i: (0, 0)),
            pl.BlockSpec((_TB, _D_OUT), lambda i: (i, 0)),
        ],
        out_specs=[
            pl.BlockSpec((_D_OUT, _TB), lambda i: (0, i)),
            pl.BlockSpec((_TB, _D_OUT), lambda i: (i, 0)),
        ],
        out_shape=[
            jax.ShapeDtypeStruct((_D_OUT + _EMBED, _BATCH), jnp.float32),
            jax.ShapeDtypeStruct((_BATCH, _D_OUT), jnp.float32),
        ],
        compiler_params=pltpu.CompilerParams(
            dimension_semantics=("parallel",)
        ),
    )(state, W_enc, rnn_hxs)


def _tc_concat_act(out_partial, act_t):
    def body(_, a_ref, o_ref):
        o_ref[...] = a_ref[...]

    return pl.pallas_call(
        body,
        grid=(_BATCH // _CB,),
        in_specs=[
            pl.BlockSpec(memory_space=pl.ANY),
            pl.BlockSpec((_EMBED, _CB), lambda i: (0, i)),
        ],
        out_specs=pl.BlockSpec(
            (_EMBED, _CB), lambda i: (_D_OUT // _EMBED, i)
        ),
        out_shape=jax.ShapeDtypeStruct((_D_OUT + _EMBED, _BATCH), jnp.float32),
        input_output_aliases={0: 0},
    )(out_partial, act_t)


def kernel(state, last_action, rnn_hxs, W_enc, table):
    idx = last_action.astype(jnp.int32)
    act_t = _sc_gather_t(table.T, idx)
    out_partial, rnn_out = _tc_matmul_rnn(state, W_enc, rnn_hxs)
    out_t = _tc_concat_act(out_partial, act_t)
    return out_t.T, rnn_out

# --- scband reference (transcript-rebuilt; emitter-appended) ---
"""Pipeline reference for scband-last-action-encoder-58669253263974 (READ-ONLY COPY).

The authoritative reference and input builder live on the scoring server;
editing this copy changes nothing except your own understanding.
"""

import jax, jax.numpy as jnp
import numpy as np

BATCH = 16384
D_STATE = 512
D_OUT = 512
N_ACTIONS = 1000000
EMBED_DIM = 16


def setup_inputs(seed: int = 0) -> dict:
    key = jax.random.key(seed)
    k_state, k_act, k_hxs, k_w, k_tab = jax.random.split(key, 5)
    state = jax.random.normal(k_state, (BATCH, D_STATE), dtype=jnp.float32)
    last_action = jax.random.randint(k_act, (BATCH,), 0, N_ACTIONS, dtype=jnp.int64)
    rnn_hxs = jax.random.normal(k_hxs, (BATCH, D_OUT), dtype=jnp.float32)
    # Learned params: simple linear state encoder with output_size=D_OUT, and the action embedding table
    W_enc = jax.random.normal(k_w, (D_STATE, D_OUT), dtype=jnp.float32) * 0.02
    table = jax.random.normal(k_tab, (N_ACTIONS, EMBED_DIM), dtype=jnp.float32) * 0.02
    return {"state": state, "last_action": last_action, "rnn_hxs": rnn_hxs, "W_enc": W_enc, "table": table}


def reference(state, last_action, rnn_hxs, W_enc, table):
    # state_enc, rnn_hxs = self.state_enc(t['state'], *args)  (modeled as linear encoder, hxs passthrough)
    state_enc = state @ W_enc
    # act_enc = self.act_enc(t['last_action'].long())  -> embedding gather
    act_enc = jnp.take(table, last_action, axis=0)
    # torch.cat([state_enc, act_enc], dim=1)
    return jnp.concatenate([state_enc, act_enc], axis=1), rnn_hxs

if __name__ == "__main__":
    import jax
    _d = setup_inputs()
    print(jax.jit(kernel)(*tuple(_d.values())))

</pallas_src>

<mosaic_0001>
#map = affine_map<(d0, d1) -> (0, 0)>
#map1 = affine_map<(d0, d1) -> (0)>
module attributes {stable_mosaic.version = 14 : i64} {
  func.func @run(%arg0: i32, %arg1: i32, %arg2: memref<16x1000000xf32, #tpu.memory_space<hbm>>, %arg3: memref<16384xi32, #tpu.memory_space<hbm>>, %arg4: memref<16x16384xf32, #tpu.memory_space<hbm>>, %arg5: memref<512xi32, #tpu.memory_space<vmem>>, %arg6: memref<3x16x2048xf32, #tpu.memory_space<vmem>>, %arg7: memref<16x512xf32, #tpu.memory_space<vmem>>, %arg8: memref<!tpu.dma_semaphore, #tpu.memory_space<semaphore_mem>>, %arg9: memref<!tpu.dma_semaphore, #tpu.memory_space<semaphore_mem>>, %arg10: memref<!tpu.dma_semaphore, #tpu.memory_space<semaphore_mem>>, %arg11: memref<!tpu.dma_semaphore, #tpu.memory_space<semaphore_mem>>) attributes {dimension_semantics = [#tpu.dimension_semantics<core_parallel>, #tpu.dimension_semantics<subcore_parallel>], iteration_bounds = array<i64: 2, 16>, scalar_prefetch = 0 : i64, scratch_operands = 7 : i64, tpu.core_type = #tpu.core_type<sc_vector_subcore>, window_params = [{transform_indices = #map}, {transform_indices = #map1}, {transform_indices = #map}]} {
    %mul3A = arith.constant 2 : i32
    %mul3A_0 = arith.muli %arg1, %mul3A : i32
    %add3A = arith.addi %mul3A_0, %arg0 : i32
    %mul3A_1 = arith.constant 512 : i32
    %mul3A_2 = arith.muli %add3A, %mul3A_1 : i32
    %dma_start3A = tpu.memref_slice %arg3[%mul3A_2] : memref<16384xi32, #tpu.memory_space<hbm>> -> memref<512xi32, #tpu.memory_space<hbm>>
    %dma_start3A_3 = tpu.memref_slice %arg3[%mul3A_2] : memref<16384xi32, #tpu.memory_space<hbm>> -> memref<512xi32, #tpu.memory_space<hbm>>
    tpu.enqueue_dma source(%dma_start3A_3 : memref<512xi32, #tpu.memory_space<hbm>>) target(%arg5 : memref<512xi32, #tpu.memory_space<vmem>>) target_semaphore(%arg8 : memref<!tpu.dma_semaphore, #tpu.memory_space<semaphore_mem>>)
    %dma_wait3A = tpu.memref_slice %arg3[%mul3A_2] : memref<16384xi32, #tpu.memory_space<hbm>> -> memref<512xi32, #tpu.memory_space<hbm>>
    %dma_wait3A_4 = tpu.memref_slice %arg3[%mul3A_2] : memref<16384xi32, #tpu.memory_space<hbm>> -> memref<512xi32, #tpu.memory_space<hbm>>
    tpu.wait_dma2 semaphore(%arg8 : memref<!tpu.dma_semaphore, #tpu.memory_space<semaphore_mem>>) src(%dma_wait3A_4 : memref<512xi32, #tpu.memory_space<hbm>>) dst(%arg5 : memref<512xi32, #tpu.memory_space<vmem>>)
    %iota3A = tpu.iota {dimensions = array<i32: 0>} : vector<16xi32>
    %get3A = arith.constant 0 : index
    %get3A_5 = tpu.vector_load %arg5[%get3A] {strides = array<i32>} : memref<512xi32, #tpu.memory_space<vmem>>, vector<16xi32>,
    %slice3A = vector.extract_strided_slice %get3A_5 {offsets = [0], sizes = [1], strides = [1]} : vector<16xi32> to vector<1xi32>
    %squeeze3A = vector.extract %slice3A[0] : i32 from vector<1xi32>
    %shift_right_arithmetic3A = arith.constant 7 : i32
    %shift_right_arithmetic3A_6 = arith.shrsi %squeeze3A, %shift_right_arithmetic3A : i32
    %shift_left3A = arith.constant 7 : i32
    %shift_left3A_7 = arith.shli %shift_right_arithmetic3A_6, %shift_left3A : i32
    %multiple_of3A = tpu.assume_multiple %shift_left3A_7, 128 : i32
    %dma_start3A_8 = arith.constant 0 : i32
    %dma_start3A_9 = arith.constant 0 : i32
    %dma_start3A_10 = arith.constant 0 : i32
    %dma_start3A_11 = tpu.memref_slice %arg6[%dma_start3A_8, %dma_start3A_9, %dma_start3A_10] : memref<3x16x2048xf32, #tpu.memory_space<vmem>> -> memref<1x16x128xf32, #tpu.memory_space<vmem>>
    %dma_start3A_12 = tpu.memref_squeeze %dma_start3A_11 : memref<1x16x128xf32, #tpu.memory_space<vmem>> -> memref<16x128xf32, #tpu.memory_space<vmem>>
    %dma_start3A_13 = arith.constant 0 : i32
    %dma_start3A_14 = tpu.memref_slice %arg2[%dma_start3A_13, %multiple_of3A] : memref<16x1000000xf32, #tpu.memory_space<hbm>> -> memref<16x128xf32, #tpu.memory_space<hbm>>
    %dma_start3A_15 = arith.constant 0 : i32
    %dma_start3A_16 = arith.constant 0 : i32
    %dma_start3A_17 = tpu.memref_slice %arg6[%dma_start3A_8, %dma_start3A_15, %dma_start3A_16] : memref<3x16x2048xf32, #tpu.memory_space<vmem>> -> memref<1x16x128xf32, #tpu.memory_space<vmem>>
    %dma_start3A_18 = tpu.memref_squeeze %dma_start3A_17 : memref<1x16x128xf32, #tpu.memory_space<vmem>> -> memref<16x128xf32, #tpu.memory_space<vmem>>
    %dma_start3A_19 = arith.constant 0 : i32
    %dma_start3A_20 = tpu.memref_slice %arg2[%dma_start3A_19, %multiple_of3A] : memref<16x1000000xf32, #tpu.memory_space<hbm>> -> memref<16x128xf32, #tpu.memory_space<hbm>>
    tpu.enqueue_dma source(%dma_start3A_20 : memref<16x128xf32, #tpu.memory_space<hbm>>) target(%dma_start3A_18 : memref<16x128xf32, #tpu.memory_space<vmem>>) target_semaphore(%arg8 : memref<!tpu.dma_semaphore, #tpu.memory_space<semaphore_mem>>)
    %slice3A_21 = vector.extract_strided_slice %get3A_5 {offsets = [1], sizes = [1], strides = [1]} : vector<16xi32> to vector<1xi32>
    %squeeze3A_22 = vector.extract %slice3A_21[0] : i32 from vector<1xi32>
    %shift_right_arithmetic3A_23 = arith.constant 7 : i32
    %shift_right_arithmetic3A_24 = arith.shrsi %squeeze3A_22, %shift_right_arithmetic3A_23 : i32
    %shift_left3A_25 = arith.constant 7 : i32
    %shift_left3A_26 = arith.shli %shift_right_arithmetic3A_24, %shift_left3A_25 : i32
    %multiple_of3A_27 = tpu.assume_multiple %shift_left3A_26, 128 : i32
    %dma_start3A_28 = arith.constant 0 : i32
    %dma_start3A_29 = arith.constant 0 : i32
    %dma_start3A_30 = arith.constant 128 : i32
    %dma_start3A_31 = tpu.memref_slice %arg6[%dma_start3A_28, %dma_start3A_29, %dma_start3A_30] : memref<3x16x2048xf32, #tpu.memory_space<vmem>> -> memref<1x16x128xf32, #tpu.memory_space<vmem>>
    %dma_start3A_32 = tpu.memref_squeeze %dma_start3A_31 : memref<1x16x128xf32, #tpu.memory_space<vmem>> -> memref<16x128xf32, #tpu.memory_space<vmem>>
    %dma_start3A_33 = arith.constant 0 : i32
    %dma_start3A_34 = tpu.memref_slice %arg2[%dma_start3A_33, %multiple_of3A_27] : memref<16x1000000xf32, #tpu.memory_space<hbm>> -> memref<16x128xf32, #tpu.memory_space<hbm>>
    %dma_start3A_35 = arith.constant 0 : i32
    %dma_start3A_36 = arith.constant 128 : i32
    %dma_start3A_37 = tpu.memref_slice %arg6[%dma_start3A_28, %dma_start3A_35, %dma_start3A_36] : memref<3x16x2048xf32, #tpu.memory_space<vmem>> -> memref<1x16x128xf32, #tpu.memory_space<vmem>>
    %dma_start3A_38 = tpu.memref_squeeze %dma_start3A_37 : memref<1x16x128xf32, #tpu.memory_space<vmem>> -> memref<16x128xf32, #tpu.memory_space<vmem>>
    %dma_start3A_39 = arith.constant 0 : i32
    %dma_start3A_40 = tpu.memref_slice %arg2[%dma_start3A_39, %multiple_of3A_27] : memref<16x1000000xf32, #tpu.memory_space<hbm>> -> memref<16x128xf32, #tpu.memory_space<hbm>>
    tpu.enqueue_dma source(%dma_start3A_40 : memref<16x128xf32, #tpu.memory_space<hbm>>) target(%dma_start3A_38 : memref<16x128xf32, #tpu.memory_space<vmem>>) target_semaphore(%arg8 : memref<!tpu.dma_semaphore, #tpu.memory_space<semaphore_mem>>)
    %slice3A_41 = vector.extract_strided_slice %get3A_5 {offsets = [2], sizes = [1], strides = [1]} : vector<16xi32> to vector<1xi32>
    %squeeze3A_42 = vector.extract %slice3A_41[0] : i32 from vector<1xi32>
    %shift_right_arithmetic3A_43 = arith.constant 7 : i32
    %shift_right_arithmetic3A_44 = arith.shrsi %squeeze3A_42, %shift_right_arithmetic3A_43 : i32
    %shift_left3A_45 = arith.constant 7 : i32
    %shift_left3A_46 = arith.shli %shift_right_arithmetic3A_44, %shift_left3A_45 : i32
    %multiple_of3A_47 = tpu.assume_multiple %shift_left3A_46, 128 : i32
    %dma_start3A_48 = arith.constant 0 : i32
    %dma_start3A_49 = arith.constant 0 : i32
    %dma_start3A_50 = arith.constant 256 : i32
    %dma_start3A_51 = tpu.memref_slice %arg6[%dma_start3A_48, %dma_start3A_49, %dma_start3A_50] : memref<3x16x2048xf32, #tpu.memory_space<vmem>> -> memref<1x16x128xf32, #tpu.memory_space<vmem>>
    %dma_start3A_52 = tpu.memref_squeeze %dma_start3A_51 : memref<1x16x128xf32, #tpu.memory_space<vmem>> -> memref<16x128xf32, #tpu.memory_space<vmem>>
    %dma_start3A_53 = arith.constant 0 : i32
    %dma_start3A_54 = tpu.memref_slice %arg2[%dma_start3A_53, %multiple_of3A_47] : memref<16x1000000xf32, #tpu.memory_space<hbm>> -> memref<16x128xf32, #tpu.memory_space<hbm>>
    %dma_start3A_55 = arith.constant 0 : i32
    %dma_start3A_56 = arith.constant 256 : i32
    %dma_start3A_57 = tpu.memref_slice %arg6[%dma_start3A_48, %dma_start3A_55, %dma_start3A_56] : memref<3x16x2048xf32, #tpu.memory_space<vmem>> -> memref<1x16x128xf32, #tpu.memory_space<vmem>>
    %dma_start3A_58 = tpu.memref_squeeze %dma_start3A_57 : memref<1x16x128xf32, #tpu.memory_space<vmem>> -> memref<16x128xf32, #tpu.memory_space<vmem>>
    %dma_start3A_59 = arith.constant 0 : i32
    %dma_start3A_60 = tpu.memref_slice %arg2[%dma_start3A_59, %multiple_of3A_47] : memref<16x1000000xf32, #tpu.memory_space<hbm>> -> memref<16x128xf32, #tpu.memory_space<hbm>>
    tpu.enqueue_dma source(%dma_start3A_60 : memref<16x128xf32, #tpu.memory_space<hbm>>) target(%dma_start3A_58 : memref<16x128xf32, #tpu.memory_space<vmem>>) target_semaphore(%arg8 : memref<!tpu.dma_semaphore, #tpu.memory_space<semaphore_mem>>)
    %slice3A_61 = vector.extract_strided_slice %get3A_5 {offsets = [3], sizes = [1], strides = [1]} : vector<16xi32> to vector<1xi32>
    %squeeze3A_62 = vector.extract %slice3A_61[0] : i32 from vector<1xi32>
    %shift_right_arithmetic3A_63 = arith.constant 7 : i32
    %shift_right_arithmetic3A_64 = arith.shrsi %squeeze3A_62, %shift_right_arithmetic3A_63 : i32
    %shift_left3A_65 = arith.constant 7 : i32
    %shift_left3A_66 = arith.shli %shift_right_arithmetic3A_64, %shift_left3A_65 : i32
    %multiple_of3A_67 = tpu.assume_multiple %shift_left3A_66, 128 : i32
    %dma_start3A_68 = arith.constant 0 : i32
    %dma_start3A_69 = arith.constant 0 : i32
    %dma_start3A_70 = arith.constant 384 : i32
    %dma_start3A_71 = tpu.memref_slice %arg6[%dma_start3A_68, %dma_start3A_69, %dma_start3A_70] : memref<3x16x2048xf32, #tpu.memory_space<vmem>> -> memref<1x16x128xf32, #tpu.memory_space<vmem>>
    %dma_start3A_72 = tpu.memref_squeeze %dma_start3A_71 : memref<1x16x128xf32, #tpu.memory_space<vmem>> -> memref<16x128xf32, #tpu.memory_space<vmem>>
    %dma_start3A_73 = arith.constant 0 : i32
    %dma_start3A_74 = tpu.memref_slice %arg2[%dma_start3A_73, %multiple_of3A_67] : memref<16x1000000xf32, #tpu.memory_space<hbm>> -> memref<16x128xf32, #tpu.memory_space<hbm>>
    %dma_start3A_75 = arith.constant 0 : i32
    %dma_start3A_76 = arith.constant 384 : i32
    %dma_start3A_77 = tpu.memref_slice %arg6[%dma_start3A_68, %dma_start3A_75, %dma_start3A_76] : memref<3x16x2048xf32, #tpu.memory_space<vmem>> -> memref<1x16x128xf32, #tpu.memory_space<vmem>>
    %dma_start3A_78 = tpu.memref_squeeze %dma_start3A_77 : memref<1x16x128xf32, #tpu.memory_space<vmem>> -> memref<16x128xf32, #tpu.memory_space<vmem>>
    %dma_start3A_79 = arith.constant 0 : i32
    %dma_start3A_80 = tpu.memref_slice %arg2[%dma_start3A_79, %multiple_of3A_67] : memref<16x1000000xf32, #tpu.memory_space<hbm>> -> memref<16x128xf32, #tpu.memory_space<hbm>>
    tpu.enqueue_dma source(%dma_start3A_80 : memref<16x128xf32, #tpu.memory_space<hbm>>) target(%dma_start3A_78 : memref<16x128xf32, #tpu.memory_space<vmem>>) target_semaphore(%arg8 : memref<!tpu.dma_semaphore, #tpu.memory_space<semaphore_mem>>)
    %slice3A_81 = vector.extract_strided_slice %get3A_5 {offsets = [4], sizes = [1], strides = [1]} : vector<16xi32> to vector<1xi32>
    %squeeze3A_82 = vector.extract %slice3A_81[0] : i32 from vector<1xi32>
    %shift_right_arithmetic3A_83 = arith.constant 7 : i32
    %shift_right_arithmetic3A_84 = arith.shrsi %squeeze3A_82, %shift_right_arithmetic3A_83 : i32
    %shift_left3A_85 = arith.constant 7 : i32
    %shift_left3A_86 = arith.shli %shift_right_arithmetic3A_84, %shift_left3A_85 : i32
    %multiple_of3A_87 = tpu.assume_multiple %shift_left3A_86, 128 : i32
    %dma_start3A_88 = arith.constant 0 : i32
    %dma_start3A_89 = arith.constant 0 : i32
    %dma_start3A_90 = arith.constant 512 : i32
    %dma_start3A_91 = tpu.memref_slice %arg6[%dma_start3A_88, %dma_start3A_89, %dma_start3A_90] : memref<3x16x2048xf32, #tpu.memory_space<vmem>> -> memref<1x16x128xf32, #tpu.memory_space<vmem>>
    %dma_start3A_92 = tpu.memref_squeeze %dma_start3A_91 : memref<1x16x128xf32, #tpu.memory_space<vmem>> -> memref<16x128xf32, #tpu.memory_space<vmem>>
    %dma_start3A_93 = arith.constant 0 : i32
    %dma_start3A_94 = tpu.memref_slice %arg2[%dma_start3A_93, %multiple_of3A_87] : memref<16x1000000xf32, #tpu.memory_space<hbm>> -> memref<16x128xf32, #tpu.memory_space<hbm>>
    %dma_start3A_95 = arith.constant 0 : i32
    %dma_start3A_96 = arith.constant 512 : i32
    %dma_start3A_97 = tpu.memref_slice %arg6[%dma_start3A_88, %dma_start3A_95, %dma_start3A_96] : memref<3x16x2048xf32, #tpu.memory_space<vmem>> -> memref<1x16x128xf32, #tpu.memory_space<vmem>>
    %dma_start3A_98 = tpu.memref_squeeze %dma_start3A_97 : memref<1x16x128xf32, #tpu.memory_space<vmem>> -> memref<16x128xf32, #tpu.memory_space<vmem>>
    %dma_start3A_99 = arith.constant 0 : i32
    %dma_start3A_100 = tpu.memref_slice %arg2[%dma_start3A_99, %multiple_of3A_87] : memref<16x1000000xf32, #tpu.memory_space<hbm>> -> memref<16x128xf32, #tpu.memory_space<hbm>>
    tpu.enqueue_dma source(%dma_start3A_100 : memref<16x128xf32, #tpu.memory_space<hbm>>) target(%dma_start3A_98 : memref<16x128xf32, #tpu.memory_space<vmem>>) target_semaphore(%arg8 : memref<!tpu.dma_semaphore, #tpu.memory_space<semaphore_mem>>)
    %slice3A_101 = vector.extract_strided_slice %get3A_5 {offsets = [5], sizes = [1], strides = [1]} : vector<16xi32> to vector<1xi32>
    %squeeze3A_102 = vector.extract %slice3A_101[0] : i32 from vector<1xi32>
    %shift_right_arithmetic3A_103 = arith.constant 7 : i32
    %shift_right_arithmetic3A_104 = arith.shrsi %squeeze3A_102, %shift_right_arithmetic3A_103 : i32
    %shift_left3A_105 = arith.constant 7 : i32
    %shift_left3A_106 = arith.shli %shift_right_arithmetic3A_104, %shift_left3A_105 : i32
    %multiple_of3A_107 = tpu.assume_multiple %shift_left3A_106, 128 : i32
    %dma_start3A_108 = arith.constant 0 : i32
    %dma_start3A_109 = arith.constant 0 : i32
    %dma_start3A_110 = arith.constant 640 : i32
    %dma_start3A_111 = tpu.memref_slice %arg6[%dma_start3A_108, %dma_start3A_109, %dma_start3A_110] : memref<3x16x2048xf32, #tpu.memory_space<vmem>> -> memref<1x16x128xf32, #tpu.memory_space<vmem>>
    %dma_start3A_112 = tpu.memref_squeeze %dma_start3A_111 : memref<1x16x128xf32, #tpu.memory_space<vmem>> -> memref<16x128xf32, #tpu.memory_space<vmem>>
    %dma_start3A_113 = arith.constant 0 : i32
    %dma_start3A_114 = tpu.memref_slice %arg2[%dma_start3A_113, %multiple_of3A_107] : memref<16x1000000xf32, #tpu.memory_space<hbm>> -> memref<16x128xf32, #tpu.memory_space<hbm>>
    %dma_start3A_115 = arith.constant 0 : i32
    %dma_start3A_116 = arith.constant 640 : i32
    %dma_start3A_117 = tpu.memref_slice %arg6[%dma_start3A_108, %dma_start3A_115, %dma_start3A_116] : memref<3x16x2048xf32, #tpu.memory_space<vmem>> -> memref<1x16x128xf32, #tpu.memory_space<vmem>>
    %dma_start3A_118 = tpu.memref_squeeze %dma_start3A_117 : memref<1x16x128xf32, #tpu.memory_space<vmem>> -> memref<16x128xf32, #tpu.memory_space<vmem>>
    %dma_start3A_119 = arith.constant 0 : i32
    %dma_start3A_120 = tpu.memref_slice %arg2[%dma_start3A_119, %multiple_of3A_107] : memref<16x1000000xf32, #tpu.memory_space<hbm>> -> memref<16x128xf32, #tpu.memory_space<hbm>>
    tpu.enqueue_dma source(%dma_start3A_120 : memref<16x128xf32, #tpu.memory_space<hbm>>) target(%dma_start3A_118 : memref<16x128xf32, #tpu.memory_space<vmem>>) target_semaphore(%arg8 : memref<!tpu.dma_semaphore, #tpu.memory_space<semaphore_mem>>)
    %slice3A_121 = vector.extract_strided_slice %get3A_5 {offsets = [6], sizes = [1], strides = [1]} : vector<16xi32> to vector<1xi32>
    %squeeze3A_122 = vector.extract %slice3A_121[0] : i32 from vector<1xi32>
    %shift_right_arithmetic3A_123 = arith.constant 7 : i32
    %shift_right_arithmetic3A_124 = arith.shrsi %squeeze3A_122, %shift_right_arithmetic3A_123 : i32
    %shift_left3A_125 = arith.constant 7 : i32
    %shift_left3A_126 = arith.shli %shift_right_arithmetic3A_124, %shift_left3A_125 : i32
    %multiple_of3A_127 = tpu.assume_multiple %shift_left3A_126, 128 : i32
    %dma_start3A_128 = arith.constant 0 : i32
    %dma_start3A_129 = arith.constant 0 : i32
    %dma_start3A_130 = arith.constant 768 : i32
    %dma_start3A_131 = tpu.memref_slice %arg6[%dma_start3A_128, %dma_start3A_129, %dma_start3A_130] : memref<3x16x2048xf32, #tpu.memory_space<vmem>> -> memref<1x16x128xf32, #tpu.memory_space<vmem>>
    %dma_start3A_132 = tpu.memref_squeeze %dma_start3A_131 : memref<1x16x128xf32, #tpu.memory_space<vmem>> -> memref<16x128xf32, #tpu.memory_space<vmem>>
    %dma_start3A_133 = arith.constant 0 : i32
    %dma_start3A_134 = tpu.memref_slice %arg2[%dma_start3A_133, %multiple_of3A_127] : memref<16x1000000xf32, #tpu.memory_space<hbm>> -> memref<16x128xf32, #tpu.memory_space<hbm>>
    %dma_start3A_135 = arith.constant 0 : i32
    %dma_start3A_136 = arith.constant 768 : i32
    %dma_start3A_137 = tpu.memref_slice %arg6[%dma_start3A_128, %dma_start3A_135, %dma_start3A_136] : memref<3x16x2048xf32, #tpu.memory_space<vmem>> -> memref<1x16x128xf32, #tpu.memory_space<vmem>>
    %dma_start3A_138 = tpu.memref_squeeze %dma_start3A_137 : memref<1x16x128xf32, #tpu.memory_space<vmem>> -> memref<16x128xf32, #tpu.memory_space<vmem>>
    %dma_start3A_139 = arith.constant 0 : i32
    %dma_start3A_140 = tpu.memref_slice %arg2[%dma_start3A_139, %multiple_of3A_127] : memref<16x1000000xf32, #tpu.memory_space<hbm>> -> memref<16x128xf32, #tpu.memory_space<hbm>>
    tpu.enqueue_dma source(%dma_start3A_140 : memref<16x128xf32, #tpu.memory_space<hbm>>) target(%dma_start3A_138 : memref<16x128xf32, #tpu.memory_space<vmem>>) target_semaphore(%arg8 : memref<!tpu.dma_semaphore, #tpu.memory_space<semaphore_mem>>)
    %slice3A_141 = vector.extract_strided_slice %get3A_5 {offsets = [7], sizes = [1], strides = [1]} : vector<16xi32> to vector<1xi32>
    %squeeze3A_142 = vector.extract %slice3A_141[0] : i32 from vector<1xi32>
    %shift_right_arithmetic3A_143 = arith.constant 7 : i32
    %shift_right_arithmetic3A_144 = arith.shrsi %squeeze3A_142, %shift_right_arithmetic3A_143 : i32
    %shift_left3A_145 = arith.constant 7 : i32
    %shift_left3A_146 = arith.shli %shift_right_arithmetic3A_144, %shift_left3A_145 : i32
    %multiple_of3A_147 = tpu.assume_multiple %shift_left3A_146, 128 : i32
    %dma_start3A_148 = arith.constant 0 : i32
    %dma_start3A_149 = arith.constant 0 : i32
    %dma_start3A_150 = arith.constant 896 : i32
    %dma_start3A_151 = tpu.memref_slice %arg6[%dma_start3A_148, %dma_start3A_149, %dma_start3A_150] : memref<3x16x2048xf32, #tpu.memory_space<vmem>> -> memref<1x16x128xf32, #tpu.memory_space<vmem>>
    %dma_start3A_152 = tpu.memref_squeeze %dma_start3A_151 : memref<1x16x128xf32, #tpu.memory_space<vmem>> -> memref<16x128xf32, #tpu.memory_space<vmem>>
    %dma_start3A_153 = arith.constant 0 : i32
    %dma_start3A_154 = tpu.memref_slice %arg2[%dma_start3A_153, %multiple_of3A_147] : memref<16x1000000xf32, #tpu.memory_space<hbm>> -> memref<16x128xf32, #tpu.memory_space<hbm>>
    %dma_start3A_155 = arith.constant 0 : i32
    %dma_start3A_156 = arith.constant 896 : i32
    %dma_start3A_157 = tpu.memref_slice %arg6[%dma_start3A_148, %dma_start3A_155, %dma_start3A_156] : memref<3x16x2048xf32, #tpu.memory_space<vmem>> -> memref<1x16x128xf32, #tpu.memory_space<vmem>>
    %dma_start3A_158 = tpu.memref_squeeze %dma_start3A_157 : memref<1x16x128xf32, #tpu.memory_space<vmem>> -> memref<16x128xf32, #tpu.memory_space<vmem>>
    %dma_start3A_159 = arith.constant 0 : i32
    %dma_start3A_160 = tpu.memref_slice %arg2[%dma_start3A_159, %multiple_of3A_147] : memref<16x1000000xf32, #tpu.memory_space<hbm>> -> memref<16x128xf32, #tpu.memory_space<hbm>>
    tpu.enqueue_dma source(%dma_start3A_160 : memref<16x128xf32, #tpu.memory_space<hbm>>) target(%dma_start3A_158 : memref<16x128xf32, #tpu.memory_space<vmem>>) target_semaphore(%arg8 : memref<!tpu.dma_semaphore, #tpu.memory_space<semaphore_mem>>)
    %slice3A_161 = vector.extract_strided_slice %get3A_5 {offsets = [8], sizes = [1], strides = [1]} : vector<16xi32> to vector<1xi32>
    %squeeze3A_162 = vector.extract %slice3A_161[0] : i32 from vector<1xi32>
    %shift_right_arithmetic3A_163 = arith.constant 7 : i32
    %shift_right_arithmetic3A_164 = arith.shrsi %squeeze3A_162, %shift_right_arithmetic3A_163 : i32
    %shift_left3A_165 = arith.constant 7 : i32
    %shift_left3A_166 = arith.shli %shift_right_arithmetic3A_164, %shift_left3A_165 : i32
    %multiple_of3A_167 = tpu.assume_multiple %shift_left3A_166, 128 : i32
    %dma_start3A_168 = arith.constant 0 : i32
    %dma_start3A_169 = arith.constant 0 : i32
    %dma_start3A_170 = arith.constant 1024 : i32
    %dma_start3A_171 = tpu.memref_slice %arg6[%dma_start3A_168, %dma_start3A_169, %dma_start3A_170] : memref<3x16x2048xf32, #tpu.memory_space<vmem>> -> memref<1x16x128xf32, #tpu.memory_space<vmem>>
    %dma_start3A_172 = tpu.memref_squeeze %dma_start3A_171 : memref<1x16x128xf32, #tpu.memory_space<vmem>> -> memref<16x128xf32, #tpu.memory_space<vmem>>
    %dma_start3A_173 = arith.constant 0 : i32
    %dma_start3A_174 = tpu.memref_slice %arg2[%dma_start3A_173, %multiple_of3A_167] : memref<16x1000000xf32, #tpu.memory_space<hbm>> -> memref<16x128xf32, #tpu.memory_space<hbm>>
    %dma_start3A_175 = arith.constant 0 : i32
    %dma_start3A_176 = arith.constant 1024 : i32
    %dma_start3A_177 = tpu.memref_slice %arg6[%dma_start3A_168, %dma_start3A_175, %dma_start3A_176] : memref<3x16x2048xf32, #tpu.memory_space<vmem>> -> memref<1x16x128xf32, #tpu.memory_space<vmem>>
    %dma_start3A_178 = tpu.memref_squeeze %dma_start3A_177 : memref<1x16x128xf32, #tpu.memory_space<vmem>> -> memref<16x128xf32, #tpu.memory_space<vmem>>
    %dma_start3A_179 = arith.constant 0 : i32
    %dma_start3A_180 = tpu.memref_slice %arg2[%dma_start3A_179, %multiple_of3A_167] : memref<16x1000000xf32, #tpu.memory_space<hbm>> -> memref<16x128xf32, #tpu.memory_space<hbm>>
    tpu.enqueue_dma source(%dma_start3A_180 : memref<16x128xf32, #tpu.memory_space<hbm>>) target(%dma_start3A_178 : memref<16x128xf32, #tpu.memory_space<vmem>>) target_semaphore(%arg8 : memref<!tpu.dma_semaphore, #tpu.memory_space<semaphore_mem>>)
    %slice3A_181 = vector.extract_strided_slice %get3A_5 {offsets = [9], sizes = [1], strides = [1]} : vector<16xi32> to vector<1xi32>
    %squeeze3A_182 = vector.extract %slice3A_181[0] : i32 from vector<1xi32>
    %shift_right_arithmetic3A_183 = arith.constant 7 : i32
    %shift_right_arithmetic3A_184 = arith.shrsi %squeeze3A_182, %shift_right_arithmetic3A_183 : i32
    %shift_left3A_185 = arith.constant 7 : i32
    %shift_left3A_186 = arith.shli %shift_right_arithmetic3A_184, %shift_left3A_185 : i32
    %multiple_of3A_187 = tpu.assume_multiple %shift_left3A_186, 128 : i32
    %dma_start3A_188 = arith.constant 0 : i32
    %dma_start3A_189 = arith.constant 0 : i32
    %dma_start3A_190 = arith.constant 1152 : i32
    %dma_start3A_191 = tpu.memref_slice %arg6[%dma_start3A_188, %dma_start3A_189, %dma_start3A_190] : memref<3x16x2048xf32, #tpu.memory_space<vmem>> -> memref<1x16x128xf32, #tpu.memory_space<vmem>>
    %dma_start3A_192 = tpu.memref_squeeze %dma_start3A_191 : memref<1x16x128xf32, #tpu.memory_space<vmem>> -> memref<16x128xf32, #tpu.memory_space<vmem>>
    %dma_start3A_193 = arith.constant 0 : i32
    %dma_start3A_194 = tpu.memref_slice %arg2[%dma_start3A_193, %multiple_of3A_187] : memref<16x1000000xf32, #tpu.memory_space<hbm>> -> memref<16x128xf32, #tpu.memory_space<hbm>>
    %dma_start3A_195 = arith.constant 0 : i32
    %dma_start3A_196 = arith.constant 1152 : i32
    %dma_start3A_197 = tpu.memref_slice %arg6[%dma_start3A_188, %dma_start3A_195, %dma_start3A_196] : memref<3x16x2048xf32, #tpu.memory_space<vmem>> -> memref<1x16x128xf32, #tpu.memory_space<vmem>>
    %dma_start3A_198 = tpu.memref_squeeze %dma_start3A_197 : memref<1x16x128xf32, #tpu.memory_space<vmem>> -> memref<16x128xf32, #tpu.memory_space<vmem>>
    %dma_start3A_199 = arith.constant 0 : i32
    %dma_start3A_200 = tpu.memref_slice %arg2[%dma_start3A_199, %multiple_of3A_187] : memref<16x1000000xf32, #tpu.memory_space<hbm>> -> memref<16x128xf32, #tpu.memory_space<hbm>>
    tpu.enqueue_dma source(%dma_start3A_200 : memref<16x128xf32, #tpu.memory_space<hbm>>) target(%dma_start3A_198 : memref<16x128xf32, #tpu.memory_space<vmem>>) target_semaphore(%arg8 : memref<!tpu.dma_semaphore, #tpu.memory_space<semaphore_mem>>)
    %slice3A_201 = vector.extract_strided_slice %get3A_5 {offsets = [10], sizes = [1], strides = [1]} : vector<16xi32> to vector<1xi32>
    %squeeze3A_202 = vector.extract %slice3A_201[0] : i32 from vector<1xi32>
    %shift_right_arithmetic3A_203 = arith.constant 7 : i32
    %shift_right_arithmetic3A_204 = arith.shrsi %squeeze3A_202, %shift_right_arithmetic3A_203 : i32
    %shift_left3A_205 = arith.constant 7 : i32
    %shift_left3A_206 = arith.shli %shift_right_arithmetic3A_204, %shift_left3A_205 : i32
    %multiple_of3A_207 = tpu.assume_multiple %shift_left3A_206, 128 : i32
    %dma_start3A_208 = arith.constant 0 : i32
    %dma_start3A_209 = arith.constant 0 : i32
    %dma_start3A_210 = arith.constant 1280 : i32
    %dma_start3A_211 = tpu.memref_slice %arg6[%dma_start3A_208, %dma_start3A_209, %dma_start3A_210] : memref<3x16x2048xf32, #tpu.memory_space<vmem>> -> memref<1x16x128xf32, #tpu.memory_space<vmem>>
    %dma_start3A_212 = tpu.memref_squeeze %dma_start3A_211 : memref<1x16x128xf32, #tpu.memory_space<vmem>> -> memref<16x128xf32, #tpu.memory_space<vmem>>
    %dma_start3A_213 = arith.constant 0 : i32
    %dma_start3A_214 = tpu.memref_slice %arg2[%dma_start3A_213, %multiple_of3A_207] : memref<16x1000000xf32, #tpu.memory_space<hbm>> -> memref<16x128xf32, #tpu.memory_space<hbm>>
    %dma_start3A_215 = arith.constant 0 : i32
    %dma_start3A_216 = arith.constant 1280 : i32
    %dma_start3A_217 = tpu.memref_slice %arg6[%dma_start3A_208, %dma_start3A_215, %dma_start3A_216] : memref<3x16x2048xf32, #tpu.memory_space<vmem>> -> memref<1x16x128xf32, #tpu.memory_space<vmem>>
    %dma_start3A_218 = tpu.memref_squeeze %dma_start3A_217 : memref<1x16x128xf32, #tpu.memory_space<vmem>> -> memref<16x128xf32, #tpu.memory_space<vmem>>
    %dma_start3A_219 = arith.constant 0 : i32
    %dma_start3A_220 = tpu.memref_slice %arg2[%dma_start3A_219, %multiple_of3A_207] : memref<16x1000000xf32, #tpu.memory_space<hbm>> -> memref<16x128xf32, #tpu.memory_space<hbm>>
    tpu.enqueue_dma source(%dma_start3A_220 : memref<16x128xf32, #tpu.memory_space<hbm>>) target(%dma_start3A_218 : memref<16x128xf32, #tpu.memory_space<vmem>>) target_semaphore(%arg8 : memref<!tpu.dma_semaphore, #tpu.memory_space<semaphore_mem>>)
    %slice3A_221 = vector.extract_strided_slice %get3A_5 {offsets = [11], sizes = [1], strides = [1]} : vector<16xi32> to vector<1xi32>
    %squeeze3A_222 = vector.extract %slice3A_221[0] : i32 from vector<1xi32>
    %shift_right_arithmetic3A_223 = arith.constant 7 : i32
    %shift_right_arithmetic3A_224 = arith.shrsi %squeeze3A_222, %shift_right_arithmetic3A_223 : i32
    %shift_left3A_225 = arith.constant 7 : i32
    %shift_left3A_226 = arith.shli %shift_right_arithmetic3A_224, %shift_left3A_225 : i32
    %multiple_of3A_227 = tpu.assume_multiple %shift_left3A_226, 128 : i32
    %dma_start3A_228 = arith.constant 0 : i32
    %dma_start3A_229 = arith.constant 0 : i32
    %dma_start3A_230 = arith.constant 1408 : i32
    %dma_start3A_231 = tpu.memref_slice %arg6[%dma_start3A_228, %dma_start3A_229, %dma_start3A_230] : memref<3x16x2048xf32, #tpu.memory_space<vmem>> -> memref<1x16x128xf32, #tpu.memory_space<vmem>>
    %dma_start3A_232 = tpu.memref_squeeze %dma_start3A_231 : memref<1x16x128xf32, #tpu.memory_space<vmem>> -> memref<16x128xf32, #tpu.memory_space<vmem>>
    %dma_start3A_233 = arith.constant 0 : i32
    %dma_start3A_234 = tpu.memref_slice %arg2[%dma_start3A_233, %multiple_of3A_227] : memref<16x1000000xf32, #tpu.memory_space<hbm>> -> memref<16x128xf32, #tpu.memory_space<hbm>>
    %dma_start3A_235 = arith.constant 0 : i32
    %dma_start3A_236 = arith.constant 1408 : i32
    %dma_start3A_237 = tpu.memref_slice %arg6[%dma_start3A_228, %dma_start3A_235, %dma_start3A_236] : memref<3x16x2048xf32, #tpu.memory_space<vmem>> -> memref<1x16x128xf32, #tpu.memory_space<vmem>>
    %dma_start3A_238 = tpu.memref_squeeze %dma_start3A_237 : memref<1x16x128xf32, #tpu.memory_space<vmem>> -> memref<16x128xf32, #tpu.memory_space<vmem>>
    %dma_start3A_239 = arith.constant 0 : i32
    %dma_start3A_240 = tpu.memref_slice %arg2[%dma_start3A_239, %multiple_of3A_227] : memref<16x1000000xf32, #tpu.memory_space<hbm>> -> memref<16x128xf32, #tpu.memory_space<hbm>>
    tpu.enqueue_dma source(%dma_start3A_240 : memref<16x128xf32, #tpu.memory_space<hbm>>) target(%dma_start3A_238 : memref<16x128xf32, #tpu.memory_space<vmem>>) target_semaphore(%arg8 : memref<!tpu.dma_semaphore, #tpu.memory_space<semaphore_mem>>)
    %slice3A_241 = vector.extract_strided_slice %get3A_5 {offsets = [12], sizes = [1], strides = [1]} : vector<16xi32> to vector<1xi32>
    %squeeze3A_242 = vector.extract %slice3A_241[0] : i32 from vector<1xi32>
    %shift_right_arithmetic3A_243 = arith.constant 7 : i32
    %shift_right_arithmetic3A_244 = arith.shrsi %squeeze3A_242, %shift_right_arithmetic3A_243 : i32
    %shift_left3A_245 = arith.constant 7 : i32
    %shift_left3A_246 = arith.shli %shift_right_arithmetic3A_244, %shift_left3A_245 : i32
    %multiple_of3A_247 = tpu.assume_multiple %shift_left3A_246, 128 : i32
    %dma_start3A_248 = arith.constant 0 : i32
    %dma_start3A_249 = arith.constant 0 : i32
    %dma_start3A_250 = arith.constant 1536 : i32
    %dma_start3A_251 = tpu.memref_slice %arg6[%dma_start3A_248, %dma_start3A_249, %dma_start3A_250] : memref<3x16x2048xf32, #tpu.memory_space<vmem>> -> memref<1x16x128xf32, #tpu.memory_space<vmem>>
    %dma_start3A_252 = tpu.memref_squeeze %dma_start3A_251 : memref<1x16x128xf32, #tpu.memory_space<vmem>> -> memref<16x128xf32, #tpu.memory_space<vmem>>
    %dma_start3A_253 = arith.constant 0 : i32
    %dma_start3A_254 = tpu.memref_slice %arg2[%dma_start3A_253, %multiple_of3A_247] : memref<16x1000000xf32, #tpu.memory_space<hbm>> -> memref<16x128xf32, #tpu.memory_space<hbm>>
    %dma_start3A_255 = arith.constant 0 : i32
    %dma_start3A_256 = arith.constant 1536 : i32
    %dma_start3A_257 = tpu.memref_slice %arg6[%dma_start3A_248, %dma_start3A_255, %dma_start3A_256] : memref<3x16x2048xf32, #tpu.memory_space<vmem>> -> memref<1x16x128xf32, #tpu.memory_space<vmem>>
    %dma_start3A_258 = tpu.memref_squeeze %dma_start3A_257 : memref<1x16x128xf32, #tpu.memory_space<vmem>> -> memref<16x128xf32, #tpu.memory_space<vmem>>
    %dma_start3A_259 = arith.constant 0 : i32
    %dma_start3A_260 = tpu.memref_slice %arg2[%dma_start3A_259, %multiple_of3A_247] : memref<16x1000000xf32, #tpu.memory_space<hbm>> -> memref<16x128xf32, #tpu.memory_space<hbm>>
    tpu.enqueue_dma source(%dma_start3A_260 : memref<16x128xf32, #tpu.memory_space<hbm>>) target(%dma_start3A_258 : memref<16x128xf32, #tpu.memory_space<vmem>>) target_semaphore(%arg8 : memref<!tpu.dma_semaphore, #tpu.memory_space<semaphore_mem>>)
    %slice3A_261 = vector.extract_strided_slice %get3A_5 {offsets = [13], sizes = [1], strides = [1]} : vector<16xi32> to vector<1xi32>
    %squeeze3A_262 = vector.extract %slice3A_261[0] : i32 from vector<1xi32>
    %shift_right_arithmetic3A_263 = arith.constant 7 : i32
    %shift_right_arithmetic3A_264 = arith.shrsi %squeeze3A_262, %shift_right_arithmetic3A_263 : i32
    %shift_left3A_265 = arith.constant 7 : i32
    %shift_left3A_266 = arith.shli %shift_right_arithmetic3A_264, %shift_left3A_265 : i32
    %multiple_of3A_267 = tpu.assume_multiple %shift_left3A_266, 128 : i32
    %dma_start3A_268 = arith.constant 0 : i32
    %dma_start3A_269 = arith.constant 0 : i32
    %dma_start3A_270 = arith.constant 1664 : i32
    %dma_start3A_271 = tpu.memref_slice %arg6[%dma_start3A_268, %dma_start3A_269, %dma_start3A_270] : memref<3x16x2048xf32, #tpu.memory_space<vmem>> -> memref<1x16x128xf32, #tpu.memory_space<vmem>>
    %dma_start3A_272 = tpu.memref_squeeze %dma_start3A_271 : memref<1x16x128xf32, #tpu.memory_space<vmem>> -> memref<16x128xf32, #tpu.memory_space<vmem>>
    %dma_start3A_273 = arith.constant 0 : i32
    %dma_start3A_274 = tpu.memref_slice %arg2[%dma_start3A_273, %multiple_of3A_267] : memref<16x1000000xf32, #tpu.memory_space<hbm>> -> memref<16x128xf32, #tpu.memory_space<hbm>>
    %dma_start3A_275 = arith.constant 0 : i32
    %dma_start3A_276 = arith.constant 1664 : i32
    %dma_start3A_277 = tpu.memref_slice %arg6[%dma_start3A_268, %dma_start3A_275, %dma_start3A_276] : memref<3x16x2048xf32, #tpu.memory_space<vmem>> -> memref<1x16x128xf32, #tpu.memory_space<vmem>>
    %dma_start3A_278 = tpu.memref_squeeze %dma_start3A_277 : memref<1x16x128xf32, #tpu.memory_space<vmem>> -> memref<16x128xf32, #tpu.memory_space<vmem>>
    %dma_start3A_279 = arith.constant 0 : i32
    %dma_start3A_280 = tpu.memref_slice %arg2[%dma_start3A_279, %multiple_of3A_267] : memref<16x1000000xf32, #tpu.memory_space<hbm>> -> memref<16x128xf32, #tpu.memory_space<hbm>>
    tpu.enqueue_dma source(%dma_start3A_280 : memref<16x128xf32, #tpu.memory_space<hbm>>) target(%dma_start3A_278 : memref<16x128xf32, #tpu.memory_space<vmem>>) target_semaphore(%arg8 : memref<!tpu.dma_semaphore, #tpu.memory_space<semaphore_mem>>)
    %slice3A_281 = vector.extract_strided_slice %get3A_5 {offsets = [14], sizes = [1], strides = [1]} : vector<16xi32> to vector<1xi32>
    %squeeze3A_282 = vector.extract %slice3A_281[0] : i32 from vector<1xi32>
    %shift_right_arithmetic3A_283 = arith.constant 7 : i32
    %shift_right_arithmetic3A_284 = arith.shrsi %squeeze3A_282, %shift_right_arithmetic3A_283 : i32
    %shift_left3A_285 = arith.constant 7 : i32
    %shift_left3A_286 = arith.shli %shift_right_arithmetic3A_284, %shift_left3A_285 : i32
    %multiple_of3A_287 = tpu.assume_multiple %shift_left3A_286, 128 : i32
    %dma_start3A_288 = arith.constant 0 : i32
    %dma_start3A_289 = arith.constant 0 : i32
    %dma_start3A_290 = arith.constant 1792 : i32
    %dma_start3A_291 = tpu.memref_slice %arg6[%dma_start3A_288, %dma_start3A_289, %dma_start3A_290] : memref<3x16x2048xf32, #tpu.memory_space<vmem>> -> memref<1x16x128xf32, #tpu.memory_space<vmem>>
    %dma_start3A_292 = tpu.memref_squeeze %dma_start3A_291 : memref<1x16x128xf32, #tpu.memory_space<vmem>> -> memref<16x128xf32, #tpu.memory_space<vmem>>
    %dma_start3A_293 = arith.constant 0 : i32
    %dma_start3A_294 = tpu.memref_slice %arg2[%dma_start3A_293, %multiple_of3A_287] : memref<16x1000000xf32, #tpu.memory_space<hbm>> -> memref<16x128xf32, #tpu.memory_space<hbm>>
    %dma_start3A_295 = arith.constant 0 : i32
    %dma_start3A_296 = arith.constant 1792 : i32
    %dma_start3A_297 = tpu.memref_slice %arg6[%dma_start3A_288, %dma_start3A_295, %dma_start3A_296] : memref<3x16x2048xf32, #tpu.memory_space<vmem>> -> memref<1x16x128xf32, #tpu.memory_space<vmem>>
    %dma_start3A_298 = tpu.memref_squeeze %dma_start3A_297 : memref<1x16x128xf32, #tpu.memory_space<vmem>> -> memref<16x128xf32, #tpu.memory_space<vmem>>
    %dma_start3A_299 = arith.constant 0 : i32
    %dma_start3A_300 = tpu.memref_slice %arg2[%dma_start3A_299, %multiple_of3A_287] : memref<16x1000000xf32, #tpu.memory_space<hbm>> -> memref<16x128xf32, #tpu.memory_space<hbm>>
    tpu.enqueue_dma source(%dma_start3A_300 : memref<16x128xf32, #tpu.memory_space<hbm>>) target(%dma_start3A_298 : memref<16x128xf32, #tpu.memory_space<vmem>>) target_semaphore(%arg8 : memref<!tpu.dma_semaphore, #tpu.memory_space<semaphore_mem>>)
    %slice3A_301 = vector.extract_strided_slice %get3A_5 {offsets = [15], sizes = [1], strides = [1]} : vector<16xi32> to vector<1xi32>
    %squeeze3A_302 = vector.extract %slice3A_301[0] : i32 from vector<1xi32>
    %shift_right_arithmetic3A_303 = arith.constant 7 : i32
    %shift_right_arithmetic3A_304 = arith.shrsi %squeeze3A_302, %shift_right_arithmetic3A_303 : i32
    %shift_left3A_305 = arith.constant 7 : i32
    %shift_left3A_306 = arith.shli %shift_right_arithmetic3A_304, %shift_left3A_305 : i32
    %multiple_of3A_307 = tpu.assume_multiple %shift_left3A_306, 128 : i32
    %dma_start3A_308 = arith.constant 0 : i32
    %dma_start3A_309 = arith.constant 0 : i32
    %dma_start3A_310 = arith.constant 1920 : i32
    %dma_start3A_311 = tpu.memref_slice %arg6[%dma_start3A_308, %dma_start3A_309, %dma_start3A_310] : memref<3x16x2048xf32, #tpu.memory_space<vmem>> -> memref<1x16x128xf32, #tpu.memory_space<vmem>>
    %dma_start3A_312 = tpu.memref_squeeze %dma_start3A_311 : memref<1x16x128xf32, #tpu.memory_space<vmem>> -> memref<16x128xf32, #tpu.memory_space<vmem>>
    %dma_start3A_313 = arith.constant 0 : i32
    %dma_start3A_314 = tpu.memref_slice %arg2[%dma_start3A_313, %multiple_of3A_307] : memref<16x1000000xf32, #tpu.memory_space<hbm>> -> memref<16x128xf32, #tpu.memory_space<hbm>>
    %dma_start3A_315 = arith.constant 0 : i32
    %dma_start3A_316 = arith.constant 1920 : i32
    %dma_start3A_317 = tpu.memref_slice %arg6[%dma_start3A_308, %dma_start3A_315, %dma_start3A_316] : memref<3x16x2048xf32, #tpu.memory_space<vmem>> -> memref<1x16x128xf32, #tpu.memory_space<vmem>>
    %dma_start3A_318 = tpu.memref_squeeze %dma_start3A_317 : memref<1x16x128xf32, #tpu.memory_space<vmem>> -> memref<16x128xf32, #tpu.memory_space<vmem>>
    %dma_start3A_319 = arith.constant 0 : i32
    %dma_start3A_320 = tpu.memref_slice %arg2[%dma_start3A_319, %multiple_of3A_307] : memref<16x1000000xf32, #tpu.memory_space<hbm>> -> memref<16x128xf32, #tpu.memory_space<hbm>>
    tpu.enqueue_dma source(%dma_start3A_320 : memref<16x128xf32, #tpu.memory_space<hbm>>) target(%dma_start3A_318 : memref<16x128xf32, #tpu.memory_space<vmem>>) target_semaphore(%arg8 : memref<!tpu.dma_semaphore, #tpu.memory_space<semaphore_mem>>)
    %get3A_321 = arith.constant 16 : index
    %get3A_322 = tpu.vector_load %arg5[%get3A_321] {strides = array<i32>} : memref<512xi32, #tpu.memory_space<vmem>>, vector<16xi32>,
    %slice3A_323 = vector.extract_strided_slice %get3A_322 {offsets = [0], sizes = [1], strides = [1]} : vector<16xi32> to vector<1xi32>
    %squeeze3A_324 = vector.extract %slice3A_323[0] : i32 from vector<1xi32>
    %shift_right_arithmetic3A_325 = arith.constant 7 : i32
    %shift_right_arithmetic3A_326 = arith.shrsi %squeeze3A_324, %shift_right_arithmetic3A_325 : i32
    %shift_left3A_327 = arith.constant 7 : i32
    %shift_left3A_328 = arith.shli %shift_right_arithmetic3A_326, %shift_left3A_327 : i32
    %multiple_of3A_329 = tpu.assume_multiple %shift_left3A_328, 128 : i32
    %dma_start3A_330 = arith.constant 1 : i32
    %dma_start3A_331 = arith.constant 0 : i32
    %dma_start3A_332 = arith.constant 0 : i32
    %dma_start3A_333 = tpu.memref_slice %arg6[%dma_start3A_330, %dma_start3A_331, %dma_start3A_332] : memref<3x16x2048xf32, #tpu.memory_space<vmem>> -> memref<1x16x128xf32, #tpu.memory_space<vmem>>
    %dma_start3A_334 = tpu.memref_squeeze %dma_start3A_333 : memref<1x16x128xf32, #tpu.memory_space<vmem>> -> memref<16x128xf32, #tpu.memory_space<vmem>>
    %dma_start3A_335 = arith.constant 0 : i32
    %dma_start3A_336 = tpu.memref_slice %arg2[%dma_start3A_335, %multiple_of3A_329] : memref<16x1000000xf32, #tpu.memory_space<hbm>> -> memref<16x128xf32, #tpu.memory_space<hbm>>
    %dma_start3A_337 = arith.constant 0 : i32
    %dma_start3A_338 = arith.constant 0 : i32
    %dma_start3A_339 = tpu.memref_slice %arg6[%dma_start3A_330, %dma_start3A_337, %dma_start3A_338] : memref<3x16x2048xf32, #tpu.memory_space<vmem>> -> memref<1x16x128xf32, #tpu.memory_space<vmem>>
    %dma_start3A_340 = tpu.memref_squeeze %dma_start3A_339 : memref<1x16x128xf32, #tpu.memory_space<vmem>> -> memref<16x128xf32, #tpu.memory_space<vmem>>
    %dma_start3A_341 = arith.constant 0 : i32
    %dma_start3A_342 = tpu.memref_slice %arg2[%dma_start3A_341, %multiple_of3A_329] : memref<16x1000000xf32, #tpu.memory_space<hbm>> -> memref<16x128xf32, #tpu.memory_space<hbm>>
    tpu.enqueue_dma source(%dma_start3A_342 : memref<16x128xf32, #tpu.memory_space<hbm>>) target(%dma_start3A_340 : memref<16x128xf32, #tpu.memory_space<vmem>>) target_semaphore(%arg9 : memref<!tpu.dma_semaphore, #tpu.memory_space<semaphore_mem>>)
    %slice3A_343 = vector.extract_strided_slice %get3A_322 {offsets = [1], sizes = [1], strides = [1]} : vector<16xi32> to vector<1xi32>
    %squeeze3A_344 = vector.extract %slice3A_343[0] : i32 from vector<1xi32>
    %shift_right_arithmetic3A_345 = arith.constant 7 : i32
    %shift_right_arithmetic3A_346 = arith.shrsi %squeeze3A_344, %shift_right_arithmetic3A_345 : i32
    %shift_left3A_347 = arith.constant 7 : i32
    %shift_left3A_348 = arith.shli %shift_right_arithmetic3A_346, %shift_left3A_347 : i32
    %multiple_of3A_349 = tpu.assume_multiple %shift_left3A_348, 128 : i32
    %dma_start3A_350 = arith.constant 1 : i32
    %dma_start3A_351 = arith.constant 0 : i32
    %dma_start3A_352 = arith.constant 128 : i32
    %dma_start3A_353 = tpu.memref_slice %arg6[%dma_start3A_350, %dma_start3A_351, %dma_start3A_352] : memref<3x16x2048xf32, #tpu.memory_space<vmem>> -> memref<1x16x128xf32, #tpu.memory_space<vmem>>
    %dma_start3A_354 = tpu.memref_squeeze %dma_start3A_353 : memref<1x16x128xf32, #tpu.memory_space<vmem>> -> memref<16x128xf32, #tpu.memory_space<vmem>>
    %dma_start3A_355 = arith.constant 0 : i32
    %dma_start3A_356 = tpu.memref_slice %arg2[%dma_start3A_355, %multiple_of3A_349] : memref<16x1000000xf32, #tpu.memory_space<hbm>> -> memref<16x128xf32, #tpu.memory_space<hbm>>
    %dma_start3A_357 = arith.constant 0 : i32
    %dma_start3A_358 = arith.constant 128 : i32
    %dma_start3A_359 = tpu.memref_slice %arg6[%dma_start3A_350, %dma_start3A_357, %dma_start3A_358] : memref<3x16x2048xf32, #tpu.memory_space<vmem>> -> memref<1x16x128xf32, #tpu.memory_space<vmem>>
    %dma_start3A_360 = tpu.memref_squeeze %dma_start3A_359 : memref<1x16x128xf32, #tpu.memory_space<vmem>> -> memref<16x128xf32, #tpu.memory_space<vmem>>
    %dma_start3A_361 = arith.constant 0 : i32
    %dma_start3A_362 = tpu.memref_slice %arg2[%dma_start3A_361, %multiple_of3A_349] : memref<16x1000000xf32, #tpu.memory_space<hbm>> -> memref<16x128xf32, #tpu.memory_space<hbm>>
    tpu.enqueue_dma source(%dma_start3A_362 : memref<16x128xf32, #tpu.memory_space<hbm>>) target(%dma_start3A_360 : memref<16x128xf32, #tpu.memory_space<vmem>>) target_semaphore(%arg9 : memref<!tpu.dma_semaphore, #tpu.memory_space<semaphore_mem>>)
    %slice3A_363 = vector.extract_strided_slice %get3A_322 {offsets = [2], sizes = [1], strides = [1]} : vector<16xi32> to vector<1xi32>
    %squeeze3A_364 = vector.extract %slice3A_363[0] : i32 from vector<1xi32>
    %shift_right_arithmetic3A_365 = arith.constant 7 : i32
    %shift_right_arithmetic3A_366 = arith.shrsi %squeeze3A_364, %shift_right_arithmetic3A_365 : i32
    %shift_left3A_367 = arith.constant 7 : i32
    %shift_left3A_368 = arith.shli %shift_right_arithmetic3A_366, %shift_left3A_367 : i32
    %multiple_of3A_369 = tpu.assume_multiple %shift_left3A_368, 128 : i32
    %dma_start3A_370 = arith.constant 1 : i32
    %dma_start3A_371 = arith.constant 0 : i32
    %dma_start3A_372 = arith.constant 256 : i32
    %dma_start3A_373 = tpu.memref_slice %arg6[%dma_start3A_370, %dma_start3A_371, %dma_start3A_372] : memref<3x16x2048xf32, #tpu.memory_space<vmem>> -> memref<1x16x128xf32, #tpu.memory_space<vmem>>
    %dma_start3A_374 = tpu.memref_squeeze %dma_start3A_373 : memref<1x16x128xf32, #tpu.memory_space<vmem>> -> memref<16x128xf32, #tpu.memory_space<vmem>>
    %dma_start3A_375 = arith.constant 0 : i32
    %dma_start3A_376 = tpu.memref_slice %arg2[%dma_start3A_375, %multiple_of3A_369] : memref<16x1000000xf32, #tpu.memory_space<hbm>> -> memref<16x128xf32, #tpu.memory_space<hbm>>
    %dma_start3A_377 = arith.constant 0 : i32
    %dma_start3A_378 = arith.constant 256 : i32
    %dma_start3A_379 = tpu.memref_slice %arg6[%dma_start3A_370, %dma_start3A_377, %dma_start3A_378] : memref<3x16x2048xf32, #tpu.memory_space<vmem>> -> memref<1x16x128xf32, #tpu.memory_space<vmem>>
    %dma_start3A_380 = tpu.memref_squeeze %dma_start3A_379 : memref<1x16x128xf32, #tpu.memory_space<vmem>> -> memref<16x128xf32, #tpu.memory_space<vmem>>
    %dma_start3A_381 = arith.constant 0 : i32
    %dma_start3A_382 = tpu.memref_slice %arg2[%dma_start3A_381, %multiple_of3A_369] : memref<16x1000000xf32, #tpu.memory_space<hbm>> -> memref<16x128xf32, #tpu.memory_space<hbm>>
    tpu.enqueue_dma source(%dma_start3A_382 : memref<16x128xf32, #tpu.memory_space<hbm>>) target(%dma_start3A_380 : memref<16x128xf32, #tpu.memory_space<vmem>>) target_semaphore(%arg9 : memref<!tpu.dma_semaphore, #tpu.memory_space<semaphore_mem>>)
    %slice3A_383 = vector.extract_strided_slice %get3A_322 {offsets = [3], sizes = [1], strides = [1]} : vector<16xi32> to vector<1xi32>
    %squeeze3A_384 = vector.extract %slice3A_383[0] : i32 from vector<1xi32>
    %shift_right_arithmetic3A_385 = arith.constant 7 : i32
    %shift_right_arithmetic3A_386 = arith.shrsi %squeeze3A_384, %shift_right_arithmetic3A_385 : i32
    %shift_left3A_387 = arith.constant 7 : i32
    %shift_left3A_388 = arith.shli %shift_right_arithmetic3A_386, %shift_left3A_387 : i32
    %multiple_of3A_389 = tpu.assume_multiple %shift_left3A_388, 128 : i32
    %dma_start3A_390 = arith.constant 1 : i32
    %dma_start3A_391 = arith.constant 0 : i32
    %dma_start3A_392 = arith.constant 384 : i32
    %dma_start3A_393 = tpu.memref_slice %arg6[%dma_start3A_390, %dma_start3A_391, %dma_start3A_392] : memref<3x16x2048xf32, #tpu.memory_space<vmem>> -> memref<1x16x128xf32, #tpu.memory_space<vmem>>
    %dma_start3A_394 = tpu.memref_squeeze %dma_start3A_393 : memref<1x16x128xf32, #tpu.memory_space<vmem>> -> memref<16x128xf32, #tpu.memory_space<vmem>>
    %dma_start3A_395 = arith.constant 0 : i32
    %dma_start3A_396 = tpu.memref_slice %arg2[%dma_start3A_395, %multiple_of3A_389] : memref<16x1000000xf32, #tpu.memory_space<hbm>> -> memref<16x128xf32, #tpu.memory_space<hbm>>
    %dma_start3A_397 = arith.constant 0 : i32
    %dma_start3A_398 = arith.constant 384 : i32
    %dma_start3A_399 = tpu.memref_slice %arg6[%dma_start3A_390, %dma_start3A_397, %dma_start3A_398] : memref<3x16x2048xf32, #tpu.memory_space<vmem>> -> memref<1x16x128xf32, #tpu.memory_space<vmem>>
    %dma_start3A_400 = tpu.memref_squeeze %dma_start3A_399 : memref<1x16x128xf32, #tpu.memory_space<vmem>> -> memref<16x128xf32, #tpu.memory_space<vmem>>
    %dma_start3A_401 = arith.constant 0 : i32
    %dma_start3A_402 = tpu.memref_slice %arg2[%dma_start3A_401, %multiple_of3A_389] : memref<16x1000000xf32, #tpu.memory_space<hbm>> -> memref<16x128xf32, #tpu.memory_space<hbm>>
    tpu.enqueue_dma source(%dma_start3A_402 : memref<16x128xf32, #tpu.memory_space<hbm>>) target(%dma_start3A_400 : memref<16x128xf32, #tpu.memory_space<vmem>>) target_semaphore(%arg9 : memref<!tpu.dma_semaphore, #tpu.memory_space<semaphore_mem>>)
    %slice3A_403 = vector.extract_strided_slice %get3A_322 {offsets = [4], sizes = [1], strides = [1]} : vector<16xi32> to vector<1xi32>
    %squeeze3A_404 = vector.extract %slice3A_403[0] : i32 from vector<1xi32>
    %shift_right_arithmetic3A_405 = arith.constant 7 : i32
    %shift_right_arithmetic3A_406 = arith.shrsi %squeeze3A_404, %shift_right_arithmetic3A_405 : i32
    %shift_left3A_407 = arith.constant 7 : i32
    %shift_left3A_408 = arith.shli %shift_right_arithmetic3A_406, %shift_left3A_407 : i32
    %multiple_of3A_409 = tpu.assume_multiple %shift_left3A_408, 128 : i32
    %dma_start3A_410 = arith.constant 1 : i32
    %dma_start3A_411 = arith.constant 0 : i32
    %dma_start3A_412 = arith.constant 512 : i32
    %dma_start3A_413 = tpu.memref_slice %arg6[%dma_start3A_410, %dma_start3A_411, %dma_start3A_412] : memref<3x16x2048xf32, #tpu.memory_space<vmem>> -> memref<1x16x128xf32, #tpu.memory_space<vmem>>
    %dma_start3A_414 = tpu.memref_squeeze %dma_start3A_413 : memref<1x16x128xf32, #tpu.memory_space<vmem>> -> memref<16x128xf32, #tpu.memory_space<vmem>>
    %dma_start3A_415 = arith.constant 0 : i32
    %dma_start3A_416 = tpu.memref_slice %arg2[%dma_start3A_415, %multiple_of3A_409] : memref<16x1000000xf32, #tpu.memory_space<hbm>> -> memref<16x128xf32, #tpu.memory_space<hbm>>
    %dma_start3A_417 = arith.constant 0 : i32
    %dma_start3A_418 = arith.constant 512 : i32
    %dma_start3A_419 = tpu.memref_slice %arg6[%dma_start3A_410, %dma_start3A_417, %dma_start3A_418] : memref<3x16x2048xf32, #tpu.memory_space<vmem>> -> memref<1x16x128xf32, #tpu.memory_space<vmem>>
    %dma_start3A_420 = tpu.memref_squeeze %dma_start3A_419 : memref<1x16x128xf32, #tpu.memory_space<vmem>> -> memref<16x128xf32, #tpu.memory_space<vmem>>
    %dma_start3A_421 = arith.constant 0 : i32
    %dma_start3A_422 = tpu.memref_slice %arg2[%dma_start3A_421, %multiple_of3A_409] : memref<16x1000000xf32, #tpu.memory_space<hbm>> -> memref<16x128xf32, #tpu.memory_space<hbm>>
    tpu.enqueue_dma source(%dma_start3A_422 : memref<16x128xf32, #tpu.memory_space<hbm>>) target(%dma_start3A_420 : memref<16x128xf32, #tpu.memory_space<vmem>>) target_semaphore(%arg9 : memref<!tpu.dma_semaphore, #tpu.memory_space<semaphore_mem>>)
    %slice3A_423 = vector.extract_strided_slice %get3A_322 {offsets = [5], sizes = [1], strides = [1]} : vector<16xi32> to vector<1xi32>
    %squeeze3A_424 = vector.extract %slice3A_423[0] : i32 from vector<1xi32>
    %shift_right_arithmetic3A_425 = arith.constant 7 : i32
    %shift_right_arithmetic3A_426 = arith.shrsi %squeeze3A_424, %shift_right_arithmetic3A_425 : i32
    %shift_left3A_427 = arith.constant 7 : i32
    %shift_left3A_428 = arith.shli %shift_right_arithmetic3A_426, %shift_left3A_427 : i32
    %multiple_of3A_429 = tpu.assume_multiple %shift_left3A_428, 128 : i32
    %dma_start3A_430 = arith.constant 1 : i32
    %dma_start3A_431 = arith.constant 0 : i32
    %dma_start3A_432 = arith.constant 640 : i32
    %dma_start3A_433 = tpu.memref_slice %arg6[%dma_start3A_430, %dma_start3A_431, %dma_start3A_432] : memref<3x16x2048xf32, #tpu.memory_space<vmem>> -> memref<1x16x128xf32, #tpu.memory_space<vmem>>
    %dma_start3A_434 = tpu.memref_squeeze %dma_start3A_433 : memref<1x16x128xf32, #tpu.memory_space<vmem>> -> memref<16x128xf32, #tpu.memory_space<vmem>>
    %dma_start3A_435 = arith.constant 0 : i32
    %dma_start3A_436 = tpu.memref_slice %arg2[%dma_start3A_435, %multiple_of3A_429] : memref<16x1000000xf32, #tpu.memory_space<hbm>> -> memref<16x128xf32, #tpu.memory_space<hbm>>
    %dma_start3A_437 = arith.constant 0 : i32
    %dma_start3A_438 = arith.constant 640 : i32
    %dma_start3A_439 = tpu.memref_slice %arg6[%dma_start3A_430, %dma_start3A_437, %dma_start3A_438] : memref<3x16x2048xf32, #tpu.memory_space<vmem>> -> memref<1x16x128xf32, #tpu.memory_space<vmem>>
    %dma_start3A_440 = tpu.memref_squeeze %dma_start3A_439 : memref<1x16x128xf32, #tpu.memory_space<vmem>> -> memref<16x128xf32, #tpu.memory_space<vmem>>
    %dma_start3A_441 = arith.constant 0 : i32
    %dma_start3A_442 = tpu.memref_slice %arg2[%dma_start3A_441, %multiple_of3A_429] : memref<16x1000000xf32, #tpu.memory_space<hbm>> -> memref<16x128xf32, #tpu.memory_space<hbm>>
    tpu.enqueue_dma source(%dma_start3A_442 : memref<16x128xf32, #tpu.memory_space<hbm>>) target(%dma_start3A_440 : memref<16x128xf32, #tpu.memory_space<vmem>>) target_semaphore(%arg9 : memref<!tpu.dma_semaphore, #tpu.memory_space<semaphore_mem>>)
    %slice3A_443 = vector.extract_strided_slice %get3A_322 {offsets = [6], sizes = [1], strides = [1]} : vector<16xi32> to vector<1xi32>
    %squeeze3A_444 = vector.extract %slice3A_443[0] : i32 from vector<1xi32>
    %shift_right_arithmetic3A_445 = arith.constant 7 : i32
    %shift_right_arithmetic3A_446 = arith.shrsi %squeeze3A_444, %shift_right_arithmetic3A_445 : i32
    %shift_left3A_447 = arith.constant 7 : i32
    %shift_left3A_448 = arith.shli %shift_right_arithmetic3A_446, %shift_left3A_447 : i32
    %multiple_of3A_449 = tpu.assume_multiple %shift_left3A_448, 128 : i32
    %dma_start3A_450 = arith.constant 1 : i32
    %dma_start3A_451 = arith.constant 0 : i32
    %dma_start3A_452 = arith.constant 768 : i32
    %dma_start3A_453 = tpu.memref_slice %arg6[%dma_start3A_450, %dma_start3A_451, %dma_start3A_452] : memref<3x16x2048xf32, #tpu.memory_space<vmem>> -> memref<1x16x128xf32, #tpu.memory_space<vmem>>
    %dma_start3A_454 = tpu.memref_squeeze %dma_start3A_453 : memref<1x16x128xf32, #tpu.memory_space<vmem>> -> memref<16x128xf32, #tpu.memory_space<vmem>>
    %dma_start3A_455 = arith.constant 0 : i32
    %dma_start3A_456 = tpu.memref_slice %arg2[%dma_start3A_455, %multiple_of3A_449] : memref<16x1000000xf32, #tpu.memory_space<hbm>> -> memref<16x128xf32, #tpu.memory_space<hbm>>
    %dma_start3A_457 = arith.constant 0 : i32
    %dma_start3A_458 = arith.constant 768 : i32
    %dma_start3A_459 = tpu.memref_slice %arg6[%dma_start3A_450, %dma_start3A_457, %dma_start3A_458] : memref<3x16x2048xf32, #tpu.memory_space<vmem>> -> memref<1x16x128xf32, #tpu.memory_space<vmem>>
    %dma_start3A_460 = tpu.memref_squeeze %dma_start3A_459 : memref<1x16x128xf32, #tpu.memory_space<vmem>> -> memref<16x128xf32, #tpu.memory_space<vmem>>
    %dma_start3A_461 = arith.constant 0 : i32
    %dma_start3A_462 = tpu.memref_slice %arg2[%dma_start3A_461, %multiple_of3A_449] : memref<16x1000000xf32, #tpu.memory_space<hbm>> -> memref<16x128xf32, #tpu.memory_space<hbm>>
    tpu.enqueue_dma source(%dma_start3A_462 : memref<16x128xf32, #tpu.memory_space<hbm>>) target(%dma_start3A_460 : memref<16x128xf32, #tpu.memory_space<vmem>>) target_semaphore(%arg9 : memref<!tpu.dma_semaphore, #tpu.memory_space<semaphore_mem>>)
    %slice3A_463 = vector.extract_strided_slice %get3A_322 {offsets = [7], sizes = [1], strides = [1]} : vector<16xi32> to vector<1xi32>
    %squeeze3A_464 = vector.extract %slice3A_463[0] : i32 from vector<1xi32>
    %shift_right_arithmetic3A_465 = arith.constant 7 : i32
    %shift_right_arithmetic3A_466 = arith.shrsi %squeeze3A_464, %shift_right_arithmetic3A_465 : i32
    %shift_left3A_467 = arith.constant 7 : i32
    %shift_left3A_468 = arith.shli %shift_right_arithmetic3A_466, %shift_left3A_467 : i32
    %multiple_of3A_469 = tpu.assume_multiple %shift_left3A_468, 128 : i32
    %dma_start3A_470 = arith.constant 1 : i32
    %dma_start3A_471 = arith.constant 0 : i32
    %dma_start3A_472 = arith.constant 896 : i32
    %dma_start3A_473 = tpu.memref_slice %arg6[%dma_start3A_470, %dma_start3A_471, %dma_start3A_472] : memref<3x16x2048xf32, #tpu.memory_space<vmem>> -> memref<1x16x128xf32, #tpu.memory_space<vmem>>
    %dma_start3A_474 = tpu.memref_squeeze %dma_start3A_473 : memref<1x16x128xf32, #tpu.memory_space<vmem>> -> memref<16x128xf32, #tpu.memory_space<vmem>>
    %dma_start3A_475 = arith.constant 0 : i32
    %dma_start3A_476 = tpu.memref_slice %arg2[%dma_start3A_475, %multiple_of3A_469] : memref<16x1000000xf32, #tpu.memory_space<hbm>> -> memref<16x128xf32, #tpu.memory_space<hbm>>
    %dma_start3A_477 = arith.constant 0 : i32
    %dma_start3A_478 = arith.constant 896 : i32
    %dma_start3A_479 = tpu.memref_slice %arg6[%dma_start3A_470, %dma_start3A_477, %dma_start3A_478] : memref<3x16x2048xf32, #tpu.memory_space<vmem>> -> memref<1x16x128xf32, #tpu.memory_space<vmem>>
    %dma_start3A_480 = tpu.memref_squeeze %dma_start3A_479 : memref<1x16x128xf32, #tpu.memory_space<vmem>> -> memref<16x128xf32, #tpu.memory_space<vmem>>
    %dma_start3A_481 = arith.constant 0 : i32
    %dma_start3A_482 = tpu.memref_slice %arg2[%dma_start3A_481, %multiple_of3A_469] : memref<16x1000000xf32, #tpu.memory_space<hbm>> -> memref<16x128xf32, #tpu.memory_space<hbm>>
    tpu.enqueue_dma source(%dma_start3A_482 : memref<16x128xf32, #tpu.memory_space<hbm>>) target(%dma_start3A_480 : memref<16x128xf32, #tpu.memory_space<vmem>>) target_semaphore(%arg9 : memref<!tpu.dma_semaphore, #tpu.memory_space<semaphore_mem>>)
    %slice3A_483 = vector.extract_strided_slice %get3A_322 {offsets = [8], sizes = [1], strides = [1]} : vector<16xi32> to vector<1xi32>
    %squeeze3A_484 = vector.extract %slice3A_483[0] : i32 from vector<1xi32>
    %shift_right_arithmetic3A_485 = arith.constant 7 : i32
    %shift_right_arithmetic3A_486 = arith.shrsi %squeeze3A_484, %shift_right_arithmetic3A_485 : i32
    %shift_left3A_487 = arith.constant 7 : i32
    %shift_left3A_488 = arith.shli %shift_right_arithmetic3A_486, %shift_left3A_487 : i32
    %multiple_of3A_489 = tpu.assume_multiple %shift_left3A_488, 128 : i32
    %dma_start3A_490 = arith.constant 1 : i32
    %dma_start3A_491 = arith.constant 0 : i32
    %dma_start3A_492 = arith.constant 1024 : i32
    %dma_start3A_493 = tpu.memref_slice %arg6[%dma_start3A_490, %dma_start3A_491, %dma_start3A_492] : memref<3x16x2048xf32, #tpu.memory_space<vmem>> -> memref<1x16x128xf32, #tpu.memory_space<vmem>>
    %dma_start3A_494 = tpu.memref_squeeze %dma_start3A_493 : memref<1x16x128xf32, #tpu.memory_space<vmem>> -> memref<16x128xf32, #tpu.memory_space<vmem>>
    %dma_start3A_495 = arith.constant 0 : i32
    %dma_start3A_496 = tpu.memref_slice %arg2[%dma_start3A_495, %multiple_of3A_489] : memref<16x1000000xf32, #tpu.memory_space<hbm>> -> memref<16x128xf32, #tpu.memory_space<hbm>>
    %dma_start3A_497 = arith.constant 0 : i32
    %dma_start3A_498 = arith.constant 1024 : i32
    %dma_start3A_499 = tpu.memref_slice %arg6[%dma_start3A_490, %dma_start3A_497, %dma_start3A_498] : memref<3x16x2048xf32, #tpu.memory_space<vmem>> -> memref<1x16x128xf32, #tpu.memory_space<vmem>>
    %dma_start3A_500 = tpu.memref_squeeze %dma_start3A_499 : memref<1x16x128xf32, #tpu.memory_space<vmem>> -> memref<16x128xf32, #tpu.memory_space<vmem>>
    %dma_start3A_501 = arith.constant 0 : i32
    %dma_start3A_502 = tpu.memref_slice %arg2[%dma_start3A_501, %multiple_of3A_489] : memref<16x1000000xf32, #tpu.memory_space<hbm>> -> memref<16x128xf32, #tpu.memory_space<hbm>>
    tpu.enqueue_dma source(%dma_start3A_502 : memref<16x128xf32, #tpu.memory_space<hbm>>) target(%dma_start3A_500 : memref<16x128xf32, #tpu.memory_space<vmem>>) target_semaphore(%arg9 : memref<!tpu.dma_semaphore, #tpu.memory_space<semaphore_mem>>)
    %slice3A_503 = vector.extract_strided_slice %get3A_322 {offsets = [9], sizes = [1], strides = [1]} : vector<16xi32> to vector<1xi32>
    %squeeze3A_504 = vector.extract %slice3A_503[0] : i32 from vector<1xi32>
    %shift_right_arithmetic3A_505 = arith.constant 7 : i32
    %shift_right_arithmetic3A_506 = arith.shrsi %squeeze3A_504, %shift_right_arithmetic3A_505 : i32
    %shift_left3A_507 = arith.constant 7 : i32
    %shift_left3A_508 = arith.shli %shift_right_arithmetic3A_506, %shift_left3A_507 : i32
    %multiple_of3A_509 = tpu.assume_multiple %shift_left3A_508, 128 : i32
    %dma_start3A_510 = arith.constant 1 : i32
    %dma_start3A_511 = arith.constant 0 : i32
    %dma_start3A_512 = arith.constant 1152 : i32
    %dma_start3A_513 = tpu.memref_slice %arg6[%dma_start3A_510, %dma_start3A_511, %dma_start3A_512] : memref<3x16x2048xf32, #tpu.memory_space<vmem>> -> memref<1x16x128xf32, #tpu.memory_space<vmem>>
    %dma_start3A_514 = tpu.memref_squeeze %dma_start3A_513 : memref<1x16x128xf32, #tpu.memory_space<vmem>> -> memref<16x128xf32, #tpu.memory_space<vmem>>
    %dma_start3A_515 = arith.constant 0 : i32
    %dma_start3A_516 = tpu.memref_slice %arg2[%dma_start3A_515, %multiple_of3A_509] : memref<16x1000000xf32, #tpu.memory_space<hbm>> -> memref<16x128xf32, #tpu.memory_space<hbm>>
    %dma_start3A_517 = arith.constant 0 : i32
    %dma_start3A_518 = arith.constant 1152 : i32
    %dma_start3A_519 = tpu.memref_slice %arg6[%dma_start3A_510, %dma_start3A_517, %dma_start3A_518] : memref<3x16x2048xf32, #tpu.memory_space<vmem>> -> memref<1x16x128xf32, #tpu.memory_space<vmem>>
    %dma_start3A_520 = tpu.memref_squeeze %dma_start3A_519 : memref<1x16x128xf32, #tpu.memory_space<vmem>> -> memref<16x128xf32, #tpu.memory_space<vmem>>
    %dma_start3A_521 = arith.constant 0 : i32
    %dma_start3A_522 = tpu.memref_slice %arg2[%dma_start3A_521, %multiple_of3A_509] : memref<16x1000000xf32, #tpu.memory_space<hbm>> -> memref<16x128xf32, #tpu.memory_space<hbm>>
    tpu.enqueue_dma source(%dma_start3A_522 : memref<16x128xf32, #tpu.memory_space<hbm>>) target(%dma_start3A_520 : memref<16x128xf32, #tpu.memory_space<vmem>>) target_semaphore(%arg9 : memref<!tpu.dma_semaphore, #tpu.memory_space<semaphore_mem>>)
    %slice3A_523 = vector.extract_strided_slice %get3A_322 {offsets = [10], sizes = [1], strides = [1]} : vector<16xi32> to vector<1xi32>
    %squeeze3A_524 = vector.extract %slice3A_523[0] : i32 from vector<1xi32>
    %shift_right_arithmetic3A_525 = arith.constant 7 : i32
    %shift_right_arithmetic3A_526 = arith.shrsi %squeeze3A_524, %shift_right_arithmetic3A_525 : i32
    %shift_left3A_527 = arith.constant 7 : i32
    %shift_left3A_528 = arith.shli %shift_right_arithmetic3A_526, %shift_left3A_527 : i32
    %multiple_of3A_529 = tpu.assume_multiple %shift_left3A_528, 128 : i32
    %dma_start3A_530 = arith.constant 1 : i32
    %dma_start3A_531 = arith.constant 0 : i32
    %dma_start3A_532 = arith.constant 1280 : i32
    %dma_start3A_533 = tpu.memref_slice %arg6[%dma_start3A_530, %dma_start3A_531, %dma_start3A_532] : memref<3x16x2048xf32, #tpu.memory_space<vmem>> -> memref<1x16x128xf32, #tpu.memory_space<vmem>>
    %dma_start3A_534 = tpu.memref_squeeze %dma_start3A_533 : memref<1x16x128xf32, #tpu.memory_space<vmem>> -> memref<16x128xf32, #tpu.memory_space<vmem>>
    %dma_start3A_535 = arith.constant 0 : i32
    %dma_start3A_536 = tpu.memref_slice %arg2[%dma_start3A_535, %multiple_of3A_529] : memref<16x1000000xf32, #tpu.memory_space<hbm>> -> memref<16x128xf32, #tpu.memory_space<hbm>>
    %dma_start3A_537 = arith.constant 0 : i32
    %dma_start3A_538 = arith.constant 1280 : i32
    %dma_start3A_539 = tpu.memref_slice %arg6[%dma_start3A_530, %dma_start3A_537, %dma_start3A_538] : memref<3x16x2048xf32, #tpu.memory_space<vmem>> -> memref<1x16x128xf32, #tpu.memory_space<vmem>>
    %dma_start3A_540 = tpu.memref_squeeze %dma_start3A_539 : memref<1x16x128xf32, #tpu.memory_space<vmem>> -> memref<16x128xf32, #tpu.memory_space<vmem>>
    %dma_start3A_541 = arith.constant 0 : i32
    %dma_start3A_542 = tpu.memref_slice %arg2[%dma_start3A_541, %multiple_of3A_529] : memref<16x1000000xf32, #tpu.memory_space<hbm>> -> memref<16x128xf32, #tpu.memory_space<hbm>>
    tpu.enqueue_dma source(%dma_start3A_542 : memref<16x128xf32, #tpu.memory_space<hbm>>) target(%dma_start3A_540 : memref<16x128xf32, #tpu.memory_space<vmem>>) target_semaphore(%arg9 : memref<!tpu.dma_semaphore, #tpu.memory_space<semaphore_mem>>)
    %slice3A_543 = vector.extract_strided_slice %get3A_322 {offsets = [11], sizes = [1], strides = [1]} : vector<16xi32> to vector<1xi32>
    %squeeze3A_544 = vector.extract %slice3A_543[0] : i32 from vector<1xi32>
    %shift_right_arithmetic3A_545 = arith.constant 7 : i32
    %shift_right_arithmetic3A_546 = arith.shrsi %squeeze3A_544, %shift_right_arithmetic3A_545 : i32
    %shift_left3A_547 = arith.constant 7 : i32
    %shift_left3A_548 = arith.shli %shift_right_arithmetic3A_546, %shift_left3A_547 : i32
    %multiple_of3A_549 = tpu.assume_multiple %shift_left3A_548, 128 : i32
    %dma_start3A_550 = arith.constant 1 : i32
    %dma_start3A_551 = arith.constant 0 : i32
    %dma_start3A_552 = arith.constant 1408 : i32
    %dma_start3A_553 = tpu.memref_slice %arg6[%dma_start3A_550, %dma_start3A_551, %dma_start3A_552] : memref<3x16x2048xf32, #tpu.memory_space<vmem>> -> memref<1x16x128xf32, #tpu.memory_space<vmem>>
    %dma_start3A_554 = tpu.memref_squeeze %dma_start3A_553 : memref<1x16x128xf32, #tpu.memory_space<vmem>> -> memref<16x128xf32, #tpu.memory_space<vmem>>
    %dma_start3A_555 = arith.constant 0 : i32
    %dma_start3A_556 = tpu.memref_slice %arg2[%dma_start3A_555, %multiple_of3A_549] : memref<16x1000000xf32, #tpu.memory_space<hbm>> -> memref<16x128xf32, #tpu.memory_space<hbm>>
    %dma_start3A_557 = arith.constant 0 : i32
    %dma_start3A_558 = arith.constant 1408 : i32
    %dma_start3A_559 = tpu.memref_slice %arg6[%dma_start3A_550, %dma_start3A_557, %dma_start3A_558] : memref<3x16x2048xf32, #tpu.memory_space<vmem>> -> memref<1x16x128xf32, #tpu.memory_space<vmem>>
    %dma_start3A_560 = tpu.memref_squeeze %dma_start3A_559 : memref<1x16x128xf32, #tpu.memory_space<vmem>> -> memref<16x128xf32, #tpu.memory_space<vmem>>
    %dma_start3A_561 = arith.constant 0 : i32
    %dma_start3A_562 = tpu.memref_slice %arg2[%dma_start3A_561, %multiple_of3A_549] : memref<16x1000000xf32, #tpu.memory_space<hbm>> -> memref<16x128xf32, #tpu.memory_space<hbm>>
    tpu.enqueue_dma source(%dma_start3A_562 : memref<16x128xf32, #tpu.memory_space<hbm>>) target(%dma_start3A_560 : memref<16x128xf32, #tpu.memory_space<vmem>>) target_semaphore(%arg9 : memref<!tpu.dma_semaphore, #tpu.memory_space<semaphore_mem>>)
    %slice3A_563 = vector.extract_strided_slice %get3A_322 {offsets = [12], sizes = [1], strides = [1]} : vector<16xi32> to vector<1xi32>
    %squeeze3A_564 = vector.extract %slice3A_563[0] : i32 from vector<1xi32>
    %shift_right_arithmetic3A_565 = arith.constant 7 : i32
    %shift_right_arithmetic3A_566 = arith.shrsi %squeeze3A_564, %shift_right_arithmetic3A_565 : i32
    %shift_left3A_567 = arith.constant 7 : i32
    %shift_left3A_568 = arith.shli %shift_right_arithmetic3A_566, %shift_left3A_567 : i32
    %multiple_of3A_569 = tpu.assume_multiple %shift_left3A_568, 128 : i32
    %dma_start3A_570 = arith.constant 1 : i32
    %dma_start3A_571 = arith.constant 0 : i32
    %dma_start3A_572 = arith.constant 1536 : i32
    %dma_start3A_573 = tpu.memref_slice %arg6[%dma_start3A_570, %dma_start3A_571, %dma_start3A_572] : memref<3x16x2048xf32, #tpu.memory_space<vmem>> -> memref<1x16x128xf32, #tpu.memory_space<vmem>>
    %dma_start3A_574 = tpu.memref_squeeze %dma_start3A_573 : memref<1x16x128xf32, #tpu.memory_space<vmem>> -> memref<16x128xf32, #tpu.memory_space<vmem>>
    %dma_start3A_575 = arith.constant 0 : i32
    %dma_start3A_576 = tpu.memref_slice %arg2[%dma_start3A_575, %multiple_of3A_569] : memref<16x1000000xf32, #tpu.memory_space<hbm>> -> memref<16x128xf32, #tpu.memory_space<hbm>>
    %dma_start3A_577 = arith.constant 0 : i32
    %dma_start3A_578 = arith.constant 1536 : i32
    %dma_start3A_579 = tpu.memref_slice %arg6[%dma_start3A_570, %dma_start3A_577, %dma_start3A_578] : memref<3x16x2048xf32, #tpu.memory_space<vmem>> -> memref<1x16x128xf32, #tpu.memory_space<vmem>>
    %dma_start3A_580 = tpu.memref_squeeze %dma_start3A_579 : memref<1x16x128xf32, #tpu.memory_space<vmem>> -> memref<16x128xf32, #tpu.memory_space<vmem>>
    %dma_start3A_581 = arith.constant 0 : i32
    %dma_start3A_582 = tpu.memref_slice %arg2[%dma_start3A_581, %multiple_of3A_569] : memref<16x1000000xf32, #tpu.memory_space<hbm>> -> memref<16x128xf32, #tpu.memory_space<hbm>>
    tpu.enqueue_dma source(%dma_start3A_582 : memref<16x128xf32, #tpu.memory_space<hbm>>) target(%dma_start3A_580 : memref<16x128xf32, #tpu.memory_space<vmem>>) target_semaphore(%arg9 : memref<!tpu.dma_semaphore, #tpu.memory_space<semaphore_mem>>)
    %slice3A_583 = vector.extract_strided_slice %get3A_322 {offsets = [13], sizes = [1], strides = [1]} : vector<16xi32> to vector<1xi32>
    %squeeze3A_584 = vector.extract %slice3A_583[0] : i32 from vector<1xi32>
    %shift_right_arithmetic3A_585 = arith.constant 7 : i32
    %shift_right_arithmetic3A_586 = arith.shrsi %squeeze3A_584, %shift_right_arithmetic3A_585 : i32
    %shift_left3A_587 = arith.constant 7 : i32
    %shift_left3A_588 = arith.shli %shift_right_arithmetic3A_586, %shift_left3A_587 : i32
    %multiple_of3A_589 = tpu.assume_multiple %shift_left3A_588, 128 : i32
    %dma_start3A_590 = arith.constant 1 : i32
    %dma_start3A_591 = arith.constant 0 : i32
    %dma_start3A_592 = arith.constant 1664 : i32
    %dma_start3A_593 = tpu.memref_slice %arg6[%dma_start3A_590, %dma_start3A_591, %dma_start3A_592] : memref<3x16x2048xf32, #tpu.memory_space<vmem>> -> memref<1x16x128xf32, #tpu.memory_space<vmem>>
    %dma_start3A_594 = tpu.memref_squeeze %dma_start3A_593 : memref<1x16x128xf32, #tpu.memory_space<vmem>> -> memref<16x128xf32, #tpu.memory_space<vmem>>
    %dma_start3A_595 = arith.constant 0 : i32
    %dma_start3A_596 = tpu.memref_slice %arg2[%dma_start3A_595, %multiple_of3A_589] : memref<16x1000000xf32, #tpu.memory_space<hbm>> -> memref<16x128xf32, #tpu.memory_space<hbm>>
    %dma_start3A_597 = arith.constant 0 : i32
    %dma_start3A_598 = arith.constant 1664 : i32
    %dma_start3A_599 = tpu.memref_slice %arg6[%dma_start3A_590, %dma_start3A_597, %dma_start3A_598] : memref<3x16x2048xf32, #tpu.memory_space<vmem>> -> memref<1x16x128xf32, #tpu.memory_space<vmem>>
    %dma_start3A_600 = tpu.memref_squeeze %dma_start3A_599 : memref<1x16x128xf32, #tpu.memory_space<vmem>> -> memref<16x128xf32, #tpu.memory_space<vmem>>
    %dma_start3A_601 = arith.constant 0 : i32
    %dma_start3A_602 = tpu.memref_slice %arg2[%dma_start3A_601, %multiple_of3A_589] : memref<16x1000000xf32, #tpu.memory_space<hbm>> -> memref<16x128xf32, #tpu.memory_space<hbm>>
    tpu.enqueue_dma source(%dma_start3A_602 : memref<16x128xf32, #tpu.memory_space<hbm>>) target(%dma_start3A_600 : memref<16x128xf32, #tpu.memory_space<vmem>>) target_semaphore(%arg9 : memref<!tpu.dma_semaphore, #tpu.memory_space<semaphore_mem>>)
    %slice3A_603 = vector.extract_strided_slice %get3A_322 {offsets = [14], sizes = [1], strides = [1]} : vector<16xi32> to vector<1xi32>
    %squeeze3A_604 = vector.extract %slice3A_603[0] : i32 from vector<1xi32>
    %shift_right_arithmetic3A_605 = arith.constant 7 : i32
    %shift_right_arithmetic3A_606 = arith.shrsi %squeeze3A_604, %shift_right_arithmetic3A_605 : i32
    %shift_left3A_607 = arith.constant 7 : i32
    %shift_left3A_608 = arith.shli %shift_right_arithmetic3A_606, %shift_left3A_607 : i32
    %multiple_of3A_609 = tpu.assume_multiple %shift_left3A_608, 128 : i32
    %dma_start3A_610 = arith.constant 1 : i32
    %dma_start3A_611 = arith.constant 0 : i32
    %dma_start3A_612 = arith.constant 1792 : i32
    %dma_start3A_613 = tpu.memref_slice %arg6[%dma_start3A_610, %dma_start3A_611, %dma_start3A_612] : memref<3x16x2048xf32, #tpu.memory_space<vmem>> -> memref<1x16x128xf32, #tpu.memory_space<vmem>>
    %dma_start3A_614 = tpu.memref_squeeze %dma_start3A_613 : memref<1x16x128xf32, #tpu.memory_space<vmem>> -> memref<16x128xf32, #tpu.memory_space<vmem>>
    %dma_start3A_615 = arith.constant 0 : i32
    %dma_start3A_616 = tpu.memref_slice %arg2[%dma_start3A_615, %multiple_of3A_609] : memref<16x1000000xf32, #tpu.memory_space<hbm>> -> memref<16x128xf32, #tpu.memory_space<hbm>>
    %dma_start3A_617 = arith.constant 0 : i32
    %dma_start3A_618 = arith.constant 1792 : i32
    %dma_start3A_619 = tpu.memref_slice %arg6[%dma_start3A_610, %dma_start3A_617, %dma_start3A_618] : memref<3x16x2048xf32, #tpu.memory_space<vmem>> -> memref<1x16x128xf32, #tpu.memory_space<vmem>>
    %dma_start3A_620 = tpu.memref_squeeze %dma_start3A_619 : memref<1x16x128xf32, #tpu.memory_space<vmem>> -> memref<16x128xf32, #tpu.memory_space<vmem>>
    %dma_start3A_621 = arith.constant 0 : i32
    %dma_start3A_622 = tpu.memref_slice %arg2[%dma_start3A_621, %multiple_of3A_609] : memref<16x1000000xf32, #tpu.memory_space<hbm>> -> memref<16x128xf32, #tpu.memory_space<hbm>>
    tpu.enqueue_dma source(%dma_start3A_622 : memref<16x128xf32, #tpu.memory_space<hbm>>) target(%dma_start3A_620 : memref<16x128xf32, #tpu.memory_space<vmem>>) target_semaphore(%arg9 : memref<!tpu.dma_semaphore, #tpu.memory_space<semaphore_mem>>)
    %slice3A_623 = vector.extract_strided_slice %get3A_322 {offsets = [15], sizes = [1], strides = [1]} : vector<16xi32> to vector<1xi32>
    %squeeze3A_624 = vector.extract %slice3A_623[0] : i32 from vector<1xi32>
    %shift_right_arithmetic3A_625 = arith.constant 7 : i32
    %shift_right_arithmetic3A_626 = arith.shrsi %squeeze3A_624, %shift_right_arithmetic3A_625 : i32
    %shift_left3A_627 = arith.constant 7 : i32
    %shift_left3A_628 = arith.shli %shift_right_arithmetic3A_626, %shift_left3A_627 : i32
    %multiple_of3A_629 = tpu.assume_multiple %shift_left3A_628, 128 : i32
    %dma_start3A_630 = arith.constant 1 : i32
    %dma_start3A_631 = arith.constant 0 : i32
    %dma_start3A_632 = arith.constant 1920 : i32
    %dma_start3A_633 = tpu.memref_slice %arg6[%dma_start3A_630, %dma_start3A_631, %dma_start3A_632] : memref<3x16x2048xf32, #tpu.memory_space<vmem>> -> memref<1x16x128xf32, #tpu.memory_space<vmem>>
    %dma_start3A_634 = tpu.memref_squeeze %dma_start3A_633 : memref<1x16x128xf32, #tpu.memory_space<vmem>> -> memref<16x128xf32, #tpu.memory_space<vmem>>
    %dma_start3A_635 = arith.constant 0 : i32
    %dma_start3A_636 = tpu.memref_slice %arg2[%dma_start3A_635, %multiple_of3A_629] : memref<16x1000000xf32, #tpu.memory_space<hbm>> -> memref<16x128xf32, #tpu.memory_space<hbm>>
    %dma_start3A_637 = arith.constant 0 : i32
    %dma_start3A_638 = arith.constant 1920 : i32
    %dma_start3A_639 = tpu.memref_slice %arg6[%dma_start3A_630, %dma_start3A_637, %dma_start3A_638] : memref<3x16x2048xf32, #tpu.memory_space<vmem>> -> memref<1x16x128xf32, #tpu.memory_space<vmem>>
    %dma_start3A_640 = tpu.memref_squeeze %dma_start3A_639 : memref<1x16x128xf32, #tpu.memory_space<vmem>> -> memref<16x128xf32, #tpu.memory_space<vmem>>
    %dma_start3A_641 = arith.constant 0 : i32
    %dma_start3A_642 = tpu.memref_slice %arg2[%dma_start3A_641, %multiple_of3A_629] : memref<16x1000000xf32, #tpu.memory_space<hbm>> -> memref<16x128xf32, #tpu.memory_space<hbm>>
    tpu.enqueue_dma source(%dma_start3A_642 : memref<16x128xf32, #tpu.memory_space<hbm>>) target(%dma_start3A_640 : memref<16x128xf32, #tpu.memory_space<vmem>>) target_semaphore(%arg9 : memref<!tpu.dma_semaphore, #tpu.memory_space<semaphore_mem>>)
    %scan3A = arith.constant 0 : i32
    %scan3A_643 = arith.constant 10 : i32
    %scan3A_644 = arith.addi %scan3A, %scan3A_643 : i32
    %scan3A_645 = arith.constant 1 : i32
    scf.for %scan3A_962 = %scan3A to %scan3A_644 step %scan3A_645  : i32 {
      %mul3A_963 = arith.constant 3 : i32
      %mul3A_964 = arith.muli %scan3A_962, %mul3A_963 : i32
      %add3A_965 = arith.constant 0 : i32
      %add3A_966 = arith.addi %add3A_965, %mul3A_964 : i32
      %add3A_967 = arith.constant 0 : i32
      %add3A_968 = arith.addi %add3A_966, %add3A_967 : i32
      %add3A_969 = arith.constant 3 : i32
      %add3A_970 = arith.addi %add3A_968, %add3A_969 : i32
      %sub3A = arith.constant 1 : i32
      %sub3A_971 = arith.subi %add3A_970, %sub3A : i32
      %mul3A_972 = arith.constant 16 : i32
      %mul3A_973 = arith.muli %sub3A_971, %mul3A_972 : i32
      %get3A_974 = arith.index_cast %mul3A_973 : i32 to index
      %get3A_975 = tpu.vector_load %arg5[%get3A_974] {strides = array<i32>} : memref<512xi32, #tpu.memory_space<vmem>>, vector<16xi32>,
      %slice3A_976 = vector.extract_strided_slice %get3A_975 {offsets = [0], sizes = [1], strides = [1]} : vector<16xi32> to vector<1xi32>
      %squeeze3A_977 = vector.extract %slice3A_976[0] : i32 from vector<1xi32>
      %shift_right_arithmetic3A_978 = arith.constant 7 : i32
      %shift_right_arithmetic3A_979 = arith.shrsi %squeeze3A_977, %shift_right_arithmetic3A_978 : i32
      %shift_left3A_980 = arith.constant 7 : i32
      %shift_left3A_981 = arith.shli %shift_right_arithmetic3A_979, %shift_left3A_980 : i32
      %multiple_of3A_982 = tpu.assume_multiple %shift_left3A_981, 128 : i32
      %dma_start3A_983 = arith.constant 2 : i32
      %dma_start3A_984 = arith.constant 0 : i32
      %dma_start3A_985 = arith.constant 0 : i32
      %dma_start3A_986 = tpu.memref_slice %arg6[%dma_start3A_983, %dma_start3A_984, %dma_start3A_985] : memref<3x16x2048xf32, #tpu.memory_space<vmem>> -> memref<1x16x128xf32, #tpu.memory_space<vmem>>
      %dma_start3A_987 = tpu.memref_squeeze %dma_start3A_986 : memref<1x16x128xf32, #tpu.memory_space<vmem>> -> memref<16x128xf32, #tpu.memory_space<vmem>>
      %dma_start3A_988 = arith.constant 0 : i32
      %dma_start3A_989 = tpu.memref_slice %arg2[%dma_start3A_988, %multiple_of3A_982] : memref<16x1000000xf32, #tpu.memory_space<hbm>> -> memref<16x128xf32, #tpu.memory_space<hbm>>
      %dma_start3A_990 = arith.constant 0 : i32
      %dma_start3A_991 = arith.constant 0 : i32
      %dma_start3A_992 = tpu.memref_slice %arg6[%dma_start3A_983, %dma_start3A_990, %dma_start3A_991] : memref<3x16x2048xf32, #tpu.memory_space<vmem>> -> memref<1x16x128xf32, #tpu.memory_space<vmem>>
      %dma_start3A_993 = tpu.memref_squeeze %dma_start3A_992 : memref<1x16x128xf32, #tpu.memory_space<vmem>> -> memref<16x128xf32, #tpu.memory_space<vmem>>
      %dma_start3A_994 = arith.constant 0 : i32
      %dma_start3A_995 = tpu.memref_slice %arg2[%dma_start3A_994, %multiple_of3A_982] : memref<16x1000000xf32, #tpu.memory_space<hbm>> -> memref<16x128xf32, #tpu.memory_space<hbm>>
      tpu.enqueue_dma source(%dma_start3A_995 : memref<16x128xf32, #tpu.memory_space<hbm>>) target(%dma_start3A_993 : memref<16x128xf32, #tpu.memory_space<vmem>>) target_semaphore(%arg10 : memref<!tpu.dma_semaphore, #tpu.memory_space<semaphore_mem>>)
      %slice3A_996 = vector.extract_strided_slice %get3A_975 {offsets = [1], sizes = [1], strides = [1]} : vector<16xi32> to vector<1xi32>
      %squeeze3A_997 = vector.extract %slice3A_996[0] : i32 from vector<1xi32>
      %shift_right_arithmetic3A_998 = arith.constant 7 : i32
      %shift_right_arithmetic3A_999 = arith.shrsi %squeeze3A_997, %shift_right_arithmetic3A_998 : i32
      %shift_left3A_1000 = arith.constant 7 : i32
      %shift_left3A_1001 = arith.shli %shift_right_arithmetic3A_999, %shift_left3A_1000 : i32
      %multiple_of3A_1002 = tpu.assume_multiple %shift_left3A_1001, 128 : i32
      %dma_start3A_1003 = arith.constant 2 : i32
      %dma_start3A_1004 = arith.constant 0 : i32
      %dma_start3A_1005 = arith.constant 128 : i32
      %dma_start3A_1006 = tpu.memref_slice %arg6[%dma_start3A_1003, %dma_start3A_1004, %dma_start3A_1005] : memref<3x16x2048xf32, #tpu.memory_space<vmem>> -> memref<1x16x128xf32, #tpu.memory_space<vmem>>
      %dma_start3A_1007 = tpu.memref_squeeze %dma_start3A_1006 : memref<1x16x128xf32, #tpu.memory_space<vmem>> -> memref<16x128xf32, #tpu.memory_space<vmem>>
      %dma_start3A_1008 = arith.constant 0 : i32
      %dma_start3A_1009 = tpu.memref_slice %arg2[%dma_start3A_1008, %multiple_of3A_1002] : memref<16x1000000xf32, #tpu.memory_space<hbm>> -> memref<16x128xf32, #tpu.memory_space<hbm>>
      %dma_start3A_1010 = arith.constant 0 : i32
      %dma_start3A_1011 = arith.constant 128 : i32
      %dma_start3A_1012 = tpu.memref_slice %arg6[%dma_start3A_1003, %dma_start3A_1010, %dma_start3A_1011] : memref<3x16x2048xf32, #tpu.memory_space<vmem>> -> memref<1x16x128xf32, #tpu.memory_space<vmem>>
      %dma_start3A_1013 = tpu.memref_squeeze %dma_start3A_1012 : memref<1x16x128xf32, #tpu.memory_space<vmem>> -> memref<16x128xf32, #tpu.memory_space<vmem>>
      %dma_start3A_1014 = arith.constant 0 : i32
      %dma_start3A_1015 = tpu.memref_slice %arg2[%dma_start3A_1014, %multiple_of3A_1002] : memref<16x1000000xf32, #tpu.memory_space<hbm>> -> memref<16x128xf32, #tpu.memory_space<hbm>>
      tpu.enqueue_dma source(%dma_start3A_1015 : memref<16x128xf32, #tpu.memory_space<hbm>>) target(%dma_start3A_1013 : memref<16x128xf32, #tpu.memory_space<vmem>>) target_semaphore(%arg10 : memref<!tpu.dma_semaphore, #tpu.memory_space<semaphore_mem>>)
      %slice3A_1016 = vector.extract_strided_slice %get3A_975 {offsets = [2], sizes = [1], strides = [1]} : vector<16xi32> to vector<1xi32>
      %squeeze3A_1017 = vector.extract %slice3A_1016[0] : i32 from vector<1xi32>
      %shift_right_arithmetic3A_1018 = arith.constant 7 : i32
      %shift_right_arithmetic3A_1019 = arith.shrsi %squeeze3A_1017, %shift_right_arithmetic3A_1018 : i32
      %shift_left3A_1020 = arith.constant 7 : i32
      %shift_left3A_1021 = arith.shli %shift_right_arithmetic3A_1019, %shift_left3A_1020 : i32
      %multiple_of3A_1022 = tpu.assume_multiple %shift_left3A_1021, 128 : i32
      %dma_start3A_1023 = arith.constant 2 : i32
      %dma_start3A_1024 = arith.constant 0 : i32
      %dma_start3A_1025 = arith.constant 256 : i32
      %dma_start3A_1026 = tpu.memref_slice %arg6[%dma_start3A_1023, %dma_start3A_1024, %dma_start3A_1025] : memref<3x16x2048xf32, #tpu.memory_space<vmem>> -> memref<1x16x128xf32, #tpu.memory_space<vmem>>
      %dma_start3A_1027 = tpu.memref_squeeze %dma_start3A_1026 : memref<1x16x128xf32, #tpu.memory_space<vmem>> -> memref<16x128xf32, #tpu.memory_space<vmem>>
      %dma_start3A_1028 = arith.constant 0 : i32
      %dma_start3A_1029 = tpu.memref_slice %arg2[%dma_start3A_1028, %multiple_of3A_1022] : memref<16x1000000xf32, #tpu.memory_space<hbm>> -> memref<16x128xf32, #tpu.memory_space<hbm>>
      %dma_start3A_1030 = arith.constant 0 : i32
      %dma_start3A_1031 = arith.constant 256 : i32
      %dma_start3A_1032 = tpu.memref_slice %arg6[%dma_start3A_1023, %dma_start3A_1030, %dma_start3A_1031] : memref<3x16x2048xf32, #tpu.memory_space<vmem>> -> memref<1x16x128xf32, #tpu.memory_space<vmem>>
      %dma_start3A_1033 = tpu.memref_squeeze %dma_start3A_1032 : memref<1x16x128xf32, #tpu.memory_space<vmem>> -> memref<16x128xf32, #tpu.memory_space<vmem>>
      %dma_start3A_1034 = arith.constant 0 : i32
      %dma_start3A_1035 = tpu.memref_slice %arg2[%dma_start3A_1034, %multiple_of3A_1022] : memref<16x1000000xf32, #tpu.memory_space<hbm>> -> memref<16x128xf32, #tpu.memory_space<hbm>>
      tpu.enqueue_dma source(%dma_start3A_1035 : memref<16x128xf32, #tpu.memory_space<hbm>>) target(%dma_start3A_1033 : memref<16x128xf32, #tpu.memory_space<vmem>>) target_semaphore(%arg10 : memref<!tpu.dma_semaphore, #tpu.memory_space<semaphore_mem>>)
      %slice3A_1036 = vector.extract_strided_slice %get3A_975 {offsets = [3], sizes = [1], strides = [1]} : vector<16xi32> to vector<1xi32>
      %squeeze3A_1037 = vector.extract %slice3A_1036[0] : i32 from vector<1xi32>
      %shift_right_arithmetic3A_1038 = arith.constant 7 : i32
      %shift_right_arithmetic3A_1039 = arith.shrsi %squeeze3A_1037, %shift_right_arithmetic3A_1038 : i32
      %shift_left3A_1040 = arith.constant 7 : i32
      %shift_left3A_1041 = arith.shli %shift_right_arithmetic3A_1039, %shift_left3A_1040 : i32
      %multiple_of3A_1042 = tpu.assume_multiple %shift_left3A_1041, 128 : i32
      %dma_start3A_1043 = arith.constant 2 : i32
      %dma_start3A_1044 = arith.constant 0 : i32
      %dma_start3A_1045 = arith.constant 384 : i32
      %dma_start3A_1046 = tpu.memref_slice %arg6[%dma_start3A_1043, %dma_start3A_1044, %dma_start3A_1045] : memref<3x16x2048xf32, #tpu.memory_space<vmem>> -> memref<1x16x128xf32, #tpu.memory_space<vmem>>
      %dma_start3A_1047 = tpu.memref_squeeze %dma_start3A_1046 : memref<1x16x128xf32, #tpu.memory_space<vmem>> -> memref<16x128xf32, #tpu.memory_space<vmem>>
      %dma_start3A_1048 = arith.constant 0 : i32
      %dma_start3A_1049 = tpu.memref_slice %arg2[%dma_start3A_1048, %multiple_of3A_1042] : memref<16x1000000xf32, #tpu.memory_space<hbm>> -> memref<16x128xf32, #tpu.memory_space<hbm>>
      %dma_start3A_1050 = arith.constant 0 : i32
      %dma_start3A_1051 = arith.constant 384 : i32
      %dma_start3A_1052 = tpu.memref_slice %arg6[%dma_start3A_1043, %dma_start3A_1050, %dma_start3A_1051] : memref<3x16x2048xf32, #tpu.memory_space<vmem>> -> memref<1x16x128xf32, #tpu.memory_space<vmem>>
      %dma_start3A_1053 = tpu.memref_squeeze %dma_start3A_1052 : memref<1x16x128xf32, #tpu.memory_space<vmem>> -> memref<16x128xf32, #tpu.memory_space<vmem>>
      %dma_start3A_1054 = arith.constant 0 : i32
      %dma_start3A_1055 = tpu.memref_slice %arg2[%dma_start3A_1054, %multiple_of3A_1042] : memref<16x1000000xf32, #tpu.memory_space<hbm>> -> memref<16x128xf32, #tpu.memory_space<hbm>>
      tpu.enqueue_dma source(%dma_start3A_1055 : memref<16x128xf32, #tpu.memory_space<hbm>>) target(%dma_start3A_1053 : memref<16x128xf32, #tpu.memory_space<vmem>>) target_semaphore(%arg10 : memref<!tpu.dma_semaphore, #tpu.memory_space<semaphore_mem>>)
      %slice3A_1056 = vector.extract_strided_slice %get3A_975 {offsets = [4], sizes = [1], strides = [1]} : vector<16xi32> to vector<1xi32>
      %squeeze3A_1057 = vector.extract %slice3A_1056[0] : i32 from vector<1xi32>
      %shift_right_arithmetic3A_1058 = arith.constant 7 : i32
      %shift_right_arithmetic3A_1059 = arith.shrsi %squeeze3A_1057, %shift_right_arithmetic3A_1058 : i32
      %shift_left3A_1060 = arith.constant 7 : i32
      %shift_left3A_1061 = arith.shli %shift_right_arithmetic3A_1059, %shift_left3A_1060 : i32
      %multiple_of3A_1062 = tpu.assume_multiple %shift_left3A_1061, 128 : i32
      %dma_start3A_1063 = arith.constant 2 : i32
      %dma_start3A_1064 = arith.constant 0 : i32
      %dma_start3A_1065 = arith.constant 512 : i32
      %dma_start3A_1066 = tpu.memref_slice %arg6[%dma_start3A_1063, %dma_start3A_1064, %dma_start3A_1065] : memref<3x16x2048xf32, #tpu.memory_space<vmem>> -> memref<1x16x128xf32, #tpu.memory_space<vmem>>
      %dma_start3A_1067 = tpu.memref_squeeze %dma_start3A_1066 : memref<1x16x128xf32, #tpu.memory_space<vmem>> -> memref<16x128xf32, #tpu.memory_space<vmem>>
      %dma_start3A_1068 = arith.constant 0 : i32
      %dma_start3A_1069 = tpu.memref_slice %arg2[%dma_start3A_1068, %multiple_of3A_1062] : memref<16x1000000xf32, #tpu.memory_space<hbm>> -> memref<16x128xf32, #tpu.memory_space<hbm>>
      %dma_start3A_1070 = arith.constant 0 : i32
      %dma_start3A_1071 = arith.constant 512 : i32
      %dma_start3A_1072 = tpu.memref_slice %arg6[%dma_start3A_1063, %dma_start3A_1070, %dma_start3A_1071] : memref<3x16x2048xf32, #tpu.memory_space<vmem>> -> memref<1x16x128xf32, #tpu.memory_space<vmem>>
      %dma_start3A_1073 = tpu.memref_squeeze %dma_start3A_1072 : memref<1x16x128xf32, #tpu.memory_space<vmem>> -> memref<16x128xf32, #tpu.memory_space<vmem>>
      %dma_start3A_1074 = arith.constant 0 : i32
      %dma_start3A_1075 = tpu.memref_slice %arg2[%dma_start3A_1074, %multiple_of3A_1062] : memref<16x1000000xf32, #tpu.memory_space<hbm>> -> memref<16x128xf32, #tpu.memory_space<hbm>>
      tpu.enqueue_dma source(%dma_start3A_1075 : memref<16x128xf32, #tpu.memory_space<hbm>>) target(%dma_start3A_1073 : memref<16x128xf32, #tpu.memory_space<vmem>>) target_semaphore(%arg10 : memref<!tpu.dma_semaphore, #tpu.memory_space<semaphore_mem>>)
      %slice3A_1076 = vector.extract_strided_slice %get3A_975 {offsets = [5], sizes = [1], strides = [1]} : vector<16xi32> to vector<1xi32>
      %squeeze3A_1077 = vector.extract %slice3A_1076[0] : i32 from vector<1xi32>
      %shift_right_arithmetic3A_1078 = arith.constant 7 : i32
      %shift_right_arithmetic3A_1079 = arith.shrsi %squeeze3A_1077, %shift_right_arithmetic3A_1078 : i32
      %shift_left3A_1080 = arith.constant 7 : i32
      %shift_left3A_1081 = arith.shli %shift_right_arithmetic3A_1079, %shift_left3A_1080 : i32
      %multiple_of3A_1082 = tpu.assume_multiple %shift_left3A_1081, 128 : i32
      %dma_start3A_1083 = arith.constant 2 : i32
      %dma_start3A_1084 = arith.constant 0 : i32
      %dma_start3A_1085 = arith.constant 640 : i32
      %dma_start3A_1086 = tpu.memref_slice %arg6[%dma_start3A_1083, %dma_start3A_1084, %dma_start3A_1085] : memref<3x16x2048xf32, #tpu.memory_space<vmem>> -> memref<1x16x128xf32, #tpu.memory_space<vmem>>
      %dma_start3A_1087 = tpu.memref_squeeze %dma_start3A_1086 : memref<1x16x128xf32, #tpu.memory_space<vmem>> -> memref<16x128xf32, #tpu.memory_space<vmem>>
      %dma_start3A_1088 = arith.constant 0 : i32
      %dma_start3A_1089 = tpu.memref_slice %arg2[%dma_start3A_1088, %multiple_of3A_1082] : memref<16x1000000xf32, #tpu.memory_space<hbm>> -> memref<16x128xf32, #tpu.memory_space<hbm>>
      %dma_start3A_1090 = arith.constant 0 : i32
      %dma_start3A_1091 = arith.constant 640 : i32
      %dma_start3A_1092 = tpu.memref_slice %arg6[%dma_start3A_1083, %dma_start3A_1090, %dma_start3A_1091] : memref<3x16x2048xf32, #tpu.memory_space<vmem>> -> memref<1x16x128xf32, #tpu.memory_space<vmem>>
      %dma_start3A_1093 = tpu.memref_squeeze %dma_start3A_1092 : memref<1x16x128xf32, #tpu.memory_space<vmem>> -> memref<16x128xf32, #tpu.memory_space<vmem>>
      %dma_start3A_1094 = arith.constant 0 : i32
      %dma_start3A_1095 = tpu.memref_slice %arg2[%dma_start3A_1094, %multiple_of3A_1082] : memref<16x1000000xf32, #tpu.memory_space<hbm>> -> memref<16x128xf32, #tpu.memory_space<hbm>>
      tpu.enqueue_dma source(%dma_start3A_1095 : memref<16x128xf32, #tpu.memory_space<hbm>>) target(%dma_start3A_1093 : memref<16x128xf32, #tpu.memory_space<vmem>>) target_semaphore(%arg10 : memref<!tpu.dma_semaphore, #tpu.memory_space<semaphore_mem>>)
      %slice3A_1096 = vector.extract_strided_slice %get3A_975 {offsets = [6], sizes = [1], strides = [1]} : vector<16xi32> to vector<1xi32>
      %squeeze3A_1097 = vector.extract %slice3A_1096[0] : i32 from vector<1xi32>
      %shift_right_arithmetic3A_1098 = arith.constant 7 : i32
      %shift_right_arithmetic3A_1099 = arith.shrsi %squeeze3A_1097, %shift_right_arithmetic3A_1098 : i32
      %shift_left3A_1100 = arith.constant 7 : i32
      %shift_left3A_1101 = arith.shli %shift_right_arithmetic3A_1099, %shift_left3A_1100 : i32
      %multiple_of3A_1102 = tpu.assume_multiple %shift_left3A_1101, 128 : i32
      %dma_start3A_1103 = arith.constant 2 : i32
      %dma_start3A_1104 = arith.constant 0 : i32
      %dma_start3A_1105 = arith.constant 768 : i32
      %dma_start3A_1106 = tpu.memref_slice %arg6[%dma_start3A_1103, %dma_start3A_1104, %dma_start3A_1105] : memref<3x16x2048xf32, #tpu.memory_space<vmem>> -> memref<1x16x128xf32, #tpu.memory_space<vmem>>
      %dma_start3A_1107 = tpu.memref_squeeze %dma_start3A_1106 : memref<1x16x128xf32, #tpu.memory_space<vmem>> -> memref<16x128xf32, #tpu.memory_space<vmem>>
      %dma_start3A_1108 = arith.constant 0 : i32
      %dma_start3A_1109 = tpu.memref_slice %arg2[%dma_start3A_1108, %multiple_of3A_1102] : memref<16x1000000xf32, #tpu.memory_space<hbm>> -> memref<16x128xf32, #tpu.memory_space<hbm>>
      %dma_start3A_1110 = arith.constant 0 : i32
      %dma_start3A_1111 = arith.constant 768 : i32
      %dma_start3A_1112 = tpu.memref_slice %arg6[%dma_start3A_1103, %dma_start3A_1110, %dma_start3A_1111] : memref<3x16x2048xf32, #tpu.memory_space<vmem>> -> memref<1x16x128xf32, #tpu.memory_space<vmem>>
      %dma_start3A_1113 = tpu.memref_squeeze %dma_start3A_1112 : memref<1x16x128xf32, #tpu.memory_space<vmem>> -> memref<16x128xf32, #tpu.memory_space<vmem>>
      %dma_start3A_1114 = arith.constant 0 : i32
      %dma_start3A_1115 = tpu.memref_slice %arg2[%dma_start3A_1114, %multiple_of3A_1102] : memref<16x1000000xf32, #tpu.memory_space<hbm>> -> memref<16x128xf32, #tpu.memory_space<hbm>>
      tpu.enqueue_dma source(%dma_start3A_1115 : memref<16x128xf32, #tpu.memory_space<hbm>>) target(%dma_start3A_1113 : memref<16x128xf32, #tpu.memory_space<vmem>>) target_semaphore(%arg10 : memref<!tpu.dma_semaphore, #tpu.memory_space<semaphore_mem>>)
      %slice3A_1116 = vector.extract_strided_slice %get3A_975 {offsets = [7], sizes = [1], strides = [1]} : vector<16xi32> to vector<1xi32>
      %squeeze3A_1117 = vector.extract %slice3A_1116[0] : i32 from vector<1xi32>
      %shift_right_arithmetic3A_1118 = arith.constant 7 : i32
      %shift_right_arithmetic3A_1119 = arith.shrsi %squeeze3A_1117, %shift_right_arithmetic3A_1118 : i32
      %shift_left3A_1120 = arith.constant 7 : i32
      %shift_left3A_1121 = arith.shli %shift_right_arithmetic3A_1119, %shift_left3A_1120 : i32
      %multiple_of3A_1122 = tpu.assume_multiple %shift_left3A_1121, 128 : i32
      %dma_start3A_1123 = arith.constant 2 : i32
      %dma_start3A_1124 = arith.constant 0 : i32
      %dma_start3A_1125 = arith.constant 896 : i32
      %dma_start3A_1126 = tpu.memref_slice %arg6[%dma_start3A_1123, %dma_start3A_1124, %dma_start3A_1125] : memref<3x16x2048xf32, #tpu.memory_space<vmem>> -> memref<1x16x128xf32, #tpu.memory_space<vmem>>
      %dma_start3A_1127 = tpu.memref_squeeze %dma_start3A_1126 : memref<1x16x128xf32, #tpu.memory_space<vmem>> -> memref<16x128xf32, #tpu.memory_space<vmem>>
      %dma_start3A_1128 = arith.constant 0 : i32
      %dma_start3A_1129 = tpu.memref_slice %arg2[%dma_start3A_1128, %multiple_of3A_1122] : memref<16x1000000xf32, #tpu.memory_space<hbm>> -> memref<16x128xf32, #tpu.memory_space<hbm>>
      %dma_start3A_1130 = arith.constant 0 : i32
      %dma_start3A_1131 = arith.constant 896 : i32
      %dma_start3A_1132 = tpu.memref_slice %arg6[%dma_start3A_1123, %dma_start3A_1130, %dma_start3A_1131] : memref<3x16x2048xf32, #tpu.memory_space<vmem>> -> memref<1x16x128xf32, #tpu.memory_space<vmem>>
      %dma_start3A_1133 = tpu.memref_squeeze %dma_start3A_1132 : memref<1x16x128xf32, #tpu.memory_space<vmem>> -> memref<16x128xf32, #tpu.memory_space<vmem>>
      %dma_start3A_1134 = arith.constant 0 : i32
      %dma_start3A_1135 = tpu.memref_slice %arg2[%dma_start3A_1134, %multiple_of3A_1122] : memref<16x1000000xf32, #tpu.memory_space<hbm>> -> memref<16x128xf32, #tpu.memory_space<hbm>>
      tpu.enqueue_dma source(%dma_start3A_1135 : memref<16x128xf32, #tpu.memory_space<hbm>>) target(%dma_start3A_1133 : memref<16x128xf32, #tpu.memory_space<vmem>>) target_semaphore(%arg10 : memref<!tpu.dma_semaphore, #tpu.memory_space<semaphore_mem>>)
      %slice3A_1136 = vector.extract_strided_slice %get3A_975 {offsets = [8], sizes = [1], strides = [1]} : vector<16xi32> to vector<1xi32>
      %squeeze3A_1137 = vector.extract %slice3A_1136[0] : i32 from vector<1xi32>
      %shift_right_arithmetic3A_1138 = arith.constant 7 : i32
      %shift_right_arithmetic3A_1139 = arith.shrsi %squeeze3A_1137, %shift_right_arithmetic3A_1138 : i32
      %shift_left3A_1140 = arith.constant 7 : i32
      %shift_left3A_1141 = arith.shli %shift_right_arithmetic3A_1139, %shift_left3A_1140 : i32
      %multiple_of3A_1142 = tpu.assume_multiple %shift_left3A_1141, 128 : i32
      %dma_start3A_1143 = arith.constant 2 : i32
      %dma_start3A_1144 = arith.constant 0 : i32
      %dma_start3A_1145 = arith.constant 1024 : i32
      %dma_start3A_1146 = tpu.memref_slice %arg6[%dma_start3A_1143, %dma_start3A_1144, %dma_start3A_1145] : memref<3x16x2048xf32, #tpu.memory_space<vmem>> -> memref<1x16x128xf32, #tpu.memory_space<vmem>>
      %dma_start3A_1147 = tpu.memref_squeeze %dma_start3A_1146 : memref<1x16x128xf32, #tpu.memory_space<vmem>> -> memref<16x128xf32, #tpu.memory_space<vmem>>
      %dma_start3A_1148 = arith.constant 0 : i32
      %dma_start3A_1149 = tpu.memref_slice %arg2[%dma_start3A_1148, %multiple_of3A_1142] : memref<16x1000000xf32, #tpu.memory_space<hbm>> -> memref<16x128xf32, #tpu.memory_space<hbm>>
      %dma_start3A_1150 = arith.constant 0 : i32
      %dma_start3A_1151 = arith.constant 1024 : i32
      %dma_start3A_1152 = tpu.memref_slice %arg6[%dma_start3A_1143, %dma_start3A_1150, %dma_start3A_1151] : memref<3x16x2048xf32, #tpu.memory_space<vmem>> -> memref<1x16x128xf32, #tpu.memory_space<vmem>>
      %dma_start3A_1153 = tpu.memref_squeeze %dma_start3A_1152 : memref<1x16x128xf32, #tpu.memory_space<vmem>> -> memref<16x128xf32, #tpu.memory_space<vmem>>
      %dma_start3A_1154 = arith.constant 0 : i32
      %dma_start3A_1155 = tpu.memref_slice %arg2[%dma_start3A_1154, %multiple_of3A_1142] : memref<16x1000000xf32, #tpu.memory_space<hbm>> -> memref<16x128xf32, #tpu.memory_space<hbm>>
      tpu.enqueue_dma source(%dma_start3A_1155 : memref<16x128xf32, #tpu.memory_space<hbm>>) target(%dma_start3A_1153 : memref<16x128xf32, #tpu.memory_space<vmem>>) target_semaphore(%arg10 : memref<!tpu.dma_semaphore, #tpu.memory_space<semaphore_mem>>)
      %slice3A_1156 = vector.extract_strided_slice %get3A_975 {offsets = [9], sizes = [1], strides = [1]} : vector<16xi32> to vector<1xi32>
      %squeeze3A_1157 = vector.extract %slice3A_1156[0] : i32 from vector<1xi32>
      %shift_right_arithmetic3A_1158 = arith.constant 7 : i32
      %shift_right_arithmetic3A_1159 = arith.shrsi %squeeze3A_1157, %shift_right_arithmetic3A_1158 : i32
      %shift_left3A_1160 = arith.constant 7 : i32
      %shift_left3A_1161 = arith.shli %shift_right_arithmetic3A_1159, %shift_left3A_1160 : i32
      %multiple_of3A_1162 = tpu.assume_multiple %shift_left3A_1161, 128 : i32
      %dma_start3A_1163 = arith.constant 2 : i32
      %dma_start3A_1164 = arith.constant 0 : i32
      %dma_start3A_1165 = arith.constant 1152 : i32
      %dma_start3A_1166 = tpu.memref_slice %arg6[%dma_start3A_1163, %dma_start3A_1164, %dma_start3A_1165] : memref<3x16x2048xf32, #tpu.memory_space<vmem>> -> memref<1x16x128xf32, #tpu.memory_space<vmem>>
      %dma_start3A_1167 = tpu.memref_squeeze %dma_start3A_1166 : memref<1x16x128xf32, #tpu.memory_space<vmem>> -> memref<16x128xf32, #tpu.memory_space<vmem>>
      %dma_start3A_1168 = arith.constant 0 : i32
      %dma_start3A_1169 = tpu.memref_slice %arg2[%dma_start3A_1168, %multiple_of3A_1162] : memref<16x1000000xf32, #tpu.memory_space<hbm>> -> memref<16x128xf32, #tpu.memory_space<hbm>>
      %dma_start3A_1170 = arith.constant 0 : i32
      %dma_start3A_1171 = arith.constant 1152 : i32
      %dma_start3A_1172 = tpu.memref_slice %arg6[%dma_start3A_1163, %dma_start3A_1170, %dma_start3A_1171] : memref<3x16x2048xf32, #tpu.memory_space<vmem>> -> memref<1x16x128xf32, #tpu.memory_space<vmem>>
      %dma_start3A_1173 = tpu.memref_squeeze %dma_start3A_1172 : memref<1x16x128xf32, #tpu.memory_space<vmem>> -> memref<16x128xf32, #tpu.memory_space<vmem>>
      %dma_start3A_1174 = arith.constant 0 : i32
      %dma_start3A_1175 = tpu.memref_slice %arg2[%dma_start3A_1174, %multiple_of3A_1162] : memref<16x1000000xf32, #tpu.memory_space<hbm>> -> memref<16x128xf32, #tpu.memory_space<hbm>>
      tpu.enqueue_dma source(%dma_start3A_1175 : memref<16x128xf32, #tpu.memory_space<hbm>>) target(%dma_start3A_1173 : memref<16x128xf32, #tpu.memory_space<vmem>>) target_semaphore(%arg10 : memref<!tpu.dma_semaphore, #tpu.memory_space<semaphore_mem>>)
      %slice3A_1176 = vector.extract_strided_slice %get3A_975 {offsets = [10], sizes = [1], strides = [1]} : vector<16xi32> to vector<1xi32>
      %squeeze3A_1177 = vector.extract %slice3A_1176[0] : i32 from vector<1xi32>
      %shift_right_arithmetic3A_1178 = arith.constant 7 : i32
      %shift_right_arithmetic3A_1179 = arith.shrsi %squeeze3A_1177, %shift_right_arithmetic3A_1178 : i32
      %shift_left3A_1180 = arith.constant 7 : i32
      %shift_left3A_1181 = arith.shli %shift_right_arithmetic3A_1179, %shift_left3A_1180 : i32
      %multiple_of3A_1182 = tpu.assume_multiple %shift_left3A_1181, 128 : i32
      %dma_start3A_1183 = arith.constant 2 : i32
      %dma_start3A_1184 = arith.constant 0 : i32
      %dma_start3A_1185 = arith.constant 1280 : i32
      %dma_start3A_1186 = tpu.memref_slice %arg6[%dma_start3A_1183, %dma_start3A_1184, %dma_start3A_1185] : memref<3x16x2048xf32, #tpu.memory_space<vmem>> -> memref<1x16x128xf32, #tpu.memory_space<vmem>>
      %dma_start3A_1187 = tpu.memref_squeeze %dma_start3A_1186 : memref<1x16x128xf32, #tpu.memory_space<vmem>> -> memref<16x128xf32, #tpu.memory_space<vmem>>
      %dma_start3A_1188 = arith.constant 0 : i32
      %dma_start3A_1189 = tpu.memref_slice %arg2[%dma_start3A_1188, %multiple_of3A_1182] : memref<16x1000000xf32, #tpu.memory_space<hbm>> -> memref<16x128xf32, #tpu.memory_space<hbm>>
      %dma_start3A_1190 = arith.constant 0 : i32
      %dma_start3A_1191 = arith.constant 1280 : i32
      %dma_start3A_1192 = tpu.memref_slice %arg6[%dma_start3A_1183, %dma_start3A_1190, %dma_start3A_1191] : memref<3x16x2048xf32, #tpu.memory_space<vmem>> -> memref<1x16x128xf32, #tpu.memory_space<vmem>>
      %dma_start3A_1193 = tpu.memref_squeeze %dma_start3A_1192 : memref<1x16x128xf32, #tpu.memory_space<vmem>> -> memref<16x128xf32, #tpu.memory_space<vmem>>
      %dma_start3A_1194 = arith.constant 0 : i32
      %dma_start3A_1195 = tpu.memref_slice %arg2[%dma_start3A_1194, %multiple_of3A_1182] : memref<16x1000000xf32, #tpu.memory_space<hbm>> -> memref<16x128xf32, #tpu.memory_space<hbm>>
      tpu.enqueue_dma source(%dma_start3A_1195 : memref<16x128xf32, #tpu.memory_space<hbm>>) target(%dma_start3A_1193 : memref<16x128xf32, #tpu.memory_space<vmem>>) target_semaphore(%arg10 : memref<!tpu.dma_semaphore, #tpu.memory_space<semaphore_mem>>)
      %slice3A_1196 = vector.extract_strided_slice %get3A_975 {offsets = [11], sizes = [1], strides = [1]} : vector<16xi32> to vector<1xi32>
      %squeeze3A_1197 = vector.extract %slice3A_1196[0] : i32 from vector<1xi32>
      %shift_right_arithmetic3A_1198 = arith.constant 7 : i32
      %shift_right_arithmetic3A_1199 = arith.shrsi %squeeze3A_1197, %shift_right_arithmetic3A_1198 : i32
      %shift_left3A_1200 = arith.constant 7 : i32
      %shift_left3A_1201 = arith.shli %shift_right_arithmetic3A_1199, %shift_left3A_1200 : i32
      %multiple_of3A_1202 = tpu.assume_multiple %shift_left3A_1201, 128 : i32
      %dma_start3A_1203 = arith.constant 2 : i32
      %dma_start3A_1204 = arith.constant 0 : i32
      %dma_start3A_1205 = arith.constant 1408 : i32
      %dma_start3A_1206 = tpu.memref_slice %arg6[%dma_start3A_1203, %dma_start3A_1204, %dma_start3A_1205] : memref<3x16x2048xf32, #tpu.memory_space<vmem>> -> memref<1x16x128xf32, #tpu.memory_space<vmem>>
      %dma_start3A_1207 = tpu.memref_squeeze %dma_start3A_1206 : memref<1x16x128xf32, #tpu.memory_space<vmem>> -> memref<16x128xf32, #tpu.memory_space<vmem>>
      %dma_start3A_1208 = arith.constant 0 : i32
      %dma_start3A_1209 = tpu.memref_slice %arg2[%dma_start3A_1208, %multiple_of3A_1202] : memref<16x1000000xf32, #tpu.memory_space<hbm>> -> memref<16x128xf32, #tpu.memory_space<hbm>>
      %dma_start3A_1210 = arith.constant 0 : i32
      %dma_start3A_1211 = arith.constant 1408 : i32
      %dma_start3A_1212 = tpu.memref_slice %arg6[%dma_start3A_1203, %dma_start3A_1210, %dma_start3A_1211] : memref<3x16x2048xf32, #tpu.memory_space<vmem>> -> memref<1x16x128xf32, #tpu.memory_space<vmem>>
      %dma_start3A_1213 = tpu.memref_squeeze %dma_start3A_1212 : memref<1x16x128xf32, #tpu.memory_space<vmem>> -> memref<16x128xf32, #tpu.memory_space<vmem>>
      %dma_start3A_1214 = arith.constant 0 : i32
      %dma_start3A_1215 = tpu.memref_slice %arg2[%dma_start3A_1214, %multiple_of3A_1202] : memref<16x1000000xf32, #tpu.memory_space<hbm>> -> memref<16x128xf32, #tpu.memory_space<hbm>>
      tpu.enqueue_dma source(%dma_start3A_1215 : memref<16x128xf32, #tpu.memory_space<hbm>>) target(%dma_start3A_1213 : memref<16x128xf32, #tpu.memory_space<vmem>>) target_semaphore(%arg10 : memref<!tpu.dma_semaphore, #tpu.memory_space<semaphore_mem>>)
      %slice3A_1216 = vector.extract_strided_slice %get3A_975 {offsets = [12], sizes = [1], strides = [1]} : vector<16xi32> to vector<1xi32>
      %squeeze3A_1217 = vector.extract %slice3A_1216[0] : i32 from vector<1xi32>
      %shift_right_arithmetic3A_1218 = arith.constant 7 : i32
      %shift_right_arithmetic3A_1219 = arith.shrsi %squeeze3A_1217, %shift_right_arithmetic3A_1218 : i32
      %shift_left3A_1220 = arith.constant 7 : i32
      %shift_left3A_1221 = arith.shli %shift_right_arithmetic3A_1219, %shift_left3A_1220 : i32
      %multiple_of3A_1222 = tpu.assume_multiple %shift_left3A_1221, 128 : i32
      %dma_start3A_1223 = arith.constant 2 : i32
      %dma_start3A_1224 = arith.constant 0 : i32
      %dma_start3A_1225 = arith.constant 1536 : i32
      %dma_start3A_1226 = tpu.memref_slice %arg6[%dma_start3A_1223, %dma_start3A_1224, %dma_start3A_1225] : memref<3x16x2048xf32, #tpu.memory_space<vmem>> -> memref<1x16x128xf32, #tpu.memory_space<vmem>>
      %dma_start3A_1227 = tpu.memref_squeeze %dma_start3A_1226 : memref<1x16x128xf32, #tpu.memory_space<vmem>> -> memref<16x128xf32, #tpu.memory_space<vmem>>
      %dma_start3A_1228 = arith.constant 0 : i32
      %dma_start3A_1229 = tpu.memref_slice %arg2[%dma_start3A_1228, %multiple_of3A_1222] : memref<16x1000000xf32, #tpu.memory_space<hbm>> -> memref<16x128xf32, #tpu.memory_space<hbm>>
      %dma_start3A_1230 = arith.constant 0 : i32
      %dma_start3A_1231 = arith.constant 1536 : i32
      %dma_start3A_1232 = tpu.memref_slice %arg6[%dma_start3A_1223, %dma_start3A_1230, %dma_start3A_1231] : memref<3x16x2048xf32, #tpu.memory_space<vmem>> -> memref<1x16x128xf32, #tpu.memory_space<vmem>>
      %dma_start3A_1233 = tpu.memref_squeeze %dma_start3A_1232 : memref<1x16x128xf32, #tpu.memory_space<vmem>> -> memref<16x128xf32, #tpu.memory_space<vmem>>
      %dma_start3A_1234 = arith.constant 0 : i32
      %dma_start3A_1235 = tpu.memref_slice %arg2[%dma_start3A_1234, %multiple_of3A_1222] : memref<16x1000000xf32, #tpu.memory_space<hbm>> -> memref<16x128xf32, #tpu.memory_space<hbm>>
      tpu.enqueue_dma source(%dma_start3A_1235 : memref<16x128xf32, #tpu.memory_space<hbm>>) target(%dma_start3A_1233 : memref<16x128xf32, #tpu.memory_space<vmem>>) target_semaphore(%arg10 : memref<!tpu.dma_semaphore, #tpu.memory_space<semaphore_mem>>)
      %slice3A_1236 = vector.extract_strided_slice %get3A_975 {offsets = [13], sizes = [1], strides = [1]} : vector<16xi32> to vector<1xi32>
      %squeeze3A_1237 = vector.extract %slice3A_1236[0] : i32 from vector<1xi32>
      %shift_right_arithmetic3A_1238 = arith.constant 7 : i32
      %shift_right_arithmetic3A_1239 = arith.shrsi %squeeze3A_1237, %shift_right_arithmetic3A_1238 : i32
      %shift_left3A_1240 = arith.constant 7 : i32
      %shift_left3A_1241 = arith.shli %shift_right_arithmetic3A_1239, %shift_left3A_1240 : i32
      %multiple_of3A_1242 = tpu.assume_multiple %shift_left3A_1241, 128 : i32
      %dma_start3A_1243 = arith.constant 2 : i32
      %dma_start3A_1244 = arith.constant 0 : i32
      %dma_start3A_1245 = arith.constant 1664 : i32
      %dma_start3A_1246 = tpu.memref_slice %arg6[%dma_start3A_1243, %dma_start3A_1244, %dma_start3A_1245] : memref<3x16x2048xf32, #tpu.memory_space<vmem>> -> memref<1x16x128xf32, #tpu.memory_space<vmem>>
      %dma_start3A_1247 = tpu.memref_squeeze %dma_start3A_1246 : memref<1x16x128xf32, #tpu.memory_space<vmem>> -> memref<16x128xf32, #tpu.memory_space<vmem>>
      %dma_start3A_1248 = arith.constant 0 : i32
      %dma_start3A_1249 = tpu.memref_slice %arg2[%dma_start3A_1248, %multiple_of3A_1242] : memref<16x1000000xf32, #tpu.memory_space<hbm>> -> memref<16x128xf32, #tpu.memory_space<hbm>>
      %dma_start3A_1250 = arith.constant 0 : i32
      %dma_start3A_1251 = arith.constant 1664 : i32
      %dma_start3A_1252 = tpu.memref_slice %arg6[%dma_start3A_1243, %dma_start3A_1250, %dma_start3A_1251] : memref<3x16x2048xf32, #tpu.memory_space<vmem>> -> memref<1x16x128xf32, #tpu.memory_space<vmem>>
      %dma_start3A_1253 = tpu.memref_squeeze %dma_start3A_1252 : memref<1x16x128xf32, #tpu.memory_space<vmem>> -> memref<16x128xf32, #tpu.memory_space<vmem>>
      %dma_start3A_1254 = arith.constant 0 : i32
      %dma_start3A_1255 = tpu.memref_slice %arg2[%dma_start3A_1254, %multiple_of3A_1242] : memref<16x1000000xf32, #tpu.memory_space<hbm>> -> memref<16x128xf32, #tpu.memory_space<hbm>>
      tpu.enqueue_dma source(%dma_start3A_1255 : memref<16x128xf32, #tpu.memory_space<hbm>>) target(%dma_start3A_1253 : memref<16x128xf32, #tpu.memory_space<vmem>>) target_semaphore(%arg10 : memref<!tpu.dma_semaphore, #tpu.memory_space<semaphore_mem>>)
      %slice3A_1256 = vector.extract_strided_slice %get3A_975 {offsets = [14], sizes = [1], strides = [1]} : vector<16xi32> to vector<1xi32>
      %squeeze3A_1257 = vector.extract %slice3A_1256[0] : i32 from vector<1xi32>
      %shift_right_arithmetic3A_1258 = arith.constant 7 : i32
      %shift_right_arithmetic3A_1259 = arith.shrsi %squeeze3A_1257, %shift_right_arithmetic3A_1258 : i32
      %shift_left3A_1260 = arith.constant 7 : i32
      %shift_left3A_1261 = arith.shli %shift_right_arithmetic3A_1259, %shift_left3A_1260 : i32
      %multiple_of3A_1262 = tpu.assume_multiple %shift_left3A_1261, 128 : i32
      %dma_start3A_1263 = arith.constant 2 : i32
      %dma_start3A_1264 = arith.constant 0 : i32
      %dma_start3A_1265 = arith.constant 1792 : i32
      %dma_start3A_1266 = tpu.memref_slice %arg6[%dma_start3A_1263, %dma_start3A_1264, %dma_start3A_1265] : memref<3x16x2048xf32, #tpu.memory_space<vmem>> -> memref<1x16x128xf32, #tpu.memory_space<vmem>>
      %dma_start3A_1267 = tpu.memref_squeeze %dma_start3A_1266 : memref<1x16x128xf32, #tpu.memory_space<vmem>> -> memref<16x128xf32, #tpu.memory_space<vmem>>
      %dma_start3A_1268 = arith.constant 0 : i32
      %dma_start3A_1269 = tpu.memref_slice %arg2[%dma_start3A_1268, %multiple_of3A_1262] : memref<16x1000000xf32, #tpu.memory_space<hbm>> -> memref<16x128xf32, #tpu.memory_space<hbm>>
      %dma_start3A_1270 = arith.constant 0 : i32
      %dma_start3A_1271 = arith.constant 1792 : i32
      %dma_start3A_1272 = tpu.memref_slice %arg6[%dma_start3A_1263, %dma_start3A_1270, %dma_start3A_1271] : memref<3x16x2048xf32, #tpu.memory_space<vmem>> -> memref<1x16x128xf32, #tpu.memory_space<vmem>>
      %dma_start3A_1273 = tpu.memref_squeeze %dma_start3A_1272 : memref<1x16x128xf32, #tpu.memory_space<vmem>> -> memref<16x128xf32, #tpu.memory_space<vmem>>
      %dma_start3A_1274 = arith.constant 0 : i32
      %dma_start3A_1275 = tpu.memref_slice %arg2[%dma_start3A_1274, %multiple_of3A_1262] : memref<16x1000000xf32, #tpu.memory_space<hbm>> -> memref<16x128xf32, #tpu.memory_space<hbm>>
      tpu.enqueue_dma source(%dma_start3A_1275 : memref<16x128xf32, #tpu.memory_space<hbm>>) target(%dma_start3A_1273 : memref<16x128xf32, #tpu.memory_space<vmem>>) target_semaphore(%arg10 : memref<!tpu.dma_semaphore, #tpu.memory_space<semaphore_mem>>)
      %slice3A_1276 = vector.extract_strided_slice %get3A_975 {offsets = [15], sizes = [1], strides = [1]} : vector<16xi32> to vector<1xi32>
      %squeeze3A_1277 = vector.extract %slice3A_1276[0] : i32 from vector<1xi32>
      %shift_right_arithmetic3A_1278 = arith.constant 7 : i32
      %shift_right_arithmetic3A_1279 = arith.shrsi %squeeze3A_1277, %shift_right_arithmetic3A_1278 : i32
      %shift_left3A_1280 = arith.constant 7 : i32
      %shift_left3A_1281 = arith.shli %shift_right_arithmetic3A_1279, %shift_left3A_1280 : i32
      %multiple_of3A_1282 = tpu.assume_multiple %shift_left3A_1281, 128 : i32
      %dma_start3A_1283 = arith.constant 2 : i32
      %dma_start3A_1284 = arith.constant 0 : i32
      %dma_start3A_1285 = arith.constant 1920 : i32
      %dma_start3A_1286 = tpu.memref_slice %arg6[%dma_start3A_1283, %dma_start3A_1284, %dma_start3A_1285] : memref<3x16x2048xf32, #tpu.memory_space<vmem>> -> memref<1x16x128xf32, #tpu.memory_space<vmem>>
      %dma_start3A_1287 = tpu.memref_squeeze %dma_start3A_1286 : memref<1x16x128xf32, #tpu.memory_space<vmem>> -> memref<16x128xf32, #tpu.memory_space<vmem>>
      %dma_start3A_1288 = arith.constant 0 : i32
      %dma_start3A_1289 = tpu.memref_slice %arg2[%dma_start3A_1288, %multiple_of3A_1282] : memref<16x1000000xf32, #tpu.memory_space<hbm>> -> memref<16x128xf32, #tpu.memory_space<hbm>>
      %dma_start3A_1290 = arith.constant 0 : i32
      %dma_start3A_1291 = arith.constant 1920 : i32
      %dma_start3A_1292 = tpu.memref_slice %arg6[%dma_start3A_1283, %dma_start3A_1290, %dma_start3A_1291] : memref<3x16x2048xf32, #tpu.memory_space<vmem>> -> memref<1x16x128xf32, #tpu.memory_space<vmem>>
      %dma_start3A_1293 = tpu.memref_squeeze %dma_start3A_1292 : memref<1x16x128xf32, #tpu.memory_space<vmem>> -> memref<16x128xf32, #tpu.memory_space<vmem>>
      %dma_start3A_1294 = arith.constant 0 : i32
      %dma_start3A_1295 = tpu.memref_slice %arg2[%dma_start3A_1294, %multiple_of3A_1282] : memref<16x1000000xf32, #tpu.memory_space<hbm>> -> memref<16x128xf32, #tpu.memory_space<hbm>>
      tpu.enqueue_dma source(%dma_start3A_1295 : memref<16x128xf32, #tpu.memory_space<hbm>>) target(%dma_start3A_1293 : memref<16x128xf32, #tpu.memory_space<vmem>>) target_semaphore(%arg10 : memref<!tpu.dma_semaphore, #tpu.memory_space<semaphore_mem>>)
      %dma_wait3A_1296 = arith.constant 0 : i32
      %dma_wait3A_1297 = arith.constant 0 : i32
      %dma_wait3A_1298 = arith.constant 0 : i32
      %dma_wait3A_1299 = tpu.memref_slice %arg6[%dma_wait3A_1296, %dma_wait3A_1297, %dma_wait3A_1298] : memref<3x16x2048xf32, #tpu.memory_space<vmem>> -> memref<1x16x2048xf32, #tpu.memory_space<vmem>>
      %dma_wait3A_1300 = tpu.memref_squeeze %dma_wait3A_1299 : memref<1x16x2048xf32, #tpu.memory_space<vmem>> -> memref<16x2048xf32, #tpu.memory_space<vmem>>
      %dma_wait3A_1301 = arith.constant 0 : i32
      %dma_wait3A_1302 = arith.constant 0 : i32
      %dma_wait3A_1303 = tpu.memref_slice %arg2[%dma_wait3A_1301, %dma_wait3A_1302] : memref<16x1000000xf32, #tpu.memory_space<hbm>> -> memref<16x2048xf32, #tpu.memory_space<hbm>>
      %dma_wait3A_1304 = arith.constant 0 : i32
      %dma_wait3A_1305 = arith.constant 0 : i32
      %dma_wait3A_1306 = tpu.memref_slice %arg6[%dma_wait3A_1296, %dma_wait3A_1304, %dma_wait3A_1305] : memref<3x16x2048xf32, #tpu.memory_space<vmem>> -> memref<1x16x2048xf32, #tpu.memory_space<vmem>>
      %dma_wait3A_1307 = tpu.memref_squeeze %dma_wait3A_1306 : memref<1x16x2048xf32, #tpu.memory_space<vmem>> -> memref<16x2048xf32, #tpu.memory_space<vmem>>
      %dma_wait3A_1308 = arith.constant 0 : i32
      %dma_wait3A_1309 = arith.constant 0 : i32
      %dma_wait3A_1310 = tpu.memref_slice %arg2[%dma_wait3A_1308, %dma_wait3A_1309] : memref<16x1000000xf32, #tpu.memory_space<hbm>> -> memref<16x2048xf32, #tpu.memory_space<hbm>>
      tpu.wait_dma2 semaphore(%arg8 : memref<!tpu.dma_semaphore, #tpu.memory_space<semaphore_mem>>) src(%dma_wait3A_1310 : memref<16x2048xf32, #tpu.memory_space<hbm>>) dst(%dma_wait3A_1307 : memref<16x2048xf32, #tpu.memory_space<vmem>>)
      %add3A_1311 = arith.constant 0 : i32
      %add3A_1312 = arith.addi %add3A_966, %add3A_1311 : i32
      %mul3A_1313 = arith.constant 16 : i32
      %mul3A_1314 = arith.muli %add3A_1312, %mul3A_1313 : i32
      %get3A_1315 = arith.index_cast %mul3A_1314 : i32 to index
      %get3A_1316 = tpu.vector_load %arg5[%get3A_1315] {strides = array<i32>} : memref<512xi32, #tpu.memory_space<vmem>>, vector<16xi32>,
      %mul3A_1317 = arith.constant 128 : i32
      %mul3A_1318 = vector.broadcast %mul3A_1317 : i32 to vector<16xi32>
      %mul3A_1319 = arith.muli %iota3A, %mul3A_1318 : vector<16xi32>
      %and3A_1320 = arith.constant 127 : i32
      %and3A_1321 = vector.broadcast %and3A_1320 : i32 to vector<16xi32>
      %and3A_1322 = arith.andi %get3A_1316, %and3A_1321 : vector<16xi32>
      %add3A_1323 = arith.addi %mul3A_1319, %and3A_1322 : vector<16xi32>
      %mul3A_1324 = arith.constant 16 : i32
      %mul3A_1325 = arith.muli %add3A_1312, %mul3A_1324 : i32
      %add3A_1326 = vector.broadcast %mul3A_1325 : i32 to vector<16xi32>
      %add3A_1327 = arith.addi %iota3A, %add3A_1326 : vector<16xi32>
      %broadcast_in_dim3A_1328 = arith.constant 0 : i32
      %broadcast_in_dim3A_1329 = vector.broadcast %broadcast_in_dim3A_1328 : i32 to vector<16xi32>
      %gather3A_1330 = arith.constant 0 : i32
      %gather3A_1331 = arith.constant 0 : i32
      %gather3A_1332 = arith.constant 0 : i32
      %gather3A_1333 = tpu.memref_slice %arg6[%gather3A_1330, %gather3A_1331, %gather3A_1332] : memref<3x16x2048xf32, #tpu.memory_space<vmem>> -> memref<1x16x2048xf32, #tpu.memory_space<vmem>>
      %gather3A_1334 = tpu.memref_squeeze %gather3A_1333 : memref<1x16x2048xf32, #tpu.memory_space<vmem>> -> memref<16x2048xf32, #tpu.memory_space<vmem>>
      %gather3A_1335 = tpu.vector_load_idx %gather3A_1334[%broadcast_in_dim3A_1329, %add3A_1323] : memref<16x2048xf32, #tpu.memory_space<vmem>>[vector<16xi32>, vector<16xi32>], vector<16xf32>,
      tpu.vector_store_idx %arg7[%broadcast_in_dim3A_1329, %add3A_1327], %gather3A_1335 : memref<16x512xf32, #tpu.memory_space<vmem>>[vector<16xi32>, vector<16xi32>], vector<16xf32>,
      %broadcast_in_dim3A_1336 = arith.constant 1 : i32
      %broadcast_in_dim3A_1337 = vector.broadcast %broadcast_in_dim3A_1336 : i32 to vector<16xi32>
      %gather3A_1338 = arith.constant 0 : i32
      %gather3A_1339 = arith.constant 0 : i32
      %gather3A_1340 = arith.constant 0 : i32
      %gather3A_1341 = tpu.memref_slice %arg6[%gather3A_1338, %gather3A_1339, %gather3A_1340] : memref<3x16x2048xf32, #tpu.memory_space<vmem>> -> memref<1x16x2048xf32, #tpu.memory_space<vmem>>
      %gather3A_1342 = tpu.memref_squeeze %gather3A_1341 : memref<1x16x2048xf32, #tpu.memory_space<vmem>> -> memref<16x2048xf32, #tpu.memory_space<vmem>>
      %gather3A_1343 = tpu.vector_load_idx %gather3A_1342[%broadcast_in_dim3A_1337, %add3A_1323] : memref<16x2048xf32, #tpu.memory_space<vmem>>[vector<16xi32>, vector<16xi32>], vector<16xf32>,
      tpu.vector_store_idx %arg7[%broadcast_in_dim3A_1337, %add3A_1327], %gather3A_1343 : memref<16x512xf32, #tpu.memory_space<vmem>>[vector<16xi32>, vector<16xi32>], vector<16xf32>,
      %broadcast_in_dim3A_1344 = arith.constant 2 : i32
      %broadcast_in_dim3A_1345 = vector.broadcast %broadcast_in_dim3A_1344 : i32 to vector<16xi32>
      %gather3A_1346 = arith.constant 0 : i32
      %gather3A_1347 = arith.constant 0 : i32
      %gather3A_1348 = arith.constant 0 : i32
      %gather3A_1349 = tpu.memref_slice %arg6[%gather3A_1346, %gather3A_1347, %gather3A_1348] : memref<3x16x2048xf32, #tpu.memory_space<vmem>> -> memref<1x16x2048xf32, #tpu.memory_space<vmem>>
      %gather3A_1350 = tpu.memref_squeeze %gather3A_1349 : memref<1x16x2048xf32, #tpu.memory_space<vmem>> -> memref<16x2048xf32, #tpu.memory_space<vmem>>
      %gather3A_1351 = tpu.vector_load_idx %gather3A_1350[%broadcast_in_dim3A_1345, %add3A_1323] : memref<16x2048xf32, #tpu.memory_space<vmem>>[vector<16xi32>, vector<16xi32>], vector<16xf32>,
      tpu.vector_store_idx %arg7[%broadcast_in_dim3A_1345, %add3A_1327], %gather3A_1351 : memref<16x512xf32, #tpu.memory_space<vmem>>[vector<16xi32>, vector<16xi32>], vector<16xf32>,
      %broadcast_in_dim3A_1352 = arith.constant 3 : i32
      %broadcast_in_dim3A_1353 = vector.broadcast %broadcast_in_dim3A_1352 : i32 to vector<16xi32>
      %gather3A_1354 = arith.constant 0 : i32
      %gather3A_1355 = arith.constant 0 : i32
      %gather3A_1356 = arith.constant 0 : i32
      %gather3A_1357 = tpu.memref_slice %arg6[%gather3A_1354, %gather3A_1355, %gather3A_1356] : memref<3x16x2048xf32, #tpu.memory_space<vmem>> -> memref<1x16x2048xf32, #tpu.memory_space<vmem>>
      %gather3A_1358 = tpu.memref_squeeze %gather3A_1357 : memref<1x16x2048xf32, #tpu.memory_space<vmem>> -> memref<16x2048xf32, #tpu.memory_space<vmem>>
      %gather3A_1359 = tpu.vector_load_idx %gather3A_1358[%broadcast_in_dim3A_1353, %add3A_1323] : memref<16x2048xf32, #tpu.memory_space<vmem>>[vector<16xi32>, vector<16xi32>], vector<16xf32>,
      tpu.vector_store_idx %arg7[%broadcast_in_dim3A_1353, %add3A_1327], %gather3A_1359 : memref<16x512xf32, #tpu.memory_space<vmem>>[vector<16xi32>, vector<16xi32>], vector<16xf32>,
      %broadcast_in_dim3A_1360 = arith.constant 4 : i32
      %broadcast_in_dim3A_1361 = vector.broadcast %broadcast_in_dim3A_1360 : i32 to vector<16xi32>
      %gather3A_1362 = arith.constant 0 : i32
      %gather3A_1363 = arith.constant 0 : i32
      %gather3A_1364 = arith.constant 0 : i32
      %gather3A_1365 = tpu.memref_slice %arg6[%gather3A_1362, %gather3A_1363, %gather3A_1364] : memref<3x16x2048xf32, #tpu.memory_space<vmem>> -> memref<1x16x2048xf32, #tpu.memory_space<vmem>>
      %gather3A_1366 = tpu.memref_squeeze %gather3A_1365 : memref<1x16x2048xf32, #tpu.memory_space<vmem>> -> memref<16x2048xf32, #tpu.memory_space<vmem>>
      %gather3A_1367 = tpu.vector_load_idx %gather3A_1366[%broadcast_in_dim3A_1361, %add3A_1323] : memref<16x2048xf32, #tpu.memory_space<vmem>>[vector<16xi32>, vector<16xi32>], vector<16xf32>,
      tpu.vector_store_idx %arg7[%broadcast_in_dim3A_1361, %add3A_1327], %gather3A_1367 : memref<16x512xf32, #tpu.memory_space<vmem>>[vector<16xi32>, vector<16xi32>], vector<16xf32>,
      %broadcast_in_dim3A_1368 = arith.constant 5 : i32
      %broadcast_in_dim3A_1369 = vector.broadcast %broadcast_in_dim3A_1368 : i32 to vector<16xi32>
      %gather3A_1370 = arith.constant 0 : i32
      %gather3A_1371 = arith.constant 0 : i32
      %gather3A_1372 = arith.constant 0 : i32
      %gather3A_1373 = tpu.memref_slice %arg6[%gather3A_1370, %gather3A_1371, %gather3A_1372] : memref<3x16x2048xf32, #tpu.memory_space<vmem>> -> memref<1x16x2048xf32, #tpu.memory_space<vmem>>
      %gather3A_1374 = tpu.memref_squeeze %gather3A_1373 : memref<1x16x2048xf32, #tpu.memory_space<vmem>> -> memref<16x2048xf32, #tpu.memory_space<vmem>>
      %gather3A_1375 = tpu.vector_load_idx %gather3A_1374[%broadcast_in_dim3A_1369, %add3A_1323] : memref<16x2048xf32, #tpu.memory_space<vmem>>[vector<16xi32>, vector<16xi32>], vector<16xf32>,
      tpu.vector_store_idx %arg7[%broadcast_in_dim3A_1369, %add3A_1327], %gather3A_1375 : memref<16x512xf32, #tpu.memory_space<vmem>>[vector<16xi32>, vector<16xi32>], vector<16xf32>,
      %broadcast_in_dim3A_1376 = arith.constant 6 : i32
      %broadcast_in_dim3A_1377 = vector.broadcast %broadcast_in_dim3A_1376 : i32 to vector<16xi32>
      %gather3A_1378 = arith.constant 0 : i32
      %gather3A_1379 = arith.constant 0 : i32
      %gather3A_1380 = arith.constant 0 : i32
      %gather3A_1381 = tpu.memref_slice %arg6[%gather3A_1378, %gather3A_1379, %gather3A_1380] : memref<3x16x2048xf32, #tpu.memory_space<vmem>> -> memref<1x16x2048xf32, #tpu.memory_space<vmem>>
      %gather3A_1382 = tpu.memref_squeeze %gather3A_1381 : memref<1x16x2048xf32, #tpu.memory_space<vmem>> -> memref<16x2048xf32, #tpu.memory_space<vmem>>
      %gather3A_1383 = tpu.vector_load_idx %gather3A_1382[%broadcast_in_dim3A_1377, %add3A_1323] : memref<16x2048xf32, #tpu.memory_space<vmem>>[vector<16xi32>, vector<16xi32>], vector<16xf32>,
      tpu.vector_store_idx %arg7[%broadcast_in_dim3A_1377, %add3A_1327], %gather3A_1383 : memref<16x512xf32, #tpu.memory_space<vmem>>[vector<16xi32>, vector<16xi32>], vector<16xf32>,
      %broadcast_in_dim3A_1384 = arith.constant 7 : i32
      %broadcast_in_dim3A_1385 = vector.broadcast %broadcast_in_dim3A_1384 : i32 to vector<16xi32>
      %gather3A_1386 = arith.constant 0 : i32
      %gather3A_1387 = arith.constant 0 : i32
      %gather3A_1388 = arith.constant 0 : i32
      %gather3A_1389 = tpu.memref_slice %arg6[%gather3A_1386, %gather3A_1387, %gather3A_1388] : memref<3x16x2048xf32, #tpu.memory_space<vmem>> -> memref<1x16x2048xf32, #tpu.memory_space<vmem>>
      %gather3A_1390 = tpu.memref_squeeze %gather3A_1389 : memref<1x16x2048xf32, #tpu.memory_space<vmem>> -> memref<16x2048xf32, #tpu.memory_space<vmem>>
      %gather3A_1391 = tpu.vector_load_idx %gather3A_1390[%broadcast_in_dim3A_1385, %add3A_1323] : memref<16x2048xf32, #tpu.memory_space<vmem>>[vector<16xi32>, vector<16xi32>], vector<16xf32>,
      tpu.vector_store_idx %arg7[%broadcast_in_dim3A_1385, %add3A_1327], %gather3A_1391 : memref<16x512xf32, #tpu.memory_space<vmem>>[vector<16xi32>, vector<16xi32>], vector<16xf32>,
      %broadcast_in_dim3A_1392 = arith.constant 8 : i32
      %broadcast_in_dim3A_1393 = vector.broadcast %broadcast_in_dim3A_1392 : i32 to vector<16xi32>
      %gather3A_1394 = arith.constant 0 : i32
      %gather3A_1395 = arith.constant 0 : i32
      %gather3A_1396 = arith.constant 0 : i32
      %gather3A_1397 = tpu.memref_slice %arg6[%gather3A_1394, %gather3A_1395, %gather3A_1396] : memref<3x16x2048xf32, #tpu.memory_space<vmem>> -> memref<1x16x2048xf32, #tpu.memory_space<vmem>>
      %gather3A_1398 = tpu.memref_squeeze %gather3A_1397 : memref<1x16x2048xf32, #tpu.memory_space<vmem>> -> memref<16x2048xf32, #tpu.memory_space<vmem>>
      %gather3A_1399 = tpu.vector_load_idx %gather3A_1398[%broadcast_in_dim3A_1393, %add3A_1323] : memref<16x2048xf32, #tpu.memory_space<vmem>>[vector<16xi32>, vector<16xi32>], vector<16xf32>,
      tpu.vector_store_idx %arg7[%broadcast_in_dim3A_1393, %add3A_1327], %gather3A_1399 : memref<16x512xf32, #tpu.memory_space<vmem>>[vector<16xi32>, vector<16xi32>], vector<16xf32>,
      %broadcast_in_dim3A_1400 = arith.constant 9 : i32
      %broadcast_in_dim3A_1401 = vector.broadcast %broadcast_in_dim3A_1400 : i32 to vector<16xi32>
      %gather3A_1402 = arith.constant 0 : i32
      %gather3A_1403 = arith.constant 0 : i32
      %gather3A_1404 = arith.constant 0 : i32
      %gather3A_1405 = tpu.memref_slice %arg6[%gather3A_1402, %gather3A_1403, %gather3A_1404] : memref<3x16x2048xf32, #tpu.memory_space<vmem>> -> memref<1x16x2048xf32, #tpu.memory_space<vmem>>
      %gather3A_1406 = tpu.memref_squeeze %gather3A_1405 : memref<1x16x2048xf32, #tpu.memory_space<vmem>> -> memref<16x2048xf32, #tpu.memory_space<vmem>>
      %gather3A_1407 = tpu.vector_load_idx %gather3A_1406[%broadcast_in_dim3A_1401, %add3A_1323] : memref<16x2048xf32, #tpu.memory_space<vmem>>[vector<16xi32>, vector<16xi32>], vector<16xf32>,
      tpu.vector_store_idx %arg7[%broadcast_in_dim3A_1401, %add3A_1327], %gather3A_1407 : memref<16x512xf32, #tpu.memory_space<vmem>>[vector<16xi32>, vector<16xi32>], vector<16xf32>,
      %broadcast_in_dim3A_1408 = arith.constant 10 : i32
      %broadcast_in_dim3A_1409 = vector.broadcast %broadcast_in_dim3A_1408 : i32 to vector<16xi32>
      %gather3A_1410 = arith.constant 0 : i32
      %gather3A_1411 = arith.constant 0 : i32
      %gather3A_1412 = arith.constant 0 : i32
      %gather3A_1413 = tpu.memref_slice %arg6[%gather3A_1410, %gather3A_1411, %gather3A_1412] : memref<3x16x2048xf32, #tpu.memory_space<vmem>> -> memref<1x16x2048xf32, #tpu.memory_space<vmem>>
      %gather3A_1414 = tpu.memref_squeeze %gather3A_1413 : memref<1x16x2048xf32, #tpu.memory_space<vmem>> -> memref<16x2048xf32, #tpu.memory_space<vmem>>
      %gather3A_1415 = tpu.vector_load_idx %gather3A_1414[%broadcast_in_dim3A_1409, %add3A_1323] : memref<16x2048xf32, #tpu.memory_space<vmem>>[vector<16xi32>, vector<16xi32>], vector<16xf32>,
      tpu.vector_store_idx %arg7[%broadcast_in_dim3A_1409, %add3A_1327], %gather3A_1415 : memref<16x512xf32, #tpu.memory_space<vmem>>[vector<16xi32>, vector<16xi32>], vector<16xf32>,
      %broadcast_in_dim3A_1416 = arith.constant 11 : i32
      %broadcast_in_dim3A_1417 = vector.broadcast %broadcast_in_dim3A_1416 : i32 to vector<16xi32>
      %gather3A_1418 = arith.constant 0 : i32
      %gather3A_1419 = arith.constant 0 : i32
      %gather3A_1420 = arith.constant 0 : i32
      %gather3A_1421 = tpu.memref_slice %arg6[%gather3A_1418, %gather3A_1419, %gather3A_1420] : memref<3x16x2048xf32, #tpu.memory_space<vmem>> -> memref<1x16x2048xf32, #tpu.memory_space<vmem>>
      %gather3A_1422 = tpu.memref_squeeze %gather3A_1421 : memref<1x16x2048xf32, #tpu.memory_space<vmem>> -> memref<16x2048xf32, #tpu.memory_space<vmem>>
      %gather3A_1423 = tpu.vector_load_idx %gather3A_1422[%broadcast_in_dim3A_1417, %add3A_1323] : memref<16x2048xf32, #tpu.memory_space<vmem>>[vector<16xi32>, vector<16xi32>], vector<16xf32>,
      tpu.vector_store_idx %arg7[%broadcast_in_dim3A_1417, %add3A_1327], %gather3A_1423 : memref<16x512xf32, #tpu.memory_space<vmem>>[vector<16xi32>, vector<16xi32>], vector<16xf32>,
      %broadcast_in_dim3A_1424 = arith.constant 12 : i32
      %broadcast_in_dim3A_1425 = vector.broadcast %broadcast_in_dim3A_1424 : i32 to vector<16xi32>
      %gather3A_1426 = arith.constant 0 : i32
      %gather3A_1427 = arith.constant 0 : i32
      %gather3A_1428 = arith.constant 0 : i32
      %gather3A_1429 = tpu.memref_slice %arg6[%gather3A_1426, %gather3A_1427, %gather3A_1428] : memref<3x16x2048xf32, #tpu.memory_space<vmem>> -> memref<1x16x2048xf32, #tpu.memory_space<vmem>>
      %gather3A_1430 = tpu.memref_squeeze %gather3A_1429 : memref<1x16x2048xf32, #tpu.memory_space<vmem>> -> memref<16x2048xf32, #tpu.memory_space<vmem>>
      %gather3A_1431 = tpu.vector_load_idx %gather3A_1430[%broadcast_in_dim3A_1425, %add3A_1323] : memref<16x2048xf32, #tpu.memory_space<vmem>>[vector<16xi32>, vector<16xi32>], vector<16xf32>,
      tpu.vector_store_idx %arg7[%broadcast_in_dim3A_1425, %add3A_1327], %gather3A_1431 : memref<16x512xf32, #tpu.memory_space<vmem>>[vector<16xi32>, vector<16xi32>], vector<16xf32>,
      %broadcast_in_dim3A_1432 = arith.constant 13 : i32
      %broadcast_in_dim3A_1433 = vector.broadcast %broadcast_in_dim3A_1432 : i32 to vector<16xi32>
      %gather3A_1434 = arith.constant 0 : i32
      %gather3A_1435 = arith.constant 0 : i32
      %gather3A_1436 = arith.constant 0 : i32
      %gather3A_1437 = tpu.memref_slice %arg6[%gather3A_1434, %gather3A_1435, %gather3A_1436] : memref<3x16x2048xf32, #tpu.memory_space<vmem>> -> memref<1x16x2048xf32, #tpu.memory_space<vmem>>
      %gather3A_1438 = tpu.memref_squeeze %gather3A_1437 : memref<1x16x2048xf32, #tpu.memory_space<vmem>> -> memref<16x2048xf32, #tpu.memory_space<vmem>>
      %gather3A_1439 = tpu.vector_load_idx %gather3A_1438[%broadcast_in_dim3A_1433, %add3A_1323] : memref<16x2048xf32, #tpu.memory_space<vmem>>[vector<16xi32>, vector<16xi32>], vector<16xf32>,
      tpu.vector_store_idx %arg7[%broadcast_in_dim3A_1433, %add3A_1327], %gather3A_1439 : memref<16x512xf32, #tpu.memory_space<vmem>>[vector<16xi32>, vector<16xi32>], vector<16xf32>,
      %broadcast_in_dim3A_1440 = arith.constant 14 : i32
      %broadcast_in_dim3A_1441 = vector.broadcast %broadcast_in_dim3A_1440 : i32 to vector<16xi32>
      %gather3A_1442 = arith.constant 0 : i32
      %gather3A_1443 = arith.constant 0 : i32
      %gather3A_1444 = arith.constant 0 : i32
      %gather3A_1445 = tpu.memref_slice %arg6[%gather3A_1442, %gather3A_1443, %gather3A_1444] : memref<3x16x2048xf32, #tpu.memory_space<vmem>> -> memref<1x16x2048xf32, #tpu.memory_space<vmem>>
      %gather3A_1446 = tpu.memref_squeeze %gather3A_1445 : memref<1x16x2048xf32, #tpu.memory_space<vmem>> -> memref<16x2048xf32, #tpu.memory_space<vmem>>
      %gather3A_1447 = tpu.vector_load_idx %gather3A_1446[%broadcast_in_dim3A_1441, %add3A_1323] : memref<16x2048xf32, #tpu.memory_space<vmem>>[vector<16xi32>, vector<16xi32>], vector<16xf32>,
      tpu.vector_store_idx %arg7[%broadcast_in_dim3A_1441, %add3A_1327], %gather3A_1447 : memref<16x512xf32, #tpu.memory_space<vmem>>[vector<16xi32>, vector<16xi32>], vector<16xf32>,
      %broadcast_in_dim3A_1448 = arith.constant 15 : i32
      %broadcast_in_dim3A_1449 = vector.broadcast %broadcast_in_dim3A_1448 : i32 to vector<16xi32>
      %gather3A_1450 = arith.constant 0 : i32
      %gather3A_1451 = arith.constant 0 : i32
      %gather3A_1452 = arith.constant 0 : i32
      %gather3A_1453 = tpu.memref_slice %arg6[%gather3A_1450, %gather3A_1451, %gather3A_1452] : memref<3x16x2048xf32, #tpu.memory_space<vmem>> -> memref<1x16x2048xf32, #tpu.memory_space<vmem>>
      %gather3A_1454 = tpu.memref_squeeze %gather3A_1453 : memref<1x16x2048xf32, #tpu.memory_space<vmem>> -> memref<16x2048xf32, #tpu.memory_space<vmem>>
      %gather3A_1455 = tpu.vector_load_idx %gather3A_1454[%broadcast_in_dim3A_1449, %add3A_1323] : memref<16x2048xf32, #tpu.memory_space<vmem>>[vector<16xi32>, vector<16xi32>], vector<16xf32>,
      tpu.vector_store_idx %arg7[%broadcast_in_dim3A_1449, %add3A_1327], %gather3A_1455 : memref<16x512xf32, #tpu.memory_space<vmem>>[vector<16xi32>, vector<16xi32>], vector<16xf32>,
      %add3A_1456 = arith.constant 1 : i32
      %add3A_1457 = arith.addi %add3A_966, %add3A_1456 : i32
      %add3A_1458 = arith.constant 3 : i32
      %add3A_1459 = arith.addi %add3A_1457, %add3A_1458 : i32
      %sub3A_1460 = arith.constant 1 : i32
      %sub3A_1461 = arith.subi %add3A_1459, %sub3A_1460 : i32
      %mul3A_1462 = arith.constant 16 : i32
      %mul3A_1463 = arith.muli %sub3A_1461, %mul3A_1462 : i32
      %get3A_1464 = arith.index_cast %mul3A_1463 : i32 to index
      %get3A_1465 = tpu.vector_load %arg5[%get3A_1464] {strides = array<i32>} : memref<512xi32, #tpu.memory_space<vmem>>, vector<16xi32>,
      %slice3A_1466 = vector.extract_strided_slice %get3A_1465 {offsets = [0], sizes = [1], strides = [1]} : vector<16xi32> to vector<1xi32>
      %squeeze3A_1467 = vector.extract %slice3A_1466[0] : i32 from vector<1xi32>
      %shift_right_arithmetic3A_1468 = arith.constant 7 : i32
      %shift_right_arithmetic3A_1469 = arith.shrsi %squeeze3A_1467, %shift_right_arithmetic3A_1468 : i32
      %shift_left3A_1470 = arith.constant 7 : i32
      %shift_left3A_1471 = arith.shli %shift_right_arithmetic3A_1469, %shift_left3A_1470 : i32
      %multiple_of3A_1472 = tpu.assume_multiple %shift_left3A_1471, 128 : i32
      %dma_start3A_1473 = arith.constant 0 : i32
      %dma_start3A_1474 = arith.constant 0 : i32
      %dma_start3A_1475 = arith.constant 0 : i32
      %dma_start3A_1476 = tpu.memref_slice %arg6[%dma_start3A_1473, %dma_start3A_1474, %dma_start3A_1475] : memref<3x16x2048xf32, #tpu.memory_space<vmem>> -> memref<1x16x128xf32, #tpu.memory_space<vmem>>
      %dma_start3A_1477 = tpu.memref_squeeze %dma_start3A_1476 : memref<1x16x128xf32, #tpu.memory_space<vmem>> -> memref<16x128xf32, #tpu.memory_space<vmem>>
      %dma_start3A_1478 = arith.constant 0 : i32
      %dma_start3A_1479 = tpu.memref_slice %arg2[%dma_start3A_1478, %multiple_of3A_1472] : memref<16x1000000xf32, #tpu.memory_space<hbm>> -> memref<16x128xf32, #tpu.memory_space<hbm>>
      %dma_start3A_1480 = arith.constant 0 : i32
      %dma_start3A_1481 = arith.constant 0 : i32
      %dma_start3A_1482 = tpu.memref_slice %arg6[%dma_start3A_1473, %dma_start3A_1480, %dma_start3A_1481] : memref<3x16x2048xf32, #tpu.memory_space<vmem>> -> memref<1x16x128xf32, #tpu.memory_space<vmem>>
      %dma_start3A_1483 = tpu.memref_squeeze %dma_start3A_1482 : memref<1x16x128xf32, #tpu.memory_space<vmem>> -> memref<16x128xf32, #tpu.memory_space<vmem>>
      %dma_start3A_1484 = arith.constant 0 : i32
      %dma_start3A_1485 = tpu.memref_slice %arg2[%dma_start3A_1484, %multiple_of3A_1472] : memref<16x1000000xf32, #tpu.memory_space<hbm>> -> memref<16x128xf32, #tpu.memory_space<hbm>>
      tpu.enqueue_dma source(%dma_start3A_1485 : memref<16x128xf32, #tpu.memory_space<hbm>>) target(%dma_start3A_1483 : memref<16x128xf32, #tpu.memory_space<vmem>>) target_semaphore(%arg8 : memref<!tpu.dma_semaphore, #tpu.memory_space<semaphore_mem>>)
      %slice3A_1486 = vector.extract_strided_slice %get3A_1465 {offsets = [1], sizes = [1], strides = [1]} : vector<16xi32> to vector<1xi32>
      %squeeze3A_1487 = vector.extract %slice3A_1486[0] : i32 from vector<1xi32>
      %shift_right_arithmetic3A_1488 = arith.constant 7 : i32
      %shift_right_arithmetic3A_1489 = arith.shrsi %squeeze3A_1487, %shift_right_arithmetic3A_1488 : i32
      %shift_left3A_1490 = arith.constant 7 : i32
      %shift_left3A_1491 = arith.shli %shift_right_arithmetic3A_1489, %shift_left3A_1490 : i32
      %multiple_of3A_1492 = tpu.assume_multiple %shift_left3A_1491, 128 : i32
      %dma_start3A_1493 = arith.constant 0 : i32
      %dma_start3A_1494 = arith.constant 0 : i32
      %dma_start3A_1495 = arith.constant 128 : i32
      %dma_start3A_1496 = tpu.memref_slice %arg6[%dma_start3A_1493, %dma_start3A_1494, %dma_start3A_1495] : memref<3x16x2048xf32, #tpu.memory_space<vmem>> -> memref<1x16x128xf32, #tpu.memory_space<vmem>>
      %dma_start3A_1497 = tpu.memref_squeeze %dma_start3A_1496 : memref<1x16x128xf32, #tpu.memory_space<vmem>> -> memref<16x128xf32, #tpu.memory_space<vmem>>
      %dma_start3A_1498 = arith.constant 0 : i32
      %dma_start3A_1499 = tpu.memref_slice %arg2[%dma_start3A_1498, %multiple_of3A_1492] : memref<16x1000000xf32, #tpu.memory_space<hbm>> -> memref<16x128xf32, #tpu.memory_space<hbm>>
      %dma_start3A_1500 = arith.constant 0 : i32
      %dma_start3A_1501 = arith.constant 128 : i32
      %dma_start3A_1502 = tpu.memref_slice %arg6[%dma_start3A_1493, %dma_start3A_1500, %dma_start3A_1501] : memref<3x16x2048xf32, #tpu.memory_space<vmem>> -> memref<1x16x128xf32, #tpu.memory_space<vmem>>
      %dma_start3A_1503 = tpu.memref_squeeze %dma_start3A_1502 : memref<1x16x128xf32, #tpu.memory_space<vmem>> -> memref<16x128xf32, #tpu.memory_space<vmem>>
      %dma_start3A_1504 = arith.constant 0 : i32
      %dma_start3A_1505 = tpu.memref_slice %arg2[%dma_start3A_1504, %multiple_of3A_1492] : memref<16x1000000xf32, #tpu.memory_space<hbm>> -> memref<16x128xf32, #tpu.memory_space<hbm>>
      tpu.enqueue_dma source(%dma_start3A_1505 : memref<16x128xf32, #tpu.memory_space<hbm>>) target(%dma_start3A_1503 : memref<16x128xf32, #tpu.memory_space<vmem>>) target_semaphore(%arg8 : memref<!tpu.dma_semaphore, #tpu.memory_space<semaphore_mem>>)
      %slice3A_1506 = vector.extract_strided_slice %get3A_1465 {offsets = [2], sizes = [1], strides = [1]} : vector<16xi32> to vector<1xi32>
      %squeeze3A_1507 = vector.extract %slice3A_1506[0] : i32 from vector<1xi32>
      %shift_right_arithmetic3A_1508 = arith.constant 7 : i32
      %shift_right_arithmetic3A_1509 = arith.shrsi %squeeze3A_1507, %shift_right_arithmetic3A_1508 : i32
      %shift_left3A_1510 = arith.constant 7 : i32
      %shift_left3A_1511 = arith.shli %shift_right_arithmetic3A_1509, %shift_left3A_1510 : i32
      %multiple_of3A_1512 = tpu.assume_multiple %shift_left3A_1511, 128 : i32
      %dma_start3A_1513 = arith.constant 0 : i32
      %dma_start3A_1514 = arith.constant 0 : i32
      %dma_start3A_1515 = arith.constant 256 : i32
      %dma_start3A_1516 = tpu.memref_slice %arg6[%dma_start3A_1513, %dma_start3A_1514, %dma_start3A_1515] : memref<3x16x2048xf32, #tpu.memory_space<vmem>> -> memref<1x16x128xf32, #tpu.memory_space<vmem>>
      %dma_start3A_1517 = tpu.memref_squeeze %dma_start3A_1516 : memref<1x16x128xf32, #tpu.memory_space<vmem>> -> memref<16x128xf32, #tpu.memory_space<vmem>>
      %dma_start3A_1518 = arith.constant 0 : i32
      %dma_start3A_1519 = tpu.memref_slice %arg2[%dma_start3A_1518, %multiple_of3A_1512] : memref<16x1000000xf32, #tpu.memory_space<hbm>> -> memref<16x128xf32, #tpu.memory_space<hbm>>
      %dma_start3A_1520 = arith.constant 0 : i32
      %dma_start3A_1521 = arith.constant 256 : i32
      %dma_start3A_1522 = tpu.memref_slice %arg6[%dma_start3A_1513, %dma_start3A_1520, %dma_start3A_1521] : memref<3x16x2048xf32, #tpu.memory_space<vmem>> -> memref<1x16x128xf32, #tpu.memory_space<vmem>>
      %dma_start3A_1523 = tpu.memref_squeeze %dma_start3A_1522 : memref<1x16x128xf32, #tpu.memory_space<vmem>> -> memref<16x128xf32, #tpu.memory_space<vmem>>
      %dma_start3A_1524 = arith.constant 0 : i32
      %dma_start3A_1525 = tpu.memref_slice %arg2[%dma_start3A_1524, %multiple_of3A_1512] : memref<16x1000000xf32, #tpu.memory_space<hbm>> -> memref<16x128xf32, #tpu.memory_space<hbm>>
      tpu.enqueue_dma source(%dma_start3A_1525 : memref<16x128xf32, #tpu.memory_space<hbm>>) target(%dma_start3A_1523 : memref<16x128xf32, #tpu.memory_space<vmem>>) target_semaphore(%arg8 : memref<!tpu.dma_semaphore, #tpu.memory_space<semaphore_mem>>)
      %slice3A_1526 = vector.extract_strided_slice %get3A_1465 {offsets = [3], sizes = [1], strides = [1]} : vector<16xi32> to vector<1xi32>
      %squeeze3A_1527 = vector.extract %slice3A_1526[0] : i32 from vector<1xi32>
      %shift_right_arithmetic3A_1528 = arith.constant 7 : i32
      %shift_right_arithmetic3A_1529 = arith.shrsi %squeeze3A_1527, %shift_right_arithmetic3A_1528 : i32
      %shift_left3A_1530 = arith.constant 7 : i32
      %shift_left3A_1531 = arith.shli %shift_right_arithmetic3A_1529, %shift_left3A_1530 : i32
      %multiple_of3A_1532 = tpu.assume_multiple %shift_left3A_1531, 128 : i32
      %dma_start3A_1533 = arith.constant 0 : i32
      %dma_start3A_1534 = arith.constant 0 : i32
      %dma_start3A_1535 = arith.constant 384 : i32
      %dma_start3A_1536 = tpu.memref_slice %arg6[%dma_start3A_1533, %dma_start3A_1534, %dma_start3A_1535] : memref<3x16x2048xf32, #tpu.memory_space<vmem>> -> memref<1x16x128xf32, #tpu.memory_space<vmem>>
      %dma_start3A_1537 = tpu.memref_squeeze %dma_start3A_1536 : memref<1x16x128xf32, #tpu.memory_space<vmem>> -> memref<16x128xf32, #tpu.memory_space<vmem>>
      %dma_start3A_1538 = arith.constant 0 : i32
      %dma_start3A_1539 = tpu.memref_slice %arg2[%dma_start3A_1538, %multiple_of3A_1532] : memref<16x1000000xf32, #tpu.memory_space<hbm>> -> memref<16x128xf32, #tpu.memory_space<hbm>>
      %dma_start3A_1540 = arith.constant 0 : i32
      %dma_start3A_1541 = arith.constant 384 : i32
      %dma_start3A_1542 = tpu.memref_slice %arg6[%dma_start3A_1533, %dma_start3A_1540, %dma_start3A_1541] : memref<3x16x2048xf32, #tpu.memory_space<vmem>> -> memref<1x16x128xf32, #tpu.memory_space<vmem>>
      %dma_start3A_1543 = tpu.memref_squeeze %dma_start3A_1542 : memref<1x16x128xf32, #tpu.memory_space<vmem>> -> memref<16x128xf32, #tpu.memory_space<vmem>>
      %dma_start3A_1544 = arith.constant 0 : i32
      %dma_start3A_1545 = tpu.memref_slice %arg2[%dma_start3A_1544, %multiple_of3A_1532] : memref<16x1000000xf32, #tpu.memory_space<hbm>> -> memref<16x128xf32, #tpu.memory_space<hbm>>
      tpu.enqueue_dma source(%dma_start3A_1545 : memref<16x128xf32, #tpu.memory_space<hbm>>) target(%dma_start3A_1543 : memref<16x128xf32, #tpu.memory_space<vmem>>) target_semaphore(%arg8 : memref<!tpu.dma_semaphore, #tpu.memory_space<semaphore_mem>>)
      %slice3A_1546 = vector.extract_strided_slice %get3A_1465 {offsets = [4], sizes = [1], strides = [1]} : vector<16xi32> to vector<1xi32>
      %squeeze3A_1547 = vector.extract %slice3A_1546[0] : i32 from vector<1xi32>
      %shift_right_arithmetic3A_1548 = arith.constant 7 : i32
      %shift_right_arithmetic3A_1549 = arith.shrsi %squeeze3A_1547, %shift_right_arithmetic3A_1548 : i32
      %shift_left3A_1550 = arith.constant 7 : i32
      %shift_left3A_1551 = arith.shli %shift_right_arithmetic3A_1549, %shift_left3A_1550 : i32
      %multiple_of3A_1552 = tpu.assume_multiple %shift_left3A_1551, 128 : i32
      %dma_start3A_1553 = arith.constant 0 : i32
      %dma_start3A_1554 = arith.constant 0 : i32
      %dma_start3A_1555 = arith.constant 512 : i32
      %dma_start3A_1556 = tpu.memref_slice %arg6[%dma_start3A_1553, %dma_start3A_1554, %dma_start3A_1555] : memref<3x16x2048xf32, #tpu.memory_space<vmem>> -> memref<1x16x128xf32, #tpu.memory_space<vmem>>
      %dma_start3A_1557 = tpu.memref_squeeze %dma_start3A_1556 : memref<1x16x128xf32, #tpu.memory_space<vmem>> -> memref<16x128xf32, #tpu.memory_space<vmem>>
      %dma_start3A_1558 = arith.constant 0 : i32
      %dma_start3A_1559 = tpu.memref_slice %arg2[%dma_start3A_1558, %multiple_of3A_1552] : memref<16x1000000xf32, #tpu.memory_space<hbm>> -> memref<16x128xf32, #tpu.memory_space<hbm>>
      %dma_start3A_1560 = arith.constant 0 : i32
      %dma_start3A_1561 = arith.constant 512 : i32
      %dma_start3A_1562 = tpu.memref_slice %arg6[%dma_start3A_1553, %dma_start3A_1560, %dma_start3A_1561] : memref<3x16x2048xf32, #tpu.memory_space<vmem>> -> memref<1x16x128xf32, #tpu.memory_space<vmem>>
      %dma_start3A_1563 = tpu.memref_squeeze %dma_start3A_1562 : memref<1x16x128xf32, #tpu.memory_space<vmem>> -> memref<16x128xf32, #tpu.memory_space<vmem>>
      %dma_start3A_1564 = arith.constant 0 : i32
      %dma_start3A_1565 = tpu.memref_slice %arg2[%dma_start3A_1564, %multiple_of3A_1552] : memref<16x1000000xf32, #tpu.memory_space<hbm>> -> memref<16x128xf32, #tpu.memory_space<hbm>>
      tpu.enqueue_dma source(%dma_start3A_1565 : memref<16x128xf32, #tpu.memory_space<hbm>>) target(%dma_start3A_1563 : memref<16x128xf32, #tpu.memory_space<vmem>>) target_semaphore(%arg8 : memref<!tpu.dma_semaphore, #tpu.memory_space<semaphore_mem>>)
      %slice3A_1566 = vector.extract_strided_slice %get3A_1465 {offsets = [5], sizes = [1], strides = [1]} : vector<16xi32> to vector<1xi32>
      %squeeze3A_1567 = vector.extract %slice3A_1566[0] : i32 from vector<1xi32>
      %shift_right_arithmetic3A_1568 = arith.constant 7 : i32
      %shift_right_arithmetic3A_1569 = arith.shrsi %squeeze3A_1567, %shift_right_arithmetic3A_1568 : i32
      %shift_left3A_1570 = arith.constant 7 : i32
      %shift_left3A_1571 = arith.shli %shift_right_arithmetic3A_1569, %shift_left3A_1570 : i32
      %multiple_of3A_1572 = tpu.assume_multiple %shift_left3A_1571, 128 : i32
      %dma_start3A_1573 = arith.constant 0 : i32
      %dma_start3A_1574 = arith.constant 0 : i32
      %dma_start3A_1575 = arith.constant 640 : i32
      %dma_start3A_1576 = tpu.memref_slice %arg6[%dma_start3A_1573, %dma_start3A_1574, %dma_start3A_1575] : memref<3x16x2048xf32, #tpu.memory_space<vmem>> -> memref<1x16x128xf32, #tpu.memory_space<vmem>>
      %dma_start3A_1577 = tpu.memref_squeeze %dma_start3A_1576 : memref<1x16x128xf32, #tpu.memory_space<vmem>> -> memref<16x128xf32, #tpu.memory_space<vmem>>
      %dma_start3A_1578 = arith.constant 0 : i32
      %dma_start3A_1579 = tpu.memref_slice %arg2[%dma_start3A_1578, %multiple_of3A_1572] : memref<16x1000000xf32, #tpu.memory_space<hbm>> -> memref<16x128xf32, #tpu.memory_space<hbm>>
      %dma_start3A_1580 = arith.constant 0 : i32
      %dma_start3A_1581 = arith.constant 640 : i32
      %dma_start3A_1582 = tpu.memref_slice %arg6[%dma_start3A_1573, %dma_start3A_1580, %dma_start3A_1581] : memref<3x16x2048xf32, #tpu.memory_space<vmem>> -> memref<1x16x128xf32, #tpu.memory_space<vmem>>
      %dma_start3A_1583 = tpu.memref_squeeze %dma_start3A_1582 : memref<1x16x128xf32, #tpu.memory_space<vmem>> -> memref<16x128xf32, #tpu.memory_space<vmem>>
      %dma_start3A_1584 = arith.constant 0 : i32
      %dma_start3A_1585 = tpu.memref_slice %arg2[%dma_start3A_1584, %multiple_of3A_1572] : memref<16x1000000xf32, #tpu.memory_space<hbm>> -> memref<16x128xf32, #tpu.memory_space<hbm>>
      tpu.enqueue_dma source(%dma_start3A_1585 : memref<16x128xf32, #tpu.memory_space<hbm>>) target(%dma_start3A_1583 : memref<16x128xf32, #tpu.memory_space<vmem>>) target_semaphore(%arg8 : memref<!tpu.dma_semaphore, #tpu.memory_space<semaphore_mem>>)
      %slice3A_1586 = vector.extract_strided_slice %get3A_1465 {offsets = [6], sizes = [1], strides = [1]} : vector<16xi32> to vector<1xi32>
      %squeeze3A_1587 = vector.extract %slice3A_1586[0] : i32 from vector<1xi32>
      %shift_right_arithmetic3A_1588 = arith.constant 7 : i32
      %shift_right_arithmetic3A_1589 = arith.shrsi %squeeze3A_1587, %shift_right_arithmetic3A_1588 : i32
      %shift_left3A_1590 = arith.constant 7 : i32
      %shift_left3A_1591 = arith.shli %shift_right_arithmetic3A_1589, %shift_left3A_1590 : i32
      %multiple_of3A_1592 = tpu.assume_multiple %shift_left3A_1591, 128 : i32
      %dma_start3A_1593 = arith.constant 0 : i32
      %dma_start3A_1594 = arith.constant 0 : i32
      %dma_start3A_1595 = arith.constant 768 : i32
      %dma_start3A_1596 = tpu.memref_slice %arg6[%dma_start3A_1593, %dma_start3A_1594, %dma_start3A_1595] : memref<3x16x2048xf32, #tpu.memory_space<vmem>> -> memref<1x16x128xf32, #tpu.memory_space<vmem>>
      %dma_start3A_1597 = tpu.memref_squeeze %dma_start3A_1596 : memref<1x16x128xf32, #tpu.memory_space<vmem>> -> memref<16x128xf32, #tpu.memory_space<vmem>>
      %dma_start3A_1598 = arith.constant 0 : i32
      %dma_start3A_1599 = tpu.memref_slice %arg2[%dma_start3A_1598, %multiple_of3A_1592] : memref<16x1000000xf32, #tpu.memory_space<hbm>> -> memref<16x128xf32, #tpu.memory_space<hbm>>
      %dma_start3A_1600 = arith.constant 0 : i32
      %dma_start3A_1601 = arith.constant 768 : i32
      %dma_start3A_1602 = tpu.memref_slice %arg6[%dma_start3A_1593, %dma_start3A_1600, %dma_start3A_1601] : memref<3x16x2048xf32, #tpu.memory_space<vmem>> -> memref<1x16x128xf32, #tpu.memory_space<vmem>>
      %dma_start3A_1603 = tpu.memref_squeeze %dma_start3A_1602 : memref<1x16x128xf32, #tpu.memory_space<vmem>> -> memref<16x128xf32, #tpu.memory_space<vmem>>
      %dma_start3A_1604 = arith.constant 0 : i32
      %dma_start3A_1605 = tpu.memref_slice %arg2[%dma_start3A_1604, %multiple_of3A_1592] : memref<16x1000000xf32, #tpu.memory_space<hbm>> -> memref<16x128xf32, #tpu.memory_space<hbm>>
      tpu.enqueue_dma source(%dma_start3A_1605 : memref<16x128xf32, #tpu.memory_space<hbm>>) target(%dma_start3A_1603 : memref<16x128xf32, #tpu.memory_space<vmem>>) target_semaphore(%arg8 : memref<!tpu.dma_semaphore, #tpu.memory_space<semaphore_mem>>)
      %slice3A_1606 = vector.extract_strided_slice %get3A_1465 {offsets = [7], sizes = [1], strides = [1]} : vector<16xi32> to vector<1xi32>
      %squeeze3A_1607 = vector.extract %slice3A_1606[0] : i32 from vector<1xi32>
      %shift_right_arithmetic3A_1608 = arith.constant 7 : i32
      %shift_right_arithmetic3A_1609 = arith.shrsi %squeeze3A_1607, %shift_right_arithmetic3A_1608 : i32
      %shift_left3A_1610 = arith.constant 7 : i32
      %shift_left3A_1611 = arith.shli %shift_right_arithmetic3A_1609, %shift_left3A_1610 : i32
      %multiple_of3A_1612 = tpu.assume_multiple %shift_left3A_1611, 128 : i32
      %dma_start3A_1613 = arith.constant 0 : i32
      %dma_start3A_1614 = arith.constant 0 : i32
      %dma_start3A_1615 = arith.constant 896 : i32
      %dma_start3A_1616 = tpu.memref_slice %arg6[%dma_start3A_1613, %dma_start3A_1614, %dma_start3A_1615] : memref<3x16x2048xf32, #tpu.memory_space<vmem>> -> memref<1x16x128xf32, #tpu.memory_space<vmem>>
      %dma_start3A_1617 = tpu.memref_squeeze %dma_start3A_1616 : memref<1x16x128xf32, #tpu.memory_space<vmem>> -> memref<16x128xf32, #tpu.memory_space<vmem>>
      %dma_start3A_1618 = arith.constant 0 : i32
      %dma_start3A_1619 = tpu.memref_slice %arg2[%dma_start3A_1618, %multiple_of3A_1612] : memref<16x1000000xf32, #tpu.memory_space<hbm>> -> memref<16x128xf32, #tpu.memory_space<hbm>>
      %dma_start3A_1620 = arith.constant 0 : i32
      %dma_start3A_1621 = arith.constant 896 : i32
      %dma_start3A_1622 = tpu.memref_slice %arg6[%dma_start3A_1613, %dma_start3A_1620, %dma_start3A_1621] : memref<3x16x2048xf32, #tpu.memory_space<vmem>> -> memref<1x16x128xf32, #tpu.memory_space<vmem>>
      %dma_start3A_1623 = tpu.memref_squeeze %dma_start3A_1622 : memref<1x16x128xf32, #tpu.memory_space<vmem>> -> memref<16x128xf32, #tpu.memory_space<vmem>>
      %dma_start3A_1624 = arith.constant 0 : i32
      %dma_start3A_1625 = tpu.memref_slice %arg2[%dma_start3A_1624, %multiple_of3A_1612] : memref<16x1000000xf32, #tpu.memory_space<hbm>> -> memref<16x128xf32, #tpu.memory_space<hbm>>
      tpu.enqueue_dma source(%dma_start3A_1625 : memref<16x128xf32, #tpu.memory_space<hbm>>) target(%dma_start3A_1623 : memref<16x128xf32, #tpu.memory_space<vmem>>) target_semaphore(%arg8 : memref<!tpu.dma_semaphore, #tpu.memory_space<semaphore_mem>>)
      %slice3A_1626 = vector.extract_strided_slice %get3A_1465 {offsets = [8], sizes = [1], strides = [1]} : vector<16xi32> to vector<1xi32>
      %squeeze3A_1627 = vector.extract %slice3A_1626[0] : i32 from vector<1xi32>
      %shift_right_arithmetic3A_1628 = arith.constant 7 : i32
      %shift_right_arithmetic3A_1629 = arith.shrsi %squeeze3A_1627, %shift_right_arithmetic3A_1628 : i32
      %shift_left3A_1630 = arith.constant 7 : i32
      %shift_left3A_1631 = arith.shli %shift_right_arithmetic3A_1629, %shift_left3A_1630 : i32
      %multiple_of3A_1632 = tpu.assume_multiple %shift_left3A_1631, 128 : i32
      %dma_start3A_1633 = arith.constant 0 : i32
      %dma_start3A_1634 = arith.constant 0 : i32
      %dma_start3A_1635 = arith.constant 1024 : i32
      %dma_start3A_1636 = tpu.memref_slice %arg6[%dma_start3A_1633, %dma_start3A_1634, %dma_start3A_1635] : memref<3x16x2048xf32, #tpu.memory_space<vmem>> -> memref<1x16x128xf32, #tpu.memory_space<vmem>>
      %dma_start3A_1637 = tpu.memref_squeeze %dma_start3A_1636 : memref<1x16x128xf32, #tpu.memory_space<vmem>> -> memref<16x128xf32, #tpu.memory_space<vmem>>
      %dma_start3A_1638 = arith.constant 0 : i32
      %dma_start3A_1639 = tpu.memref_slice %arg2[%dma_start3A_1638, %multiple_of3A_1632] : memref<16x1000000xf32, #tpu.memory_space<hbm>> -> memref<16x128xf32, #tpu.memory_space<hbm>>
      %dma_start3A_1640 = arith.constant 0 : i32
      %dma_start3A_1641 = arith.constant 1024 : i32
      %dma_start3A_1642 = tpu.memref_slice %arg6[%dma_start3A_1633, %dma_start3A_1640, %dma_start3A_1641] : memref<3x16x2048xf32, #tpu.memory_space<vmem>> -> memref<1x16x128xf32, #tpu.memory_space<vmem>>
      %dma_start3A_1643 = tpu.memref_squeeze %dma_start3A_1642 : memref<1x16x128xf32, #tpu.memory_space<vmem>> -> memref<16x128xf32, #tpu.memory_space<vmem>>
      %dma_start3A_1644 = arith.constant 0 : i32
      %dma_start3A_1645 = tpu.memref_slice %arg2[%dma_start3A_1644, %multiple_of3A_1632] : memref<16x1000000xf32, #tpu.memory_space<hbm>> -> memref<16x128xf32, #tpu.memory_space<hbm>>
      tpu.enqueue_dma source(%dma_start3A_1645 : memref<16x128xf32, #tpu.memory_space<hbm>>) target(%dma_start3A_1643 : memref<16x128xf32, #tpu.memory_space<vmem>>) target_semaphore(%arg8 : memref<!tpu.dma_semaphore, #tpu.memory_space<semaphore_mem>>)
      %slice3A_1646 = vector.extract_strided_slice %get3A_1465 {offsets = [9], sizes = [1], strides = [1]} : vector<16xi32> to vector<1xi32>
      %squeeze3A_1647 = vector.extract %slice3A_1646[0] : i32 from vector<1xi32>
      %shift_right_arithmetic3A_1648 = arith.constant 7 : i32
      %shift_right_arithmetic3A_1649 = arith.shrsi %squeeze3A_1647, %shift_right_arithmetic3A_1648 : i32
      %shift_left3A_1650 = arith.constant 7 : i32
      %shift_left3A_1651 = arith.shli %shift_right_arithmetic3A_1649, %shift_left3A_1650 : i32
      %multiple_of3A_1652 = tpu.assume_multiple %shift_left3A_1651, 128 : i32
      %dma_start3A_1653 = arith.constant 0 : i32
      %dma_start3A_1654 = arith.constant 0 : i32
      %dma_start3A_1655 = arith.constant 1152 : i32
      %dma_start3A_1656 = tpu.memref_slice %arg6[%dma_start3A_1653, %dma_start3A_1654, %dma_start3A_1655] : memref<3x16x2048xf32, #tpu.memory_space<vmem>> -> memref<1x16x128xf32, #tpu.memory_space<vmem>>
      %dma_start3A_1657 = tpu.memref_squeeze %dma_start3A_1656 : memref<1x16x128xf32, #tpu.memory_space<vmem>> -> memref<16x128xf32, #tpu.memory_space<vmem>>
      %dma_start3A_1658 = arith.constant 0 : i32
      %dma_start3A_1659 = tpu.memref_slice %arg2[%dma_start3A_1658, %multiple_of3A_1652] : memref<16x1000000xf32, #tpu.memory_space<hbm>> -> memref<16x128xf32, #tpu.memory_space<hbm>>
      %dma_start3A_1660 = arith.constant 0 : i32
      %dma_start3A_1661 = arith.constant 1152 : i32
      %dma_start3A_1662 = tpu.memref_slice %arg6[%dma_start3A_1653, %dma_start3A_1660, %dma_start3A_1661] : memref<3x16x2048xf32, #tpu.memory_space<vmem>> -> memref<1x16x128xf32, #tpu.memory_space<vmem>>
      %dma_start3A_1663 = tpu.memref_squeeze %dma_start3A_1662 : memref<1x16x128xf32, #tpu.memory_space<vmem>> -> memref<16x128xf32, #tpu.memory_space<vmem>>
      %dma_start3A_1664 = arith.constant 0 : i32
      %dma_start3A_1665 = tpu.memref_slice %arg2[%dma_start3A_1664, %multiple_of3A_1652] : memref<16x1000000xf32, #tpu.memory_space<hbm>> -> memref<16x128xf32, #tpu.memory_space<hbm>>
      tpu.enqueue_dma source(%dma_start3A_1665 : memref<16x128xf32, #tpu.memory_space<hbm>>) target(%dma_start3A_1663 : memref<16x128xf32, #tpu.memory_space<vmem>>) target_semaphore(%arg8 : memref<!tpu.dma_semaphore, #tpu.memory_space<semaphore_mem>>)
      %slice3A_1666 = vector.extract_strided_slice %get3A_1465 {offsets = [10], sizes = [1], strides = [1]} : vector<16xi32> to vector<1xi32>
      %squeeze3A_1667 = vector.extract %slice3A_1666[0] : i32 from vector<1xi32>
      %shift_right_arithmetic3A_1668 = arith.constant 7 : i32
      %shift_right_arithmetic3A_1669 = arith.shrsi %squeeze3A_1667, %shift_right_arithmetic3A_1668 : i32
      %shift_left3A_1670 = arith.constant 7 : i32
      %shift_left3A_1671 = arith.shli %shift_right_arithmetic3A_1669, %shift_left3A_1670 : i32
      %multiple_of3A_1672 = tpu.assume_multiple %shift_left3A_1671, 128 : i32
      %dma_start3A_1673 = arith.constant 0 : i32
      %dma_start3A_1674 = arith.constant 0 : i32
      %dma_start3A_1675 = arith.constant 1280 : i32
      %dma_start3A_1676 = tpu.memref_slice %arg6[%dma_start3A_1673, %dma_start3A_1674, %dma_start3A_1675] : memref<3x16x2048xf32, #tpu.memory_space<vmem>> -> memref<1x16x128xf32, #tpu.memory_space<vmem>>
      %dma_start3A_1677 = tpu.memref_squeeze %dma_start3A_1676 : memref<1x16x128xf32, #tpu.memory_space<vmem>> -> memref<16x128xf32, #tpu.memory_space<vmem>>
      %dma_start3A_1678 = arith.constant 0 : i32
      %dma_start3A_1679 = tpu.memref_slice %arg2[%dma_start3A_1678, %multiple_of3A_1672] : memref<16x1000000xf32, #tpu.memory_space<hbm>> -> memref<16x128xf32, #tpu.memory_space<hbm>>
      %dma_start3A_1680 = arith.constant 0 : i32
      %dma_start3A_1681 = arith.constant 1280 : i32
      %dma_start3A_1682 = tpu.memref_slice %arg6[%dma_start3A_1673, %dma_start3A_1680, %dma_start3A_1681] : memref<3x16x2048xf32, #tpu.memory_space<vmem>> -> memref<1x16x128xf32, #tpu.memory_space<vmem>>
      %dma_start3A_1683 = tpu.memref_squeeze %dma_start3A_1682 : memref<1x16x128xf32, #tpu.memory_space<vmem>> -> memref<16x128xf32, #tpu.memory_space<vmem>>
      %dma_start3A_1684 = arith.constant 0 : i32
      %dma_start3A_1685 = tpu.memref_slice %arg2[%dma_start3A_1684, %multiple_of3A_1672] : memref<16x1000000xf32, #tpu.memory_space<hbm>> -> memref<16x128xf32, #tpu.memory_space<hbm>>
      tpu.enqueue_dma source(%dma_start3A_1685 : memref<16x128xf32, #tpu.memory_space<hbm>>) target(%dma_start3A_1683 : memref<16x128xf32, #tpu.memory_space<vmem>>) target_semaphore(%arg8 : memref<!tpu.dma_semaphore, #tpu.memory_space<semaphore_mem>>)
      %slice3A_1686 = vector.extract_strided_slice %get3A_1465 {offsets = [11], sizes = [1], strides = [1]} : vector<16xi32> to vector<1xi32>
      %squeeze3A_1687 = vector.extract %slice3A_1686[0] : i32 from vector<1xi32>
      %shift_right_arithmetic3A_1688 = arith.constant 7 : i32
      %shift_right_arithmetic3A_1689 = arith.shrsi %squeeze3A_1687, %shift_right_arithmetic3A_1688 : i32
      %shift_left3A_1690 = arith.constant 7 : i32
      %shift_left3A_1691 = arith.shli %shift_right_arithmetic3A_1689, %shift_left3A_1690 : i32
      %multiple_of3A_1692 = tpu.assume_multiple %shift_left3A_1691, 128 : i32
      %dma_start3A_1693 = arith.constant 0 : i32
      %dma_start3A_1694 = arith.constant 0 : i32
      %dma_start3A_1695 = arith.constant 1408 : i32
      %dma_start3A_1696 = tpu.memref_slice %arg6[%dma_start3A_1693, %dma_start3A_1694, %dma_start3A_1695] : memref<3x16x2048xf32, #tpu.memory_space<vmem>> -> memref<1x16x128xf32, #tpu.memory_space<vmem>>
      %dma_start3A_1697 = tpu.memref_squeeze %dma_start3A_1696 : memref<1x16x128xf32, #tpu.memory_space<vmem>> -> memref<16x128xf32, #tpu.memory_space<vmem>>
      %dma_start3A_1698 = arith.constant 0 : i32
      %dma_start3A_1699 = tpu.memref_slice %arg2[%dma_start3A_1698, %multiple_of3A_1692] : memref<16x1000000xf32, #tpu.memory_space<hbm>> -> memref<16x128xf32, #tpu.memory_space<hbm>>
      %dma_start3A_1700 = arith.constant 0 : i32
      %dma_start3A_1701 = arith.constant 1408 : i32
      %dma_start3A_1702 = tpu.memref_slice %arg6[%dma_start3A_1693, %dma_start3A_1700, %dma_start3A_1701] : memref<3x16x2048xf32, #tpu.memory_space<vmem>> -> memref<1x16x128xf32, #tpu.memory_space<vmem>>
      %dma_start3A_1703 = tpu.memref_squeeze %dma_start3A_1702 : memref<1x16x128xf32, #tpu.memory_space<vmem>> -> memref<16x128xf32, #tpu.memory_space<vmem>>
      %dma_start3A_1704 = arith.constant 0 : i32
      %dma_start3A_1705 = tpu.memref_slice %arg2[%dma_start3A_1704, %multiple_of3A_1692] : memref<16x1000000xf32, #tpu.memory_space<hbm>> -> memref<16x128xf32, #tpu.memory_space<hbm>>
      tpu.enqueue_dma source(%dma_start3A_1705 : memref<16x128xf32, #tpu.memory_space<hbm>>) target(%dma_start3A_1703 : memref<16x128xf32, #tpu.memory_space<vmem>>) target_semaphore(%arg8 : memref<!tpu.dma_semaphore, #tpu.memory_space<semaphore_mem>>)
      %slice3A_1706 = vector.extract_strided_slice %get3A_1465 {offsets = [12], sizes = [1], strides = [1]} : vector<16xi32> to vector<1xi32>
      %squeeze3A_1707 = vector.extract %slice3A_1706[0] : i32 from vector<1xi32>
      %shift_right_arithmetic3A_1708 = arith.constant 7 : i32
      %shift_right_arithmetic3A_1709 = arith.shrsi %squeeze3A_1707, %shift_right_arithmetic3A_1708 : i32
      %shift_left3A_1710 = arith.constant 7 : i32
      %shift_left3A_1711 = arith.shli %shift_right_arithmetic3A_1709, %shift_left3A_1710 : i32
      %multiple_of3A_1712 = tpu.assume_multiple %shift_left3A_1711, 128 : i32
      %dma_start3A_1713 = arith.constant 0 : i32
      %dma_start3A_1714 = arith.constant 0 : i32
      %dma_start3A_1715 = arith.constant 1536 : i32
      %dma_start3A_1716 = tpu.memref_slice %arg6[%dma_start3A_1713, %dma_start3A_1714, %dma_start3A_1715] : memref<3x16x2048xf32, #tpu.memory_space<vmem>> -> memref<1x16x128xf32, #tpu.memory_space<vmem>>
      %dma_start3A_1717 = tpu.memref_squeeze %dma_start3A_1716 : memref<1x16x128xf32, #tpu.memory_space<vmem>> -> memref<16x128xf32, #tpu.memory_space<vmem>>
      %dma_start3A_1718 = arith.constant 0 : i32
      %dma_start3A_1719 = tpu.memref_slice %arg2[%dma_start3A_1718, %multiple_of3A_1712] : memref<16x1000000xf32, #tpu.memory_space<hbm>> -> memref<16x128xf32, #tpu.memory_space<hbm>>
      %dma_start3A_1720 = arith.constant 0 : i32
      %dma_start3A_1721 = arith.constant 1536 : i32
      %dma_start3A_1722 = tpu.memref_slice %arg6[%dma_start3A_1713, %dma_start3A_1720, %dma_start3A_1721] : memref<3x16x2048xf32, #tpu.memory_space<vmem>> -> memref<1x16x128xf32, #tpu.memory_space<vmem>>
      %dma_start3A_1723 = tpu.memref_squeeze %dma_start3A_1722 : memref<1x16x128xf32, #tpu.memory_space<vmem>> -> memref<16x128xf32, #tpu.memory_space<vmem>>
      %dma_start3A_1724 = arith.constant 0 : i32
      %dma_start3A_1725 = tpu.memref_slice %arg2[%dma_start3A_1724, %multiple_of3A_1712] : memref<16x1000000xf32, #tpu.memory_space<hbm>> -> memref<16x128xf32, #tpu.memory_space<hbm>>
      tpu.enqueue_dma source(%dma_start3A_1725 : memref<16x128xf32, #tpu.memory_space<hbm>>) target(%dma_start3A_1723 : memref<16x128xf32, #tpu.memory_space<vmem>>) target_semaphore(%arg8 : memref<!tpu.dma_semaphore, #tpu.memory_space<semaphore_mem>>)
      %slice3A_1726 = vector.extract_strided_slice %get3A_1465 {offsets = [13], sizes = [1], strides = [1]} : vector<16xi32> to vector<1xi32>
      %squeeze3A_1727 = vector.extract %slice3A_1726[0] : i32 from vector<1xi32>
      %shift_right_arithmetic3A_1728 = arith.constant 7 : i32
      %shift_right_arithmetic3A_1729 = arith.shrsi %squeeze3A_1727, %shift_right_arithmetic3A_1728 : i32
      %shift_left3A_1730 = arith.constant 7 : i32
      %shift_left3A_1731 = arith.shli %shift_right_arithmetic3A_1729, %shift_left3A_1730 : i32
      %multiple_of3A_1732 = tpu.assume_multiple %shift_left3A_1731, 128 : i32
      %dma_start3A_1733 = arith.constant 0 : i32
      %dma_start3A_1734 = arith.constant 0 : i32
      %dma_start3A_1735 = arith.constant 1664 : i32
      %dma_start3A_1736 = tpu.memref_slice %arg6[%dma_start3A_1733, %dma_start3A_1734, %dma_start3A_1735] : memref<3x16x2048xf32, #tpu.memory_space<vmem>> -> memref<1x16x128xf32, #tpu.memory_space<vmem>>
      %dma_start3A_1737 = tpu.memref_squeeze %dma_start3A_1736 : memref<1x16x128xf32, #tpu.memory_space<vmem>> -> memref<16x128xf32, #tpu.memory_space<vmem>>
      %dma_start3A_1738 = arith.constant 0 : i32
      %dma_start3A_1739 = tpu.memref_slice %arg2[%dma_start3A_1738, %multiple_of3A_1732] : memref<16x1000000xf32, #tpu.memory_space<hbm>> -> memref<16x128xf32, #tpu.memory_space<hbm>>
      %dma_start3A_1740 = arith.constant 0 : i32
      %dma_start3A_1741 = arith.constant 1664 : i32
      %dma_start3A_1742 = tpu.memref_slice %arg6[%dma_start3A_1733, %dma_start3A_1740, %dma_start3A_1741] : memref<3x16x2048xf32, #tpu.memory_space<vmem>> -> memref<1x16x128xf32, #tpu.memory_space<vmem>>
      %dma_start3A_1743 = tpu.memref_squeeze %dma_start3A_1742 : memref<1x16x128xf32, #tpu.memory_space<vmem>> -> memref<16x128xf32, #tpu.memory_space<vmem>>
      %dma_start3A_1744 = arith.constant 0 : i32
      %dma_start3A_1745 = tpu.memref_slice %arg2[%dma_start3A_1744, %multiple_of3A_1732] : memref<16x1000000xf32, #tpu.memory_space<hbm>> -> memref<16x128xf32, #tpu.memory_space<hbm>>
      tpu.enqueue_dma source(%dma_start3A_1745 : memref<16x128xf32, #tpu.memory_space<hbm>>) target(%dma_start3A_1743 : memref<16x128xf32, #tpu.memory_space<vmem>>) target_semaphore(%arg8 : memref<!tpu.dma_semaphore, #tpu.memory_space<semaphore_mem>>)
      %slice3A_1746 = vector.extract_strided_slice %get3A_1465 {offsets = [14], sizes = [1], strides = [1]} : vector<16xi32> to vector<1xi32>
      %squeeze3A_1747 = vector.extract %slice3A_1746[0] : i32 from vector<1xi32>
      %shift_right_arithmetic3A_1748 = arith.constant 7 : i32
      %shift_right_arithmetic3A_1749 = arith.shrsi %squeeze3A_1747, %shift_right_arithmetic3A_1748 : i32
      %shift_left3A_1750 = arith.constant 7 : i32
      %shift_left3A_1751 = arith.shli %shift_right_arithmetic3A_1749, %shift_left3A_1750 : i32
      %multiple_of3A_1752 = tpu.assume_multiple %shift_left3A_1751, 128 : i32
      %dma_start3A_1753 = arith.constant 0 : i32
      %dma_start3A_1754 = arith.constant 0 : i32
      %dma_start3A_1755 = arith.constant 1792 : i32
      %dma_start3A_1756 = tpu.memref_slice %arg6[%dma_start3A_1753, %dma_start3A_1754, %dma_start3A_1755] : memref<3x16x2048xf32, #tpu.memory_space<vmem>> -> memref<1x16x128xf32, #tpu.memory_space<vmem>>
      %dma_start3A_1757 = tpu.memref_squeeze %dma_start3A_1756 : memref<1x16x128xf32, #tpu.memory_space<vmem>> -> memref<16x128xf32, #tpu.memory_space<vmem>>
      %dma_start3A_1758 = arith.constant 0 : i32
      %dma_start3A_1759 = tpu.memref_slice %arg2[%dma_start3A_1758, %multiple_of3A_1752] : memref<16x1000000xf32, #tpu.memory_space<hbm>> -> memref<16x128xf32, #tpu.memory_space<hbm>>
      %dma_start3A_1760 = arith.constant 0 : i32
      %dma_start3A_1761 = arith.constant 1792 : i32
      %dma_start3A_1762 = tpu.memref_slice %arg6[%dma_start3A_1753, %dma_start3A_1760, %dma_start3A_1761] : memref<3x16x2048xf32, #tpu.memory_space<vmem>> -> memref<1x16x128xf32, #tpu.memory_space<vmem>>
      %dma_start3A_1763 = tpu.memref_squeeze %dma_start3A_1762 : memref<1x16x128xf32, #tpu.memory_space<vmem>> -> memref<16x128xf32, #tpu.memory_space<vmem>>
      %dma_start3A_1764 = arith.constant 0 : i32
      %dma_start3A_1765 = tpu.memref_slice %arg2[%dma_start3A_1764, %multiple_of3A_1752] : memref<16x1000000xf32, #tpu.memory_space<hbm>> -> memref<16x128xf32, #tpu.memory_space<hbm>>
      tpu.enqueue_dma source(%dma_start3A_1765 : memref<16x128xf32, #tpu.memory_space<hbm>>) target(%dma_start3A_1763 : memref<16x128xf32, #tpu.memory_space<vmem>>) target_semaphore(%arg8 : memref<!tpu.dma_semaphore, #tpu.memory_space<semaphore_mem>>)
      %slice3A_1766 = vector.extract_strided_slice %get3A_1465 {offsets = [15], sizes = [1], strides = [1]} : vector<16xi32> to vector<1xi32>
      %squeeze3A_1767 = vector.extract %slice3A_1766[0] : i32 from vector<1xi32>
      %shift_right_arithmetic3A_1768 = arith.constant 7 : i32
      %shift_right_arithmetic3A_1769 = arith.shrsi %squeeze3A_1767, %shift_right_arithmetic3A_1768 : i32
      %shift_left3A_1770 = arith.constant 7 : i32
      %shift_left3A_1771 = arith.shli %shift_right_arithmetic3A_1769, %shift_left3A_1770 : i32
      %multiple_of3A_1772 = tpu.assume_multiple %shift_left3A_1771, 128 : i32
      %dma_start3A_1773 = arith.constant 0 : i32
      %dma_start3A_1774 = arith.constant 0 : i32
      %dma_start3A_1775 = arith.constant 1920 : i32
      %dma_start3A_1776 = tpu.memref_slice %arg6[%dma_start3A_1773, %dma_start3A_1774, %dma_start3A_1775] : memref<3x16x2048xf32, #tpu.memory_space<vmem>> -> memref<1x16x128xf32, #tpu.memory_space<vmem>>
      %dma_start3A_1777 = tpu.memref_squeeze %dma_start3A_1776 : memref<1x16x128xf32, #tpu.memory_space<vmem>> -> memref<16x128xf32, #tpu.memory_space<vmem>>
      %dma_start3A_1778 = arith.constant 0 : i32
      %dma_start3A_1779 = tpu.memref_slice %arg2[%dma_start3A_1778, %multiple_of3A_1772] : memref<16x1000000xf32, #tpu.memory_space<hbm>> -> memref<16x128xf32, #tpu.memory_space<hbm>>
      %dma_start3A_1780 = arith.constant 0 : i32
      %dma_start3A_1781 = arith.constant 1920 : i32
      %dma_start3A_1782 = tpu.memref_slice %arg6[%dma_start3A_1773, %dma_start3A_1780, %dma_start3A_1781] : memref<3x16x2048xf32, #tpu.memory_space<vmem>> -> memref<1x16x128xf32, #tpu.memory_space<vmem>>
      %dma_start3A_1783 = tpu.memref_squeeze %dma_start3A_1782 : memref<1x16x128xf32, #tpu.memory_space<vmem>> -> memref<16x128xf32, #tpu.memory_space<vmem>>
      %dma_start3A_1784 = arith.constant 0 : i32
      %dma_start3A_1785 = tpu.memref_slice %arg2[%dma_start3A_1784, %multiple_of3A_1772] : memref<16x1000000xf32, #tpu.memory_space<hbm>> -> memref<16x128xf32, #tpu.memory_space<hbm>>
      tpu.enqueue_dma source(%dma_start3A_1785 : memref<16x128xf32, #tpu.memory_space<hbm>>) target(%dma_start3A_1783 : memref<16x128xf32, #tpu.memory_space<vmem>>) target_semaphore(%arg8 : memref<!tpu.dma_semaphore, #tpu.memory_space<semaphore_mem>>)
      %dma_wait3A_1786 = arith.constant 1 : i32
      %dma_wait3A_1787 = arith.constant 0 : i32
      %dma_wait3A_1788 = arith.constant 0 : i32
      %dma_wait3A_1789 = tpu.memref_slice %arg6[%dma_wait3A_1786, %dma_wait3A_1787, %dma_wait3A_1788] : memref<3x16x2048xf32, #tpu.memory_space<vmem>> -> memref<1x16x2048xf32, #tpu.memory_space<vmem>>
      %dma_wait3A_1790 = tpu.memref_squeeze %dma_wait3A_1789 : memref<1x16x2048xf32, #tpu.memory_space<vmem>> -> memref<16x2048xf32, #tpu.memory_space<vmem>>
      %dma_wait3A_1791 = arith.constant 0 : i32
      %dma_wait3A_1792 = arith.constant 0 : i32
      %dma_wait3A_1793 = tpu.memref_slice %arg2[%dma_wait3A_1791, %dma_wait3A_1792] : memref<16x1000000xf32, #tpu.memory_space<hbm>> -> memref<16x2048xf32, #tpu.memory_space<hbm>>
      %dma_wait3A_1794 = arith.constant 0 : i32
      %dma_wait3A_1795 = arith.constant 0 : i32
      %dma_wait3A_1796 = tpu.memref_slice %arg6[%dma_wait3A_1786, %dma_wait3A_1794, %dma_wait3A_1795] : memref<3x16x2048xf32, #tpu.memory_space<vmem>> -> memref<1x16x2048xf32, #tpu.memory_space<vmem>>
      %dma_wait3A_1797 = tpu.memref_squeeze %dma_wait3A_1796 : memref<1x16x2048xf32, #tpu.memory_space<vmem>> -> memref<16x2048xf32, #tpu.memory_space<vmem>>
      %dma_wait3A_1798 = arith.constant 0 : i32
      %dma_wait3A_1799 = arith.constant 0 : i32
      %dma_wait3A_1800 = tpu.memref_slice %arg2[%dma_wait3A_1798, %dma_wait3A_1799] : memref<16x1000000xf32, #tpu.memory_space<hbm>> -> memref<16x2048xf32, #tpu.memory_space<hbm>>
      tpu.wait_dma2 semaphore(%arg9 : memref<!tpu.dma_semaphore, #tpu.memory_space<semaphore_mem>>) src(%dma_wait3A_1800 : memref<16x2048xf32, #tpu.memory_space<hbm>>) dst(%dma_wait3A_1797 : memref<16x2048xf32, #tpu.memory_space<vmem>>)
      %add3A_1801 = arith.constant 1 : i32
      %add3A_1802 = arith.addi %add3A_966, %add3A_1801 : i32
      %mul3A_1803 = arith.constant 16 : i32
      %mul3A_1804 = arith.muli %add3A_1802, %mul3A_1803 : i32
      %get3A_1805 = arith.index_cast %mul3A_1804 : i32 to index
      %get3A_1806 = tpu.vector_load %arg5[%get3A_1805] {strides = array<i32>} : memref<512xi32, #tpu.memory_space<vmem>>, vector<16xi32>,
      %mul3A_1807 = arith.constant 128 : i32
      %mul3A_1808 = vector.broadcast %mul3A_1807 : i32 to vector<16xi32>
      %mul3A_1809 = arith.muli %iota3A, %mul3A_1808 : vector<16xi32>
      %and3A_1810 = arith.constant 127 : i32
      %and3A_1811 = vector.broadcast %and3A_1810 : i32 to vector<16xi32>
      %and3A_1812 = arith.andi %get3A_1806, %and3A_1811 : vector<16xi32>
      %add3A_1813 = arith.addi %mul3A_1809, %and3A_1812 : vector<16xi32>
      %mul3A_1814 = arith.constant 16 : i32
      %mul3A_1815 = arith.muli %add3A_1802, %mul3A_1814 : i32
      %add3A_1816 = vector.broadcast %mul3A_1815 : i32 to vector<16xi32>
      %add3A_1817 = arith.addi %iota3A, %add3A_1816 : vector<16xi32>
      %broadcast_in_dim3A_1818 = arith.constant 0 : i32
      %broadcast_in_dim3A_1819 = vector.broadcast %broadcast_in_dim3A_1818 : i32 to vector<16xi32>
      %gather3A_1820 = arith.constant 1 : i32
      %gather3A_1821 = arith.constant 0 : i32
      %gather3A_1822 = arith.constant 0 : i32
      %gather3A_1823 = tpu.memref_slice %arg6[%gather3A_1820, %gather3A_1821, %gather3A_1822] : memref<3x16x2048xf32, #tpu.memory_space<vmem>> -> memref<1x16x2048xf32, #tpu.memory_space<vmem>>
      %gather3A_1824 = tpu.memref_squeeze %gather3A_1823 : memref<1x16x2048xf32, #tpu.memory_space<vmem>> -> memref<16x2048xf32, #tpu.memory_space<vmem>>
      %gather3A_1825 = tpu.vector_load_idx %gather3A_1824[%broadcast_in_dim3A_1819, %add3A_1813] : memref<16x2048xf32, #tpu.memory_space<vmem>>[vector<16xi32>, vector<16xi32>], vector<16xf32>,
      tpu.vector_store_idx %arg7[%broadcast_in_dim3A_1819, %add3A_1817], %gather3A_1825 : memref<16x512xf32, #tpu.memory_space<vmem>>[vector<16xi32>, vector<16xi32>], vector<16xf32>,
      %broadcast_in_dim3A_1826 = arith.constant 1 : i32
      %broadcast_in_dim3A_1827 = vector.broadcast %broadcast_in_dim3A_1826 : i32 to vector<16xi32>
      %gather3A_1828 = arith.constant 1 : i32
      %gather3A_1829 = arith.constant 0 : i32
      %gather3A_1830 = arith.constant 0 : i32
      %gather3A_1831 = tpu.memref_slice %arg6[%gather3A_1828, %gather3A_1829, %gather3A_1830] : memref<3x16x2048xf32, #tpu.memory_space<vmem>> -> memref<1x16x2048xf32, #tpu.memory_space<vmem>>
      %gather3A_1832 = tpu.memref_squeeze %gather3A_1831 : memref<1x16x2048xf32, #tpu.memory_space<vmem>> -> memref<16x2048xf32, #tpu.memory_space<vmem>>
      %gather3A_1833 = tpu.vector_load_idx %gather3A_1832[%broadcast_in_dim3A_1827, %add3A_1813] : memref<16x2048xf32, #tpu.memory_space<vmem>>[vector<16xi32>, vector<16xi32>], vector<16xf32>,
      tpu.vector_store_idx %arg7[%broadcast_in_dim3A_1827, %add3A_1817], %gather3A_1833 : memref<16x512xf32, #tpu.memory_space<vmem>>[vector<16xi32>, vector<16xi32>], vector<16xf32>,
      %broadcast_in_dim3A_1834 = arith.constant 2 : i32
      %broadcast_in_dim3A_1835 = vector.broadcast %broadcast_in_dim3A_1834 : i32 to vector<16xi32>
      %gather3A_1836 = arith.constant 1 : i32
      %gather3A_1837 = arith.constant 0 : i32
      %gather3A_1838 = arith.constant 0 : i32
      %gather3A_1839 = tpu.memref_slice %arg6[%gather3A_1836, %gather3A_1837, %gather3A_1838] : memref<3x16x2048xf32, #tpu.memory_space<vmem>> -> memref<1x16x2048xf32, #tpu.memory_space<vmem>>
      %gather3A_1840 = tpu.memref_squeeze %gather3A_1839 : memref<1x16x2048xf32, #tpu.memory_space<vmem>> -> memref<16x2048xf32, #tpu.memory_space<vmem>>
      %gather3A_1841 = tpu.vector_load_idx %gather3A_1840[%broadcast_in_dim3A_1835, %add3A_1813] : memref<16x2048xf32, #tpu.memory_space<vmem>>[vector<16xi32>, vector<16xi32>], vector<16xf32>,
      tpu.vector_store_idx %arg7[%broadcast_in_dim3A_1835, %add3A_1817], %gather3A_1841 : memref<16x512xf32, #tpu.memory_space<vmem>>[vector<16xi32>, vector<16xi32>], vector<16xf32>,
      %broadcast_in_dim3A_1842 = arith.constant 3 : i32
      %broadcast_in_dim3A_1843 = vector.broadcast %broadcast_in_dim3A_1842 : i32 to vector<16xi32>
      %gather3A_1844 = arith.constant 1 : i32
      %gather3A_1845 = arith.constant 0 : i32
      %gather3A_1846 = arith.constant 0 : i32
      %gather3A_1847 = tpu.memref_slice %arg6[%gather3A_1844, %gather3A_1845, %gather3A_1846] : memref<3x16x2048xf32, #tpu.memory_space<vmem>> -> memref<1x16x2048xf32, #tpu.memory_space<vmem>>
      %gather3A_1848 = tpu.memref_squeeze %gather3A_1847 : memref<1x16x2048xf32, #tpu.memory_space<vmem>> -> memref<16x2048xf32, #tpu.memory_space<vmem>>
      %gather3A_1849 = tpu.vector_load_idx %gather3A_1848[%broadcast_in_dim3A_1843, %add3A_1813] : memref<16x2048xf32, #tpu.memory_space<vmem>>[vector<16xi32>, vector<16xi32>], vector<16xf32>,
      tpu.vector_store_idx %arg7[%broadcast_in_dim3A_1843, %add3A_1817], %gather3A_1849 : memref<16x512xf32, #tpu.memory_space<vmem>>[vector<16xi32>, vector<16xi32>], vector<16xf32>,
      %broadcast_in_dim3A_1850 = arith.constant 4 : i32
      %broadcast_in_dim3A_1851 = vector.broadcast %broadcast_in_dim3A_1850 : i32 to vector<16xi32>
      %gather3A_1852 = arith.constant 1 : i32
      %gather3A_1853 = arith.constant 0 : i32
      %gather3A_1854 = arith.constant 0 : i32
      %gather3A_1855 = tpu.memref_slice %arg6[%gather3A_1852, %gather3A_1853, %gather3A_1854] : memref<3x16x2048xf32, #tpu.memory_space<vmem>> -> memref<1x16x2048xf32, #tpu.memory_space<vmem>>
      %gather3A_1856 = tpu.memref_squeeze %gather3A_1855 : memref<1x16x2048xf32, #tpu.memory_space<vmem>> -> memref<16x2048xf32, #tpu.memory_space<vmem>>
      %gather3A_1857 = tpu.vector_load_idx %gather3A_1856[%broadcast_in_dim3A_1851, %add3A_1813] : memref<16x2048xf32, #tpu.memory_space<vmem>>[vector<16xi32>, vector<16xi32>], vector<16xf32>,
      tpu.vector_store_idx %arg7[%broadcast_in_dim3A_1851, %add3A_1817], %gather3A_1857 : memref<16x512xf32, #tpu.memory_space<vmem>>[vector<16xi32>, vector<16xi32>], vector<16xf32>,
      %broadcast_in_dim3A_1858 = arith.constant 5 : i32
      %broadcast_in_dim3A_1859 = vector.broadcast %broadcast_in_dim3A_1858 : i32 to vector<16xi32>
      %gather3A_1860 = arith.constant 1 : i32
      %gather3A_1861 = arith.constant 0 : i32
      %gather3A_1862 = arith.constant 0 : i32
      %gather3A_1863 = tpu.memref_slice %arg6[%gather3A_1860, %gather3A_1861, %gather3A_1862] : memref<3x16x2048xf32, #tpu.memory_space<vmem>> -> memref<1x16x2048xf32, #tpu.memory_space<vmem>>
      %gather3A_1864 = tpu.memref_squeeze %gather3A_1863 : memref<1x16x2048xf32, #tpu.memory_space<vmem>> -> memref<16x2048xf32, #tpu.memory_space<vmem>>
      %gather3A_1865 = tpu.vector_load_idx %gather3A_1864[%broadcast_in_dim3A_1859, %add3A_1813] : memref<16x2048xf32, #tpu.memory_space<vmem>>[vector<16xi32>, vector<16xi32>], vector<16xf32>,
      tpu.vector_store_idx %arg7[%broadcast_in_dim3A_1859, %add3A_1817], %gather3A_1865 : memref<16x512xf32, #tpu.memory_space<vmem>>[vector<16xi32>, vector<16xi32>], vector<16xf32>,
      %broadcast_in_dim3A_1866 = arith.constant 6 : i32
      %broadcast_in_dim3A_1867 = vector.broadcast %broadcast_in_dim3A_1866 : i32 to vector<16xi32>
      %gather3A_1868 = arith.constant 1 : i32
      %gather3A_1869 = arith.constant 0 : i32
      %gather3A_1870 = arith.constant 0 : i32
      %gather3A_1871 = tpu.memref_slice %arg6[%gather3A_1868, %gather3A_1869, %gather3A_1870] : memref<3x16x2048xf32, #tpu.memory_space<vmem>> -> memref<1x16x2048xf32, #tpu.memory_space<vmem>>
      %gather3A_1872 = tpu.memref_squeeze %gather3A_1871 : memref<1x16x2048xf32, #tpu.memory_space<vmem>> -> memref<16x2048xf32, #tpu.memory_space<vmem>>
      %gather3A_1873 = tpu.vector_load_idx %gather3A_1872[%broadcast_in_dim3A_1867, %add3A_1813] : memref<16x2048xf32, #tpu.memory_space<vmem>>[vector<16xi32>, vector<16xi32>], vector<16xf32>,
      tpu.vector_store_idx %arg7[%broadcast_in_dim3A_1867, %add3A_1817], %gather3A_1873 : memref<16x512xf32, #tpu.memory_space<vmem>>[vector<16xi32>, vector<16xi32>], vector<16xf32>,
      %broadcast_in_dim3A_1874 = arith.constant 7 : i32
      %broadcast_in_dim3A_1875 = vector.broadcast %broadcast_in_dim3A_1874 : i32 to vector<16xi32>
      %gather3A_1876 = arith.constant 1 : i32
      %gather3A_1877 = arith.constant 0 : i32
      %gather3A_1878 = arith.constant 0 : i32
      %gather3A_1879 = tpu.memref_slice %arg6[%gather3A_1876, %gather3A_1877, %gather3A_1878] : memref<3x16x2048xf32, #tpu.memory_space<vmem>> -> memref<1x16x2048xf32, #tpu.memory_space<vmem>>
      %gather3A_1880 = tpu.memref_squeeze %gather3A_1879 : memref<1x16x2048xf32, #tpu.memory_space<vmem>> -> memref<16x2048xf32, #tpu.memory_space<vmem>>
      %gather3A_1881 = tpu.vector_load_idx %gather3A_1880[%broadcast_in_dim3A_1875, %add3A_1813] : memref<16x2048xf32, #tpu.memory_space<vmem>>[vector<16xi32>, vector<16xi32>], vector<16xf32>,
      tpu.vector_store_idx %arg7[%broadcast_in_dim3A_1875, %add3A_1817], %gather3A_1881 : memref<16x512xf32, #tpu.memory_space<vmem>>[vector<16xi32>, vector<16xi32>], vector<16xf32>,
      %broadcast_in_dim3A_1882 = arith.constant 8 : i32
      %broadcast_in_dim3A_1883 = vector.broadcast %broadcast_in_dim3A_1882 : i32 to vector<16xi32>
      %gather3A_1884 = arith.constant 1 : i32
      %gather3A_1885 = arith.constant 0 : i32
      %gather3A_1886 = arith.constant 0 : i32
      %gather3A_1887 = tpu.memref_slice %arg6[%gather3A_1884, %gather3A_1885, %gather3A_1886] : memref<3x16x2048xf32, #tpu.memory_space<vmem>> -> memref<1x16x2048xf32, #tpu.memory_space<vmem>>
      %gather3A_1888 = tpu.memref_squeeze %gather3A_1887 : memref<1x16x2048xf32, #tpu.memory_space<vmem>> -> memref<16x2048xf32, #tpu.memory_space<vmem>>
      %gather3A_1889 = tpu.vector_load_idx %gather3A_1888[%broadcast_in_dim3A_1883, %add3A_1813] : memref<16x2048xf32, #tpu.memory_space<vmem>>[vector<16xi32>, vector<16xi32>], vector<16xf32>,
      tpu.vector_store_idx %arg7[%broadcast_in_dim3A_1883, %add3A_1817], %gather3A_1889 : memref<16x512xf32, #tpu.memory_space<vmem>>[vector<16xi32>, vector<16xi32>], vector<16xf32>,
      %broadcast_in_dim3A_1890 = arith.constant 9 : i32
      %broadcast_in_dim3A_1891 = vector.broadcast %broadcast_in_dim3A_1890 : i32 to vector<16xi32>
      %gather3A_1892 = arith.constant 1 : i32
      %gather3A_1893 = arith.constant 0 : i32
      %gather3A_1894 = arith.constant 0 : i32
      %gather3A_1895 = tpu.memref_slice %arg6[%gather3A_1892, %gather3A_1893, %gather3A_1894] : memref<3x16x2048xf32, #tpu.memory_space<vmem>> -> memref<1x16x2048xf32, #tpu.memory_space<vmem>>
      %gather3A_1896 = tpu.memref_squeeze %gather3A_1895 : memref<1x16x2048xf32, #tpu.memory_space<vmem>> -> memref<16x2048xf32, #tpu.memory_space<vmem>>
      %gather3A_1897 = tpu.vector_load_idx %gather3A_1896[%broadcast_in_dim3A_1891, %add3A_1813] : memref<16x2048xf32, #tpu.memory_space<vmem>>[vector<16xi32>, vector<16xi32>], vector<16xf32>,
      tpu.vector_store_idx %arg7[%broadcast_in_dim3A_1891, %add3A_1817], %gather3A_1897 : memref<16x512xf32, #tpu.memory_space<vmem>>[vector<16xi32>, vector<16xi32>], vector<16xf32>,
      %broadcast_in_dim3A_1898 = arith.constant 10 : i32
      %broadcast_in_dim3A_1899 = vector.broadcast %broadcast_in_dim3A_1898 : i32 to vector<16xi32>
      %gather3A_1900 = arith.constant 1 : i32
      %gather3A_1901 = arith.constant 0 : i32
      %gather3A_1902 = arith.constant 0 : i32
      %gather3A_1903 = tpu.memref_slice %arg6[%gather3A_1900, %gather3A_1901, %gather3A_1902] : memref<3x16x2048xf32, #tpu.memory_space<vmem>> -> memref<1x16x2048xf32, #tpu.memory_space<vmem>>
      %gather3A_1904 = tpu.memref_squeeze %gather3A_1903 : memref<1x16x2048xf32, #tpu.memory_space<vmem>> -> memref<16x2048xf32, #tpu.memory_space<vmem>>
      %gather3A_1905 = tpu.vector_load_idx %gather3A_1904[%broadcast_in_dim3A_1899, %add3A_1813] : memref<16x2048xf32, #tpu.memory_space<vmem>>[vector<16xi32>, vector<16xi32>], vector<16xf32>,
      tpu.vector_store_idx %arg7[%broadcast_in_dim3A_1899, %add3A_1817], %gather3A_1905 : memref<16x512xf32, #tpu.memory_space<vmem>>[vector<16xi32>, vector<16xi32>], vector<16xf32>,
      %broadcast_in_dim3A_1906 = arith.constant 11 : i32
      %broadcast_in_dim3A_1907 = vector.broadcast %broadcast_in_dim3A_1906 : i32 to vector<16xi32>
      %gather3A_1908 = arith.constant 1 : i32
      %gather3A_1909 = arith.constant 0 : i32
      %gather3A_1910 = arith.constant 0 : i32
      %gather3A_1911 = tpu.memref_slice %arg6[%gather3A_1908, %gather3A_1909, %gather3A_1910] : memref<3x16x2048xf32, #tpu.memory_space<vmem>> -> memref<1x16x2048xf32, #tpu.memory_space<vmem>>
      %gather3A_1912 = tpu.memref_squeeze %gather3A_1911 : memref<1x16x2048xf32, #tpu.memory_space<vmem>> -> memref<16x2048xf32, #tpu.memory_space<vmem>>
      %gather3A_1913 = tpu.vector_load_idx %gather3A_1912[%broadcast_in_dim3A_1907, %add3A_1813] : memref<16x2048xf32, #tpu.memory_space<vmem>>[vector<16xi32>, vector<16xi32>], vector<16xf32>,
      tpu.vector_store_idx %arg7[%broadcast_in_dim3A_1907, %add3A_1817], %gather3A_1913 : memref<16x512xf32, #tpu.memory_space<vmem>>[vector<16xi32>, vector<16xi32>], vector<16xf32>,
      %broadcast_in_dim3A_1914 = arith.constant 12 : i32
      %broadcast_in_dim3A_1915 = vector.broadcast %broadcast_in_dim3A_1914 : i32 to vector<16xi32>
      %gather3A_1916 = arith.constant 1 : i32
      %gather3A_1917 = arith.constant 0 : i32
      %gather3A_1918 = arith.constant 0 : i32
      %gather3A_1919 = tpu.memref_slice %arg6[%gather3A_1916, %gather3A_1917, %gather3A_1918] : memref<3x16x2048xf32, #tpu.memory_space<vmem>> -> memref<1x16x2048xf32, #tpu.memory_space<vmem>>
      %gather3A_1920 = tpu.memref_squeeze %gather3A_1919 : memref<1x16x2048xf32, #tpu.memory_space<vmem>> -> memref<16x2048xf32, #tpu.memory_space<vmem>>
      %gather3A_1921 = tpu.vector_load_idx %gather3A_1920[%broadcast_in_dim3A_1915, %add3A_1813] : memref<16x2048xf32, #tpu.memory_space<vmem>>[vector<16xi32>, vector<16xi32>], vector<16xf32>,
      tpu.vector_store_idx %arg7[%broadcast_in_dim3A_1915, %add3A_1817], %gather3A_1921 : memref<16x512xf32, #tpu.memory_space<vmem>>[vector<16xi32>, vector<16xi32>], vector<16xf32>,
      %broadcast_in_dim3A_1922 = arith.constant 13 : i32
      %broadcast_in_dim3A_1923 = vector.broadcast %broadcast_in_dim3A_1922 : i32 to vector<16xi32>
      %gather3A_1924 = arith.constant 1 : i32
      %gather3A_1925 = arith.constant 0 : i32
      %gather3A_1926 = arith.constant 0 : i32
      %gather3A_1927 = tpu.memref_slice %arg6[%gather3A_1924, %gather3A_1925, %gather3A_1926] : memref<3x16x2048xf32, #tpu.memory_space<vmem>> -> memref<1x16x2048xf32, #tpu.memory_space<vmem>>
      %gather3A_1928 = tpu.memref_squeeze %gather3A_1927 : memref<1x16x2048xf32, #tpu.memory_space<vmem>> -> memref<16x2048xf32, #tpu.memory_space<vmem>>
      %gather3A_1929 = tpu.vector_load_idx %gather3A_1928[%broadcast_in_dim3A_1923, %add3A_1813] : memref<16x2048xf32, #tpu.memory_space<vmem>>[vector<16xi32>, vector<16xi32>], vector<16xf32>,
      tpu.vector_store_idx %arg7[%broadcast_in_dim3A_1923, %add3A_1817], %gather3A_1929 : memref<16x512xf32, #tpu.memory_space<vmem>>[vector<16xi32>, vector<16xi32>], vector<16xf32>,
      %broadcast_in_dim3A_1930 = arith.constant 14 : i32
      %broadcast_in_dim3A_1931 = vector.broadcast %broadcast_in_dim3A_1930 : i32 to vector<16xi32>
      %gather3A_1932 = arith.constant 1 : i32
      %gather3A_1933 = arith.constant 0 : i32
      %gather3A_1934 = arith.constant 0 : i32
      %gather3A_1935 = tpu.memref_slice %arg6[%gather3A_1932, %gather3A_1933, %gather3A_1934] : memref<3x16x2048xf32, #tpu.memory_space<vmem>> -> memref<1x16x2048xf32, #tpu.memory_space<vmem>>
      %gather3A_1936 = tpu.memref_squeeze %gather3A_1935 : memref<1x16x2048xf32, #tpu.memory_space<vmem>> -> memref<16x2048xf32, #tpu.memory_space<vmem>>
      %gather3A_1937 = tpu.vector_load_idx %gather3A_1936[%broadcast_in_dim3A_1931, %add3A_1813] : memref<16x2048xf32, #tpu.memory_space<vmem>>[vector<16xi32>, vector<16xi32>], vector<16xf32>,
      tpu.vector_store_idx %arg7[%broadcast_in_dim3A_1931, %add3A_1817], %gather3A_1937 : memref<16x512xf32, #tpu.memory_space<vmem>>[vector<16xi32>, vector<16xi32>], vector<16xf32>,
      %broadcast_in_dim3A_1938 = arith.constant 15 : i32
      %broadcast_in_dim3A_1939 = vector.broadcast %broadcast_in_dim3A_1938 : i32 to vector<16xi32>
      %gather3A_1940 = arith.constant 1 : i32
      %gather3A_1941 = arith.constant 0 : i32
      %gather3A_1942 = arith.constant 0 : i32
      %gather3A_1943 = tpu.memref_slice %arg6[%gather3A_1940, %gather3A_1941, %gather3A_1942] : memref<3x16x2048xf32, #tpu.memory_space<vmem>> -> memref<1x16x2048xf32, #tpu.memory_space<vmem>>
      %gather3A_1944 = tpu.memref_squeeze %gather3A_1943 : memref<1x16x2048xf32, #tpu.memory_space<vmem>> -> memref<16x2048xf32, #tpu.memory_space<vmem>>
      %gather3A_1945 = tpu.vector_load_idx %gather3A_1944[%broadcast_in_dim3A_1939, %add3A_1813] : memref<16x2048xf32, #tpu.memory_space<vmem>>[vector<16xi32>, vector<16xi32>], vector<16xf32>,
      tpu.vector_store_idx %arg7[%broadcast_in_dim3A_1939, %add3A_1817], %gather3A_1945 : memref<16x512xf32, #tpu.memory_space<vmem>>[vector<16xi32>, vector<16xi32>], vector<16xf32>,
      %add3A_1946 = arith.constant 2 : i32
      %add3A_1947 = arith.addi %add3A_966, %add3A_1946 : i32
      %add3A_1948 = arith.constant 3 : i32
      %add3A_1949 = arith.addi %add3A_1947, %add3A_1948 : i32
      %sub3A_1950 = arith.constant 1 : i32
      %sub3A_1951 = arith.subi %add3A_1949, %sub3A_1950 : i32
      %mul3A_1952 = arith.constant 16 : i32
      %mul3A_1953 = arith.muli %sub3A_1951, %mul3A_1952 : i32
      %get3A_1954 = arith.index_cast %mul3A_1953 : i32 to index
      %get3A_1955 = tpu.vector_load %arg5[%get3A_1954] {strides = array<i32>} : memref<512xi32, #tpu.memory_space<vmem>>, vector<16xi32>,
      %slice3A_1956 = vector.extract_strided_slice %get3A_1955 {offsets = [0], sizes = [1], strides = [1]} : vector<16xi32> to vector<1xi32>
      %squeeze3A_1957 = vector.extract %slice3A_1956[0] : i32 from vector<1xi32>
      %shift_right_arithmetic3A_1958 = arith.constant 7 : i32
      %shift_right_arithmetic3A_1959 = arith.shrsi %squeeze3A_1957, %shift_right_arithmetic3A_1958 : i32
      %shift_left3A_1960 = arith.constant 7 : i32
      %shift_left3A_1961 = arith.shli %shift_right_arithmetic3A_1959, %shift_left3A_1960 : i32
      %multiple_of3A_1962 = tpu.assume_multiple %shift_left3A_1961, 128 : i32
      %dma_start3A_1963 = arith.constant 1 : i32
      %dma_start3A_1964 = arith.constant 0 : i32
      %dma_start3A_1965 = arith.constant 0 : i32
      %dma_start3A_1966 = tpu.memref_slice %arg6[%dma_start3A_1963, %dma_start3A_1964, %dma_start3A_1965] : memref<3x16x2048xf32, #tpu.memory_space<vmem>> -> memref<1x16x128xf32, #tpu.memory_space<vmem>>
      %dma_start3A_1967 = tpu.memref_squeeze %dma_start3A_1966 : memref<1x16x128xf32, #tpu.memory_space<vmem>> -> memref<16x128xf32, #tpu.memory_space<vmem>>
      %dma_start3A_1968 = arith.constant 0 : i32
      %dma_start3A_1969 = tpu.memref_slice %arg2[%dma_start3A_1968, %multiple_of3A_1962] : memref<16x1000000xf32, #tpu.memory_space<hbm>> -> memref<16x128xf32, #tpu.memory_space<hbm>>
      %dma_start3A_1970 = arith.constant 0 : i32
      %dma_start3A_1971 = arith.constant 0 : i32
      %dma_start3A_1972 = tpu.memref_slice %arg6[%dma_start3A_1963, %dma_start3A_1970, %dma_start3A_1971] : memref<3x16x2048xf32, #tpu.memory_space<vmem>> -> memref<1x16x128xf32, #tpu.memory_space<vmem>>
      %dma_start3A_1973 = tpu.memref_squeeze %dma_start3A_1972 : memref<1x16x128xf32, #tpu.memory_space<vmem>> -> memref<16x128xf32, #tpu.memory_space<vmem>>
      %dma_start3A_1974 = arith.constant 0 : i32
      %dma_start3A_1975 = tpu.memref_slice %arg2[%dma_start3A_1974, %multiple_of3A_1962] : memref<16x1000000xf32, #tpu.memory_space<hbm>> -> memref<16x128xf32, #tpu.memory_space<hbm>>
      tpu.enqueue_dma source(%dma_start3A_1975 : memref<16x128xf32, #tpu.memory_space<hbm>>) target(%dma_start3A_1973 : memref<16x128xf32, #tpu.memory_space<vmem>>) target_semaphore(%arg9 : memref<!tpu.dma_semaphore, #tpu.memory_space<semaphore_mem>>)
      %slice3A_1976 = vector.extract_strided_slice %get3A_1955 {offsets = [1], sizes = [1], strides = [1]} : vector<16xi32> to vector<1xi32>
      %squeeze3A_1977 = vector.extract %slice3A_1976[0] : i32 from vector<1xi32>
      %shift_right_arithmetic3A_1978 = arith.constant 7 : i32
      %shift_right_arithmetic3A_1979 = arith.shrsi %squeeze3A_1977, %shift_right_arithmetic3A_1978 : i32
      %shift_left3A_1980 = arith.constant 7 : i32
      %shift_left3A_1981 = arith.shli %shift_right_arithmetic3A_1979, %shift_left3A_1980 : i32
      %multiple_of3A_1982 = tpu.assume_multiple %shift_left3A_1981, 128 : i32
      %dma_start3A_1983 = arith.constant 1 : i32
      %dma_start3A_1984 = arith.constant 0 : i32
      %dma_start3A_1985 = arith.constant 128 : i32
      %dma_start3A_1986 = tpu.memref_slice %arg6[%dma_start3A_1983, %dma_start3A_1984, %dma_start3A_1985] : memref<3x16x2048xf32, #tpu.memory_space<vmem>> -> memref<1x16x128xf32, #tpu.memory_space<vmem>>
      %dma_start3A_1987 = tpu.memref_squeeze %dma_start3A_1986 : memref<1x16x128xf32, #tpu.memory_space<vmem>> -> memref<16x128xf32, #tpu.memory_space<vmem>>
      %dma_start3A_1988 = arith.constant 0 : i32
      %dma_start3A_1989 = tpu.memref_slice %arg2[%dma_start3A_1988, %multiple_of3A_1982] : memref<16x1000000xf32, #tpu.memory_space<hbm>> -> memref<16x128xf32, #tpu.memory_space<hbm>>
      %dma_start3A_1990 = arith.constant 0 : i32
      %dma_start3A_1991 = arith.constant 128 : i32
      %dma_start3A_1992 = tpu.memref_slice %arg6[%dma_start3A_1983, %dma_start3A_1990, %dma_start3A_1991] : memref<3x16x2048xf32, #tpu.memory_space<vmem>> -> memref<1x16x128xf32, #tpu.memory_space<vmem>>
      %dma_start3A_1993 = tpu.memref_squeeze %dma_start3A_1992 : memref<1x16x128xf32, #tpu.memory_space<vmem>> -> memref<16x128xf32, #tpu.memory_space<vmem>>
      %dma_start3A_1994 = arith.constant 0 : i32
      %dma_start3A_1995 = tpu.memref_slice %arg2[%dma_start3A_1994, %multiple_of3A_1982] : memref<16x1000000xf32, #tpu.memory_space<hbm>> -> memref<16x128xf32, #tpu.memory_space<hbm>>
      tpu.enqueue_dma source(%dma_start3A_1995 : memref<16x128xf32, #tpu.memory_space<hbm>>) target(%dma_start3A_1993 : memref<16x128xf32, #tpu.memory_space<vmem>>) target_semaphore(%arg9 : memref<!tpu.dma_semaphore, #tpu.memory_space<semaphore_mem>>)
      %slice3A_1996 = vector.extract_strided_slice %get3A_1955 {offsets = [2], sizes = [1], strides = [1]} : vector<16xi32> to vector<1xi32>
      %squeeze3A_1997 = vector.extract %slice3A_1996[0] : i32 from vector<1xi32>
      %shift_right_arithmetic3A_1998 = arith.constant 7 : i32
      %shift_right_arithmetic3A_1999 = arith.shrsi %squeeze3A_1997, %shift_right_arithmetic3A_1998 : i32
      %shift_left3A_2000 = arith.constant 7 : i32
      %shift_left3A_2001 = arith.shli %shift_right_arithmetic3A_1999, %shift_left3A_2000 : i32
      %multiple_of3A_2002 = tpu.assume_multiple %shift_left3A_2001, 128 : i32
      %dma_start3A_2003 = arith.constant 1 : i32
      %dma_start3A_2004 = arith.constant 0 : i32
      %dma_start3A_2005 = arith.constant 256 : i32
      %dma_start3A_2006 = tpu.memref_slice %arg6[%dma_start3A_2003, %dma_start3A_2004, %dma_start3A_2005] : memref<3x16x2048xf32, #tpu.memory_space<vmem>> -> memref<1x16x128xf32, #tpu.memory_space<vmem>>
      %dma_start3A_2007 = tpu.memref_squeeze %dma_start3A_2006 : memref<1x16x128xf32, #tpu.memory_space<vmem>> -> memref<16x128xf32, #tpu.memory_space<vmem>>
      %dma_start3A_2008 = arith.constant 0 : i32
      %dma_start3A_2009 = tpu.memref_slice %arg2[%dma_start3A_2008, %multiple_of3A_2002] : memref<16x1000000xf32, #tpu.memory_space<hbm>> -> memref<16x128xf32, #tpu.memory_space<hbm>>
      %dma_start3A_2010 = arith.constant 0 : i32
      %dma_start3A_2011 = arith.constant 256 : i32
      %dma_start3A_2012 = tpu.memref_slice %arg6[%dma_start3A_2003, %dma_start3A_2010, %dma_start3A_2011] : memref<3x16x2048xf32, #tpu.memory_space<vmem>> -> memref<1x16x128xf32, #tpu.memory_space<vmem>>
      %dma_start3A_2013 = tpu.memref_squeeze %dma_start3A_2012 : memref<1x16x128xf32, #tpu.memory_space<vmem>> -> memref<16x128xf32, #tpu.memory_space<vmem>>
      %dma_start3A_2014 = arith.constant 0 : i32
      %dma_start3A_2015 = tpu.memref_slice %arg2[%dma_start3A_2014, %multiple_of3A_2002] : memref<16x1000000xf32, #tpu.memory_space<hbm>> -> memref<16x128xf32, #tpu.memory_space<hbm>>
      tpu.enqueue_dma source(%dma_start3A_2015 : memref<16x128xf32, #tpu.memory_space<hbm>>) target(%dma_start3A_2013 : memref<16x128xf32, #tpu.memory_space<vmem>>) target_semaphore(%arg9 : memref<!tpu.dma_semaphore, #tpu.memory_space<semaphore_mem>>)
      %slice3A_2016 = vector.extract_strided_slice %get3A_1955 {offsets = [3], sizes = [1], strides = [1]} : vector<16xi32> to vector<1xi32>
      %squeeze3A_2017 = vector.extract %slice3A_2016[0] : i32 from vector<1xi32>
      %shift_right_arithmetic3A_2018 = arith.constant 7 : i32
      %shift_right_arithmetic3A_2019 = arith.shrsi %squeeze3A_2017, %shift_right_arithmetic3A_2018 : i32
      %shift_left3A_2020 = arith.constant 7 : i32
      %shift_left3A_2021 = arith.shli %shift_right_arithmetic3A_2019, %shift_left3A_2020 : i32
      %multiple_of3A_2022 = tpu.assume_multiple %shift_left3A_2021, 128 : i32
      %dma_start3A_2023 = arith.constant 1 : i32
      %dma_start3A_2024 = arith.constant 0 : i32
      %dma_start3A_2025 = arith.constant 384 : i32
      %dma_start3A_2026 = tpu.memref_slice %arg6[%dma_start3A_2023, %dma_start3A_2024, %dma_start3A_2025] : memref<3x16x2048xf32, #tpu.memory_space<vmem>> -> memref<1x16x128xf32, #tpu.memory_space<vmem>>
      %dma_start3A_2027 = tpu.memref_squeeze %dma_start3A_2026 : memref<1x16x128xf32, #tpu.memory_space<vmem>> -> memref<16x128xf32, #tpu.memory_space<vmem>>
      %dma_start3A_2028 = arith.constant 0 : i32
      %dma_start3A_2029 = tpu.memref_slice %arg2[%dma_start3A_2028, %multiple_of3A_2022] : memref<16x1000000xf32, #tpu.memory_space<hbm>> -> memref<16x128xf32, #tpu.memory_space<hbm>>
      %dma_start3A_2030 = arith.constant 0 : i32
      %dma_start3A_2031 = arith.constant 384 : i32
      %dma_start3A_2032 = tpu.memref_slice %arg6[%dma_start3A_2023, %dma_start3A_2030, %dma_start3A_2031] : memref<3x16x2048xf32, #tpu.memory_space<vmem>> -> memref<1x16x128xf32, #tpu.memory_space<vmem>>
      %dma_start3A_2033 = tpu.memref_squeeze %dma_start3A_2032 : memref<1x16x128xf32, #tpu.memory_space<vmem>> -> memref<16x128xf32, #tpu.memory_space<vmem>>
      %dma_start3A_2034 = arith.constant 0 : i32
      %dma_start3A_2035 = tpu.memref_slice %arg2[%dma_start3A_2034, %multiple_of3A_2022] : memref<16x1000000xf32, #tpu.memory_space<hbm>> -> memref<16x128xf32, #tpu.memory_space<hbm>>
      tpu.enqueue_dma source(%dma_start3A_2035 : memref<16x128xf32, #tpu.memory_space<hbm>>) target(%dma_start3A_2033 : memref<16x128xf32, #tpu.memory_space<vmem>>) target_semaphore(%arg9 : memref<!tpu.dma_semaphore, #tpu.memory_space<semaphore_mem>>)
      %slice3A_2036 = vector.extract_strided_slice %get3A_1955 {offsets = [4], sizes = [1], strides = [1]} : vector<16xi32> to vector<1xi32>
      %squeeze3A_2037 = vector.extract %slice3A_2036[0] : i32 from vector<1xi32>
      %shift_right_arithmetic3A_2038 = arith.constant 7 : i32
      %shift_right_arithmetic3A_2039 = arith.shrsi %squeeze3A_2037, %shift_right_arithmetic3A_2038 : i32
      %shift_left3A_2040 = arith.constant 7 : i32
      %shift_left3A_2041 = arith.shli %shift_right_arithmetic3A_2039, %shift_left3A_2040 : i32
      %multiple_of3A_2042 = tpu.assume_multiple %shift_left3A_2041, 128 : i32
      %dma_start3A_2043 = arith.constant 1 : i32
      %dma_start3A_2044 = arith.constant 0 : i32
      %dma_start3A_2045 = arith.constant 512 : i32
      %dma_start3A_2046 = tpu.memref_slice %arg6[%dma_start3A_2043, %dma_start3A_2044, %dma_start3A_2045] : memref<3x16x2048xf32, #tpu.memory_space<vmem>> -> memref<1x16x128xf32, #tpu.memory_space<vmem>>
      %dma_start3A_2047 = tpu.memref_squeeze %dma_start3A_2046 : memref<1x16x128xf32, #tpu.memory_space<vmem>> -> memref<16x128xf32, #tpu.memory_space<vmem>>
      %dma_start3A_2048 = arith.constant 0 : i32
      %dma_start3A_2049 = tpu.memref_slice %arg2[%dma_start3A_2048, %multiple_of3A_2042] : memref<16x1000000xf32, #tpu.memory_space<hbm>> -> memref<16x128xf32, #tpu.memory_space<hbm>>
      %dma_start3A_2050 = arith.constant 0 : i32
      %dma_start3A_2051 = arith.constant 512 : i32
      %dma_start3A_2052 = tpu.memref_slice %arg6[%dma_start3A_2043, %dma_start3A_2050, %dma_start3A_2051] : memref<3x16x2048xf32, #tpu.memory_space<vmem>> -> memref<1x16x128xf32, #tpu.memory_space<vmem>>
      %dma_start3A_2053 = tpu.memref_squeeze %dma_start3A_2052 : memref<1x16x128xf32, #tpu.memory_space<vmem>> -> memref<16x128xf32, #tpu.memory_space<vmem>>
      %dma_start3A_2054 = arith.constant 0 : i32
      %dma_start3A_2055 = tpu.memref_slice %arg2[%dma_start3A_2054, %multiple_of3A_2042] : memref<16x1000000xf32, #tpu.memory_space<hbm>> -> memref<16x128xf32, #tpu.memory_space<hbm>>
      tpu.enqueue_dma source(%dma_start3A_2055 : memref<16x128xf32, #tpu.memory_space<hbm>>) target(%dma_start3A_2053 : memref<16x128xf32, #tpu.memory_space<vmem>>) target_semaphore(%arg9 : memref<!tpu.dma_semaphore, #tpu.memory_space<semaphore_mem>>)
      %slice3A_2056 = vector.extract_strided_slice %get3A_1955 {offsets = [5], sizes = [1], strides = [1]} : vector<16xi32> to vector<1xi32>
      %squeeze3A_2057 = vector.extract %slice3A_2056[0] : i32 from vector<1xi32>
      %shift_right_arithmetic3A_2058 = arith.constant 7 : i32
      %shift_right_arithmetic3A_2059 = arith.shrsi %squeeze3A_2057, %shift_right_arithmetic3A_2058 : i32
      %shift_left3A_2060 = arith.constant 7 : i32
      %shift_left3A_2061 = arith.shli %shift_right_arithmetic3A_2059, %shift_left3A_2060 : i32
      %multiple_of3A_2062 = tpu.assume_multiple %shift_left3A_2061, 128 : i32
      %dma_start3A_2063 = arith.constant 1 : i32
      %dma_start3A_2064 = arith.constant 0 : i32
      %dma_start3A_2065 = arith.constant 640 : i32
      %dma_start3A_2066 = tpu.memref_slice %arg6[%dma_start3A_2063, %dma_start3A_2064, %dma_start3A_2065] : memref<3x16x2048xf32, #tpu.memory_space<vmem>> -> memref<1x16x128xf32, #tpu.memory_space<vmem>>
      %dma_start3A_2067 = tpu.memref_squeeze %dma_start3A_2066 : memref<1x16x128xf32, #tpu.memory_space<vmem>> -> memref<16x128xf32, #tpu.memory_space<vmem>>
      %dma_start3A_2068 = arith.constant 0 : i32
      %dma_start3A_2069 = tpu.memref_slice %arg2[%dma_start3A_2068, %multiple_of3A_2062] : memref<16x1000000xf32, #tpu.memory_space<hbm>> -> memref<16x128xf32, #tpu.memory_space<hbm>>
      %dma_start3A_2070 = arith.constant 0 : i32
      %dma_start3A_2071 = arith.constant 640 : i32
      %dma_start3A_2072 = tpu.memref_slice %arg6[%dma_start3A_2063, %dma_start3A_2070, %dma_start3A_2071] : memref<3x16x2048xf32, #tpu.memory_space<vmem>> -> memref<1x16x128xf32, #tpu.memory_space<vmem>>
      %dma_start3A_2073 = tpu.memref_squeeze %dma_start3A_2072 : memref<1x16x128xf32, #tpu.memory_space<vmem>> -> memref<16x128xf32, #tpu.memory_space<vmem>>
      %dma_start3A_2074 = arith.constant 0 : i32
      %dma_start3A_2075 = tpu.memref_slice %arg2[%dma_start3A_2074, %multiple_of3A_2062] : memref<16x1000000xf32, #tpu.memory_space<hbm>> -> memref<16x128xf32, #tpu.memory_space<hbm>>
      tpu.enqueue_dma source(%dma_start3A_2075 : memref<16x128xf32, #tpu.memory_space<hbm>>) target(%dma_start3A_2073 : memref<16x128xf32, #tpu.memory_space<vmem>>) target_semaphore(%arg9 : memref<!tpu.dma_semaphore, #tpu.memory_space<semaphore_mem>>)
      %slice3A_2076 = vector.extract_strided_slice %get3A_1955 {offsets = [6], sizes = [1], strides = [1]} : vector<16xi32> to vector<1xi32>
      %squeeze3A_2077 = vector.extract %slice3A_2076[0] : i32 from vector<1xi32>
      %shift_right_arithmetic3A_2078 = arith.constant 7 : i32
      %shift_right_arithmetic3A_2079 = arith.shrsi %squeeze3A_2077, %shift_right_arithmetic3A_2078 : i32
      %shift_left3A_2080 = arith.constant 7 : i32
      %shift_left3A_2081 = arith.shli %shift_right_arithmetic3A_2079, %shift_left3A_2080 : i32
      %multiple_of3A_2082 = tpu.assume_multiple %shift_left3A_2081, 128 : i32
      %dma_start3A_2083 = arith.constant 1 : i32
      %dma_start3A_2084 = arith.constant 0 : i32
      %dma_start3A_2085 = arith.constant 768 : i32
      %dma_start3A_2086 = tpu.memref_slice %arg6[%dma_start3A_2083, %dma_start3A_2084, %dma_start3A_2085] : memref<3x16x2048xf32, #tpu.memory_space<vmem>> -> memref<1x16x128xf32, #tpu.memory_space<vmem>>
      %dma_start3A_2087 = tpu.memref_squeeze %dma_start3A_2086 : memref<1x16x128xf32, #tpu.memory_space<vmem>> -> memref<16x128xf32, #tpu.memory_space<vmem>>
      %dma_start3A_2088 = arith.constant 0 : i32
      %dma_start3A_2089 = tpu.memref_slice %arg2[%dma_start3A_2088, %multiple_of3A_2082] : memref<16x1000000xf32, #tpu.memory_space<hbm>> -> memref<16x128xf32, #tpu.memory_space<hbm>>
      %dma_start3A_2090 = arith.constant 0 : i32
      %dma_start3A_2091 = arith.constant 768 : i32
      %dma_start3A_2092 = tpu.memref_slice %arg6[%dma_start3A_2083, %dma_start3A_2090, %dma_start3A_2091] : memref<3x16x2048xf32, #tpu.memory_space<vmem>> -> memref<1x16x128xf32, #tpu.memory_space<vmem>>
      %dma_start3A_2093 = tpu.memref_squeeze %dma_start3A_2092 : memref<1x16x128xf32, #tpu.memory_space<vmem>> -> memref<16x128xf32, #tpu.memory_space<vmem>>
      %dma_start3A_2094 = arith.constant 0 : i32
      %dma_start3A_2095 = tpu.memref_slice %arg2[%dma_start3A_2094, %multiple_of3A_2082] : memref<16x1000000xf32, #tpu.memory_space<hbm>> -> memref<16x128xf32, #tpu.memory_space<hbm>>
      tpu.enqueue_dma source(%dma_start3A_2095 : memref<16x128xf32, #tpu.memory_space<hbm>>) target(%dma_start3A_2093 : memref<16x128xf32, #tpu.memory_space<vmem>>) target_semaphore(%arg9 : memref<!tpu.dma_semaphore, #tpu.memory_space<semaphore_mem>>)
      %slice3A_2096 = vector.extract_strided_slice %get3A_1955 {offsets = [7], sizes = [1], strides = [1]} : vector<16xi32> to vector<1xi32>
      %squeeze3A_2097 = vector.extract %slice3A_2096[0] : i32 from vector<1xi32>
      %shift_right_arithmetic3A_2098 = arith.constant 7 : i32
      %shift_right_arithmetic3A_2099 = arith.shrsi %squeeze3A_2097, %shift_right_arithmetic3A_2098 : i32
      %shift_left3A_2100 = arith.constant 7 : i32
      %shift_left3A_2101 = arith.shli %shift_right_arithmetic3A_2099, %shift_left3A_2100 : i32
      %multiple_of3A_2102 = tpu.assume_multiple %shift_left3A_2101, 128 : i32
      %dma_start3A_2103 = arith.constant 1 : i32
      %dma_start3A_2104 = arith.constant 0 : i32
      %dma_start3A_2105 = arith.constant 896 : i32
      %dma_start3A_2106 = tpu.memref_slice %arg6[%dma_start3A_2103, %dma_start3A_2104, %dma_start3A_2105] : memref<3x16x2048xf32, #tpu.memory_space<vmem>> -> memref<1x16x128xf32, #tpu.memory_space<vmem>>
      %dma_start3A_2107 = tpu.memref_squeeze %dma_start3A_2106 : memref<1x16x128xf32, #tpu.memory_space<vmem>> -> memref<16x128xf32, #tpu.memory_space<vmem>>
      %dma_start3A_2108 = arith.constant 0 : i32
      %dma_start3A_2109 = tpu.memref_slice %arg2[%dma_start3A_2108, %multiple_of3A_2102] : memref<16x1000000xf32, #tpu.memory_space<hbm>> -> memref<16x128xf32, #tpu.memory_space<hbm>>
      %dma_start3A_2110 = arith.constant 0 : i32
      %dma_start3A_2111 = arith.constant 896 : i32
      %dma_start3A_2112 = tpu.memref_slice %arg6[%dma_start3A_2103, %dma_start3A_2110, %dma_start3A_2111] : memref<3x16x2048xf32, #tpu.memory_space<vmem>> -> memref<1x16x128xf32, #tpu.memory_space<vmem>>
      %dma_start3A_2113 = tpu.memref_squeeze %dma_start3A_2112 : memref<1x16x128xf32, #tpu.memory_space<vmem>> -> memref<16x128xf32, #tpu.memory_space<vmem>>
      %dma_start3A_2114 = arith.constant 0 : i32
      %dma_start3A_2115 = tpu.memref_slice %arg2[%dma_start3A_2114, %multiple_of3A_2102] : memref<16x1000000xf32, #tpu.memory_space<hbm>> -> memref<16x128xf32, #tpu.memory_space<hbm>>
      tpu.enqueue_dma source(%dma_start3A_2115 : memref<16x128xf32, #tpu.memory_space<hbm>>) target(%dma_start3A_2113 : memref<16x128xf32, #tpu.memory_space<vmem>>) target_semaphore(%arg9 : memref<!tpu.dma_semaphore, #tpu.memory_space<semaphore_mem>>)
      %slice3A_2116 = vector.extract_strided_slice %get3A_1955 {offsets = [8], sizes = [1], strides = [1]} : vector<16xi32> to vector<1xi32>
      %squeeze3A_2117 = vector.extract %slice3A_2116[0] : i32 from vector<1xi32>
      %shift_right_arithmetic3A_2118 = arith.constant 7 : i32
      %shift_right_arithmetic3A_2119 = arith.shrsi %squeeze3A_2117, %shift_right_arithmetic3A_2118 : i32
      %shift_left3A_2120 = arith.constant 7 : i32
      %shift_left3A_2121 = arith.shli %shift_right_arithmetic3A_2119, %shift_left3A_2120 : i32
      %multiple_of3A_2122 = tpu.assume_multiple %shift_left3A_2121, 128 : i32
      %dma_start3A_2123 = arith.constant 1 : i32
      %dma_start3A_2124 = arith.constant 0 : i32
      %dma_start3A_2125 = arith.constant 1024 : i32
      %dma_start3A_2126 = tpu.memref_slice %arg6[%dma_start3A_2123, %dma_start3A_2124, %dma_start3A_2125] : memref<3x16x2048xf32, #tpu.memory_space<vmem>> -> memref<1x16x128xf32, #tpu.memory_space<vmem>>
      %dma_start3A_2127 = tpu.memref_squeeze %dma_start3A_2126 : memref<1x16x128xf32, #tpu.memory_space<vmem>> -> memref<16x128xf32, #tpu.memory_space<vmem>>
      %dma_start3A_2128 = arith.constant 0 : i32
      %dma_start3A_2129 = tpu.memref_slice %arg2[%dma_start3A_2128, %multiple_of3A_2122] : memref<16x1000000xf32, #tpu.memory_space<hbm>> -> memref<16x128xf32, #tpu.memory_space<hbm>>
      %dma_start3A_2130 = arith.constant 0 : i32
      %dma_start3A_2131 = arith.constant 1024 : i32
      %dma_start3A_2132 = tpu.memref_slice %arg6[%dma_start3A_2123, %dma_start3A_2130, %dma_start3A_2131] : memref<3x16x2048xf32, #tpu.memory_space<vmem>> -> memref<1x16x128xf32, #tpu.memory_space<vmem>>
      %dma_start3A_2133 = tpu.memref_squeeze %dma_start3A_2132 : memref<1x16x128xf32, #tpu.memory_space<vmem>> -> memref<16x128xf32, #tpu.memory_space<vmem>>
      %dma_start3A_2134 = arith.constant 0 : i32
      %dma_start3A_2135 = tpu.memref_slice %arg2[%dma_start3A_2134, %multiple_of3A_2122] : memref<16x1000000xf32, #tpu.memory_space<hbm>> -> memref<16x128xf32, #tpu.memory_space<hbm>>
      tpu.enqueue_dma source(%dma_start3A_2135 : memref<16x128xf32, #tpu.memory_space<hbm>>) target(%dma_start3A_2133 : memref<16x128xf32, #tpu.memory_space<vmem>>) target_semaphore(%arg9 : memref<!tpu.dma_semaphore, #tpu.memory_space<semaphore_mem>>)
      %slice3A_2136 = vector.extract_strided_slice %get3A_1955 {offsets = [9], sizes = [1], strides = [1]} : vector<16xi32> to vector<1xi32>
      %squeeze3A_2137 = vector.extract %slice3A_2136[0] : i32 from vector<1xi32>
      %shift_right_arithmetic3A_2138 = arith.constant 7 : i32
      %shift_right_arithmetic3A_2139 = arith.shrsi %squeeze3A_2137, %shift_right_arithmetic3A_2138 : i32
      %shift_left3A_2140 = arith.constant 7 : i32
      %shift_left3A_2141 = arith.shli %shift_right_arithmetic3A_2139, %shift_left3A_2140 : i32
      %multiple_of3A_2142 = tpu.assume_multiple %shift_left3A_2141, 128 : i32
      %dma_start3A_2143 = arith.constant 1 : i32
      %dma_start3A_2144 = arith.constant 0 : i32
      %dma_start3A_2145 = arith.constant 1152 : i32
      %dma_start3A_2146 = tpu.memref_slice %arg6[%dma_start3A_2143, %dma_start3A_2144, %dma_start3A_2145] : memref<3x16x2048xf32, #tpu.memory_space<vmem>> -> memref<1x16x128xf32, #tpu.memory_space<vmem>>
      %dma_start3A_2147 = tpu.memref_squeeze %dma_start3A_2146 : memref<1x16x128xf32, #tpu.memory_space<vmem>> -> memref<16x128xf32, #tpu.memory_space<vmem>>
      %dma_start3A_2148 = arith.constant 0 : i32
      %dma_start3A_2149 = tpu.memref_slice %arg2[%dma_start3A_2148, %multiple_of3A_2142] : memref<16x1000000xf32, #tpu.memory_space<hbm>> -> memref<16x128xf32, #tpu.memory_space<hbm>>
      %dma_start3A_2150 = arith.constant 0 : i32
      %dma_start3A_2151 = arith.constant 1152 : i32
      %dma_start3A_2152 = tpu.memref_slice %arg6[%dma_start3A_2143, %dma_start3A_2150, %dma_start3A_2151] : memref<3x16x2048xf32, #tpu.memory_space<vmem>> -> memref<1x16x128xf32, #tpu.memory_space<vmem>>
      %dma_start3A_2153 = tpu.memref_squeeze %dma_start3A_2152 : memref<1x16x128xf32, #tpu.memory_space<vmem>> -> memref<16x128xf32, #tpu.memory_space<vmem>>
      %dma_start3A_2154 = arith.constant 0 : i32
      %dma_start3A_2155 = tpu.memref_slice %arg2[%dma_start3A_2154, %multiple_of3A_2142] : memref<16x1000000xf32, #tpu.memory_space<hbm>> -> memref<16x128xf32, #tpu.memory_space<hbm>>
      tpu.enqueue_dma source(%dma_start3A_2155 : memref<16x128xf32, #tpu.memory_space<hbm>>) target(%dma_start3A_2153 : memref<16x128xf32, #tpu.memory_space<vmem>>) target_semaphore(%arg9 : memref<!tpu.dma_semaphore, #tpu.memory_space<semaphore_mem>>)
      %slice3A_2156 = vector.extract_strided_slice %get3A_1955 {offsets = [10], sizes = [1], strides = [1]} : vector<16xi32> to vector<1xi32>
      %squeeze3A_2157 = vector.extract %slice3A_2156[0] : i32 from vector<1xi32>
      %shift_right_arithmetic3A_2158 = arith.constant 7 : i32
      %shift_right_arithmetic3A_2159 = arith.shrsi %squeeze3A_2157, %shift_right_arithmetic3A_2158 : i32
      %shift_left3A_2160 = arith.constant 7 : i32
      %shift_left3A_2161 = arith.shli %shift_right_arithmetic3A_2159, %shift_left3A_2160 : i32
      %multiple_of3A_2162 = tpu.assume_multiple %shift_left3A_2161, 128 : i32
      %dma_start3A_2163 = arith.constant 1 : i32
      %dma_start3A_2164 = arith.constant 0 : i32
      %dma_start3A_2165 = arith.constant 1280 : i32
      %dma_start3A_2166 = tpu.memref_slice %arg6[%dma_start3A_2163, %dma_start3A_2164, %dma_start3A_2165] : memref<3x16x2048xf32, #tpu.memory_space<vmem>> -> memref<1x16x128xf32, #tpu.memory_space<vmem>>
      %dma_start3A_2167 = tpu.memref_squeeze %dma_start3A_2166 : memref<1x16x128xf32, #tpu.memory_space<vmem>> -> memref<16x128xf32, #tpu.memory_space<vmem>>
      %dma_start3A_2168 = arith.constant 0 : i32
      %dma_start3A_2169 = tpu.memref_slice %arg2[%dma_start3A_2168, %multiple_of3A_2162] : memref<16x1000000xf32, #tpu.memory_space<hbm>> -> memref<16x128xf32, #tpu.memory_space<hbm>>
      %dma_start3A_2170 = arith.constant 0 : i32
      %dma_start3A_2171 = arith.constant 1280 : i32
      %dma_start3A_2172 = tpu.memref_slice %arg6[%dma_start3A_2163, %dma_start3A_2170, %dma_start3A_2171] : memref<3x16x2048xf32, #tpu.memory_space<vmem>> -> memref<1x16x128xf32, #tpu.memory_space<vmem>>
      %dma_start3A_2173 = tpu.memref_squeeze %dma_start3A_2172 : memref<1x16x128xf32, #tpu.memory_space<vmem>> -> memref<16x128xf32, #tpu.memory_space<vmem>>
      %dma_start3A_2174 = arith.constant 0 : i32
      %dma_start3A_2175 = tpu.memref_slice %arg2[%dma_start3A_2174, %multiple_of3A_2162] : memref<16x1000000xf32, #tpu.memory_space<hbm>> -> memref<16x128xf32, #tpu.memory_space<hbm>>
      tpu.enqueue_dma source(%dma_start3A_2175 : memref<16x128xf32, #tpu.memory_space<hbm>>) target(%dma_start3A_2173 : memref<16x128xf32, #tpu.memory_space<vmem>>) target_semaphore(%arg9 : memref<!tpu.dma_semaphore, #tpu.memory_space<semaphore_mem>>)
      %slice3A_2176 = vector.extract_strided_slice %get3A_1955 {offsets = [11], sizes = [1], strides = [1]} : vector<16xi32> to vector<1xi32>
      %squeeze3A_2177 = vector.extract %slice3A_2176[0] : i32 from vector<1xi32>
      %shift_right_arithmetic3A_2178 = arith.constant 7 : i32
      %shift_right_arithmetic3A_2179 = arith.shrsi %squeeze3A_2177, %shift_right_arithmetic3A_2178 : i32
      %shift_left3A_2180 = arith.constant 7 : i32
      %shift_left3A_2181 = arith.shli %shift_right_arithmetic3A_2179, %shift_left3A_2180 : i32
      %multiple_of3A_2182 = tpu.assume_multiple %shift_left3A_2181, 128 : i32
      %dma_start3A_2183 = arith.constant 1 : i32
      %dma_start3A_2184 = arith.constant 0 : i32
      %dma_start3A_2185 = arith.constant 1408 : i32
      %dma_start3A_2186 = tpu.memref_slice %arg6[%dma_start3A_2183, %dma_start3A_2184, %dma_start3A_2185] : memref<3x16x2048xf32, #tpu.memory_space<vmem>> -> memref<1x16x128xf32, #tpu.memory_space<vmem>>
      %dma_start3A_2187 = tpu.memref_squeeze %dma_start3A_2186 : memref<1x16x128xf32, #tpu.memory_space<vmem>> -> memref<16x128xf32, #tpu.memory_space<vmem>>
      %dma_start3A_2188 = arith.constant 0 : i32
      %dma_start3A_2189 = tpu.memref_slice %arg2[%dma_start3A_2188, %multiple_of3A_2182] : memref<16x1000000xf32, #tpu.memory_space<hbm>> -> memref<16x128xf32, #tpu.memory_space<hbm>>
      %dma_start3A_2190 = arith.constant 0 : i32
      %dma_start3A_2191 = arith.constant 1408 : i32
      %dma_start3A_2192 = tpu.memref_slice %arg6[%dma_start3A_2183, %dma_start3A_2190, %dma_start3A_2191] : memref<3x16x2048xf32, #tpu.memory_space<vmem>> -> memref<1x16x128xf32, #tpu.memory_space<vmem>>
      %dma_start3A_2193 = tpu.memref_squeeze %dma_start3A_2192 : memref<1x16x128xf32, #tpu.memory_space<vmem>> -> memref<16x128xf32, #tpu.memory_space<vmem>>
      %dma_start3A_2194 = arith.constant 0 : i32
      %dma_start3A_2195 = tpu.memref_slice %arg2[%dma_start3A_2194, %multiple_of3A_2182] : memref<16x1000000xf32, #tpu.memory_space<hbm>> -> memref<16x128xf32, #tpu.memory_space<hbm>>
      tpu.enqueue_dma source(%dma_start3A_2195 : memref<16x128xf32, #tpu.memory_space<hbm>>) target(%dma_start3A_2193 : memref<16x128xf32, #tpu.memory_space<vmem>>) target_semaphore(%arg9 : memref<!tpu.dma_semaphore, #tpu.memory_space<semaphore_mem>>)
      %slice3A_2196 = vector.extract_strided_slice %get3A_1955 {offsets = [12], sizes = [1], strides = [1]} : vector<16xi32> to vector<1xi32>
      %squeeze3A_2197 = vector.extract %slice3A_2196[0] : i32 from vector<1xi32>
      %shift_right_arithmetic3A_2198 = arith.constant 7 : i32
      %shift_right_arithmetic3A_2199 = arith.shrsi %squeeze3A_2197, %shift_right_arithmetic3A_2198 : i32
      %shift_left3A_2200 = arith.constant 7 : i32
      %shift_left3A_2201 = arith.shli %shift_right_arithmetic3A_2199, %shift_left3A_2200 : i32
      %multiple_of3A_2202 = tpu.assume_multiple %shift_left3A_2201, 128 : i32
      %dma_start3A_2203 = arith.constant 1 : i32
      %dma_start3A_2204 = arith.constant 0 : i32
      %dma_start3A_2205 = arith.constant 1536 : i32
      %dma_start3A_2206 = tpu.memref_slice %arg6[%dma_start3A_2203, %dma_start3A_2204, %dma_start3A_2205] : memref<3x16x2048xf32, #tpu.memory_space<vmem>> -> memref<1x16x128xf32, #tpu.memory_space<vmem>>
      %dma_start3A_2207 = tpu.memref_squeeze %dma_start3A_2206 : memref<1x16x128xf32, #tpu.memory_space<vmem>> -> memref<16x128xf32, #tpu.memory_space<vmem>>
      %dma_start3A_2208 = arith.constant 0 : i32
      %dma_start3A_2209 = tpu.memref_slice %arg2[%dma_start3A_2208, %multiple_of3A_2202] : memref<16x1000000xf32, #tpu.memory_space<hbm>> -> memref<16x128xf32, #tpu.memory_space<hbm>>
      %dma_start3A_2210 = arith.constant 0 : i32
      %dma_start3A_2211 = arith.constant 1536 : i32
      %dma_start3A_2212 = tpu.memref_slice %arg6[%dma_start3A_2203, %dma_start3A_2210, %dma_start3A_2211] : memref<3x16x2048xf32, #tpu.memory_space<vmem>> -> memref<1x16x128xf32, #tpu.memory_space<vmem>>
      %dma_start3A_2213 = tpu.memref_squeeze %dma_start3A_2212 : memref<1x16x128xf32, #tpu.memory_space<vmem>> -> memref<16x128xf32, #tpu.memory_space<vmem>>
      %dma_start3A_2214 = arith.constant 0 : i32
      %dma_start3A_2215 = tpu.memref_slice %arg2[%dma_start3A_2214, %multiple_of3A_2202] : memref<16x1000000xf32, #tpu.memory_space<hbm>> -> memref<16x128xf32, #tpu.memory_space<hbm>>
      tpu.enqueue_dma source(%dma_start3A_2215 : memref<16x128xf32, #tpu.memory_space<hbm>>) target(%dma_start3A_2213 : memref<16x128xf32, #tpu.memory_space<vmem>>) target_semaphore(%arg9 : memref<!tpu.dma_semaphore, #tpu.memory_space<semaphore_mem>>)
      %slice3A_2216 = vector.extract_strided_slice %get3A_1955 {offsets = [13], sizes = [1], strides = [1]} : vector<16xi32> to vector<1xi32>
      %squeeze3A_2217 = vector.extract %slice3A_2216[0] : i32 from vector<1xi32>
      %shift_right_arithmetic3A_2218 = arith.constant 7 : i32
      %shift_right_arithmetic3A_2219 = arith.shrsi %squeeze3A_2217, %shift_right_arithmetic3A_2218 : i32
      %shift_left3A_2220 = arith.constant 7 : i32
      %shift_left3A_2221 = arith.shli %shift_right_arithmetic3A_2219, %shift_left3A_2220 : i32
      %multiple_of3A_2222 = tpu.assume_multiple %shift_left3A_2221, 128 : i32
      %dma_start3A_2223 = arith.constant 1 : i32
      %dma_start3A_2224 = arith.constant 0 : i32
      %dma_start3A_2225 = arith.constant 1664 : i32
      %dma_start3A_2226 = tpu.memref_slice %arg6[%dma_start3A_2223, %dma_start3A_2224, %dma_start3A_2225] : memref<3x16x2048xf32, #tpu.memory_space<vmem>> -> memref<1x16x128xf32, #tpu.memory_space<vmem>>
      %dma_start3A_2227 = tpu.memref_squeeze %dma_start3A_2226 : memref<1x16x128xf32, #tpu.memory_space<vmem>> -> memref<16x128xf32, #tpu.memory_space<vmem>>
      %dma_start3A_2228 = arith.constant 0 : i32
      %dma_start3A_2229 = tpu.memref_slice %arg2[%dma_start3A_2228, %multiple_of3A_2222] : memref<16x1000000xf32, #tpu.memory_space<hbm>> -> memref<16x128xf32, #tpu.memory_space<hbm>>
      %dma_start3A_2230 = arith.constant 0 : i32
      %dma_start3A_2231 = arith.constant 1664 : i32
      %dma_start3A_2232 = tpu.memref_slice %arg6[%dma_start3A_2223, %dma_start3A_2230, %dma_start3A_2231] : memref<3x16x2048xf32, #tpu.memory_space<vmem>> -> memref<1x16x128xf32, #tpu.memory_space<vmem>>
      %dma_start3A_2233 = tpu.memref_squeeze %dma_start3A_2232 : memref<1x16x128xf32, #tpu.memory_space<vmem>> -> memref<16x128xf32, #tpu.memory_space<vmem>>
      %dma_start3A_2234 = arith.constant 0 : i32
      %dma_start3A_2235 = tpu.memref_slice %arg2[%dma_start3A_2234, %multiple_of3A_2222] : memref<16x1000000xf32, #tpu.memory_space<hbm>> -> memref<16x128xf32, #tpu.memory_space<hbm>>
      tpu.enqueue_dma source(%dma_start3A_2235 : memref<16x128xf32, #tpu.memory_space<hbm>>) target(%dma_start3A_2233 : memref<16x128xf32, #tpu.memory_space<vmem>>) target_semaphore(%arg9 : memref<!tpu.dma_semaphore, #tpu.memory_space<semaphore_mem>>)
      %slice3A_2236 = vector.extract_strided_slice %get3A_1955 {offsets = [14], sizes = [1], strides = [1]} : vector<16xi32> to vector<1xi32>
      %squeeze3A_2237 = vector.extract %slice3A_2236[0] : i32 from vector<1xi32>
      %shift_right_arithmetic3A_2238 = arith.constant 7 : i32
      %shift_right_arithmetic3A_2239 = arith.shrsi %squeeze3A_2237, %shift_right_arithmetic3A_2238 : i32
      %shift_left3A_2240 = arith.constant 7 : i32
      %shift_left3A_2241 = arith.shli %shift_right_arithmetic3A_2239, %shift_left3A_2240 : i32
      %multiple_of3A_2242 = tpu.assume_multiple %shift_left3A_2241, 128 : i32
      %dma_start3A_2243 = arith.constant 1 : i32
      %dma_start3A_2244 = arith.constant 0 : i32
      %dma_start3A_2245 = arith.constant 1792 : i32
      %dma_start3A_2246 = tpu.memref_slice %arg6[%dma_start3A_2243, %dma_start3A_2244, %dma_start3A_2245] : memref<3x16x2048xf32, #tpu.memory_space<vmem>> -> memref<1x16x128xf32, #tpu.memory_space<vmem>>
      %dma_start3A_2247 = tpu.memref_squeeze %dma_start3A_2246 : memref<1x16x128xf32, #tpu.memory_space<vmem>> -> memref<16x128xf32, #tpu.memory_space<vmem>>
      %dma_start3A_2248 = arith.constant 0 : i32
      %dma_start3A_2249 = tpu.memref_slice %arg2[%dma_start3A_2248, %multiple_of3A_2242] : memref<16x1000000xf32, #tpu.memory_space<hbm>> -> memref<16x128xf32, #tpu.memory_space<hbm>>
      %dma_start3A_2250 = arith.constant 0 : i32
      %dma_start3A_2251 = arith.constant 1792 : i32
      %dma_start3A_2252 = tpu.memref_slice %arg6[%dma_start3A_2243, %dma_start3A_2250, %dma_start3A_2251] : memref<3x16x2048xf32, #tpu.memory_space<vmem>> -> memref<1x16x128xf32, #tpu.memory_space<vmem>>
      %dma_start3A_2253 = tpu.memref_squeeze %dma_start3A_2252 : memref<1x16x128xf32, #tpu.memory_space<vmem>> -> memref<16x128xf32, #tpu.memory_space<vmem>>
      %dma_start3A_2254 = arith.constant 0 : i32
      %dma_start3A_2255 = tpu.memref_slice %arg2[%dma_start3A_2254, %multiple_of3A_2242] : memref<16x1000000xf32, #tpu.memory_space<hbm>> -> memref<16x128xf32, #tpu.memory_space<hbm>>
      tpu.enqueue_dma source(%dma_start3A_2255 : memref<16x128xf32, #tpu.memory_space<hbm>>) target(%dma_start3A_2253 : memref<16x128xf32, #tpu.memory_space<vmem>>) target_semaphore(%arg9 : memref<!tpu.dma_semaphore, #tpu.memory_space<semaphore_mem>>)
      %slice3A_2256 = vector.extract_strided_slice %get3A_1955 {offsets = [15], sizes = [1], strides = [1]} : vector<16xi32> to vector<1xi32>
      %squeeze3A_2257 = vector.extract %slice3A_2256[0] : i32 from vector<1xi32>
      %shift_right_arithmetic3A_2258 = arith.constant 7 : i32
      %shift_right_arithmetic3A_2259 = arith.shrsi %squeeze3A_2257, %shift_right_arithmetic3A_2258 : i32
      %shift_left3A_2260 = arith.constant 7 : i32
      %shift_left3A_2261 = arith.shli %shift_right_arithmetic3A_2259, %shift_left3A_2260 : i32
      %multiple_of3A_2262 = tpu.assume_multiple %shift_left3A_2261, 128 : i32
      %dma_start3A_2263 = arith.constant 1 : i32
      %dma_start3A_2264 = arith.constant 0 : i32
      %dma_start3A_2265 = arith.constant 1920 : i32
      %dma_start3A_2266 = tpu.memref_slice %arg6[%dma_start3A_2263, %dma_start3A_2264, %dma_start3A_2265] : memref<3x16x2048xf32, #tpu.memory_space<vmem>> -> memref<1x16x128xf32, #tpu.memory_space<vmem>>
      %dma_start3A_2267 = tpu.memref_squeeze %dma_start3A_2266 : memref<1x16x128xf32, #tpu.memory_space<vmem>> -> memref<16x128xf32, #tpu.memory_space<vmem>>
      %dma_start3A_2268 = arith.constant 0 : i32
      %dma_start3A_2269 = tpu.memref_slice %arg2[%dma_start3A_2268, %multiple_of3A_2262] : memref<16x1000000xf32, #tpu.memory_space<hbm>> -> memref<16x128xf32, #tpu.memory_space<hbm>>
      %dma_start3A_2270 = arith.constant 0 : i32
      %dma_start3A_2271 = arith.constant 1920 : i32
      %dma_start3A_2272 = tpu.memref_slice %arg6[%dma_start3A_2263, %dma_start3A_2270, %dma_start3A_2271] : memref<3x16x2048xf32, #tpu.memory_space<vmem>> -> memref<1x16x128xf32, #tpu.memory_space<vmem>>
      %dma_start3A_2273 = tpu.memref_squeeze %dma_start3A_2272 : memref<1x16x128xf32, #tpu.memory_space<vmem>> -> memref<16x128xf32, #tpu.memory_space<vmem>>
      %dma_start3A_2274 = arith.constant 0 : i32
      %dma_start3A_2275 = tpu.memref_slice %arg2[%dma_start3A_2274, %multiple_of3A_2262] : memref<16x1000000xf32, #tpu.memory_space<hbm>> -> memref<16x128xf32, #tpu.memory_space<hbm>>
      tpu.enqueue_dma source(%dma_start3A_2275 : memref<16x128xf32, #tpu.memory_space<hbm>>) target(%dma_start3A_2273 : memref<16x128xf32, #tpu.memory_space<vmem>>) target_semaphore(%arg9 : memref<!tpu.dma_semaphore, #tpu.memory_space<semaphore_mem>>)
      %dma_wait3A_2276 = arith.constant 2 : i32
      %dma_wait3A_2277 = arith.constant 0 : i32
      %dma_wait3A_2278 = arith.constant 0 : i32
      %dma_wait3A_2279 = tpu.memref_slice %arg6[%dma_wait3A_2276, %dma_wait3A_2277, %dma_wait3A_2278] : memref<3x16x2048xf32, #tpu.memory_space<vmem>> -> memref<1x16x2048xf32, #tpu.memory_space<vmem>>
      %dma_wait3A_2280 = tpu.memref_squeeze %dma_wait3A_2279 : memref<1x16x2048xf32, #tpu.memory_space<vmem>> -> memref<16x2048xf32, #tpu.memory_space<vmem>>
      %dma_wait3A_2281 = arith.constant 0 : i32
      %dma_wait3A_2282 = arith.constant 0 : i32
      %dma_wait3A_2283 = tpu.memref_slice %arg2[%dma_wait3A_2281, %dma_wait3A_2282] : memref<16x1000000xf32, #tpu.memory_space<hbm>> -> memref<16x2048xf32, #tpu.memory_space<hbm>>
      %dma_wait3A_2284 = arith.constant 0 : i32
      %dma_wait3A_2285 = arith.constant 0 : i32
      %dma_wait3A_2286 = tpu.memref_slice %arg6[%dma_wait3A_2276, %dma_wait3A_2284, %dma_wait3A_2285] : memref<3x16x2048xf32, #tpu.memory_space<vmem>> -> memref<1x16x2048xf32, #tpu.memory_space<vmem>>
      %dma_wait3A_2287 = tpu.memref_squeeze %dma_wait3A_2286 : memref<1x16x2048xf32, #tpu.memory_space<vmem>> -> memref<16x2048xf32, #tpu.memory_space<vmem>>
      %dma_wait3A_2288 = arith.constant 0 : i32
      %dma_wait3A_2289 = arith.constant 0 : i32
      %dma_wait3A_2290 = tpu.memref_slice %arg2[%dma_wait3A_2288, %dma_wait3A_2289] : memref<16x1000000xf32, #tpu.memory_space<hbm>> -> memref<16x2048xf32, #tpu.memory_space<hbm>>
      tpu.wait_dma2 semaphore(%arg10 : memref<!tpu.dma_semaphore, #tpu.memory_space<semaphore_mem>>) src(%dma_wait3A_2290 : memref<16x2048xf32, #tpu.memory_space<hbm>>) dst(%dma_wait3A_2287 : memref<16x2048xf32, #tpu.memory_space<vmem>>)
      %add3A_2291 = arith.constant 2 : i32
      %add3A_2292 = arith.addi %add3A_966, %add3A_2291 : i32
      %mul3A_2293 = arith.constant 16 : i32
      %mul3A_2294 = arith.muli %add3A_2292, %mul3A_2293 : i32
      %get3A_2295 = arith.index_cast %mul3A_2294 : i32 to index
      %get3A_2296 = tpu.vector_load %arg5[%get3A_2295] {strides = array<i32>} : memref<512xi32, #tpu.memory_space<vmem>>, vector<16xi32>,
      %mul3A_2297 = arith.constant 128 : i32
      %mul3A_2298 = vector.broadcast %mul3A_2297 : i32 to vector<16xi32>
      %mul3A_2299 = arith.muli %iota3A, %mul3A_2298 : vector<16xi32>
      %and3A_2300 = arith.constant 127 : i32
      %and3A_2301 = vector.broadcast %and3A_2300 : i32 to vector<16xi32>
      %and3A_2302 = arith.andi %get3A_2296, %and3A_2301 : vector<16xi32>
      %add3A_2303 = arith.addi %mul3A_2299, %and3A_2302 : vector<16xi32>
      %mul3A_2304 = arith.constant 16 : i32
      %mul3A_2305 = arith.muli %add3A_2292, %mul3A_2304 : i32
      %add3A_2306 = vector.broadcast %mul3A_2305 : i32 to vector<16xi32>
      %add3A_2307 = arith.addi %iota3A, %add3A_2306 : vector<16xi32>
      %broadcast_in_dim3A_2308 = arith.constant 0 : i32
      %broadcast_in_dim3A_2309 = vector.broadcast %broadcast_in_dim3A_2308 : i32 to vector<16xi32>
      %gather3A_2310 = arith.constant 2 : i32
      %gather3A_2311 = arith.constant 0 : i32
      %gather3A_2312 = arith.constant 0 : i32
      %gather3A_2313 = tpu.memref_slice %arg6[%gather3A_2310, %gather3A_2311, %gather3A_2312] : memref<3x16x2048xf32, #tpu.memory_space<vmem>> -> memref<1x16x2048xf32, #tpu.memory_space<vmem>>
      %gather3A_2314 = tpu.memref_squeeze %gather3A_2313 : memref<1x16x2048xf32, #tpu.memory_space<vmem>> -> memref<16x2048xf32, #tpu.memory_space<vmem>>
      %gather3A_2315 = tpu.vector_load_idx %gather3A_2314[%broadcast_in_dim3A_2309, %add3A_2303] : memref<16x2048xf32, #tpu.memory_space<vmem>>[vector<16xi32>, vector<16xi32>], vector<16xf32>,
      tpu.vector_store_idx %arg7[%broadcast_in_dim3A_2309, %add3A_2307], %gather3A_2315 : memref<16x512xf32, #tpu.memory_space<vmem>>[vector<16xi32>, vector<16xi32>], vector<16xf32>,
      %broadcast_in_dim3A_2316 = arith.constant 1 : i32
      %broadcast_in_dim3A_2317 = vector.broadcast %broadcast_in_dim3A_2316 : i32 to vector<16xi32>
      %gather3A_2318 = arith.constant 2 : i32
      %gather3A_2319 = arith.constant 0 : i32
      %gather3A_2320 = arith.constant 0 : i32
      %gather3A_2321 = tpu.memref_slice %arg6[%gather3A_2318, %gather3A_2319, %gather3A_2320] : memref<3x16x2048xf32, #tpu.memory_space<vmem>> -> memref<1x16x2048xf32, #tpu.memory_space<vmem>>
      %gather3A_2322 = tpu.memref_squeeze %gather3A_2321 : memref<1x16x2048xf32, #tpu.memory_space<vmem>> -> memref<16x2048xf32, #tpu.memory_space<vmem>>
      %gather3A_2323 = tpu.vector_load_idx %gather3A_2322[%broadcast_in_dim3A_2317, %add3A_2303] : memref<16x2048xf32, #tpu.memory_space<vmem>>[vector<16xi32>, vector<16xi32>], vector<16xf32>,
      tpu.vector_store_idx %arg7[%broadcast_in_dim3A_2317, %add3A_2307], %gather3A_2323 : memref<16x512xf32, #tpu.memory_space<vmem>>[vector<16xi32>, vector<16xi32>], vector<16xf32>,
      %broadcast_in_dim3A_2324 = arith.constant 2 : i32
      %broadcast_in_dim3A_2325 = vector.broadcast %broadcast_in_dim3A_2324 : i32 to vector<16xi32>
      %gather3A_2326 = arith.constant 2 : i32
      %gather3A_2327 = arith.constant 0 : i32
      %gather3A_2328 = arith.constant 0 : i32
      %gather3A_2329 = tpu.memref_slice %arg6[%gather3A_2326, %gather3A_2327, %gather3A_2328] : memref<3x16x2048xf32, #tpu.memory_space<vmem>> -> memref<1x16x2048xf32, #tpu.memory_space<vmem>>
      %gather3A_2330 = tpu.memref_squeeze %gather3A_2329 : memref<1x16x2048xf32, #tpu.memory_space<vmem>> -> memref<16x2048xf32, #tpu.memory_space<vmem>>
      %gather3A_2331 = tpu.vector_load_idx %gather3A_2330[%broadcast_in_dim3A_2325, %add3A_2303] : memref<16x2048xf32, #tpu.memory_space<vmem>>[vector<16xi32>, vector<16xi32>], vector<16xf32>,
      tpu.vector_store_idx %arg7[%broadcast_in_dim3A_2325, %add3A_2307], %gather3A_2331 : memref<16x512xf32, #tpu.memory_space<vmem>>[vector<16xi32>, vector<16xi32>], vector<16xf32>,
      %broadcast_in_dim3A_2332 = arith.constant 3 : i32
      %broadcast_in_dim3A_2333 = vector.broadcast %broadcast_in_dim3A_2332 : i32 to vector<16xi32>
      %gather3A_2334 = arith.constant 2 : i32
      %gather3A_2335 = arith.constant 0 : i32
      %gather3A_2336 = arith.constant 0 : i32
      %gather3A_2337 = tpu.memref_slice %arg6[%gather3A_2334, %gather3A_2335, %gather3A_2336] : memref<3x16x2048xf32, #tpu.memory_space<vmem>> -> memref<1x16x2048xf32, #tpu.memory_space<vmem>>
      %gather3A_2338 = tpu.memref_squeeze %gather3A_2337 : memref<1x16x2048xf32, #tpu.memory_space<vmem>> -> memref<16x2048xf32, #tpu.memory_space<vmem>>
      %gather3A_2339 = tpu.vector_load_idx %gather3A_2338[%broadcast_in_dim3A_2333, %add3A_2303] : memref<16x2048xf32, #tpu.memory_space<vmem>>[vector<16xi32>, vector<16xi32>], vector<16xf32>,
      tpu.vector_store_idx %arg7[%broadcast_in_dim3A_2333, %add3A_2307], %gather3A_2339 : memref<16x512xf32, #tpu.memory_space<vmem>>[vector<16xi32>, vector<16xi32>], vector<16xf32>,
      %broadcast_in_dim3A_2340 = arith.constant 4 : i32
      %broadcast_in_dim3A_2341 = vector.broadcast %broadcast_in_dim3A_2340 : i32 to vector<16xi32>
      %gather3A_2342 = arith.constant 2 : i32
      %gather3A_2343 = arith.constant 0 : i32
      %gather3A_2344 = arith.constant 0 : i32
      %gather3A_2345 = tpu.memref_slice %arg6[%gather3A_2342, %gather3A_2343, %gather3A_2344] : memref<3x16x2048xf32, #tpu.memory_space<vmem>> -> memref<1x16x2048xf32, #tpu.memory_space<vmem>>
      %gather3A_2346 = tpu.memref_squeeze %gather3A_2345 : memref<1x16x2048xf32, #tpu.memory_space<vmem>> -> memref<16x2048xf32, #tpu.memory_space<vmem>>
      %gather3A_2347 = tpu.vector_load_idx %gather3A_2346[%broadcast_in_dim3A_2341, %add3A_2303] : memref<16x2048xf32, #tpu.memory_space<vmem>>[vector<16xi32>, vector<16xi32>], vector<16xf32>,
      tpu.vector_store_idx %arg7[%broadcast_in_dim3A_2341, %add3A_2307], %gather3A_2347 : memref<16x512xf32, #tpu.memory_space<vmem>>[vector<16xi32>, vector<16xi32>], vector<16xf32>,
      %broadcast_in_dim3A_2348 = arith.constant 5 : i32
      %broadcast_in_dim3A_2349 = vector.broadcast %broadcast_in_dim3A_2348 : i32 to vector<16xi32>
      %gather3A_2350 = arith.constant 2 : i32
      %gather3A_2351 = arith.constant 0 : i32
      %gather3A_2352 = arith.constant 0 : i32
      %gather3A_2353 = tpu.memref_slice %arg6[%gather3A_2350, %gather3A_2351, %gather3A_2352] : memref<3x16x2048xf32, #tpu.memory_space<vmem>> -> memref<1x16x2048xf32, #tpu.memory_space<vmem>>
      %gather3A_2354 = tpu.memref_squeeze %gather3A_2353 : memref<1x16x2048xf32, #tpu.memory_space<vmem>> -> memref<16x2048xf32, #tpu.memory_space<vmem>>
      %gather3A_2355 = tpu.vector_load_idx %gather3A_2354[%broadcast_in_dim3A_2349, %add3A_2303] : memref<16x2048xf32, #tpu.memory_space<vmem>>[vector<16xi32>, vector<16xi32>], vector<16xf32>,
      tpu.vector_store_idx %arg7[%broadcast_in_dim3A_2349, %add3A_2307], %gather3A_2355 : memref<16x512xf32, #tpu.memory_space<vmem>>[vector<16xi32>, vector<16xi32>], vector<16xf32>,
      %broadcast_in_dim3A_2356 = arith.constant 6 : i32
      %broadcast_in_dim3A_2357 = vector.broadcast %broadcast_in_dim3A_2356 : i32 to vector<16xi32>
      %gather3A_2358 = arith.constant 2 : i32
      %gather3A_2359 = arith.constant 0 : i32
      %gather3A_2360 = arith.constant 0 : i32
      %gather3A_2361 = tpu.memref_slice %arg6[%gather3A_2358, %gather3A_2359, %gather3A_2360] : memref<3x16x2048xf32, #tpu.memory_space<vmem>> -> memref<1x16x2048xf32, #tpu.memory_space<vmem>>
      %gather3A_2362 = tpu.memref_squeeze %gather3A_2361 : memref<1x16x2048xf32, #tpu.memory_space<vmem>> -> memref<16x2048xf32, #tpu.memory_space<vmem>>
      %gather3A_2363 = tpu.vector_load_idx %gather3A_2362[%broadcast_in_dim3A_2357, %add3A_2303] : memref<16x2048xf32, #tpu.memory_space<vmem>>[vector<16xi32>, vector<16xi32>], vector<16xf32>,
      tpu.vector_store_idx %arg7[%broadcast_in_dim3A_2357, %add3A_2307], %gather3A_2363 : memref<16x512xf32, #tpu.memory_space<vmem>>[vector<16xi32>, vector<16xi32>], vector<16xf32>,
      %broadcast_in_dim3A_2364 = arith.constant 7 : i32
      %broadcast_in_dim3A_2365 = vector.broadcast %broadcast_in_dim3A_2364 : i32 to vector<16xi32>
      %gather3A_2366 = arith.constant 2 : i32
      %gather3A_2367 = arith.constant 0 : i32
      %gather3A_2368 = arith.constant 0 : i32
      %gather3A_2369 = tpu.memref_slice %arg6[%gather3A_2366, %gather3A_2367, %gather3A_2368] : memref<3x16x2048xf32, #tpu.memory_space<vmem>> -> memref<1x16x2048xf32, #tpu.memory_space<vmem>>
      %gather3A_2370 = tpu.memref_squeeze %gather3A_2369 : memref<1x16x2048xf32, #tpu.memory_space<vmem>> -> memref<16x2048xf32, #tpu.memory_space<vmem>>
      %gather3A_2371 = tpu.vector_load_idx %gather3A_2370[%broadcast_in_dim3A_2365, %add3A_2303] : memref<16x2048xf32, #tpu.memory_space<vmem>>[vector<16xi32>, vector<16xi32>], vector<16xf32>,
      tpu.vector_store_idx %arg7[%broadcast_in_dim3A_2365, %add3A_2307], %gather3A_2371 : memref<16x512xf32, #tpu.memory_space<vmem>>[vector<16xi32>, vector<16xi32>], vector<16xf32>,
      %broadcast_in_dim3A_2372 = arith.constant 8 : i32
      %broadcast_in_dim3A_2373 = vector.broadcast %broadcast_in_dim3A_2372 : i32 to vector<16xi32>
      %gather3A_2374 = arith.constant 2 : i32
      %gather3A_2375 = arith.constant 0 : i32
      %gather3A_2376 = arith.constant 0 : i32
      %gather3A_2377 = tpu.memref_slice %arg6[%gather3A_2374, %gather3A_2375, %gather3A_2376] : memref<3x16x2048xf32, #tpu.memory_space<vmem>> -> memref<1x16x2048xf32, #tpu.memory_space<vmem>>
      %gather3A_2378 = tpu.memref_squeeze %gather3A_2377 : memref<1x16x2048xf32, #tpu.memory_space<vmem>> -> memref<16x2048xf32, #tpu.memory_space<vmem>>
      %gather3A_2379 = tpu.vector_load_idx %gather3A_2378[%broadcast_in_dim3A_2373, %add3A_2303] : memref<16x2048xf32, #tpu.memory_space<vmem>>[vector<16xi32>, vector<16xi32>], vector<16xf32>,
      tpu.vector_store_idx %arg7[%broadcast_in_dim3A_2373, %add3A_2307], %gather3A_2379 : memref<16x512xf32, #tpu.memory_space<vmem>>[vector<16xi32>, vector<16xi32>], vector<16xf32>,
      %broadcast_in_dim3A_2380 = arith.constant 9 : i32
      %broadcast_in_dim3A_2381 = vector.broadcast %broadcast_in_dim3A_2380 : i32 to vector<16xi32>
      %gather3A_2382 = arith.constant 2 : i32
      %gather3A_2383 = arith.constant 0 : i32
      %gather3A_2384 = arith.constant 0 : i32
      %gather3A_2385 = tpu.memref_slice %arg6[%gather3A_2382, %gather3A_2383, %gather3A_2384] : memref<3x16x2048xf32, #tpu.memory_space<vmem>> -> memref<1x16x2048xf32, #tpu.memory_space<vmem>>
      %gather3A_2386 = tpu.memref_squeeze %gather3A_2385 : memref<1x16x2048xf32, #tpu.memory_space<vmem>> -> memref<16x2048xf32, #tpu.memory_space<vmem>>
      %gather3A_2387 = tpu.vector_load_idx %gather3A_2386[%broadcast_in_dim3A_2381, %add3A_2303] : memref<16x2048xf32, #tpu.memory_space<vmem>>[vector<16xi32>, vector<16xi32>], vector<16xf32>,
      tpu.vector_store_idx %arg7[%broadcast_in_dim3A_2381, %add3A_2307], %gather3A_2387 : memref<16x512xf32, #tpu.memory_space<vmem>>[vector<16xi32>, vector<16xi32>], vector<16xf32>,
      %broadcast_in_dim3A_2388 = arith.constant 10 : i32
      %broadcast_in_dim3A_2389 = vector.broadcast %broadcast_in_dim3A_2388 : i32 to vector<16xi32>
      %gather3A_2390 = arith.constant 2 : i32
      %gather3A_2391 = arith.constant 0 : i32
      %gather3A_2392 = arith.constant 0 : i32
      %gather3A_2393 = tpu.memref_slice %arg6[%gather3A_2390, %gather3A_2391, %gather3A_2392] : memref<3x16x2048xf32, #tpu.memory_space<vmem>> -> memref<1x16x2048xf32, #tpu.memory_space<vmem>>
      %gather3A_2394 = tpu.memref_squeeze %gather3A_2393 : memref<1x16x2048xf32, #tpu.memory_space<vmem>> -> memref<16x2048xf32, #tpu.memory_space<vmem>>
      %gather3A_2395 = tpu.vector_load_idx %gather3A_2394[%broadcast_in_dim3A_2389, %add3A_2303] : memref<16x2048xf32, #tpu.memory_space<vmem>>[vector<16xi32>, vector<16xi32>], vector<16xf32>,
      tpu.vector_store_idx %arg7[%broadcast_in_dim3A_2389, %add3A_2307], %gather3A_2395 : memref<16x512xf32, #tpu.memory_space<vmem>>[vector<16xi32>, vector<16xi32>], vector<16xf32>,
      %broadcast_in_dim3A_2396 = arith.constant 11 : i32
      %broadcast_in_dim3A_2397 = vector.broadcast %broadcast_in_dim3A_2396 : i32 to vector<16xi32>
      %gather3A_2398 = arith.constant 2 : i32
      %gather3A_2399 = arith.constant 0 : i32
      %gather3A_2400 = arith.constant 0 : i32
      %gather3A_2401 = tpu.memref_slice %arg6[%gather3A_2398, %gather3A_2399, %gather3A_2400] : memref<3x16x2048xf32, #tpu.memory_space<vmem>> -> memref<1x16x2048xf32, #tpu.memory_space<vmem>>
      %gather3A_2402 = tpu.memref_squeeze %gather3A_2401 : memref<1x16x2048xf32, #tpu.memory_space<vmem>> -> memref<16x2048xf32, #tpu.memory_space<vmem>>
      %gather3A_2403 = tpu.vector_load_idx %gather3A_2402[%broadcast_in_dim3A_2397, %add3A_2303] : memref<16x2048xf32, #tpu.memory_space<vmem>>[vector<16xi32>, vector<16xi32>], vector<16xf32>,
      tpu.vector_store_idx %arg7[%broadcast_in_dim3A_2397, %add3A_2307], %gather3A_2403 : memref<16x512xf32, #tpu.memory_space<vmem>>[vector<16xi32>, vector<16xi32>], vector<16xf32>,
      %broadcast_in_dim3A_2404 = arith.constant 12 : i32
      %broadcast_in_dim3A_2405 = vector.broadcast %broadcast_in_dim3A_2404 : i32 to vector<16xi32>
      %gather3A_2406 = arith.constant 2 : i32
      %gather3A_2407 = arith.constant 0 : i32
      %gather3A_2408 = arith.constant 0 : i32
      %gather3A_2409 = tpu.memref_slice %arg6[%gather3A_2406, %gather3A_2407, %gather3A_2408] : memref<3x16x2048xf32, #tpu.memory_space<vmem>> -> memref<1x16x2048xf32, #tpu.memory_space<vmem>>
      %gather3A_2410 = tpu.memref_squeeze %gather3A_2409 : memref<1x16x2048xf32, #tpu.memory_space<vmem>> -> memref<16x2048xf32, #tpu.memory_space<vmem>>
      %gather3A_2411 = tpu.vector_load_idx %gather3A_2410[%broadcast_in_dim3A_2405, %add3A_2303] : memref<16x2048xf32, #tpu.memory_space<vmem>>[vector<16xi32>, vector<16xi32>], vector<16xf32>,
      tpu.vector_store_idx %arg7[%broadcast_in_dim3A_2405, %add3A_2307], %gather3A_2411 : memref<16x512xf32, #tpu.memory_space<vmem>>[vector<16xi32>, vector<16xi32>], vector<16xf32>,
      %broadcast_in_dim3A_2412 = arith.constant 13 : i32
      %broadcast_in_dim3A_2413 = vector.broadcast %broadcast_in_dim3A_2412 : i32 to vector<16xi32>
      %gather3A_2414 = arith.constant 2 : i32
      %gather3A_2415 = arith.constant 0 : i32
      %gather3A_2416 = arith.constant 0 : i32
      %gather3A_2417 = tpu.memref_slice %arg6[%gather3A_2414, %gather3A_2415, %gather3A_2416] : memref<3x16x2048xf32, #tpu.memory_space<vmem>> -> memref<1x16x2048xf32, #tpu.memory_space<vmem>>
      %gather3A_2418 = tpu.memref_squeeze %gather3A_2417 : memref<1x16x2048xf32, #tpu.memory_space<vmem>> -> memref<16x2048xf32, #tpu.memory_space<vmem>>
      %gather3A_2419 = tpu.vector_load_idx %gather3A_2418[%broadcast_in_dim3A_2413, %add3A_2303] : memref<16x2048xf32, #tpu.memory_space<vmem>>[vector<16xi32>, vector<16xi32>], vector<16xf32>,
      tpu.vector_store_idx %arg7[%broadcast_in_dim3A_2413, %add3A_2307], %gather3A_2419 : memref<16x512xf32, #tpu.memory_space<vmem>>[vector<16xi32>, vector<16xi32>], vector<16xf32>,
      %broadcast_in_dim3A_2420 = arith.constant 14 : i32
      %broadcast_in_dim3A_2421 = vector.broadcast %broadcast_in_dim3A_2420 : i32 to vector<16xi32>
      %gather3A_2422 = arith.constant 2 : i32
      %gather3A_2423 = arith.constant 0 : i32
      %gather3A_2424 = arith.constant 0 : i32
      %gather3A_2425 = tpu.memref_slice %arg6[%gather3A_2422, %gather3A_2423, %gather3A_2424] : memref<3x16x2048xf32, #tpu.memory_space<vmem>> -> memref<1x16x2048xf32, #tpu.memory_space<vmem>>
      %gather3A_2426 = tpu.memref_squeeze %gather3A_2425 : memref<1x16x2048xf32, #tpu.memory_space<vmem>> -> memref<16x2048xf32, #tpu.memory_space<vmem>>
      %gather3A_2427 = tpu.vector_load_idx %gather3A_2426[%broadcast_in_dim3A_2421, %add3A_2303] : memref<16x2048xf32, #tpu.memory_space<vmem>>[vector<16xi32>, vector<16xi32>], vector<16xf32>,
      tpu.vector_store_idx %arg7[%broadcast_in_dim3A_2421, %add3A_2307], %gather3A_2427 : memref<16x512xf32, #tpu.memory_space<vmem>>[vector<16xi32>, vector<16xi32>], vector<16xf32>,
      %broadcast_in_dim3A_2428 = arith.constant 15 : i32
      %broadcast_in_dim3A_2429 = vector.broadcast %broadcast_in_dim3A_2428 : i32 to vector<16xi32>
      %gather3A_2430 = arith.constant 2 : i32
      %gather3A_2431 = arith.constant 0 : i32
      %gather3A_2432 = arith.constant 0 : i32
      %gather3A_2433 = tpu.memref_slice %arg6[%gather3A_2430, %gather3A_2431, %gather3A_2432] : memref<3x16x2048xf32, #tpu.memory_space<vmem>> -> memref<1x16x2048xf32, #tpu.memory_space<vmem>>
      %gather3A_2434 = tpu.memref_squeeze %gather3A_2433 : memref<1x16x2048xf32, #tpu.memory_space<vmem>> -> memref<16x2048xf32, #tpu.memory_space<vmem>>
      %gather3A_2435 = tpu.vector_load_idx %gather3A_2434[%broadcast_in_dim3A_2429, %add3A_2303] : memref<16x2048xf32, #tpu.memory_space<vmem>>[vector<16xi32>, vector<16xi32>], vector<16xf32>,
      tpu.vector_store_idx %arg7[%broadcast_in_dim3A_2429, %add3A_2307], %gather3A_2435 : memref<16x512xf32, #tpu.memory_space<vmem>>[vector<16xi32>, vector<16xi32>], vector<16xf32>,
    }
    %scan3A_646 = arith.constant 10 : i32
    %dma_wait3A_647 = arith.constant 0 : i32
    %dma_wait3A_648 = arith.constant 0 : i32
    %dma_wait3A_649 = arith.constant 0 : i32
    %dma_wait3A_650 = tpu.memref_slice %arg6[%dma_wait3A_647, %dma_wait3A_648, %dma_wait3A_649] : memref<3x16x2048xf32, #tpu.memory_space<vmem>> -> memref<1x16x2048xf32, #tpu.memory_space<vmem>>
    %dma_wait3A_651 = tpu.memref_squeeze %dma_wait3A_650 : memref<1x16x2048xf32, #tpu.memory_space<vmem>> -> memref<16x2048xf32, #tpu.memory_space<vmem>>
    %dma_wait3A_652 = arith.constant 0 : i32
    %dma_wait3A_653 = arith.constant 0 : i32
    %dma_wait3A_654 = tpu.memref_slice %arg2[%dma_wait3A_652, %dma_wait3A_653] : memref<16x1000000xf32, #tpu.memory_space<hbm>> -> memref<16x2048xf32, #tpu.memory_space<hbm>>
    %dma_wait3A_655 = arith.constant 0 : i32
    %dma_wait3A_656 = arith.constant 0 : i32
    %dma_wait3A_657 = tpu.memref_slice %arg6[%dma_wait3A_647, %dma_wait3A_655, %dma_wait3A_656] : memref<3x16x2048xf32, #tpu.memory_space<vmem>> -> memref<1x16x2048xf32, #tpu.memory_space<vmem>>
    %dma_wait3A_658 = tpu.memref_squeeze %dma_wait3A_657 : memref<1x16x2048xf32, #tpu.memory_space<vmem>> -> memref<16x2048xf32, #tpu.memory_space<vmem>>
    %dma_wait3A_659 = arith.constant 0 : i32
    %dma_wait3A_660 = arith.constant 0 : i32
    %dma_wait3A_661 = tpu.memref_slice %arg2[%dma_wait3A_659, %dma_wait3A_660] : memref<16x1000000xf32, #tpu.memory_space<hbm>> -> memref<16x2048xf32, #tpu.memory_space<hbm>>
    tpu.wait_dma2 semaphore(%arg8 : memref<!tpu.dma_semaphore, #tpu.memory_space<semaphore_mem>>) src(%dma_wait3A_661 : memref<16x2048xf32, #tpu.memory_space<hbm>>) dst(%dma_wait3A_658 : memref<16x2048xf32, #tpu.memory_space<vmem>>)
    %get3A_662 = arith.constant 480 : index
    %get3A_663 = tpu.vector_load %arg5[%get3A_662] {strides = array<i32>} : memref<512xi32, #tpu.memory_space<vmem>>, vector<16xi32>,
    %mul3A_664 = arith.constant 128 : i32
    %mul3A_665 = vector.broadcast %mul3A_664 : i32 to vector<16xi32>
    %mul3A_666 = arith.muli %iota3A, %mul3A_665 : vector<16xi32>
    %and3A = arith.constant 127 : i32
    %and3A_667 = vector.broadcast %and3A : i32 to vector<16xi32>
    %and3A_668 = arith.andi %get3A_663, %and3A_667 : vector<16xi32>
    %add3A_669 = arith.addi %mul3A_666, %and3A_668 : vector<16xi32>
    %add3A_670 = arith.constant 480 : i32
    %add3A_671 = vector.broadcast %add3A_670 : i32 to vector<16xi32>
    %add3A_672 = arith.addi %iota3A, %add3A_671 : vector<16xi32>
    %broadcast_in_dim3A = arith.constant 0 : i32
    %broadcast_in_dim3A_673 = vector.broadcast %broadcast_in_dim3A : i32 to vector<16xi32>
    %gather3A = arith.constant 0 : i32
    %gather3A_674 = arith.constant 0 : i32
    %gather3A_675 = arith.constant 0 : i32
    %gather3A_676 = tpu.memref_slice %arg6[%gather3A, %gather3A_674, %gather3A_675] : memref<3x16x2048xf32, #tpu.memory_space<vmem>> -> memref<1x16x2048xf32, #tpu.memory_space<vmem>>
    %gather3A_677 = tpu.memref_squeeze %gather3A_676 : memref<1x16x2048xf32, #tpu.memory_space<vmem>> -> memref<16x2048xf32, #tpu.memory_space<vmem>>
    %gather3A_678 = tpu.vector_load_idx %gather3A_677[%broadcast_in_dim3A_673, %add3A_669] : memref<16x2048xf32, #tpu.memory_space<vmem>>[vector<16xi32>, vector<16xi32>], vector<16xf32>,
    tpu.vector_store_idx %arg7[%broadcast_in_dim3A_673, %add3A_672], %gather3A_678 : memref<16x512xf32, #tpu.memory_space<vmem>>[vector<16xi32>, vector<16xi32>], vector<16xf32>,
    %broadcast_in_dim3A_679 = arith.constant 1 : i32
    %broadcast_in_dim3A_680 = vector.broadcast %broadcast_in_dim3A_679 : i32 to vector<16xi32>
    %gather3A_681 = arith.constant 0 : i32
    %gather3A_682 = arith.constant 0 : i32
    %gather3A_683 = arith.constant 0 : i32
    %gather3A_684 = tpu.memref_slice %arg6[%gather3A_681, %gather3A_682, %gather3A_683] : memref<3x16x2048xf32, #tpu.memory_space<vmem>> -> memref<1x16x2048xf32, #tpu.memory_space<vmem>>
    %gather3A_685 = tpu.memref_squeeze %gather3A_684 : memref<1x16x2048xf32, #tpu.memory_space<vmem>> -> memref<16x2048xf32, #tpu.memory_space<vmem>>
    %gather3A_686 = tpu.vector_load_idx %gather3A_685[%broadcast_in_dim3A_680, %add3A_669] : memref<16x2048xf32, #tpu.memory_space<vmem>>[vector<16xi32>, vector<16xi32>], vector<16xf32>,
    tpu.vector_store_idx %arg7[%broadcast_in_dim3A_680, %add3A_672], %gather3A_686 : memref<16x512xf32, #tpu.memory_space<vmem>>[vector<16xi32>, vector<16xi32>], vector<16xf32>,
    %broadcast_in_dim3A_687 = arith.constant 2 : i32
    %broadcast_in_dim3A_688 = vector.broadcast %broadcast_in_dim3A_687 : i32 to vector<16xi32>
    %gather3A_689 = arith.constant 0 : i32
    %gather3A_690 = arith.constant 0 : i32
    %gather3A_691 = arith.constant 0 : i32
    %gather3A_692 = tpu.memref_slice %arg6[%gather3A_689, %gather3A_690, %gather3A_691] : memref<3x16x2048xf32, #tpu.memory_space<vmem>> -> memref<1x16x2048xf32, #tpu.memory_space<vmem>>
    %gather3A_693 = tpu.memref_squeeze %gather3A_692 : memref<1x16x2048xf32, #tpu.memory_space<vmem>> -> memref<16x2048xf32, #tpu.memory_space<vmem>>
    %gather3A_694 = tpu.vector_load_idx %gather3A_693[%broadcast_in_dim3A_688, %add3A_669] : memref<16x2048xf32, #tpu.memory_space<vmem>>[vector<16xi32>, vector<16xi32>], vector<16xf32>,
    tpu.vector_store_idx %arg7[%broadcast_in_dim3A_688, %add3A_672], %gather3A_694 : memref<16x512xf32, #tpu.memory_space<vmem>>[vector<16xi32>, vector<16xi32>], vector<16xf32>,
    %broadcast_in_dim3A_695 = arith.constant 3 : i32
    %broadcast_in_dim3A_696 = vector.broadcast %broadcast_in_dim3A_695 : i32 to vector<16xi32>
    %gather3A_697 = arith.constant 0 : i32
    %gather3A_698 = arith.constant 0 : i32
    %gather3A_699 = arith.constant 0 : i32
    %gather3A_700 = tpu.memref_slice %arg6[%gather3A_697, %gather3A_698, %gather3A_699] : memref<3x16x2048xf32, #tpu.memory_space<vmem>> -> memref<1x16x2048xf32, #tpu.memory_space<vmem>>
    %gather3A_701 = tpu.memref_squeeze %gather3A_700 : memref<1x16x2048xf32, #tpu.memory_space<vmem>> -> memref<16x2048xf32, #tpu.memory_space<vmem>>
    %gather3A_702 = tpu.vector_load_idx %gather3A_701[%broadcast_in_dim3A_696, %add3A_669] : memref<16x2048xf32, #tpu.memory_space<vmem>>[vector<16xi32>, vector<16xi32>], vector<16xf32>,
    tpu.vector_store_idx %arg7[%broadcast_in_dim3A_696, %add3A_672], %gather3A_702 : memref<16x512xf32, #tpu.memory_space<vmem>>[vector<16xi32>, vector<16xi32>], vector<16xf32>,
    %broadcast_in_dim3A_703 = arith.constant 4 : i32
    %broadcast_in_dim3A_704 = vector.broadcast %broadcast_in_dim3A_703 : i32 to vector<16xi32>
    %gather3A_705 = arith.constant 0 : i32
    %gather3A_706 = arith.constant 0 : i32
    %gather3A_707 = arith.constant 0 : i32
    %gather3A_708 = tpu.memref_slice %arg6[%gather3A_705, %gather3A_706, %gather3A_707] : memref<3x16x2048xf32, #tpu.memory_space<vmem>> -> memref<1x16x2048xf32, #tpu.memory_space<vmem>>
    %gather3A_709 = tpu.memref_squeeze %gather3A_708 : memref<1x16x2048xf32, #tpu.memory_space<vmem>> -> memref<16x2048xf32, #tpu.memory_space<vmem>>
    %gather3A_710 = tpu.vector_load_idx %gather3A_709[%broadcast_in_dim3A_704, %add3A_669] : memref<16x2048xf32, #tpu.memory_space<vmem>>[vector<16xi32>, vector<16xi32>], vector<16xf32>,
    tpu.vector_store_idx %arg7[%broadcast_in_dim3A_704, %add3A_672], %gather3A_710 : memref<16x512xf32, #tpu.memory_space<vmem>>[vector<16xi32>, vector<16xi32>], vector<16xf32>,
    %broadcast_in_dim3A_711 = arith.constant 5 : i32
    %broadcast_in_dim3A_712 = vector.broadcast %broadcast_in_dim3A_711 : i32 to vector<16xi32>
    %gather3A_713 = arith.constant 0 : i32
    %gather3A_714 = arith.constant 0 : i32
    %gather3A_715 = arith.constant 0 : i32
    %gather3A_716 = tpu.memref_slice %arg6[%gather3A_713, %gather3A_714, %gather3A_715] : memref<3x16x2048xf32, #tpu.memory_space<vmem>> -> memref<1x16x2048xf32, #tpu.memory_space<vmem>>
    %gather3A_717 = tpu.memref_squeeze %gather3A_716 : memref<1x16x2048xf32, #tpu.memory_space<vmem>> -> memref<16x2048xf32, #tpu.memory_space<vmem>>
    %gather3A_718 = tpu.vector_load_idx %gather3A_717[%broadcast_in_dim3A_712, %add3A_669] : memref<16x2048xf32, #tpu.memory_space<vmem>>[vector<16xi32>, vector<16xi32>], vector<16xf32>,
    tpu.vector_store_idx %arg7[%broadcast_in_dim3A_712, %add3A_672], %gather3A_718 : memref<16x512xf32, #tpu.memory_space<vmem>>[vector<16xi32>, vector<16xi32>], vector<16xf32>,
    %broadcast_in_dim3A_719 = arith.constant 6 : i32
    %broadcast_in_dim3A_720 = vector.broadcast %broadcast_in_dim3A_719 : i32 to vector<16xi32>
    %gather3A_721 = arith.constant 0 : i32
    %gather3A_722 = arith.constant 0 : i32
    %gather3A_723 = arith.constant 0 : i32
    %gather3A_724 = tpu.memref_slice %arg6[%gather3A_721, %gather3A_722, %gather3A_723] : memref<3x16x2048xf32, #tpu.memory_space<vmem>> -> memref<1x16x2048xf32, #tpu.memory_space<vmem>>
    %gather3A_725 = tpu.memref_squeeze %gather3A_724 : memref<1x16x2048xf32, #tpu.memory_space<vmem>> -> memref<16x2048xf32, #tpu.memory_space<vmem>>
    %gather3A_726 = tpu.vector_load_idx %gather3A_725[%broadcast_in_dim3A_720, %add3A_669] : memref<16x2048xf32, #tpu.memory_space<vmem>>[vector<16xi32>, vector<16xi32>], vector<16xf32>,
    tpu.vector_store_idx %arg7[%broadcast_in_dim3A_720, %add3A_672], %gather3A_726 : memref<16x512xf32, #tpu.memory_space<vmem>>[vector<16xi32>, vector<16xi32>], vector<16xf32>,
    %broadcast_in_dim3A_727 = arith.constant 7 : i32
    %broadcast_in_dim3A_728 = vector.broadcast %broadcast_in_dim3A_727 : i32 to vector<16xi32>
    %gather3A_729 = arith.constant 0 : i32
    %gather3A_730 = arith.constant 0 : i32
    %gather3A_731 = arith.constant 0 : i32
    %gather3A_732 = tpu.memref_slice %arg6[%gather3A_729, %gather3A_730, %gather3A_731] : memref<3x16x2048xf32, #tpu.memory_space<vmem>> -> memref<1x16x2048xf32, #tpu.memory_space<vmem>>
    %gather3A_733 = tpu.memref_squeeze %gather3A_732 : memref<1x16x2048xf32, #tpu.memory_space<vmem>> -> memref<16x2048xf32, #tpu.memory_space<vmem>>
    %gather3A_734 = tpu.vector_load_idx %gather3A_733[%broadcast_in_dim3A_728, %add3A_669] : memref<16x2048xf32, #tpu.memory_space<vmem>>[vector<16xi32>, vector<16xi32>], vector<16xf32>,
    tpu.vector_store_idx %arg7[%broadcast_in_dim3A_728, %add3A_672], %gather3A_734 : memref<16x512xf32, #tpu.memory_space<vmem>>[vector<16xi32>, vector<16xi32>], vector<16xf32>,
    %broadcast_in_dim3A_735 = arith.constant 8 : i32
    %broadcast_in_dim3A_736 = vector.broadcast %broadcast_in_dim3A_735 : i32 to vector<16xi32>
    %gather3A_737 = arith.constant 0 : i32
    %gather3A_738 = arith.constant 0 : i32
    %gather3A_739 = arith.constant 0 : i32
    %gather3A_740 = tpu.memref_slice %arg6[%gather3A_737, %gather3A_738, %gather3A_739] : memref<3x16x2048xf32, #tpu.memory_space<vmem>> -> memref<1x16x2048xf32, #tpu.memory_space<vmem>>
    %gather3A_741 = tpu.memref_squeeze %gather3A_740 : memref<1x16x2048xf32, #tpu.memory_space<vmem>> -> memref<16x2048xf32, #tpu.memory_space<vmem>>
    %gather3A_742 = tpu.vector_load_idx %gather3A_741[%broadcast_in_dim3A_736, %add3A_669] : memref<16x2048xf32, #tpu.memory_space<vmem>>[vector<16xi32>, vector<16xi32>], vector<16xf32>,
    tpu.vector_store_idx %arg7[%broadcast_in_dim3A_736, %add3A_672], %gather3A_742 : memref<16x512xf32, #tpu.memory_space<vmem>>[vector<16xi32>, vector<16xi32>], vector<16xf32>,
    %broadcast_in_dim3A_743 = arith.constant 9 : i32
    %broadcast_in_dim3A_744 = vector.broadcast %broadcast_in_dim3A_743 : i32 to vector<16xi32>
    %gather3A_745 = arith.constant 0 : i32
    %gather3A_746 = arith.constant 0 : i32
    %gather3A_747 = arith.constant 0 : i32
    %gather3A_748 = tpu.memref_slice %arg6[%gather3A_745, %gather3A_746, %gather3A_747] : memref<3x16x2048xf32, #tpu.memory_space<vmem>> -> memref<1x16x2048xf32, #tpu.memory_space<vmem>>
    %gather3A_749 = tpu.memref_squeeze %gather3A_748 : memref<1x16x2048xf32, #tpu.memory_space<vmem>> -> memref<16x2048xf32, #tpu.memory_space<vmem>>
    %gather3A_750 = tpu.vector_load_idx %gather3A_749[%broadcast_in_dim3A_744, %add3A_669] : memref<16x2048xf32, #tpu.memory_space<vmem>>[vector<16xi32>, vector<16xi32>], vector<16xf32>,
    tpu.vector_store_idx %arg7[%broadcast_in_dim3A_744, %add3A_672], %gather3A_750 : memref<16x512xf32, #tpu.memory_space<vmem>>[vector<16xi32>, vector<16xi32>], vector<16xf32>,
    %broadcast_in_dim3A_751 = arith.constant 10 : i32
    %broadcast_in_dim3A_752 = vector.broadcast %broadcast_in_dim3A_751 : i32 to vector<16xi32>
    %gather3A_753 = arith.constant 0 : i32
    %gather3A_754 = arith.constant 0 : i32
    %gather3A_755 = arith.constant 0 : i32
    %gather3A_756 = tpu.memref_slice %arg6[%gather3A_753, %gather3A_754, %gather3A_755] : memref<3x16x2048xf32, #tpu.memory_space<vmem>> -> memref<1x16x2048xf32, #tpu.memory_space<vmem>>
    %gather3A_757 = tpu.memref_squeeze %gather3A_756 : memref<1x16x2048xf32, #tpu.memory_space<vmem>> -> memref<16x2048xf32, #tpu.memory_space<vmem>>
    %gather3A_758 = tpu.vector_load_idx %gather3A_757[%broadcast_in_dim3A_752, %add3A_669] : memref<16x2048xf32, #tpu.memory_space<vmem>>[vector<16xi32>, vector<16xi32>], vector<16xf32>,
    tpu.vector_store_idx %arg7[%broadcast_in_dim3A_752, %add3A_672], %gather3A_758 : memref<16x512xf32, #tpu.memory_space<vmem>>[vector<16xi32>, vector<16xi32>], vector<16xf32>,
    %broadcast_in_dim3A_759 = arith.constant 11 : i32
    %broadcast_in_dim3A_760 = vector.broadcast %broadcast_in_dim3A_759 : i32 to vector<16xi32>
    %gather3A_761 = arith.constant 0 : i32
    %gather3A_762 = arith.constant 0 : i32
    %gather3A_763 = arith.constant 0 : i32
    %gather3A_764 = tpu.memref_slice %arg6[%gather3A_761, %gather3A_762, %gather3A_763] : memref<3x16x2048xf32, #tpu.memory_space<vmem>> -> memref<1x16x2048xf32, #tpu.memory_space<vmem>>
    %gather3A_765 = tpu.memref_squeeze %gather3A_764 : memref<1x16x2048xf32, #tpu.memory_space<vmem>> -> memref<16x2048xf32, #tpu.memory_space<vmem>>
    %gather3A_766 = tpu.vector_load_idx %gather3A_765[%broadcast_in_dim3A_760, %add3A_669] : memref<16x2048xf32, #tpu.memory_space<vmem>>[vector<16xi32>, vector<16xi32>], vector<16xf32>,
    tpu.vector_store_idx %arg7[%broadcast_in_dim3A_760, %add3A_672], %gather3A_766 : memref<16x512xf32, #tpu.memory_space<vmem>>[vector<16xi32>, vector<16xi32>], vector<16xf32>,
    %broadcast_in_dim3A_767 = arith.constant 12 : i32
    %broadcast_in_dim3A_768 = vector.broadcast %broadcast_in_dim3A_767 : i32 to vector<16xi32>
    %gather3A_769 = arith.constant 0 : i32
    %gather3A_770 = arith.constant 0 : i32
    %gather3A_771 = arith.constant 0 : i32
    %gather3A_772 = tpu.memref_slice %arg6[%gather3A_769, %gather3A_770, %gather3A_771] : memref<3x16x2048xf32, #tpu.memory_space<vmem>> -> memref<1x16x2048xf32, #tpu.memory_space<vmem>>
    %gather3A_773 = tpu.memref_squeeze %gather3A_772 : memref<1x16x2048xf32, #tpu.memory_space<vmem>> -> memref<16x2048xf32, #tpu.memory_space<vmem>>
    %gather3A_774 = tpu.vector_load_idx %gather3A_773[%broadcast_in_dim3A_768, %add3A_669] : memref<16x2048xf32, #tpu.memory_space<vmem>>[vector<16xi32>, vector<16xi32>], vector<16xf32>,
    tpu.vector_store_idx %arg7[%broadcast_in_dim3A_768, %add3A_672], %gather3A_774 : memref<16x512xf32, #tpu.memory_space<vmem>>[vector<16xi32>, vector<16xi32>], vector<16xf32>,
    %broadcast_in_dim3A_775 = arith.constant 13 : i32
    %broadcast_in_dim3A_776 = vector.broadcast %broadcast_in_dim3A_775 : i32 to vector<16xi32>
    %gather3A_777 = arith.constant 0 : i32
    %gather3A_778 = arith.constant 0 : i32
    %gather3A_779 = arith.constant 0 : i32
    %gather3A_780 = tpu.memref_slice %arg6[%gather3A_777, %gather3A_778, %gather3A_779] : memref<3x16x2048xf32, #tpu.memory_space<vmem>> -> memref<1x16x2048xf32, #tpu.memory_space<vmem>>
    %gather3A_781 = tpu.memref_squeeze %gather3A_780 : memref<1x16x2048xf32, #tpu.memory_space<vmem>> -> memref<16x2048xf32, #tpu.memory_space<vmem>>
    %gather3A_782 = tpu.vector_load_idx %gather3A_781[%broadcast_in_dim3A_776, %add3A_669] : memref<16x2048xf32, #tpu.memory_space<vmem>>[vector<16xi32>, vector<16xi32>], vector<16xf32>,
    tpu.vector_store_idx %arg7[%broadcast_in_dim3A_776, %add3A_672], %gather3A_782 : memref<16x512xf32, #tpu.memory_space<vmem>>[vector<16xi32>, vector<16xi32>], vector<16xf32>,
    %broadcast_in_dim3A_783 = arith.constant 14 : i32
    %broadcast_in_dim3A_784 = vector.broadcast %broadcast_in_dim3A_783 : i32 to vector<16xi32>
    %gather3A_785 = arith.constant 0 : i32
    %gather3A_786 = arith.constant 0 : i32
    %gather3A_787 = arith.constant 0 : i32
    %gather3A_788 = tpu.memref_slice %arg6[%gather3A_785, %gather3A_786, %gather3A_787] : memref<3x16x2048xf32, #tpu.memory_space<vmem>> -> memref<1x16x2048xf32, #tpu.memory_space<vmem>>
    %gather3A_789 = tpu.memref_squeeze %gather3A_788 : memref<1x16x2048xf32, #tpu.memory_space<vmem>> -> memref<16x2048xf32, #tpu.memory_space<vmem>>
    %gather3A_790 = tpu.vector_load_idx %gather3A_789[%broadcast_in_dim3A_784, %add3A_669] : memref<16x2048xf32, #tpu.memory_space<vmem>>[vector<16xi32>, vector<16xi32>], vector<16xf32>,
    tpu.vector_store_idx %arg7[%broadcast_in_dim3A_784, %add3A_672], %gather3A_790 : memref<16x512xf32, #tpu.memory_space<vmem>>[vector<16xi32>, vector<16xi32>], vector<16xf32>,
    %broadcast_in_dim3A_791 = arith.constant 15 : i32
    %broadcast_in_dim3A_792 = vector.broadcast %broadcast_in_dim3A_791 : i32 to vector<16xi32>
    %gather3A_793 = arith.constant 0 : i32
    %gather3A_794 = arith.constant 0 : i32
    %gather3A_795 = arith.constant 0 : i32
    %gather3A_796 = tpu.memref_slice %arg6[%gather3A_793, %gather3A_794, %gather3A_795] : memref<3x16x2048xf32, #tpu.memory_space<vmem>> -> memref<1x16x2048xf32, #tpu.memory_space<vmem>>
    %gather3A_797 = tpu.memref_squeeze %gather3A_796 : memref<1x16x2048xf32, #tpu.memory_space<vmem>> -> memref<16x2048xf32, #tpu.memory_space<vmem>>
    %gather3A_798 = tpu.vector_load_idx %gather3A_797[%broadcast_in_dim3A_792, %add3A_669] : memref<16x2048xf32, #tpu.memory_space<vmem>>[vector<16xi32>, vector<16xi32>], vector<16xf32>,
    tpu.vector_store_idx %arg7[%broadcast_in_dim3A_792, %add3A_672], %gather3A_798 : memref<16x512xf32, #tpu.memory_space<vmem>>[vector<16xi32>, vector<16xi32>], vector<16xf32>,
    %dma_wait3A_799 = arith.constant 1 : i32
    %dma_wait3A_800 = arith.constant 0 : i32
    %dma_wait3A_801 = arith.constant 0 : i32
    %dma_wait3A_802 = tpu.memref_slice %arg6[%dma_wait3A_799, %dma_wait3A_800, %dma_wait3A_801] : memref<3x16x2048xf32, #tpu.memory_space<vmem>> -> memref<1x16x2048xf32, #tpu.memory_space<vmem>>
    %dma_wait3A_803 = tpu.memref_squeeze %dma_wait3A_802 : memref<1x16x2048xf32, #tpu.memory_space<vmem>> -> memref<16x2048xf32, #tpu.memory_space<vmem>>
    %dma_wait3A_804 = arith.constant 0 : i32
    %dma_wait3A_805 = arith.constant 0 : i32
    %dma_wait3A_806 = tpu.memref_slice %arg2[%dma_wait3A_804, %dma_wait3A_805] : memref<16x1000000xf32, #tpu.memory_space<hbm>> -> memref<16x2048xf32, #tpu.memory_space<hbm>>
    %dma_wait3A_807 = arith.constant 0 : i32
    %dma_wait3A_808 = arith.constant 0 : i32
    %dma_wait3A_809 = tpu.memref_slice %arg6[%dma_wait3A_799, %dma_wait3A_807, %dma_wait3A_808] : memref<3x16x2048xf32, #tpu.memory_space<vmem>> -> memref<1x16x2048xf32, #tpu.memory_space<vmem>>
    %dma_wait3A_810 = tpu.memref_squeeze %dma_wait3A_809 : memref<1x16x2048xf32, #tpu.memory_space<vmem>> -> memref<16x2048xf32, #tpu.memory_space<vmem>>
    %dma_wait3A_811 = arith.constant 0 : i32
    %dma_wait3A_812 = arith.constant 0 : i32
    %dma_wait3A_813 = tpu.memref_slice %arg2[%dma_wait3A_811, %dma_wait3A_812] : memref<16x1000000xf32, #tpu.memory_space<hbm>> -> memref<16x2048xf32, #tpu.memory_space<hbm>>
    tpu.wait_dma2 semaphore(%arg9 : memref<!tpu.dma_semaphore, #tpu.memory_space<semaphore_mem>>) src(%dma_wait3A_813 : memref<16x2048xf32, #tpu.memory_space<hbm>>) dst(%dma_wait3A_810 : memref<16x2048xf32, #tpu.memory_space<vmem>>)
    %get3A_814 = arith.constant 496 : index
    %get3A_815 = tpu.vector_load %arg5[%get3A_814] {strides = array<i32>} : memref<512xi32, #tpu.memory_space<vmem>>, vector<16xi32>,
    %mul3A_816 = arith.constant 128 : i32
    %mul3A_817 = vector.broadcast %mul3A_816 : i32 to vector<16xi32>
    %mul3A_818 = arith.muli %iota3A, %mul3A_817 : vector<16xi32>
    %and3A_819 = arith.constant 127 : i32
    %and3A_820 = vector.broadcast %and3A_819 : i32 to vector<16xi32>
    %and3A_821 = arith.andi %get3A_815, %and3A_820 : vector<16xi32>
    %add3A_822 = arith.addi %mul3A_818, %and3A_821 : vector<16xi32>
    %add3A_823 = arith.constant 496 : i32
    %add3A_824 = vector.broadcast %add3A_823 : i32 to vector<16xi32>
    %add3A_825 = arith.addi %iota3A, %add3A_824 : vector<16xi32>
    %broadcast_in_dim3A_826 = arith.constant 0 : i32
    %broadcast_in_dim3A_827 = vector.broadcast %broadcast_in_dim3A_826 : i32 to vector<16xi32>
    %gather3A_828 = arith.constant 1 : i32
    %gather3A_829 = arith.constant 0 : i32
    %gather3A_830 = arith.constant 0 : i32
    %gather3A_831 = tpu.memref_slice %arg6[%gather3A_828, %gather3A_829, %gather3A_830] : memref<3x16x2048xf32, #tpu.memory_space<vmem>> -> memref<1x16x2048xf32, #tpu.memory_space<vmem>>
    %gather3A_832 = tpu.memref_squeeze %gather3A_831 : memref<1x16x2048xf32, #tpu.memory_space<vmem>> -> memref<16x2048xf32, #tpu.memory_space<vmem>>
    %gather3A_833 = tpu.vector_load_idx %gather3A_832[%broadcast_in_dim3A_827, %add3A_822] : memref<16x2048xf32, #tpu.memory_space<vmem>>[vector<16xi32>, vector<16xi32>], vector<16xf32>,
    tpu.vector_store_idx %arg7[%broadcast_in_dim3A_827, %add3A_825], %gather3A_833 : memref<16x512xf32, #tpu.memory_space<vmem>>[vector<16xi32>, vector<16xi32>], vector<16xf32>,
    %broadcast_in_dim3A_834 = arith.constant 1 : i32
    %broadcast_in_dim3A_835 = vector.broadcast %broadcast_in_dim3A_834 : i32 to vector<16xi32>
    %gather3A_836 = arith.constant 1 : i32
    %gather3A_837 = arith.constant 0 : i32
    %gather3A_838 = arith.constant 0 : i32
    %gather3A_839 = tpu.memref_slice %arg6[%gather3A_836, %gather3A_837, %gather3A_838] : memref<3x16x2048xf32, #tpu.memory_space<vmem>> -> memref<1x16x2048xf32, #tpu.memory_space<vmem>>
    %gather3A_840 = tpu.memref_squeeze %gather3A_839 : memref<1x16x2048xf32, #tpu.memory_space<vmem>> -> memref<16x2048xf32, #tpu.memory_space<vmem>>
    %gather3A_841 = tpu.vector_load_idx %gather3A_840[%broadcast_in_dim3A_835, %add3A_822] : memref<16x2048xf32, #tpu.memory_space<vmem>>[vector<16xi32>, vector<16xi32>], vector<16xf32>,
    tpu.vector_store_idx %arg7[%broadcast_in_dim3A_835, %add3A_825], %gather3A_841 : memref<16x512xf32, #tpu.memory_space<vmem>>[vector<16xi32>, vector<16xi32>], vector<16xf32>,
    %broadcast_in_dim3A_842 = arith.constant 2 : i32
    %broadcast_in_dim3A_843 = vector.broadcast %broadcast_in_dim3A_842 : i32 to vector<16xi32>
    %gather3A_844 = arith.constant 1 : i32
    %gather3A_845 = arith.constant 0 : i32
    %gather3A_846 = arith.constant 0 : i32
    %gather3A_847 = tpu.memref_slice %arg6[%gather3A_844, %gather3A_845, %gather3A_846] : memref<3x16x2048xf32, #tpu.memory_space<vmem>> -> memref<1x16x2048xf32, #tpu.memory_space<vmem>>
    %gather3A_848 = tpu.memref_squeeze %gather3A_847 : memref<1x16x2048xf32, #tpu.memory_space<vmem>> -> memref<16x2048xf32, #tpu.memory_space<vmem>>
    %gather3A_849 = tpu.vector_load_idx %gather3A_848[%broadcast_in_dim3A_843, %add3A_822] : memref<16x2048xf32, #tpu.memory_space<vmem>>[vector<16xi32>, vector<16xi32>], vector<16xf32>,
    tpu.vector_store_idx %arg7[%broadcast_in_dim3A_843, %add3A_825], %gather3A_849 : memref<16x512xf32, #tpu.memory_space<vmem>>[vector<16xi32>, vector<16xi32>], vector<16xf32>,
    %broadcast_in_dim3A_850 = arith.constant 3 : i32
    %broadcast_in_dim3A_851 = vector.broadcast %broadcast_in_dim3A_850 : i32 to vector<16xi32>
    %gather3A_852 = arith.constant 1 : i32
    %gather3A_853 = arith.constant 0 : i32
    %gather3A_854 = arith.constant 0 : i32
    %gather3A_855 = tpu.memref_slice %arg6[%gather3A_852, %gather3A_853, %gather3A_854] : memref<3x16x2048xf32, #tpu.memory_space<vmem>> -> memref<1x16x2048xf32, #tpu.memory_space<vmem>>
    %gather3A_856 = tpu.memref_squeeze %gather3A_855 : memref<1x16x2048xf32, #tpu.memory_space<vmem>> -> memref<16x2048xf32, #tpu.memory_space<vmem>>
    %gather3A_857 = tpu.vector_load_idx %gather3A_856[%broadcast_in_dim3A_851, %add3A_822] : memref<16x2048xf32, #tpu.memory_space<vmem>>[vector<16xi32>, vector<16xi32>], vector<16xf32>,
    tpu.vector_store_idx %arg7[%broadcast_in_dim3A_851, %add3A_825], %gather3A_857 : memref<16x512xf32, #tpu.memory_space<vmem>>[vector<16xi32>, vector<16xi32>], vector<16xf32>,
    %broadcast_in_dim3A_858 = arith.constant 4 : i32
    %broadcast_in_dim3A_859 = vector.broadcast %broadcast_in_dim3A_858 : i32 to vector<16xi32>
    %gather3A_860 = arith.constant 1 : i32
    %gather3A_861 = arith.constant 0 : i32
    %gather3A_862 = arith.constant 0 : i32
    %gather3A_863 = tpu.memref_slice %arg6[%gather3A_860, %gather3A_861, %gather3A_862] : memref<3x16x2048xf32, #tpu.memory_space<vmem>> -> memref<1x16x2048xf32, #tpu.memory_space<vmem>>
    %gather3A_864 = tpu.memref_squeeze %gather3A_863 : memref<1x16x2048xf32, #tpu.memory_space<vmem>> -> memref<16x2048xf32, #tpu.memory_space<vmem>>
    %gather3A_865 = tpu.vector_load_idx %gather3A_864[%broadcast_in_dim3A_859, %add3A_822] : memref<16x2048xf32, #tpu.memory_space<vmem>>[vector<16xi32>, vector<16xi32>], vector<16xf32>,
    tpu.vector_store_idx %arg7[%broadcast_in_dim3A_859, %add3A_825], %gather3A_865 : memref<16x512xf32, #tpu.memory_space<vmem>>[vector<16xi32>, vector<16xi32>], vector<16xf32>,
    %broadcast_in_dim3A_866 = arith.constant 5 : i32
    %broadcast_in_dim3A_867 = vector.broadcast %broadcast_in_dim3A_866 : i32 to vector<16xi32>
    %gather3A_868 = arith.constant 1 : i32
    %gather3A_869 = arith.constant 0 : i32
    %gather3A_870 = arith.constant 0 : i32
    %gather3A_871 = tpu.memref_slice %arg6[%gather3A_868, %gather3A_869, %gather3A_870] : memref<3x16x2048xf32, #tpu.memory_space<vmem>> -> memref<1x16x2048xf32, #tpu.memory_space<vmem>>
    %gather3A_872 = tpu.memref_squeeze %gather3A_871 : memref<1x16x2048xf32, #tpu.memory_space<vmem>> -> memref<16x2048xf32, #tpu.memory_space<vmem>>
    %gather3A_873 = tpu.vector_load_idx %gather3A_872[%broadcast_in_dim3A_867, %add3A_822] : memref<16x2048xf32, #tpu.memory_space<vmem>>[vector<16xi32>, vector<16xi32>], vector<16xf32>,
    tpu.vector_store_idx %arg7[%broadcast_in_dim3A_867, %add3A_825], %gather3A_873 : memref<16x512xf32, #tpu.memory_space<vmem>>[vector<16xi32>, vector<16xi32>], vector<16xf32>,
    %broadcast_in_dim3A_874 = arith.constant 6 : i32
    %broadcast_in_dim3A_875 = vector.broadcast %broadcast_in_dim3A_874 : i32 to vector<16xi32>
    %gather3A_876 = arith.constant 1 : i32
    %gather3A_877 = arith.constant 0 : i32
    %gather3A_878 = arith.constant 0 : i32
    %gather3A_879 = tpu.memref_slice %arg6[%gather3A_876, %gather3A_877, %gather3A_878] : memref<3x16x2048xf32, #tpu.memory_space<vmem>> -> memref<1x16x2048xf32, #tpu.memory_space<vmem>>
    %gather3A_880 = tpu.memref_squeeze %gather3A_879 : memref<1x16x2048xf32, #tpu.memory_space<vmem>> -> memref<16x2048xf32, #tpu.memory_space<vmem>>
    %gather3A_881 = tpu.vector_load_idx %gather3A_880[%broadcast_in_dim3A_875, %add3A_822] : memref<16x2048xf32, #tpu.memory_space<vmem>>[vector<16xi32>, vector<16xi32>], vector<16xf32>,
    tpu.vector_store_idx %arg7[%broadcast_in_dim3A_875, %add3A_825], %gather3A_881 : memref<16x512xf32, #tpu.memory_space<vmem>>[vector<16xi32>, vector<16xi32>], vector<16xf32>,
    %broadcast_in_dim3A_882 = arith.constant 7 : i32
    %broadcast_in_dim3A_883 = vector.broadcast %broadcast_in_dim3A_882 : i32 to vector<16xi32>
    %gather3A_884 = arith.constant 1 : i32
    %gather3A_885 = arith.constant 0 : i32
    %gather3A_886 = arith.constant 0 : i32
    %gather3A_887 = tpu.memref_slice %arg6[%gather3A_884, %gather3A_885, %gather3A_886] : memref<3x16x2048xf32, #tpu.memory_space<vmem>> -> memref<1x16x2048xf32, #tpu.memory_space<vmem>>
    %gather3A_888 = tpu.memref_squeeze %gather3A_887 : memref<1x16x2048xf32, #tpu.memory_space<vmem>> -> memref<16x2048xf32, #tpu.memory_space<vmem>>
    %gather3A_889 = tpu.vector_load_idx %gather3A_888[%broadcast_in_dim3A_883, %add3A_822] : memref<16x2048xf32, #tpu.memory_space<vmem>>[vector<16xi32>, vector<16xi32>], vector<16xf32>,
    tpu.vector_store_idx %arg7[%broadcast_in_dim3A_883, %add3A_825], %gather3A_889 : memref<16x512xf32, #tpu.memory_space<vmem>>[vector<16xi32>, vector<16xi32>], vector<16xf32>,
    %broadcast_in_dim3A_890 = arith.constant 8 : i32
    %broadcast_in_dim3A_891 = vector.broadcast %broadcast_in_dim3A_890 : i32 to vector<16xi32>
    %gather3A_892 = arith.constant 1 : i32
    %gather3A_893 = arith.constant 0 : i32
    %gather3A_894 = arith.constant 0 : i32
    %gather3A_895 = tpu.memref_slice %arg6[%gather3A_892, %gather3A_893, %gather3A_894] : memref<3x16x2048xf32, #tpu.memory_space<vmem>> -> memref<1x16x2048xf32, #tpu.memory_space<vmem>>
    %gather3A_896 = tpu.memref_squeeze %gather3A_895 : memref<1x16x2048xf32, #tpu.memory_space<vmem>> -> memref<16x2048xf32, #tpu.memory_space<vmem>>
    %gather3A_897 = tpu.vector_load_idx %gather3A_896[%broadcast_in_dim3A_891, %add3A_822] : memref<16x2048xf32, #tpu.memory_space<vmem>>[vector<16xi32>, vector<16xi32>], vector<16xf32>,
    tpu.vector_store_idx %arg7[%broadcast_in_dim3A_891, %add3A_825], %gather3A_897 : memref<16x512xf32, #tpu.memory_space<vmem>>[vector<16xi32>, vector<16xi32>], vector<16xf32>,
    %broadcast_in_dim3A_898 = arith.constant 9 : i32
    %broadcast_in_dim3A_899 = vector.broadcast %broadcast_in_dim3A_898 : i32 to vector<16xi32>
    %gather3A_900 = arith.constant 1 : i32
    %gather3A_901 = arith.constant 0 : i32
    %gather3A_902 = arith.constant 0 : i32
    %gather3A_903 = tpu.memref_slice %arg6[%gather3A_900, %gather3A_901, %gather3A_902] : memref<3x16x2048xf32, #tpu.memory_space<vmem>> -> memref<1x16x2048xf32, #tpu.memory_space<vmem>>
    %gather3A_904 = tpu.memref_squeeze %gather3A_903 : memref<1x16x2048xf32, #tpu.memory_space<vmem>> -> memref<16x2048xf32, #tpu.memory_space<vmem>>
    %gather3A_905 = tpu.vector_load_idx %gather3A_904[%broadcast_in_dim3A_899, %add3A_822] : memref<16x2048xf32, #tpu.memory_space<vmem>>[vector<16xi32>, vector<16xi32>], vector<16xf32>,
    tpu.vector_store_idx %arg7[%broadcast_in_dim3A_899, %add3A_825], %gather3A_905 : memref<16x512xf32, #tpu.memory_space<vmem>>[vector<16xi32>, vector<16xi32>], vector<16xf32>,
    %broadcast_in_dim3A_906 = arith.constant 10 : i32
    %broadcast_in_dim3A_907 = vector.broadcast %broadcast_in_dim3A_906 : i32 to vector<16xi32>
    %gather3A_908 = arith.constant 1 : i32
    %gather3A_909 = arith.constant 0 : i32
    %gather3A_910 = arith.constant 0 : i32
    %gather3A_911 = tpu.memref_slice %arg6[%gather3A_908, %gather3A_909, %gather3A_910] : memref<3x16x2048xf32, #tpu.memory_space<vmem>> -> memref<1x16x2048xf32, #tpu.memory_space<vmem>>
    %gather3A_912 = tpu.memref_squeeze %gather3A_911 : memref<1x16x2048xf32, #tpu.memory_space<vmem>> -> memref<16x2048xf32, #tpu.memory_space<vmem>>
    %gather3A_913 = tpu.vector_load_idx %gather3A_912[%broadcast_in_dim3A_907, %add3A_822] : memref<16x2048xf32, #tpu.memory_space<vmem>>[vector<16xi32>, vector<16xi32>], vector<16xf32>,
    tpu.vector_store_idx %arg7[%broadcast_in_dim3A_907, %add3A_825], %gather3A_913 : memref<16x512xf32, #tpu.memory_space<vmem>>[vector<16xi32>, vector<16xi32>], vector<16xf32>,
    %broadcast_in_dim3A_914 = arith.constant 11 : i32
    %broadcast_in_dim3A_915 = vector.broadcast %broadcast_in_dim3A_914 : i32 to vector<16xi32>
    %gather3A_916 = arith.constant 1 : i32
    %gather3A_917 = arith.constant 0 : i32
    %gather3A_918 = arith.constant 0 : i32
    %gather3A_919 = tpu.memref_slice %arg6[%gather3A_916, %gather3A_917, %gather3A_918] : memref<3x16x2048xf32, #tpu.memory_space<vmem>> -> memref<1x16x2048xf32, #tpu.memory_space<vmem>>
    %gather3A_920 = tpu.memref_squeeze %gather3A_919 : memref<1x16x2048xf32, #tpu.memory_space<vmem>> -> memref<16x2048xf32, #tpu.memory_space<vmem>>
    %gather3A_921 = tpu.vector_load_idx %gather3A_920[%broadcast_in_dim3A_915, %add3A_822] : memref<16x2048xf32, #tpu.memory_space<vmem>>[vector<16xi32>, vector<16xi32>], vector<16xf32>,
    tpu.vector_store_idx %arg7[%broadcast_in_dim3A_915, %add3A_825], %gather3A_921 : memref<16x512xf32, #tpu.memory_space<vmem>>[vector<16xi32>, vector<16xi32>], vector<16xf32>,
    %broadcast_in_dim3A_922 = arith.constant 12 : i32
    %broadcast_in_dim3A_923 = vector.broadcast %broadcast_in_dim3A_922 : i32 to vector<16xi32>
    %gather3A_924 = arith.constant 1 : i32
    %gather3A_925 = arith.constant 0 : i32
    %gather3A_926 = arith.constant 0 : i32
    %gather3A_927 = tpu.memref_slice %arg6[%gather3A_924, %gather3A_925, %gather3A_926] : memref<3x16x2048xf32, #tpu.memory_space<vmem>> -> memref<1x16x2048xf32, #tpu.memory_space<vmem>>
    %gather3A_928 = tpu.memref_squeeze %gather3A_927 : memref<1x16x2048xf32, #tpu.memory_space<vmem>> -> memref<16x2048xf32, #tpu.memory_space<vmem>>
    %gather3A_929 = tpu.vector_load_idx %gather3A_928[%broadcast_in_dim3A_923, %add3A_822] : memref<16x2048xf32, #tpu.memory_space<vmem>>[vector<16xi32>, vector<16xi32>], vector<16xf32>,
    tpu.vector_store_idx %arg7[%broadcast_in_dim3A_923, %add3A_825], %gather3A_929 : memref<16x512xf32, #tpu.memory_space<vmem>>[vector<16xi32>, vector<16xi32>], vector<16xf32>,
    %broadcast_in_dim3A_930 = arith.constant 13 : i32
    %broadcast_in_dim3A_931 = vector.broadcast %broadcast_in_dim3A_930 : i32 to vector<16xi32>
    %gather3A_932 = arith.constant 1 : i32
    %gather3A_933 = arith.constant 0 : i32
    %gather3A_934 = arith.constant 0 : i32
    %gather3A_935 = tpu.memref_slice %arg6[%gather3A_932, %gather3A_933, %gather3A_934] : memref<3x16x2048xf32, #tpu.memory_space<vmem>> -> memref<1x16x2048xf32, #tpu.memory_space<vmem>>
    %gather3A_936 = tpu.memref_squeeze %gather3A_935 : memref<1x16x2048xf32, #tpu.memory_space<vmem>> -> memref<16x2048xf32, #tpu.memory_space<vmem>>
    %gather3A_937 = tpu.vector_load_idx %gather3A_936[%broadcast_in_dim3A_931, %add3A_822] : memref<16x2048xf32, #tpu.memory_space<vmem>>[vector<16xi32>, vector<16xi32>], vector<16xf32>,
    tpu.vector_store_idx %arg7[%broadcast_in_dim3A_931, %add3A_825], %gather3A_937 : memref<16x512xf32, #tpu.memory_space<vmem>>[vector<16xi32>, vector<16xi32>], vector<16xf32>,
    %broadcast_in_dim3A_938 = arith.constant 14 : i32
    %broadcast_in_dim3A_939 = vector.broadcast %broadcast_in_dim3A_938 : i32 to vector<16xi32>
    %gather3A_940 = arith.constant 1 : i32
    %gather3A_941 = arith.constant 0 : i32
    %gather3A_942 = arith.constant 0 : i32
    %gather3A_943 = tpu.memref_slice %arg6[%gather3A_940, %gather3A_941, %gather3A_942] : memref<3x16x2048xf32, #tpu.memory_space<vmem>> -> memref<1x16x2048xf32, #tpu.memory_space<vmem>>
    %gather3A_944 = tpu.memref_squeeze %gather3A_943 : memref<1x16x2048xf32, #tpu.memory_space<vmem>> -> memref<16x2048xf32, #tpu.memory_space<vmem>>
    %gather3A_945 = tpu.vector_load_idx %gather3A_944[%broadcast_in_dim3A_939, %add3A_822] : memref<16x2048xf32, #tpu.memory_space<vmem>>[vector<16xi32>, vector<16xi32>], vector<16xf32>,
    tpu.vector_store_idx %arg7[%broadcast_in_dim3A_939, %add3A_825], %gather3A_945 : memref<16x512xf32, #tpu.memory_space<vmem>>[vector<16xi32>, vector<16xi32>], vector<16xf32>,
    %broadcast_in_dim3A_946 = arith.constant 15 : i32
    %broadcast_in_dim3A_947 = vector.broadcast %broadcast_in_dim3A_946 : i32 to vector<16xi32>
    %gather3A_948 = arith.constant 1 : i32
    %gather3A_949 = arith.constant 0 : i32
    %gather3A_950 = arith.constant 0 : i32
    %gather3A_951 = tpu.memref_slice %arg6[%gather3A_948, %gather3A_949, %gather3A_950] : memref<3x16x2048xf32, #tpu.memory_space<vmem>> -> memref<1x16x2048xf32, #tpu.memory_space<vmem>>
    %gather3A_952 = tpu.memref_squeeze %gather3A_951 : memref<1x16x2048xf32, #tpu.memory_space<vmem>> -> memref<16x2048xf32, #tpu.memory_space<vmem>>
    %gather3A_953 = tpu.vector_load_idx %gather3A_952[%broadcast_in_dim3A_947, %add3A_822] : memref<16x2048xf32, #tpu.memory_space<vmem>>[vector<16xi32>, vector<16xi32>], vector<16xf32>,
    tpu.vector_store_idx %arg7[%broadcast_in_dim3A_947, %add3A_825], %gather3A_953 : memref<16x512xf32, #tpu.memory_space<vmem>>[vector<16xi32>, vector<16xi32>], vector<16xf32>,
    %dma_start3A_954 = arith.constant 0 : i32
    %dma_start3A_955 = tpu.memref_slice %arg4[%dma_start3A_954, %mul3A_2] : memref<16x16384xf32, #tpu.memory_space<hbm>> -> memref<16x512xf32, #tpu.memory_space<hbm>>
    %dma_start3A_956 = arith.constant 0 : i32
    %dma_start3A_957 = tpu.memref_slice %arg4[%dma_start3A_956, %mul3A_2] : memref<16x16384xf32, #tpu.memory_space<hbm>> -> memref<16x512xf32, #tpu.memory_space<hbm>>
    tpu.enqueue_dma source(%arg7 : memref<16x512xf32, #tpu.memory_space<vmem>>) target(%dma_start3A_957 : memref<16x512xf32, #tpu.memory_space<hbm>>) target_semaphore(%arg11 : memref<!tpu.dma_semaphore, #tpu.memory_space<semaphore_mem>>)
    %dma_wait3A_958 = arith.constant 0 : i32
    %dma_wait3A_959 = tpu.memref_slice %arg4[%dma_wait3A_958, %mul3A_2] : memref<16x16384xf32, #tpu.memory_space<hbm>> -> memref<16x512xf32, #tpu.memory_space<hbm>>
    %dma_wait3A_960 = arith.constant 0 : i32
    %dma_wait3A_961 = tpu.memref_slice %arg4[%dma_wait3A_960, %mul3A_2] : memref<16x16384xf32, #tpu.memory_space<hbm>> -> memref<16x512xf32, #tpu.memory_space<hbm>>
    tpu.wait_dma2 semaphore(%arg11 : memref<!tpu.dma_semaphore, #tpu.memory_space<semaphore_mem>>) src(%arg7 : memref<16x512xf32, #tpu.memory_space<vmem>>) dst(%dma_wait3A_961 : memref<16x512xf32, #tpu.memory_space<hbm>>)
    return
  }
}

module attributes {stable_mosaic.version = 14 : i64} {
  func.func @body(%arg0: i32, %arg1: memref<1024x512xf32, #tpu.memory_space<vmem>>, %arg2: memref<512x512xf32, #tpu.memory_space<vmem>>, %arg3: memref<1024x512xf32, #tpu.memory_space<vmem>>, %arg4: memref<512x1024xf32, #tpu.memory_space<vmem>>, %arg5: memref<1024x512xf32, #tpu.memory_space<vmem>>) attributes {dimension_semantics = [#tpu.dimension_semantics<parallel>], iteration_bounds = array<i64: 16>, scalar_prefetch = 0 : i64, scratch_operands = 0 : i64, tpu.core_type = #tpu.core_type<tc>, window_params = [{transform_indices = @transform_0, window_bounds = array<i64: 1024, 512>}, {pipeline_mode = #tpu.pipeline_mode<synchronous>, transform_indices = @transform_1, window_bounds = array<i64: 512, 512>}, {transform_indices = @transform_2, window_bounds = array<i64: 1024, 512>}, {transform_indices = @transform_3, window_bounds = array<i64: 512, 1024>}, {transform_indices = @transform_4, window_bounds = array<i64: 1024, 512>}]} {
    %get3A = arith.constant 0 : index
    %get3A_0 = arith.constant 0 : index
    %get3A_1 = vector.load %arg1[%get3A, %get3A_0] : memref<1024x512xf32, #tpu.memory_space<vmem>>, vector<1024x512xf32>
    %convert_element_type3A = arith.truncf %get3A_1 : vector<1024x512xf32> to vector<1024x512xbf16>
    %get3A_2 = arith.constant 0 : index
    %get3A_3 = arith.constant 0 : index
    %get3A_4 = vector.load %arg2[%get3A_2, %get3A_3] : memref<512x512xf32, #tpu.memory_space<vmem>>, vector<512x512xf32>
    %convert_element_type3A_5 = arith.truncf %get3A_4 : vector<512x512xf32> to vector<512x512xbf16>
    %dot_general3A = arith.constant dense<0.000000e+00> : vector<512x1024xf32>
    %dot_general3A_6 = tpu.matmul %convert_element_type3A_5, %convert_element_type3A, %dot_general3A {dimension_numbers = #tpu.dot_dimension_numbers<[0], [1], [1], [0], [0, 1, 1, 0], [], []>, transpose_lhs_hint = false} : vector<512x512xbf16>, vector<1024x512xbf16>, vector<512x1024xf32> -> vector<512x1024xf32>
    %swap3A = arith.constant 0 : index
    %swap3A_7 = arith.constant 0 : index
    %swap3A_8 = vector.load %arg4[%swap3A, %swap3A_7] : memref<512x1024xf32, #tpu.memory_space<vmem>>, vector<512x1024xf32>
    tpu.vector_store %arg4[%swap3A, %swap3A_7], %dot_general3A_6 {strides = array<i32>} : memref<512x1024xf32, #tpu.memory_space<vmem>>, vector<512x1024xf32>,
    %get3A_9 = arith.constant 0 : index
    %get3A_10 = arith.constant 0 : index
    %get3A_11 = vector.load %arg3[%get3A_9, %get3A_10] : memref<1024x512xf32, #tpu.memory_space<vmem>>, vector<1024x512xf32>
    %swap3A_12 = arith.constant 0 : index
    %swap3A_13 = arith.constant 0 : index
    %swap3A_14 = vector.load %arg5[%swap3A_12, %swap3A_13] : memref<1024x512xf32, #tpu.memory_space<vmem>>, vector<1024x512xf32>
    tpu.vector_store %arg5[%swap3A_12, %swap3A_13], %get3A_11 {strides = array<i32>} : memref<1024x512xf32, #tpu.memory_space<vmem>>, vector<1024x512xf32>,
    return
  }
  func.func @transform_0(%arg0: i32) -> (i32, i32) {
    %c0_i32 = arith.constant 0 : i32
    %c0_i32_0 = arith.constant 0 : i32
    return %arg0, %c0_i32 : i32, i32
  }
  func.func @transform_1(%arg0: i32) -> (i32, i32) {
    %c0_i32 = arith.constant 0 : i32
    %c0_i32_0 = arith.constant 0 : i32
    %c0_i32_1 = arith.constant 0 : i32
    return %c0_i32, %c0_i32_0 : i32, i32
  }
  func.func @transform_2(%arg0: i32) -> (i32, i32) {
    %c0_i32 = arith.constant 0 : i32
    %c0_i32_0 = arith.constant 0 : i32
    return %arg0, %c0_i32 : i32, i32
  }
  func.func @transform_3(%arg0: i32) -> (i32, i32) {
    %c0_i32 = arith.constant 0 : i32
    %c0_i32_0 = arith.constant 0 : i32
    return %c0_i32, %arg0 : i32, i32
  }
  func.func @transform_4(%arg0: i32) -> (i32, i32) {
    %c0_i32 = arith.constant 0 : i32
    %c0_i32_0 = arith.constant 0 : i32
    return %arg0, %c0_i32 : i32, i32
  }
}

module attributes {stable_mosaic.version = 14 : i64} {
  func.func @body(%arg0: i32, %arg1: memref<528x16384xf32, #tpu.memory_space<any>>, %arg2: memref<16x4096xf32, #tpu.memory_space<vmem>>, %arg3: memref<16x4096xf32, #tpu.memory_space<vmem>>) attributes {dimension_semantics = [#tpu.dimension_semantics<arbitrary>], iteration_bounds = array<i64: 4>, scalar_prefetch = 0 : i64, scratch_operands = 0 : i64, tpu.core_type = #tpu.core_type<tc>, window_params = [{}, {transform_indices = @transform_1, window_bounds = array<i64: 16, 4096>}, {transform_indices = @transform_2, window_bounds = array<i64: 16, 4096>}]} {
    %get3A = arith.constant 0 : index
    %get3A_0 = arith.constant 0 : index
    %get3A_1 = vector.load %arg2[%get3A, %get3A_0] : memref<16x4096xf32, #tpu.memory_space<vmem>>, vector<16x4096xf32>
    %swap3A = arith.constant 0 : index
    %swap3A_2 = arith.constant 0 : index
    %swap3A_3 = vector.load %arg3[%swap3A, %swap3A_2] : memref<16x4096xf32, #tpu.memory_space<vmem>>, vector<16x4096xf32>
    tpu.vector_store %arg3[%swap3A, %swap3A_2], %get3A_1 {strides = array<i32>} : memref<16x4096xf32, #tpu.memory_space<vmem>>, vector<16x4096xf32>,
    return
  }
  func.func @transform_1(%arg0: i32) -> (i32, i32) {
    %c0_i32 = arith.constant 0 : i32
    %c0_i32_0 = arith.constant 0 : i32
    return %c0_i32, %arg0 : i32, i32
  }
  func.func @transform_2(%arg0: i32) -> (i32, i32) {
    %c32_i32 = arith.constant 32 : i32
    %c0_i32 = arith.constant 0 : i32
    return %c32_i32, %arg0 : i32, i32
  }
}

</mosaic_0001>

<sc_bundles>
// kernel: kernel.5.cloned.1.call-start
scs
__scs_entry_jumppad:
0x0: {  	(pc) =	sbr.rel $0x88, $3  }
0x1: {  	(tag) =	ssettag $0x0;
	lr =	simm.s32 $0x1  }
0x2: {  	[smem:$0x3F9C] =	sst lr;
	_ =	strace $0xD0000000  }
0x3: {  	_ = 	snop  }
0x4: {  	_ = 	snop  }
0x5: {  	_ = 	snop  }
0x6: {  	_ = 	snop  }
0x7: {  	_ = 	snop  }
__scs_overlays_trampoline_lowered:
0x8: {  	[smem:$0x3FAB] =	sst s0  }
0x9: {  	[smem:$0x3FAC] =	sst s1  }
0xa: {  	[smem:$0x3FAD] =	sst s2  }
0xb: {  	[smem:$0x3FAE] =	sst s3  }
0xc: {  	[smem:$0x3FAF] =	sst s4  }
0xd: {  	[smem:$0x3FB0] =	sst s5  }
0xe: {  	[smem:$0x3FB1] =	sst s6  }
0xf: {  	[smem:$0x3FB2] =	sst s7  }
0x10: {  	[smem:$0x3FB3] =	sst s8  }
0x11: {  	[smem:$0x3FB4] =	sst s9;
	s0 =	simm.s32 @!p0 $0x0  }
0x12: {  	s1 =	sld [smem:$0x3F9A];
	s0 =	simm.s32 @p0 $0x1  }
0x13: {  	[smem:$0x3FB5] =	sst s0;
	s0 =	simm.s32 @!p1 $0x0  }
0x14: {  	s2 =	sld [smem:$0x3F99];
	s0 =	simm.s32 @p1 $0x1  }
0x15: {  	[smem:$0x3FB6] =	sst s0;
	s0 =	simm.s32 @!p2 $0x0  }
0x16: {  	s3 =	sld [smem:$0x3FDB];
	s0 =	simm.s32 @p2 $0x1  }
0x17: {  	s4 =	simm.s32 $0x1BF5;
	[smem:$0x3FB8] =	sst s0  }
0x18: {  	s0 =	sld [smem:$0x3F9B];
	_ =	swait.ge [sflag:s4], $0x0  }
0x19: {  	s7 =	sld [smem:$0x3F9C]  }
0x1a: {  	s8 =	sadd.s32 $0xFFFFE003, lr  }
0x1b: {  	s9 =	sadd.s32 $0xFFFFFEF7, lr;
	s5 =	simm.s32 $0xFFFFFFFF;
	p2 =	slt.u32 s8, $0xFFFFF086  }
0x1c: {  	p1 =	slt.u32 s9, $0xF7A;
	s5 =	simm.s32 @!p2 $0x0  }
0x1d: {  	s5 =	simm.s32 @p1 $0x1;
	p0 =	seq.s32 s7, s2  }
0x1e: {  	s7 =	smul.u32 @!p0 $0xF7A, s2;
	p2 =	seq.s32 @!p0 s5, $0x0  }
0x1f: {  	s9 =	smul.u32 $0xF7A, s1;
	s8 =	simm.s32 @!p0 $0x1BF5;
	p2 =	por !p2, p0  }
0x20: {  	[sflag:s8] =	ssyncset.s32 @!p0 $0xFFFFF086;
	s6 =	sadd.s32 @!p0 s3, s7;
	s7 =	simm.s32 @!p0 $0x108  }
0x21: {  	s3 =	sadd.s32 s3, s9;
	s6 =	sadd.s32 @!p0 $0x88, s6;
	s7 =	simm.s32 @p2 $0x1082  }
0x22: {  	[simem:s7], [sflag:s8] =	dma.local @!p0 [hbm:s6], $0xF7A  }
0x23: {  	s9 =	sor.u32 $0xD0000000, s2;
	s6 =	simm.s32 $0x108;
	_ =	swait.ge @!p0 [sflag:s8], $0x0  }
0x24: {  	s3 =	sadd.s32 $0x88, s3;
	s6 =	simm.s32 @!p1 $0x1082;
	[sflag:s4] =	ssyncset.s32 $0xFFFFF086  }
0x25: {  	[simem:s6], [sflag:s4] =	dma.local [hbm:s3], $0xF7A  }
0x26: {  	[smem:$0x3F9C] =	sst s1;
	(tag) =	ssettag s2;
	_ =	strace s9  }
0x27: {  	s1 =	sld [smem:$0x3FAC]  }
0x28: {  	s2 =	sld [smem:$0x3FAD]  }
0x29: {  	s4 =	sld [smem:$0x3FAF]  }
0x2a: {  	p0 =	seq.s32 s5, $0x0;
	s5 =	sld [smem:$0x3FB0]  }
0x2b: {  	s6 =	sld [smem:$0x3FB1]  }
0x2c: {  	s7 =	sld [smem:$0x3FB2]  }
0x2d: {  	s3 =	simm.s32 $0x108;
	s8 =	sld [smem:$0x3FB3]  }
0x2e: {  	s3 =	simm.s32 @!p0 $0x1082;
	s9 =	sld [smem:$0x3FB4]  }
0x2f: {  	lr =	sadd.s32 s0, s3;
	s0 =	sld [smem:$0x3FAB]  }
0x30: {  	s3 =	sld [smem:$0x3FAE]  }
0x31: {  	[smem:$0x3FB7] =	sst s10  }
0x32: {  	s10 =	sld [smem:$0x3FB5];
	_ =	sdelay $0x3  }
0x33: {  	p0 =	seq.s32 s10, $0x1;
	s10 =	sld [smem:$0x3FB7];
	_ =	sdelay $0x3  }
0x34: {  	[smem:$0x3FB7] =	sst s10  }
0x35: {  	s10 =	sld [smem:$0x3FB6];
	_ =	sdelay $0x3  }
0x36: {  	p1 =	seq.s32 s10, $0x1;
	s10 =	sld [smem:$0x3FB7];
	_ =	sdelay $0x3  }
0x37: {  	[smem:$0x3FB7] =	sst s10  }
0x38: {  	s10 =	sld [smem:$0x3FB8]  }
0x39: {  	_ = 	snop;
	(pc) =	sbr.ind lr, $3  }
0x3a: {  	_ = 	snop  }
0x3b: {  	_ = 	snop  }
0x3c: {  	p2 =	seq.s32 s10, $0x1;
	s10 =	sld [smem:$0x3FB7]  }
0x3d: {  	_ =	shalt  }
0x3e: {  	_ =	shalt  }
0x3f: {  	_ =	shalt  }
0x40: {  	_ =	shalt  }
0x41: {  	_ =	shalt  }
0x42: {  	_ =	shalt  }
0x43: {  	_ =	shalt  }
0x44: {  	_ =	shalt  }
0x45: {  	_ =	shalt  }
0x46: {  	_ =	shalt  }
0x47: {  	_ =	shalt  }
0x48: {  	_ =	shalt  }
0x49: {  	_ =	shalt  }
0x4a: {  	_ =	shalt  }
0x4b: {  	_ =	shalt  }
0x4c: {  	_ =	shalt  }
0x4d: {  	_ =	shalt  }
0x4e: {  	_ =	shalt  }
0x4f: {  	_ =	shalt  }
0x50: {  	_ =	shalt  }
0x51: {  	_ =	shalt  }
0x52: {  	_ =	shalt  }
0x53: {  	_ =	shalt  }
0x54: {  	_ =	shalt  }
0x55: {  	_ =	shalt  }
0x56: {  	_ =	shalt  }
0x57: {  	_ =	shalt  }
0x58: {  	_ =	shalt  }
0x59: {  	_ =	shalt  }
0x5a: {  	_ =	shalt  }
0x5b: {  	_ =	shalt  }
0x5c: {  	_ =	shalt  }
0x5d: {  	_ =	shalt  }
0x5e: {  	_ =	shalt  }
0x5f: {  	_ =	shalt  }
0x60: {  	_ =	shalt  }
0x61: {  	_ =	shalt  }
0x62: {  	_ =	shalt  }
0x63: {  	_ =	shalt  }
0x64: {  	_ =	shalt  }
0x65: {  	_ =	shalt  }
0x66: {  	_ =	shalt  }
0x67: {  	_ =	shalt  }
0x68: {  	_ =	shalt  }
0x69: {  	_ =	shalt  }
0x6a: {  	_ =	shalt  }
0x6b: {  	_ =	shalt  }
0x6c: {  	_ =	shalt  }
0x6d: {  	_ =	shalt  }
0x6e: {  	_ =	shalt  }
0x6f: {  	_ =	shalt  }
0x70: {  	_ =	shalt  }
0x71: {  	_ =	shalt  }
0x72: {  	_ =	shalt  }
0x73: {  	_ =	shalt  }
0x74: {  	_ =	shalt  }
0x75: {  	_ =	shalt  }
0x76: {  	_ =	shalt  }
0x77: {  	_ =	shalt  }
0x78: {  	_ =	shalt  }
0x79: {  	_ =	shalt  }
0x7a: {  	_ =	shalt  }
0x7b: {  	_ =	shalt  }
0x7c: {  	_ =	shalt  }
0x7d: {  	_ =	shalt  }
0x7e: {  	_ =	shalt  }
0x7f: {  	_ =	shalt  }
0x80: {  	_ =	shalt  }
0x81: {  	_ =	shalt  }
0x82: {  	_ =	shalt  }
0x83: {  	_ =	shalt  }
0x84: {  	_ =	shalt  }
0x85: {  	_ =	shalt  }
0x86: {  	_ =	shalt  }
0x87: {  	_ =	shalt  }
.Lfunc_end0:
.L_simem_size_0:
called_computation_lowered:
.L_overlay_start_0:
0x88: {  	s2 =	sld [smem:$0x3FD9]  }
0x89: {  	s3 =	sld [smem:$0x3FFE];
	_ =	sdelay $0x1  }
0x8a: {  	s1 =	srdreg.scid  }
0x8b: {  	s0 =	sand.u32 $0x1, s1  }
0x8c: {  	s17 =	sshll.u32 s0, $0xA;
	s2 =	sadd.s32 s3, s2  }
0x8d: {  	s2 =	sadd.s32 s2, s17  }
0x8e: {  	[smem:$0x3FC3] =	sst s2  }
0x8f: {  	_ = 	snop  }
0x90: {  	s2 =	sld [smem:$0x3FC8]  }
0x91: {  	s18 =	sld [smem:$0x3FC5];
	(tm) =	ssettm $0x1  }
0x92: {  	s4 =	sld [smem:$0x3FFB];
	_ =	sdelay $0x3  }
0x93: {  	_ =	strace s4  }
0x94: {  	s4 =	sld [smem:$0x3FFC];
	_ =	sdelay $0x3  }
0x95: {  	_ =	strace s4  }
0x96: {  	s4 =	sld [smem:$0x3FFD];
	_ =	sdelay $0x3  }
0x97: {  	_ =	strace s4  }
0x98: {  	_ =	strace $0x8FFFFFFF  }
0x99: {  	s19 =	sld [smem:$0x3FDB];
	_ =	sdelay $0x1  }
0x9a: {  	s5 =	simm.s32 $_scs_section_size  }
0x9b: {  	s6 =	simm.s32 $_size__tile_overlayer_lowered;
	s7 =	simm.s32 $_tile_overlayer_lowered  }
0x9c: {  	s22 =	simm.s32 $0x1BFF;
	s21 =	sshll.u32 s7, $0x1;
	s4 =	sadd.s32 s5, s19  }
0x9d: {  	s8 =	simm.s32 $0x0;
	s20 =	sshll.u32 s6, $0x1;
	s6 =	sadd.s32 s21, s4  }
0x9e: {  	[timem:s8], [sflag:s22] =	dma.local [hbm:s6], s20  }
0x9f: {  	_ =	swait.ge [sflag:s22], s20  }
0xa0: {  	s5 =	ssub.s32 $0x0, s20;
	[sflag:s22] =	ssyncset.done $0x0  }
0xa1: {  	[sflag:s22] =	ssyncadd.s32 s5;
	_ =	sdelay $0x1  }
0xa2: {  	s23 =	simm.s32 $0x1B8B  }
0xa3: {  	_ =	swait.ge [sflag:s23], $0x1  }
0xa4: {  	[sflag:s23] =	ssyncset.done $0x0  }
0xa5: {  	s25 =	simm.s32 $0x1B8E;
	s24 =	sld [smem:$0x3FFE];
	[sflag:s23] =	ssyncadd.s32 $0xFFFFFFFF  }
0xa6: {  	s26 =	simm.s32 $execute0_lowered;
	[smem:$0x3FD2] =	sst s25  }
0xa7: {  	s6 =	sshll.u32 s26, $0x1;
	_ =	strace $0x80000046;
	[dreg:$0x1] =	wrdreg $0xFFFFFFFF  }
0xa8: {  	s28 =	simm.s32 $_size_execute0_lowered;
	s4 =	sadd.s32 s4, s6;
	[dreg:$0x0] =	wrdreg $0x0  }
0xa9: {  	s6 =	sshll.u32 s28, $0x1;
	[dreg:$0x2] =	wrdreg s4  }
0xaa: {  	[dreg:$0x3] =	wrdreg s6  }
0xab: {  	[dreg:$0x4] =	wrdreg $0xC0  }
0xac: {  	_ =	task [dreg:s8], $0x5FFFF  }
0xad: {  	[dreg:$0x1] =	wrdreg $0xFFFFFFFF  }
0xae: {  	[dreg:$0x0] =	wrdreg $0x60  }
0xaf: {  	[dreg:$0x2] =	wrdreg s18  }
0xb0: {  	[dreg:$0x3] =	wrdreg s2  }
0xb1: {  	[dreg:$0x4] =	wrdreg s24  }
0xb2: {  	[dreg:$0x5] =	wrdreg $0x9  }
0xb3: {  	_ =	task.clear_ibuf [dreg:s8], $0x6FFFF;
	_ =	strace $0x90000046  }
0xb4: {  	s29 =	simm.s32 $0x9;
	_ =	strace $0x80000048  }
0xb5: {  	_ =	swait.ge [sflag:s29], $0x1  }
0xb6: {  	[sflag:s29] =	ssyncadd.s32 $0xFFFFFFFF  }
0xb7: {  	_ =	strace $0x90000048  }
0xb8: {  	_ =	sfence  }
0xb9: {  	s30 =	sld [smem:$0x0];
	_ =	sdelay $0x2  }
0xba: {  	s31 =	sshll.u32 s1, $0xD;
	s1 =	sshrl.u32 s1, $0x2  }
0xbb: {  	s3 =	sand.u32 $0x4000, s31;
	s1 =	sadd.s32 s1, s30  }
0xbc: {  	s0 =	sor.u32 s3, s0;
	s1 =	sshll.u32 s1, $0x11  }
0xbd: {  	s0 =	sor.u32 s1, s0  }
0xbe: {  	s0 =	sadd.s32 $0x8F2B, s0  }
0xbf: {  	[sflag:s0] =	ssyncadd.remote.s32 $0x1  }
0xc0: {  	_ =	sfence.sel $0xFFFF  }
0xc1: {  	[dreg:$0x0] =	wrdreg $0xFFFFFFFF;
	(pc) =	sbr.abs _section_cstart, $3  }
0xc2: {  	[dreg:$0x1] =	wrdreg $0xFFFFFFFF  }
0xc3: {  	_ =	task.clear_ibuf [dreg:s8], $0x2FFFF;
	_ =	strace $0x9FFFFFFF  }
0xc4: {  	(tm) =	ssettm $0x7FFFFFFF  }
0xc5: {  	_ =	shalt  }
tec
execute0_lowered:
.L_overlay_start_1:
0x0: {  	(tag) =	ssettag $0x1  }
0x1: {  	s1 =	rddreg [dreg:$0x0]  }
0x2: {  	s0 =	rddreg [dreg:$0x1]  }
0x3: {  	s3 =	rddreg [dreg:$0x2];
	s2 =	simm.s32 $0x0  }
0x4: {  	s5 =	simm.s32 $0x14200;
	[smem:$0x7FF] =	sst s2  }
0x5: {  	s13 =	simm.s32 $0x10600;
	_ =	strace $0x80000047;
	[dreg:$0x4] =	wrdreg s5  }
0x6: {  	s14 =	simm.s32 $0x14600;
	[dreg:$0x5] =	wrdreg s13  }
0x7: {  	s15 =	simm.s32 $0x10A00;
	[dreg:$0x6] =	wrdreg s14  }
0x8: {  	s16 =	simm.s32 $0x14A00;
	[dreg:$0x7] =	wrdreg s15  }
0x9: {  	s17 =	simm.s32 $0x10E00;
	[dreg:$0x8] =	wrdreg s16  }
0xa: {  	s18 =	simm.s32 $0x14E00;
	[dreg:$0x9] =	wrdreg s17  }
0xb: {  	s4 =	srdreg.scid;
	s19 =	simm.s32 $0x11200;
	[dreg:$0xa] =	wrdreg s18  }
0xc: {  	s6 =	stileid.u32;
	s21 =	simm.s32 $0x15200;
	[dreg:$0xb] =	wrdreg s19  }
0xd: {  	s22 =	simm.s32 $0x11600;
	s23 =	simm.s32 $0x15600;
	[dreg:$0xc] =	wrdreg s21  }
0xe: {  	s24 =	simm.s32 $0x11A00;
	s25 =	simm.s32 $0x15A00;
	[dreg:$0xd] =	wrdreg s22  }
0xf: {  	s8 =	simm.s32 $0x200;
	s9 =	simm.s32 $0x16200;
	[dreg:$0xe] =	wrdreg s23  }
0x10: {  	s28 =	simm.s32 $0x600;
	s10 =	simm.s32 $0x12600;
	[dreg:$0xf] =	wrdreg s24  }
0x11: {  	s11 =	simm.s32 $0x16600;
	s12 =	simm.s32 $0x12A00;
	[dreg:$0x10] =	wrdreg s25  }
0x12: {  	s29 =	simm.s32 $0x4A00;
	s30 =	simm.s32 $0xE00;
	[dreg:$0x14] =	wrdreg s9  }
0x13: {  	s31 =	simm.s32 $0x6A00;
	s4 =	sand.u32 $0x1, s4;
	[dreg:$0x15] =	wrdreg s10  }
0x14: {  	s6 =	sshll.u32 s6, $0xA;
	s7 =	sshll.u32 s4, $0x9;
	[dreg:$0x16] =	wrdreg s11  }
0x15: {  	s4 =	ssub.s32 $0x2, s4;
	s5 =	simm.s32 $0x15E00;
	[dreg:$0x17] =	wrdreg s12  }
0x16: {  	s24 =	simm.s32 $0x4600;
	s13 =	simm.s32 $0x16A00;
	[dreg:$0x12] =	wrdreg s5  }
0x17: {  	s25 =	simm.s32 $0xA00;
	s14 =	simm.s32 $0x12E00;
	[dreg:$0x18] =	wrdreg s13  }
0x18: {  	s15 =	simm.s32 $0x16E00;
	s16 =	simm.s32 $0x13200;
	[dreg:$0x19] =	wrdreg s14  }
0x19: {  	s17 =	simm.s32 $0x17200;
	s18 =	simm.s32 $0x13600;
	[dreg:$0x1a] =	wrdreg s15  }
0x1a: {  	v0 =	vlaneseq.u32;
	s9 =	simm.s32 $0x5600;
	s19 =	simm.s32 $0x17600;
	[dreg:$0x1b] =	wrdreg s16  }
0x1b: {  	v1 =	vmul.u32 $0x400, v0;
	s10 =	simm.s32 $0x1A00;
	s11 =	simm.s32 $0x5A00;
	[dreg:$0x1c] =	wrdreg s17  }
0x1c: {  	v17 =	vor.u32 $0xC60, v0;
	v18 =	vor.u32 $0xCE0, v0;
	v19 =	vor.u32 $0xD60, v0;
	s21 =	simm.s32 $0x17A00;
	s12 =	simm.s32 $0x1E00;
	[dreg:$0x1d] =	wrdreg s18  }
0x1d: {  	v20 =	vor.u32 $0xDE0, v0;
	v21 =	vor.u32 $0xE60, v0;
	v22 =	vor.u32 $0xEE0, v0;
	s22 =	simm.s32 $0x13E00;
	s23 =	simm.s32 $0x17E00;
	[dreg:$0x1e] =	wrdreg s19  }
0x1e: {  	v23 =	vor.u32 $0xF60, v0;
	v24 =	vor.u32 $0xFE0, v0;
	v25 =	vor.u32 $0x1C60, v0;
	s6 =	sor.u32 s7, s6;
	s20 =	sshrl.u32 s4, $0x1;
	[smem:$0x7FA] =	sst s21  }
0x1f: {  	v26 =	vor.u32 $0x1CE0, v0;
	v27 =	vor.u32 $0x1D60, v0;
	v28 =	vor.u32 $0x1DE0, v0;
	s7 =	simm.s32 $0x1;
	s5 =	simm.s32 $0x5200;
	[smem:$0x7FB] =	sst s22  }
0x20: {  	v29 =	vor.u32 $0x1E60, v0;
	v30 =	vor.u32 $0x1EE0, v0;
	v31 =	vor.u32 $0x1F60, v0;
	s14 =	simm.s32 $0x5E00;
	s15 =	simm.s32 $0x2200;
	[smem:$0x7FC] =	sst s23  }
0x21: {  	v32 =	vor.u32 $0x1FE0, v0;
	v33 =	vor.u32 $0xC70, v0;
	v34 =	vor.u32 $0xCF0, v0;
	s16 =	simm.s32 $0x2600;
	s17 =	simm.s32 $0x6600;
	s18 =	simm.s32 $0x2A00  }
0x22: {  	v35 =	vor.u32 $0xD70, v0;
	v36 =	vor.u32 $0xDF0, v0;
	v37 =	vor.u32 $0xE70, v0;
	s23 =	simm.s32 $0x0;
	s3 =	sadd.s32 s6, s3;
	s4 =	ssub.s32 s4, s20  }
0x23: {  	v38 =	vor.u32 $0xEF0, v0;
	v39 =	vor.u32 $0xF70, v0;
	v40 =	vor.u32 $0xFF0, v0;
	s6 =	sshrl.u32 s6, $0x3;
	s20 =	simm.s32 $0x13A00;
	[smem:$0x7FD] =	sst s23  }
0x24: {  	v41 =	vor.u32 $0x1C70, v0;
	v42 =	vor.u32 $0x1CF0, v0;
	v43 =	vor.u32 $0x1D70, v0;
	s13 =	simm.s32 $0x8200;
	s0 =	sadd.s32 s0, s6;
	[dreg:$0x1f] =	wrdreg s20  }
0x25: {  	v44 =	vor.u32 $0x1DF0, v0;
	v45 =	vor.u32 $0x1E70, v0;
	v46 =	vor.u32 $0x1EF0, v0;
	s19 =	simm.s32 $0x10200;
	s3 =	sadd.s32 $0xA00, s3;
	[smem:$0x7F7] =	sst s0  }
0x26: {  	v2 =	vor.u32 $0x80, v1;
	v3 =	vor.u32 $0x100, v1;
	v4 =	vor.u32 $0x180, v1;
	s21 =	simm.s32 $0x2;
	s26 =	smax.u32 s4, $0x1;
	[smem:$0x7F8] =	sst s3  }
0x27: {  	v5 =	vor.u32 $0x200, v1;
	v6 =	vor.u32 $0x280, v1;
	v7 =	vor.u32 $0x300, v1;
	s22 =	simm.s32 $0x3;
	s4 =	simm.s32 $0x11E00;
	[smem:$0x7F9] =	sst s26  }
0x28: {  	v8 =	vor.u32 $0x380, v1;
	v9 =	vor.u32 $0x4000, v1;
	v10 =	vor.u32 $0x4080, v1;
	s6 =	simm.s32 $0x12200;
	s20 =	simm.s32 $0x18200;
	[dreg:$0x11] =	wrdreg s4  }
0x29: {  	v11 =	vor.u32 $0x4100, v1;
	v12 =	vor.u32 $0x4180, v1;
	v13 =	vor.u32 $0x4200, v1;
	s26 =	simm.s32 $0x4200;
	[dreg:$0x13] =	wrdreg s6;
	s3 =	simm.s32 $0x4E00  }
0x2a: {  	v14 =	vor.u32 $0x4280, v1;
	v15 =	vor.u32 $0x4300, v1;
	v16 =	vor.u32 $0x4380, v1;
	s4 =	simm.s32 $0x1200;
	s6 =	simm.s32 $0x1600;
	s0 =	simm.s32 $0x6200  }
.LBB2_1:
0x2b: {  	s23 =	sld [smem:$0x7F7];
	_ =	sdelay $0x2  }
0x2c: {  	[tilespmem:s2], [sflag:$0x1] =	stream.linear.gather [hbm4b:s23+s2], $0x200, $0x38;
	[tilespmem:$0x1A200] =	vst v63  }
0x2d: {  	_ =	swait.ge [sflag:s7], $0x200  }
0x2e: {  	[sflag:s7] =	ssyncset.done $0x0  }
0x2f: {  	[sflag:s7] =	ssyncadd.s32 $0xFFFFFE00  }
0x30: {  	v47 =	vld [tilespmem:$0x0];
	_ =	sdelay $0x4  }
0x31: {  	(v2sf) =	vpush v47, $0x0;
	_ =	sdelay $0x5  }
0x32: {  	(v2sf) =	vpush v47, $0x1;
	_ =	sdelay $0x3  }
0x33: {  	(v2sf) =	vpush v47, $0x2;
	_ =	sdelay $0x4  }
0x34: {  	s23 =	spop (v2sf)  }
0x35: {  	s23 =	sand.u32 $0xFFFFF80, s23  }
0x36: {  	(v2sf) =	vpush v47, $0x3;
	s23 =	sadd.s32 s1, s23  }
0x37: {  	[tilespmem:s8], [sflag:$0x1] =	stream.linear.gather [hbm4b:s23+s2], $0x400, $0x38;
	[tilespmem:$0x1A200] =	vst v63  }
0x38: {  	s23 =	sadd.s32 $0xF4280, s23  }
0x39: {  	[tilespmem:s26], [sflag:$0x1] =	stream.linear.gather [hbm4b:s23+s2], $0x400, $0x38;
	[tilespmem:$0x1A200] =	vst v63  }
0x3a: {  	s26 =	spop (v2sf)  }
0x3b: {  	s23 =	sand.u32 $0xFFFFF80, s26  }
0x3c: {  	(v2sf) =	vpush v47, $0x4;
	s23 =	sadd.s32 s1, s23  }
0x3d: {  	[tilespmem:s28], [sflag:$0x1] =	stream.linear.gather [hbm4b:s23+s2], $0x400, $0x38;
	[tilespmem:$0x1A200] =	vst v63  }
0x3e: {  	s26 =	spop (v2sf);
	s23 =	sadd.s32 $0xF4280, s23  }
0x3f: {  	[tilespmem:s24], [sflag:$0x1] =	stream.linear.gather [hbm4b:s23+s2], $0x400, $0x38;
	[tilespmem:$0x1A200] =	vst v63  }
0x40: {  	s23 =	sand.u32 $0xFFFFF80, s26  }
0x41: {  	s23 =	sadd.s32 s1, s23  }
0x42: {  	(v2sf) =	vpush v47, $0x5;
	[tilespmem:s25], [sflag:$0x1] =	stream.linear.gather [hbm4b:s23+s2], $0x400, $0x38;
	[tilespmem:$0x1A200] =	vst v63  }
0x43: {  	s23 =	sadd.s32 $0xF4280, s23  }
0x44: {  	[tilespmem:s29], [sflag:$0x1] =	stream.linear.gather [hbm4b:s23+s2], $0x400, $0x38;
	[tilespmem:$0x1A200] =	vst v63  }
0x45: {  	s28 =	spop (v2sf)  }
0x46: {  	s23 =	sand.u32 $0xFFFFF80, s28  }
0x47: {  	s23 =	sadd.s32 s1, s23  }
0x48: {  	(v2sf) =	vpush v47, $0x6;
	[tilespmem:s30], [sflag:$0x1] =	stream.linear.gather [hbm4b:s23+s2], $0x400, $0x38;
	[tilespmem:$0x1A200] =	vst v63  }
0x49: {  	s23 =	sadd.s32 $0xF4280, s23  }
0x4a: {  	[tilespmem:s3], [sflag:$0x1] =	stream.linear.gather [hbm4b:s23+s2], $0x400, $0x38;
	[tilespmem:$0x1A200] =	vst v63  }
0x4b: {  	s3 =	spop (v2sf)  }
0x4c: {  	s23 =	sand.u32 $0xFFFFF80, s3  }
0x4d: {  	s23 =	sadd.s32 s1, s23  }
0x4e: {  	(v2sf) =	vpush v47, $0x7;
	[tilespmem:s4], [sflag:$0x1] =	stream.linear.gather [hbm4b:s23+s2], $0x400, $0x38;
	[tilespmem:$0x1A200] =	vst v63  }
0x4f: {  	s23 =	sadd.s32 $0xF4280, s23  }
0x50: {  	[tilespmem:s5], [sflag:$0x1] =	stream.linear.gather [hbm4b:s23+s2], $0x400, $0x38;
	[tilespmem:$0x1A200] =	vst v63  }
0x51: {  	s5 =	spop (v2sf)  }
0x52: {  	s23 =	sand.u32 $0xFFFFF80, s5  }
0x53: {  	s23 =	sadd.s32 s1, s23  }
0x54: {  	(v2sf) =	vpush v47, $0x8;
	[tilespmem:s6], [sflag:$0x1] =	stream.linear.gather [hbm4b:s23+s2], $0x400, $0x38;
	[tilespmem:$0x1A200] =	vst v63  }
0x55: {  	s23 =	sadd.s32 $0xF4280, s23  }
0x56: {  	[tilespmem:s9], [sflag:$0x1] =	stream.linear.gather [hbm4b:s23+s2], $0x400, $0x38;
	[tilespmem:$0x1A200] =	vst v63  }
0x57: {  	s9 =	spop (v2sf)  }
0x58: {  	s23 =	sand.u32 $0xFFFFF80, s9  }
0x59: {  	s23 =	sadd.s32 s1, s23  }
0x5a: {  	(v2sf) =	vpush v47, $0x9;
	[tilespmem:s10], [sflag:$0x1] =	stream.linear.gather [hbm4b:s23+s2], $0x400, $0x38;
	[tilespmem:$0x1A200] =	vst v63  }
0x5b: {  	s23 =	sadd.s32 $0xF4280, s23  }
0x5c: {  	[tilespmem:s11], [sflag:$0x1] =	stream.linear.gather [hbm4b:s23+s2], $0x400, $0x38;
	[tilespmem:$0x1A200] =	vst v63  }
0x5d: {  	s11 =	spop (v2sf)  }
0x5e: {  	s23 =	sand.u32 $0xFFFFF80, s11  }
0x5f: {  	s23 =	sadd.s32 s1, s23  }
0x60: {  	(v2sf) =	vpush v47, $0xA;
	[tilespmem:s12], [sflag:$0x1] =	stream.linear.gather [hbm4b:s23+s2], $0x400, $0x38;
	[tilespmem:$0x1A200] =	vst v63  }
0x61: {  	s23 =	sadd.s32 $0xF4280, s23  }
0x62: {  	[tilespmem:s14], [sflag:$0x1] =	stream.linear.gather [hbm4b:s23+s2], $0x400, $0x38;
	[tilespmem:$0x1A200] =	vst v63  }
0x63: {  	s14 =	spop (v2sf)  }
0x64: {  	s23 =	sand.u32 $0xFFFFF80, s14  }
0x65: {  	s23 =	sadd.s32 s1, s23  }
0x66: {  	(v2sf) =	vpush v47, $0xB;
	[tilespmem:s15], [sflag:$0x1] =	stream.linear.gather [hbm4b:s23+s2], $0x400, $0x38;
	[tilespmem:$0x1A200] =	vst v63  }
0x67: {  	s23 =	sadd.s32 $0xF4280, s23  }
0x68: {  	[tilespmem:s0], [sflag:$0x1] =	stream.linear.gather [hbm4b:s23+s2], $0x400, $0x38;
	[tilespmem:$0x1A200] =	vst v63  }
0x69: {  	s15 =	spop (v2sf)  }
0x6a: {  	s23 =	sand.u32 $0xFFFFF80, s15  }
0x6b: {  	s23 =	sadd.s32 s1, s23  }
0x6c: {  	(v2sf) =	vpush v47, $0xC;
	[tilespmem:s16], [sflag:$0x1] =	stream.linear.gather [hbm4b:s23+s2], $0x400, $0x38;
	[tilespmem:$0x1A200] =	vst v63  }
0x6d: {  	s23 =	sadd.s32 $0xF4280, s23  }
0x6e: {  	[tilespmem:s17], [sflag:$0x1] =	stream.linear.gather [hbm4b:s23+s2], $0x400, $0x38;
	[tilespmem:$0x1A200] =	vst v63  }
0x6f: {  	s24 =	spop (v2sf)  }
0x70: {  	s23 =	sand.u32 $0xFFFFF80, s24  }
0x71: {  	s23 =	sadd.s32 s1, s23  }
0x72: {  	(v2sf) =	vpush v47, $0xD;
	[tilespmem:s18], [sflag:$0x1] =	stream.linear.gather [hbm4b:s23+s2], $0x400, $0x38;
	[tilespmem:$0x1A200] =	vst v63  }
0x73: {  	s23 =	sadd.s32 $0xF4280, s23  }
0x74: {  	[tilespmem:s31], [sflag:$0x1] =	stream.linear.gather [hbm4b:s23+s2], $0x400, $0x38;
	[tilespmem:$0x1A200] =	vst v63  }
0x75: {  	s25 =	spop (v2sf)  }
0x76: {  	s23 =	sand.u32 $0xFFFFF80, s25  }
0x77: {  	s26 =	simm.s32 $0x2E00;
	s23 =	sadd.s32 s1, s23  }
0x78: {  	(v2sf) =	vpush v47, $0xE;
	[tilespmem:s26], [sflag:$0x1] =	stream.linear.gather [hbm4b:s23+s2], $0x400, $0x38;
	[tilespmem:$0x1A200] =	vst v63  }
0x79: {  	s28 =	simm.s32 $0x6E00;
	s23 =	sadd.s32 $0xF4280, s23  }
0x7a: {  	[tilespmem:s28], [sflag:$0x1] =	stream.linear.gather [hbm4b:s23+s2], $0x400, $0x38;
	[tilespmem:$0x1A200] =	vst v63  }
0x7b: {  	s3 =	spop (v2sf)  }
0x7c: {  	s23 =	sand.u32 $0xFFFFF80, s3  }
0x7d: {  	s4 =	simm.s32 $0x3200;
	s23 =	sadd.s32 s1, s23  }
0x7e: {  	(v2sf) =	vpush v47, $0xF;
	[tilespmem:s4], [sflag:$0x1] =	stream.linear.gather [hbm4b:s23+s2], $0x400, $0x38;
	[tilespmem:$0x1A200] =	vst v63  }
0x7f: {  	s5 =	simm.s32 $0x7200;
	s23 =	sadd.s32 $0xF4280, s23  }
0x80: {  	[tilespmem:s5], [sflag:$0x1] =	stream.linear.gather [hbm4b:s23+s2], $0x400, $0x38;
	[tilespmem:$0x1A200] =	vst v63  }
0x81: {  	s6 =	spop (v2sf)  }
0x82: {  	s23 =	sand.u32 $0xFFFFF80, s6  }
0x83: {  	s9 =	simm.s32 $0x3600;
	s23 =	sadd.s32 s1, s23  }
0x84: {  	[tilespmem:s9], [sflag:$0x1] =	stream.linear.gather [hbm4b:s23+s2], $0x400, $0x38;
	[tilespmem:$0x1A200] =	vst v63  }
0x85: {  	s10 =	simm.s32 $0x7600;
	s23 =	sadd.s32 $0xF4280, s23  }
0x86: {  	[tilespmem:s10], [sflag:$0x1] =	stream.linear.gather [hbm4b:s23+s2], $0x400, $0x38;
	[tilespmem:$0x1A200] =	vst v63  }
0x87: {  	s11 =	spop (v2sf)  }
0x88: {  	s23 =	sand.u32 $0xFFFFF80, s11  }
0x89: {  	s12 =	simm.s32 $0x3A00;
	s23 =	sadd.s32 s1, s23  }
0x8a: {  	[tilespmem:s12], [sflag:$0x1] =	stream.linear.gather [hbm4b:s23+s2], $0x400, $0x38;
	[tilespmem:$0x1A200] =	vst v63  }
0x8b: {  	s14 =	simm.s32 $0x7A00;
	s23 =	sadd.s32 $0xF4280, s23  }
0x8c: {  	[tilespmem:s14], [sflag:$0x1] =	stream.linear.gather [hbm4b:s23+s2], $0x400, $0x38;
	[tilespmem:$0x1A200] =	vst v63  }
0x8d: {  	s15 =	spop (v2sf)  }
0x8e: {  	s23 =	sand.u32 $0xFFFFF80, s15  }
0x8f: {  	s16 =	simm.s32 $0x3E00;
	s23 =	sadd.s32 s1, s23  }
0x90: {  	[tilespmem:s16], [sflag:$0x1] =	stream.linear.gather [hbm4b:s23+s2], $0x400, $0x38;
	[tilespmem:$0x1A200] =	vst v63  }
0x91: {  	s17 =	simm.s32 $0x7E00;
	s23 =	sadd.s32 $0xF4280, s23  }
0x92: {  	[tilespmem:s17], [sflag:$0x1] =	stream.linear.gather [hbm4b:s23+s2], $0x400, $0x38;
	[tilespmem:$0x1A200] =	vst v63  }
0x93: {  	v63 =	vld [tilespmem:$0x10];
	_ =	sdelay $0x4  }
0x94: {  	(v2sf) =	vpush v63, $0x0;
	_ =	sdelay $0x2  }
0x95: {  	(v2sf) =	vpush v63, $0x1;
	_ =	sdelay $0x3  }
0x96: {  	(v2sf) =	vpush v63, $0x2;
	_ =	sdelay $0x7  }
0x97: {  	s18 =	spop (v2sf);
	(v2sf) =	vpush v63, $0x3;
	_ =	sdelay $0x1  }
0x98: {  	s23 =	sand.u32 $0xFFFFF80, s18  }
0x99: {  	s25 =	spop (v2sf);
	(v2sf) =	vpush v63, $0x4;
	s23 =	sadd.s32 s1, s23  }
0x9a: {  	[tilespmem:s13], [sflag:$0x2] =	stream.linear.gather [hbm4b:s23+s2], $0x400, $0x38;
	[tilespmem:$0x1A200] =	vst v63  }
0x9b: {  	s24 =	simm.s32 $0xC200;
	s23 =	sadd.s32 $0xF4280, s23  }
0x9c: {  	[tilespmem:s24], [sflag:$0x2] =	stream.linear.gather [hbm4b:s23+s2], $0x400, $0x38;
	[tilespmem:$0x1A200] =	vst v63  }
0x9d: {  	s0 =	spop (v2sf);
	(v2sf) =	vpush v63, $0x5;
	s23 =	sand.u32 $0xFFFFF80, s25  }
0x9e: {  	s26 =	simm.s32 $0x8600;
	s23 =	sadd.s32 s1, s23  }
0x9f: {  	[tilespmem:s26], [sflag:$0x2] =	stream.linear.gather [hbm4b:s23+s2], $0x400, $0x38;
	[tilespmem:$0x1A200] =	vst v63  }
0xa0: {  	s28 =	simm.s32 $0xC600;
	s23 =	sadd.s32 $0xF4280, s23  }
0xa1: {  	[tilespmem:s28], [sflag:$0x2] =	stream.linear.gather [hbm4b:s23+s2], $0x400, $0x38;
	[tilespmem:$0x1A200] =	vst v63  }
0xa2: {  	s23 =	sand.u32 $0xFFFFF80, s0  }
0xa3: {  	s3 =	simm.s32 $0x8A00;
	s23 =	sadd.s32 s1, s23  }
0xa4: {  	[tilespmem:s3], [sflag:$0x2] =	stream.linear.gather [hbm4b:s23+s2], $0x400, $0x38;
	[tilespmem:$0x1A200] =	vst v63  }
0xa5: {  	s4 =	simm.s32 $0xCA00;
	s23 =	sadd.s32 $0xF4280, s23;
	s5 =	spop (v2sf);
	(v2sf) =	vpush v63, $0x6  }
0xa6: {  	[tilespmem:s4], [sflag:$0x2] =	stream.linear.gather [hbm4b:s23+s2], $0x400, $0x38;
	[tilespmem:$0x1A200] =	vst v63  }
0xa7: {  	s23 =	sand.u32 $0xFFFFF80, s5  }
0xa8: {  	s6 =	simm.s32 $0x8E00;
	s10 =	spop (v2sf);
	(v2sf) =	vpush v63, $0x7;
	s23 =	sadd.s32 s1, s23  }
0xa9: {  	[tilespmem:s6], [sflag:$0x2] =	stream.linear.gather [hbm4b:s23+s2], $0x400, $0x38;
	[tilespmem:$0x1A200] =	vst v63  }
0xaa: {  	s9 =	simm.s32 $0xCE00;
	s23 =	sadd.s32 $0xF4280, s23  }
0xab: {  	[tilespmem:s9], [sflag:$0x2] =	stream.linear.gather [hbm4b:s23+s2], $0x400, $0x38;
	[tilespmem:$0x1A200] =	vst v63  }
0xac: {  	s14 =	spop (v2sf);
	(v2sf) =	vpush v63, $0x8;
	s23 =	sand.u32 $0xFFFFF80, s10  }
0xad: {  	s11 =	simm.s32 $0x9200;
	s23 =	sadd.s32 s1, s23  }
0xae: {  	[tilespmem:s11], [sflag:$0x2] =	stream.linear.gather [hbm4b:s23+s2], $0x400, $0x38;
	[tilespmem:$0x1A200] =	vst v63  }
0xaf: {  	s12 =	simm.s32 $0xD200;
	s23 =	sadd.s32 $0xF4280, s23  }
0xb0: {  	[tilespmem:s12], [sflag:$0x2] =	stream.linear.gather [hbm4b:s23+s2], $0x400, $0x38;
	[tilespmem:$0x1A200] =	vst v63  }
0xb1: {  	s23 =	sand.u32 $0xFFFFF80, s14  }
0xb2: {  	s15 =	simm.s32 $0x9600;
	s23 =	sadd.s32 s1, s23  }
0xb3: {  	[tilespmem:s15], [sflag:$0x2] =	stream.linear.gather [hbm4b:s23+s2], $0x400, $0x38;
	[tilespmem:$0x1A200] =	vst v63  }
0xb4: {  	s16 =	simm.s32 $0xD600;
	s23 =	sadd.s32 $0xF4280, s23;
	s17 =	spop (v2sf);
	(v2sf) =	vpush v63, $0x9  }
0xb5: {  	[tilespmem:s16], [sflag:$0x2] =	stream.linear.gather [hbm4b:s23+s2], $0x400, $0x38;
	[tilespmem:$0x1A200] =	vst v63  }
0xb6: {  	s23 =	sand.u32 $0xFFFFF80, s17  }
0xb7: {  	s18 =	simm.s32 $0x9A00;
	s25 =	spop (v2sf);
	(v2sf) =	vpush v63, $0xA;
	s23 =	sadd.s32 s1, s23  }
0xb8: {  	[tilespmem:s18], [sflag:$0x2] =	stream.linear.gather [hbm4b:s23+s2], $0x400, $0x38;
	[tilespmem:$0x1A200] =	vst v63  }
0xb9: {  	s24 =	simm.s32 $0xDA00;
	s23 =	sadd.s32 $0xF4280, s23  }
0xba: {  	[tilespmem:s24], [sflag:$0x2] =	stream.linear.gather [hbm4b:s23+s2], $0x400, $0x38;
	[tilespmem:$0x1A200] =	vst v63  }
0xbb: {  	s3 =	spop (v2sf);
	(v2sf) =	vpush v63, $0xB;
	s23 =	sand.u32 $0xFFFFF80, s25  }
0xbc: {  	s26 =	simm.s32 $0x9E00;
	s23 =	sadd.s32 s1, s23  }
0xbd: {  	[tilespmem:s26], [sflag:$0x2] =	stream.linear.gather [hbm4b:s23+s2], $0x400, $0x38;
	[tilespmem:$0x1A200] =	vst v63  }
0xbe: {  	s28 =	simm.s32 $0xDE00;
	s23 =	sadd.s32 $0xF4280, s23  }
0xbf: {  	[tilespmem:s28], [sflag:$0x2] =	stream.linear.gather [hbm4b:s23+s2], $0x400, $0x38;
	[tilespmem:$0x1A200] =	vst v63  }
0xc0: {  	s23 =	sand.u32 $0xFFFFF80, s3  }
0xc1: {  	s4 =	simm.s32 $0xA200;
	s23 =	sadd.s32 s1, s23  }
0xc2: {  	[tilespmem:s4], [sflag:$0x2] =	stream.linear.gather [hbm4b:s23+s2], $0x400, $0x38;
	[tilespmem:$0x1A200] =	vst v63  }
0xc3: {  	s5 =	simm.s32 $0xE200;
	s23 =	sadd.s32 $0xF4280, s23;
	s6 =	spop (v2sf);
	(v2sf) =	vpush v63, $0xC  }
0xc4: {  	[tilespmem:s5], [sflag:$0x2] =	stream.linear.gather [hbm4b:s23+s2], $0x400, $0x38;
	[tilespmem:$0x1A200] =	vst v63  }
0xc5: {  	s23 =	sand.u32 $0xFFFFF80, s6  }
0xc6: {  	s9 =	simm.s32 $0xA600;
	s11 =	spop (v2sf);
	(v2sf) =	vpush v63, $0xD;
	s23 =	sadd.s32 s1, s23  }
0xc7: {  	[tilespmem:s9], [sflag:$0x2] =	stream.linear.gather [hbm4b:s23+s2], $0x400, $0x38;
	[tilespmem:$0x1A200] =	vst v63  }
0xc8: {  	s10 =	simm.s32 $0xE600;
	s23 =	sadd.s32 $0xF4280, s23  }
0xc9: {  	[tilespmem:s10], [sflag:$0x2] =	stream.linear.gather [hbm4b:s23+s2], $0x400, $0x38;
	[tilespmem:$0x1A200] =	vst v63  }
0xca: {  	s15 =	spop (v2sf);
	(v2sf) =	vpush v63, $0xE;
	s23 =	sand.u32 $0xFFFFF80, s11  }
0xcb: {  	s12 =	simm.s32 $0xAA00;
	s23 =	sadd.s32 s1, s23  }
0xcc: {  	[tilespmem:s12], [sflag:$0x2] =	stream.linear.gather [hbm4b:s23+s2], $0x400, $0x38;
	[tilespmem:$0x1A200] =	vst v63  }
0xcd: {  	s14 =	simm.s32 $0xEA00;
	s23 =	sadd.s32 $0xF4280, s23  }
0xce: {  	[tilespmem:s14], [sflag:$0x2] =	stream.linear.gather [hbm4b:s23+s2], $0x400, $0x38;
	[tilespmem:$0x1A200] =	vst v63  }
0xcf: {  	s23 =	sand.u32 $0xFFFFF80, s15  }
0xd0: {  	s16 =	simm.s32 $0xAE00;
	s23 =	sadd.s32 s1, s23  }
0xd1: {  	[tilespmem:s16], [sflag:$0x2] =	stream.linear.gather [hbm4b:s23+s2], $0x400, $0x38;
	[tilespmem:$0x1A200] =	vst v63  }
0xd2: {  	s6 =	simm.s32 $0xEE00;
	s23 =	sadd.s32 $0xF4280, s23;
	s17 =	spop (v2sf);
	(v2sf) =	vpush v63, $0xF  }
0xd3: {  	[tilespmem:s6], [sflag:$0x2] =	stream.linear.gather [hbm4b:s23+s2], $0x400, $0x38;
	[tilespmem:$0x1A200] =	vst v63  }
0xd4: {  	s23 =	sand.u32 $0xFFFFF80, s17  }
0xd5: {  	s9 =	simm.s32 $0xB200;
	s18 =	spop (v2sf);
	s23 =	sadd.s32 s1, s23  }
0xd6: {  	[tilespmem:s9], [sflag:$0x2] =	stream.linear.gather [hbm4b:s23+s2], $0x400, $0x38;
	[tilespmem:$0x1A200] =	vst v63  }
0xd7: {  	s10 =	simm.s32 $0xF200;
	s24 =	sand.u32 $0xFFFFF80, s18;
	s23 =	sadd.s32 $0xF4280, s23  }
0xd8: {  	[tilespmem:s10], [sflag:$0x2] =	stream.linear.gather [hbm4b:s23+s2], $0x400, $0x38;
	[tilespmem:$0x1A200] =	vst v63  }
0xd9: {  	s11 =	simm.s32 $0xB600;
	s25 =	spop (v2sf);
	s23 =	sadd.s32 s1, s24  }
0xda: {  	[tilespmem:s11], [sflag:$0x2] =	stream.linear.gather [hbm4b:s23+s2], $0x400, $0x38;
	[tilespmem:$0x1A200] =	vst v63  }
0xdb: {  	s12 =	simm.s32 $0xF600;
	s26 =	sand.u32 $0xFFFFF80, s25;
	s23 =	sadd.s32 $0xF4280, s23  }
0xdc: {  	[tilespmem:s12], [sflag:$0x2] =	stream.linear.gather [hbm4b:s23+s2], $0x400, $0x38;
	[tilespmem:$0x1A200] =	vst v63  }
0xdd: {  	s14 =	simm.s32 $0xBA00;
	s23 =	sadd.s32 s1, s26  }
0xde: {  	[tilespmem:s14], [sflag:$0x2] =	stream.linear.gather [hbm4b:s23+s2], $0x400, $0x38;
	[tilespmem:$0x1A200] =	vst v63  }
0xdf: {  	s15 =	simm.s32 $0xFA00;
	s23 =	sadd.s32 $0xF4280, s23  }
0xe0: {  	[tilespmem:s15], [sflag:$0x2] =	stream.linear.gather [hbm4b:s23+s2], $0x400, $0x38;
	[tilespmem:$0x1A200] =	vst v63  }
0xe1: {  	s29 =	simm.s32 $0xBE00;
	s30 =	simm.s32 $0xA00;
	s28 =	spop (v2sf)  }
0xe2: {  	s31 =	simm.s32 $0x2A00;
	s0 =	simm.s32 $0xE00;
	s23 =	sand.u32 $0xFFFFF80, s28  }
0xe3: {  	s3 =	simm.s32 $0x6A00;
	s4 =	simm.s32 $0xFE00;
	s23 =	sadd.s32 s1, s23  }
0xe4: {  	[tilespmem:s29], [sflag:$0x2] =	stream.linear.gather [hbm4b:s23+s2], $0x400, $0x38;
	[tilespmem:$0x1A200] =	vst v63  }
0xe5: {  	s16 =	simm.s32 $0x6200;
	s17 =	simm.s32 $0x2600;
	s23 =	sadd.s32 $0xF4280, s23  }
0xe6: {  	[tilespmem:s4], [sflag:$0x2] =	stream.linear.gather [hbm4b:s23+s2], $0x400, $0x38;
	[tilespmem:$0x1A200] =	vst v63  }
0xe7: {  	s18 =	simm.s32 $0x6600;
	s24 =	simm.s32 $0x20;
	s23 =	simm.s32 $0x20  }
.LBB2_2:
0xe8: {  	v47 =	vld [tilespmem:s23+$0x0];
	_ =	sdelay $0x4  }
0xe9: {  	(v2sf) =	vpush v47, $0x0;
	_ =	sdelay $0x5  }
0xea: {  	(v2sf) =	vpush v47, $0x1;
	_ =	sdelay $0x3  }
0xeb: {  	(v2sf) =	vpush v47, $0x2;
	_ =	sdelay $0x4  }
0xec: {  	s25 =	spop (v2sf)  }
0xed: {  	s25 =	sand.u32 $0xFFFFF80, s25  }
0xee: {  	(v2sf) =	vpush v47, $0x3;
	s25 =	sadd.s32 s1, s25  }
0xef: {  	[tilespmem:s19], [sflag:$0x3] =	stream.linear.gather [hbm4b:s25+s2], $0x400, $0x38;
	[tilespmem:$0x1A200] =	vst v63  }
0xf0: {  	s26 =	rddreg [dreg:$0x4];
	s25 =	sadd.s32 $0xF4280, s25  }
0xf1: {  	[tilespmem:s26], [sflag:$0x3] =	stream.linear.gather [hbm4b:s25+s2], $0x400, $0x38;
	[tilespmem:$0x1A200] =	vst v63  }
0xf2: {  	s26 =	spop (v2sf)  }
0xf3: {  	s25 =	sand.u32 $0xFFFFF80, s26  }
0xf4: {  	s5 =	rddreg [dreg:$0x5];
	(v2sf) =	vpush v47, $0x4;
	s25 =	sadd.s32 s1, s25  }
0xf5: {  	[tilespmem:s5], [sflag:$0x3] =	stream.linear.gather [hbm4b:s25+s2], $0x400, $0x38;
	[tilespmem:$0x1A200] =	vst v63  }
0xf6: {  	s28 =	rddreg [dreg:$0x6];
	s26 =	spop (v2sf);
	s25 =	sadd.s32 $0xF4280, s25  }
0xf7: {  	[tilespmem:s28], [sflag:$0x3] =	stream.linear.gather [hbm4b:s25+s2], $0x400, $0x38;
	[tilespmem:$0x1A200] =	vst v63  }
0xf8: {  	(v2sf) =	vpush v47, $0x5;
	s25 =	sand.u32 $0xFFFFF80, s26  }
0xf9: {  	s5 =	rddreg [dreg:$0x7];
	s25 =	sadd.s32 s1, s25  }
0xfa: {  	[tilespmem:s5], [sflag:$0x3] =	stream.linear.gather [hbm4b:s25+s2], $0x400, $0x38;
	[tilespmem:$0x1A200] =	vst v63  }
0xfb: {  	s28 =	rddreg [dreg:$0x8];
	s25 =	sadd.s32 $0xF4280, s25  }
0xfc: {  	[tilespmem:s28], [sflag:$0x3] =	stream.linear.gather [hbm4b:s25+s2], $0x400, $0x38;
	[tilespmem:$0x1A200] =	vst v63  }
0xfd: {  	s26 =	spop (v2sf)  }
0xfe: {  	s25 =	sand.u32 $0xFFFFF80, s26  }
0xff: {  	s5 =	rddreg [dreg:$0x9];
	(v2sf) =	vpush v47, $0x6;
	s25 =	sadd.s32 s1, s25  }
0x100: {  	[tilespmem:s5], [sflag:$0x3] =	stream.linear.gather [hbm4b:s25+s2], $0x400, $0x38;
	[tilespmem:$0x1A200] =	vst v63  }
0x101: {  	s28 =	rddreg [dreg:$0xa];
	s25 =	sadd.s32 $0xF4280, s25  }
0x102: {  	[tilespmem:s28], [sflag:$0x3] =	stream.linear.gather [hbm4b:s25+s2], $0x400, $0x38;
	[tilespmem:$0x1A200] =	vst v63  }
0x103: {  	s26 =	spop (v2sf)  }
0x104: {  	s25 =	sand.u32 $0xFFFFF80, s26  }
0x105: {  	s5 =	rddreg [dreg:$0xb];
	(v2sf) =	vpush v47, $0x7;
	s25 =	sadd.s32 s1, s25  }
0x106: {  	[tilespmem:s5], [sflag:$0x3] =	stream.linear.gather [hbm4b:s25+s2], $0x400, $0x38;
	[tilespmem:$0x1A200] =	vst v63  }
0x107: {  	s28 =	rddreg [dreg:$0xc];
	s26 =	spop (v2sf);
	s25 =	sadd.s32 $0xF4280, s25  }
0x108: {  	[tilespmem:s28], [sflag:$0x3] =	stream.linear.gather [hbm4b:s25+s2], $0x400, $0x38;
	[tilespmem:$0x1A200] =	vst v63  }
0x109: {  	(v2sf) =	vpush v47, $0x8;
	s25 =	sand.u32 $0xFFFFF80, s26  }
0x10a: {  	s5 =	rddreg [dreg:$0xd];
	s25 =	sadd.s32 s1, s25  }
0x10b: {  	[tilespmem:s5], [sflag:$0x3] =	stream.linear.gather [hbm4b:s25+s2], $0x400, $0x38;
	[tilespmem:$0x1A200] =	vst v63  }
0x10c: {  	s28 =	rddreg [dreg:$0xe];
	s25 =	sadd.s32 $0xF4280, s25  }
0x10d: {  	[tilespmem:s28], [sflag:$0x3] =	stream.linear.gather [hbm4b:s25+s2], $0x400, $0x38;
	[tilespmem:$0x1A200] =	vst v63  }
0x10e: {  	s26 =	spop (v2sf)  }
0x10f: {  	s25 =	sand.u32 $0xFFFFF80, s26  }
0x110: {  	s5 =	rddreg [dreg:$0xf];
	(v2sf) =	vpush v47, $0x9;
	s25 =	sadd.s32 s1, s25  }
0x111: {  	[tilespmem:s5], [sflag:$0x3] =	stream.linear.gather [hbm4b:s25+s2], $0x400, $0x38;
	[tilespmem:$0x1A200] =	vst v63  }
0x112: {  	s28 =	rddreg [dreg:$0x10];
	s25 =	sadd.s32 $0xF4280, s25  }
0x113: {  	[tilespmem:s28], [sflag:$0x3] =	stream.linear.gather [hbm4b:s25+s2], $0x400, $0x38;
	[tilespmem:$0x1A200] =	vst v63  }
0x114: {  	s26 =	spop (v2sf)  }
0x115: {  	s25 =	sand.u32 $0xFFFFF80, s26  }
0x116: {  	s5 =	rddreg [dreg:$0x11];
	(v2sf) =	vpush v47, $0xA;
	s25 =	sadd.s32 s1, s25  }
0x117: {  	[tilespmem:s5], [sflag:$0x3] =	stream.linear.gather [hbm4b:s25+s2], $0x400, $0x38;
	[tilespmem:$0x1A200] =	vst v63  }
0x118: {  	s28 =	rddreg [dreg:$0x12];
	s26 =	spop (v2sf);
	s25 =	sadd.s32 $0xF4280, s25  }
0x119: {  	[tilespmem:s28], [sflag:$0x3] =	stream.linear.gather [hbm4b:s25+s2], $0x400, $0x38;
	[tilespmem:$0x1A200] =	vst v63  }
0x11a: {  	(v2sf) =	vpush v47, $0xB;
	s25 =	sand.u32 $0xFFFFF80, s26  }
0x11b: {  	s5 =	rddreg [dreg:$0x13];
	s25 =	sadd.s32 s1, s25  }
0x11c: {  	[tilespmem:s5], [sflag:$0x3] =	stream.linear.gather [hbm4b:s25+s2], $0x400, $0x38;
	[tilespmem:$0x1A200] =	vst v63  }
0x11d: {  	s28 =	rddreg [dreg:$0x14];
	s25 =	sadd.s32 $0xF4280, s25  }
0x11e: {  	[tilespmem:s28], [sflag:$0x3] =	stream.linear.gather [hbm4b:s25+s2], $0x400, $0x38;
	[tilespmem:$0x1A200] =	vst v63  }
0x11f: {  	s26 =	spop (v2sf)  }
0x120: {  	s25 =	sand.u32 $0xFFFFF80, s26  }
0x121: {  	s5 =	rddreg [dreg:$0x15];
	(v2sf) =	vpush v47, $0xC;
	s25 =	sadd.s32 s1, s25  }
0x122: {  	[tilespmem:s5], [sflag:$0x3] =	stream.linear.gather [hbm4b:s25+s2], $0x400, $0x38;
	[tilespmem:$0x1A200] =	vst v63  }
0x123: {  	s28 =	rddreg [dreg:$0x16];
	s25 =	sadd.s32 $0xF4280, s25  }
0x124: {  	[tilespmem:s28], [sflag:$0x3] =	stream.linear.gather [hbm4b:s25+s2], $0x400, $0x38;
	[tilespmem:$0x1A200] =	vst v63  }
0x125: {  	s26 =	spop (v2sf)  }
0x126: {  	s25 =	sand.u32 $0xFFFFF80, s26  }
0x127: {  	s5 =	rddreg [dreg:$0x17];
	(v2sf) =	vpush v47, $0xD;
	s25 =	sadd.s32 s1, s25  }
0x128: {  	[tilespmem:s5], [sflag:$0x3] =	stream.linear.gather [hbm4b:s25+s2], $0x400, $0x38;
	[tilespmem:$0x1A200] =	vst v63  }
0x129: {  	s28 =	rddreg [dreg:$0x18];
	s26 =	spop (v2sf);
	s25 =	sadd.s32 $0xF4280, s25  }
0x12a: {  	[tilespmem:s28], [sflag:$0x3] =	stream.linear.gather [hbm4b:s25+s2], $0x400, $0x38;
	[tilespmem:$0x1A200] =	vst v63  }
0x12b: {  	(v2sf) =	vpush v47, $0xE;
	s25 =	sand.u32 $0xFFFFF80, s26  }
0x12c: {  	s5 =	rddreg [dreg:$0x19];
	s25 =	sadd.s32 s1, s25  }
0x12d: {  	[tilespmem:s5], [sflag:$0x3] =	stream.linear.gather [hbm4b:s25+s2], $0x400, $0x38;
	[tilespmem:$0x1A200] =	vst v63  }
0x12e: {  	s28 =	rddreg [dreg:$0x1a];
	s25 =	sadd.s32 $0xF4280, s25  }
0x12f: {  	[tilespmem:s28], [sflag:$0x3] =	stream.linear.gather [hbm4b:s25+s2], $0x400, $0x38;
	[tilespmem:$0x1A200] =	vst v63  }
0x130: {  	s26 =	spop (v2sf)  }
0x131: {  	s25 =	sand.u32 $0xFFFFF80, s26  }
0x132: {  	s5 =	rddreg [dreg:$0x1b];
	(v2sf) =	vpush v47, $0xF;
	s25 =	sadd.s32 s1, s25  }
0x133: {  	[tilespmem:s5], [sflag:$0x3] =	stream.linear.gather [hbm4b:s25+s2], $0x400, $0x38;
	[tilespmem:$0x1A200] =	vst v63  }
0x134: {  	s28 =	rddreg [dreg:$0x1c];
	s25 =	sadd.s32 $0xF4280, s25  }
0x135: {  	[tilespmem:s28], [sflag:$0x3] =	stream.linear.gather [hbm4b:s25+s2], $0x400, $0x38;
	[tilespmem:$0x1A200] =	vst v63  }
0x136: {  	s26 =	spop (v2sf)  }
0x137: {  	s25 =	sand.u32 $0xFFFFF80, s26  }
0x138: {  	s5 =	rddreg [dreg:$0x1d];
	s25 =	sadd.s32 s1, s25  }
0x139: {  	[tilespmem:s5], [sflag:$0x3] =	stream.linear.gather [hbm4b:s25+s2], $0x400, $0x38;
	[tilespmem:$0x1A200] =	vst v63  }
0x13a: {  	s28 =	rddreg [dreg:$0x1e];
	s26 =	spop (v2sf);
	s25 =	sadd.s32 $0xF4280, s25  }
0x13b: {  	[tilespmem:s28], [sflag:$0x3] =	stream.linear.gather [hbm4b:s25+s2], $0x400, $0x38;
	[tilespmem:$0x1A200] =	vst v63  }
0x13c: {  	s5 =	rddreg [dreg:$0x1f];
	s25 =	sand.u32 $0xFFFFF80, s26  }
0x13d: {  	s28 =	sld [smem:$0x7FA];
	s25 =	sadd.s32 s1, s25  }
0x13e: {  	[tilespmem:s5], [sflag:$0x3] =	stream.linear.gather [hbm4b:s25+s2], $0x400, $0x38;
	[tilespmem:$0x1A200] =	vst v63  }
0x13f: {  	s25 =	sadd.s32 $0xF4280, s25  }
0x140: {  	[tilespmem:s28], [sflag:$0x3] =	stream.linear.gather [hbm4b:s25+s2], $0x400, $0x38;
	[tilespmem:$0x1A200] =	vst v63  }
0x141: {  	s5 =	sld [smem:$0x7FB];
	s26 =	spop (v2sf)  }
0x142: {  	s25 =	sand.u32 $0xFFFFF80, s26  }
0x143: {  	s28 =	sld [smem:$0x7FC];
	s25 =	sadd.s32 s1, s25  }
0x144: {  	[tilespmem:s5], [sflag:$0x3] =	stream.linear.gather [hbm4b:s25+s2], $0x400, $0x38;
	[tilespmem:$0x1A200] =	vst v63  }
0x145: {  	s25 =	sadd.s32 $0xF4280, s25  }
0x146: {  	[tilespmem:s28], [sflag:$0x3] =	stream.linear.gather [hbm4b:s25+s2], $0x400, $0x38;
	[tilespmem:$0x1A200] =	vst v63  }
0x147: {  	_ =	swait.ge [sflag:s7], $0x8000  }
0x148: {  	[sflag:s7] =	ssyncset.done $0x0  }
0x149: {  	[sflag:s7] =	ssyncadd.s32 $0xFFFF8000  }
0x14a: {  	v57 =	vld [tilespmem:s23+$0xFFFFFFE0];
	_ =	sdelay $0x4  }
0x14b: {  	v47 =	vand.u32 $0x7F, v57  }
0x14c: {  	v48 =	vor.u32 v1, v47  }
0x14d: {  	s5 =	sadd.s32 $0xFFFFFFE0, s24  }
0x14e: {  	v49 =	vmov s5  }
0x14f: {  	v50 =	vor.u32 s5, v0;
	v49 =	vshll.u32 v49, $0x3  }
0x150: {  	v50 =	vand.u32 $0x7F, v50;
	v51 =	vand.u32 $0x1C00, v49  }
0x151: {  	v51 =	vor.u32 v50, v51;
	v48 =	vld.idx.msk [tilespmem:v48+s8+$0x0], $0xffff  }
0x152: {  	v52 =	vor.u32 v2, v47;
	_ =	sdelay $0x3  }
0x153: {  	[tilespmem:v51+s20+$0x0] =	vst.idx.msk $0xffff, v48  }
0x154: {  	v58 =	vor.u32 $0x80, v51;
	v48 =	vld.idx.msk [tilespmem:v52+s8+$0x0], $0xffff  }
0x155: {  	v53 =	vor.u32 v3, v47;
	_ =	sdelay $0x3  }
0x156: {  	[tilespmem:v58+s20+$0x0] =	vst.idx.msk $0xffff, v48  }
0x157: {  	v59 =	vor.u32 $0x100, v51;
	v48 =	vld.idx.msk [tilespmem:v53+s8+$0x0], $0xffff  }
0x158: {  	v60 =	vor.u32 v4, v47;
	_ =	sdelay $0x3  }
0x159: {  	[tilespmem:v59+s20+$0x0] =	vst.idx.msk $0xffff, v48  }
0x15a: {  	v61 =	vor.u32 $0x180, v51;
	v48 =	vld.idx.msk [tilespmem:v60+s8+$0x0], $0xffff  }
0x15b: {  	v62 =	vor.u32 v5, v47;
	_ =	sdelay $0x3  }
0x15c: {  	[tilespmem:v61+s20+$0x0] =	vst.idx.msk $0xffff, v48  }
0x15d: {  	v63 =	vor.u32 $0x200, v51;
	v48 =	vld.idx.msk [tilespmem:v62+s8+$0x0], $0xffff  }
0x15e: {  	v56 =	vor.u32 v6, v47;
	_ =	sdelay $0x3  }
0x15f: {  	[tilespmem:v63+s20+$0x0] =	vst.idx.msk $0xffff, v48  }
0x160: {  	v57 =	vor.u32 $0x280, v51;
	v48 =	vld.idx.msk [tilespmem:v56+s8+$0x0], $0xffff  }
0x161: {  	v58 =	vor.u32 v7, v47;
	_ =	sdelay $0x3  }
0x162: {  	[tilespmem:v57+s20+$0x0] =	vst.idx.msk $0xffff, v48  }
0x163: {  	v59 =	vor.u32 $0x300, v51;
	v48 =	vld.idx.msk [tilespmem:v58+s8+$0x0], $0xffff  }
0x164: {  	v60 =	vor.u32 v8, v47;
	_ =	sdelay $0x3  }
0x165: {  	v61 =	vor.u32 v50, v49;
	[tilespmem:v59+s20+$0x0] =	vst.idx.msk $0xffff, v48  }
0x166: {  	v48 =	vor.u32 $0x380, v61;
	v62 =	vld.idx.msk [tilespmem:v60+s8+$0x0], $0xffff  }
0x167: {  	v63 =	vor.u32 v9, v47;
	_ =	sdelay $0x3  }
0x168: {  	[tilespmem:v48+s20+$0x0] =	vst.idx.msk $0xffff, v62  }
0x169: {  	v52 =	vadd.s32 $0x1000, v51;
	v48 =	vld.idx.msk [tilespmem:v63+s8+$0x0], $0xffff  }
0x16a: {  	v53 =	vor.u32 v10, v47;
	_ =	sdelay $0x3  }
0x16b: {  	[tilespmem:v52+s20+$0x0] =	vst.idx.msk $0xffff, v48  }
0x16c: {  	v54 =	vadd.s32 $0x1080, v51;
	v48 =	vld.idx.msk [tilespmem:v53+s8+$0x0], $0xffff  }
0x16d: {  	v55 =	vor.u32 v11, v47;
	_ =	sdelay $0x3  }
0x16e: {  	[tilespmem:v54+s20+$0x0] =	vst.idx.msk $0xffff, v48  }
0x16f: {  	v56 =	vadd.s32 $0x1100, v51;
	v48 =	vld.idx.msk [tilespmem:v55+s8+$0x0], $0xffff  }
0x170: {  	v57 =	vor.u32 v12, v47;
	_ =	sdelay $0x3  }
0x171: {  	[tilespmem:v56+s20+$0x0] =	vst.idx.msk $0xffff, v48  }
0x172: {  	v58 =	vadd.s32 $0x1180, v51;
	v48 =	vld.idx.msk [tilespmem:v57+s8+$0x0], $0xffff  }
0x173: {  	v59 =	vor.u32 v13, v47;
	_ =	sdelay $0x3  }
0x174: {  	[tilespmem:v58+s20+$0x0] =	vst.idx.msk $0xffff, v48  }
0x175: {  	v60 =	vadd.s32 $0x1200, v51;
	v48 =	vld.idx.msk [tilespmem:v59+s8+$0x0], $0xffff  }
0x176: {  	v61 =	vor.u32 v14, v47;
	_ =	sdelay $0x3  }
0x177: {  	[tilespmem:v60+s20+$0x0] =	vst.idx.msk $0xffff, v48  }
0x178: {  	v62 =	vadd.s32 $0x1280, v51;
	v48 =	vld.idx.msk [tilespmem:v61+s8+$0x0], $0xffff  }
0x179: {  	v63 =	vor.u32 v15, v47;
	_ =	sdelay $0x3  }
0x17a: {  	[tilespmem:v62+s20+$0x0] =	vst.idx.msk $0xffff, v48  }
0x17b: {  	v52 =	vadd.s32 $0x1300, v51;
	v48 =	vld.idx.msk [tilespmem:v63+s8+$0x0], $0xffff  }
0x17c: {  	v47 =	vor.u32 v16, v47;
	_ =	sdelay $0x3  }
0x17d: {  	[tilespmem:v52+s20+$0x0] =	vst.idx.msk $0xffff, v48  }
0x17e: {  	v53 =	vadd.s32 $0x1380, v51;
	v47 =	vld.idx.msk [tilespmem:v47+s8+$0x0], $0xffff;
	_ =	sdelay $0x4  }
0x17f: {  	[tilespmem:v53+s20+$0x0] =	vst.idx.msk $0xffff, v47  }
0x180: {  	v47 =	vld [tilespmem:s23+$0x10];
	_ =	sdelay $0x4  }
0x181: {  	(v2sf) =	vpush v47, $0x0;
	_ =	sdelay $0x3  }
0x182: {  	(v2sf) =	vpush v47, $0x1;
	_ =	sdelay $0x6  }
0x183: {  	(v2sf) =	vpush v47, $0x2;
	_ =	sdelay $0x3  }
0x184: {  	s5 =	spop (v2sf)  }
0x185: {  	s25 =	sand.u32 $0xFFFFF80, s5  }
0x186: {  	(v2sf) =	vpush v47, $0x3;
	s25 =	sadd.s32 s1, s25  }
0x187: {  	[tilespmem:s8], [sflag:$0x1] =	stream.linear.gather [hbm4b:s25+s2], $0x400, $0x38;
	[tilespmem:$0x1A200] =	vst v63  }
0x188: {  	s26 =	simm.s32 $0x4200;
	s5 =	spop (v2sf);
	s25 =	sadd.s32 $0xF4280, s25  }
0x189: {  	[tilespmem:s26], [sflag:$0x1] =	stream.linear.gather [hbm4b:s25+s2], $0x400, $0x38;
	[tilespmem:$0x1A200] =	vst v63  }
0x18a: {  	s25 =	sand.u32 $0xFFFFF80, s5  }
0x18b: {  	s28 =	simm.s32 $0x600;
	s25 =	sadd.s32 s1, s25  }
0x18c: {  	(v2sf) =	vpush v47, $0x4;
	[tilespmem:s28], [sflag:$0x1] =	stream.linear.gather [hbm4b:s25+s2], $0x400, $0x38;
	[tilespmem:$0x1A200] =	vst v63  }
0x18d: {  	s5 =	simm.s32 $0x4600;
	s25 =	sadd.s32 $0xF4280, s25  }
0x18e: {  	[tilespmem:s5], [sflag:$0x1] =	stream.linear.gather [hbm4b:s25+s2], $0x400, $0x38;
	[tilespmem:$0x1A200] =	vst v63  }
0x18f: {  	s5 =	spop (v2sf)  }
0x190: {  	s25 =	sand.u32 $0xFFFFF80, s5  }
0x191: {  	s25 =	sadd.s32 s1, s25  }
0x192: {  	(v2sf) =	vpush v47, $0x5;
	[tilespmem:s30], [sflag:$0x1] =	stream.linear.gather [hbm4b:s25+s2], $0x400, $0x38;
	[tilespmem:$0x1A200] =	vst v63  }
0x193: {  	s5 =	simm.s32 $0x4A00;
	s25 =	sadd.s32 $0xF4280, s25  }
0x194: {  	[tilespmem:s5], [sflag:$0x1] =	stream.linear.gather [hbm4b:s25+s2], $0x400, $0x38;
	[tilespmem:$0x1A200] =	vst v63  }
0x195: {  	s5 =	spop (v2sf)  }
0x196: {  	s25 =	sand.u32 $0xFFFFF80, s5  }
0x197: {  	s25 =	sadd.s32 s1, s25  }
0x198: {  	(v2sf) =	vpush v47, $0x6;
	[tilespmem:s0], [sflag:$0x1] =	stream.linear.gather [hbm4b:s25+s2], $0x400, $0x38;
	[tilespmem:$0x1A200] =	vst v63  }
0x199: {  	s5 =	simm.s32 $0x4E00;
	s25 =	sadd.s32 $0xF4280, s25  }
0x19a: {  	[tilespmem:s5], [sflag:$0x1] =	stream.linear.gather [hbm4b:s25+s2], $0x400, $0x38;
	[tilespmem:$0x1A200] =	vst v63  }
0x19b: {  	s5 =	spop (v2sf)  }
0x19c: {  	s25 =	sand.u32 $0xFFFFF80, s5  }
0x19d: {  	s5 =	simm.s32 $0x1200;
	s25 =	sadd.s32 s1, s25  }
0x19e: {  	(v2sf) =	vpush v47, $0x7;
	[tilespmem:s5], [sflag:$0x1] =	stream.linear.gather [hbm4b:s25+s2], $0x400, $0x38;
	[tilespmem:$0x1A200] =	vst v63  }
0x19f: {  	s25 =	sadd.s32 $0xF4280, s25;
	s5 =	simm.s32 $0x5200  }
0x1a0: {  	[tilespmem:s5], [sflag:$0x1] =	stream.linear.gather [hbm4b:s25+s2], $0x400, $0x38;
	[tilespmem:$0x1A200] =	vst v63  }
0x1a1: {  	s5 =	spop (v2sf)  }
0x1a2: {  	s25 =	sand.u32 $0xFFFFF80, s5  }
0x1a3: {  	s5 =	simm.s32 $0x1600;
	s25 =	sadd.s32 s1, s25  }
0x1a4: {  	(v2sf) =	vpush v47, $0x8;
	[tilespmem:s5], [sflag:$0x1] =	stream.linear.gather [hbm4b:s25+s2], $0x400, $0x38;
	[tilespmem:$0x1A200] =	vst v63  }
0x1a5: {  	s25 =	sadd.s32 $0xF4280, s25;
	s5 =	simm.s32 $0x5600  }
0x1a6: {  	[tilespmem:s5], [sflag:$0x1] =	stream.linear.gather [hbm4b:s25+s2], $0x400, $0x38;
	[tilespmem:$0x1A200] =	vst v63  }
0x1a7: {  	s5 =	spop (v2sf)  }
0x1a8: {  	s25 =	sand.u32 $0xFFFFF80, s5  }
0x1a9: {  	s5 =	simm.s32 $0x1A00;
	s25 =	sadd.s32 s1, s25  }
0x1aa: {  	(v2sf) =	vpush v47, $0x9;
	[tilespmem:s5], [sflag:$0x1] =	stream.linear.gather [hbm4b:s25+s2], $0x400, $0x38;
	[tilespmem:$0x1A200] =	vst v63  }
0x1ab: {  	s25 =	sadd.s32 $0xF4280, s25;
	s5 =	simm.s32 $0x5A00  }
0x1ac: {  	[tilespmem:s5], [sflag:$0x1] =	stream.linear.gather [hbm4b:s25+s2], $0x400, $0x38;
	[tilespmem:$0x1A200] =	vst v63  }
0x1ad: {  	s5 =	spop (v2sf)  }
0x1ae: {  	s25 =	sand.u32 $0xFFFFF80, s5  }
0x1af: {  	s5 =	simm.s32 $0x1E00;
	s25 =	sadd.s32 s1, s25  }
0x1b0: {  	(v2sf) =	vpush v47, $0xA;
	[tilespmem:s5], [sflag:$0x1] =	stream.linear.gather [hbm4b:s25+s2], $0x400, $0x38;
	[tilespmem:$0x1A200] =	vst v63  }
0x1b1: {  	s25 =	sadd.s32 $0xF4280, s25;
	s5 =	simm.s32 $0x5E00  }
0x1b2: {  	[tilespmem:s5], [sflag:$0x1] =	stream.linear.gather [hbm4b:s25+s2], $0x400, $0x38;
	[tilespmem:$0x1A200] =	vst v63  }
0x1b3: {  	s5 =	spop (v2sf)  }
0x1b4: {  	s25 =	sand.u32 $0xFFFFF80, s5  }
0x1b5: {  	s5 =	simm.s32 $0x2200;
	s25 =	sadd.s32 s1, s25  }
0x1b6: {  	(v2sf) =	vpush v47, $0xB;
	[tilespmem:s5], [sflag:$0x1] =	stream.linear.gather [hbm4b:s25+s2], $0x400, $0x38;
	[tilespmem:$0x1A200] =	vst v63  }
0x1b7: {  	s25 =	sadd.s32 $0xF4280, s25  }
0x1b8: {  	[tilespmem:s16], [sflag:$0x1] =	stream.linear.gather [hbm4b:s25+s2], $0x400, $0x38;
	[tilespmem:$0x1A200] =	vst v63  }
0x1b9: {  	s5 =	spop (v2sf)  }
0x1ba: {  	s25 =	sand.u32 $0xFFFFF80, s5  }
0x1bb: {  	s25 =	sadd.s32 s1, s25  }
0x1bc: {  	(v2sf) =	vpush v47, $0xC;
	[tilespmem:s17], [sflag:$0x1] =	stream.linear.gather [hbm4b:s25+s2], $0x400, $0x38;
	[tilespmem:$0x1A200] =	vst v63  }
0x1bd: {  	s25 =	sadd.s32 $0xF4280, s25  }
0x1be: {  	[tilespmem:s18], [sflag:$0x1] =	stream.linear.gather [hbm4b:s25+s2], $0x400, $0x38;
	[tilespmem:$0x1A200] =	vst v63  }
0x1bf: {  	s5 =	spop (v2sf)  }
0x1c0: {  	s25 =	sand.u32 $0xFFFFF80, s5  }
0x1c1: {  	s25 =	sadd.s32 s1, s25  }
0x1c2: {  	(v2sf) =	vpush v47, $0xD;
	[tilespmem:s31], [sflag:$0x1] =	stream.linear.gather [hbm4b:s25+s2], $0x400, $0x38;
	[tilespmem:$0x1A200] =	vst v63  }
0x1c3: {  	s25 =	sadd.s32 $0xF4280, s25  }
0x1c4: {  	[tilespmem:s3], [sflag:$0x1] =	stream.linear.gather [hbm4b:s25+s2], $0x400, $0x38;
	[tilespmem:$0x1A200] =	vst v63  }
0x1c5: {  	s5 =	spop (v2sf)  }
0x1c6: {  	s25 =	sand.u32 $0xFFFFF80, s5  }
0x1c7: {  	s5 =	simm.s32 $0x2E00;
	s25 =	sadd.s32 s1, s25  }
0x1c8: {  	(v2sf) =	vpush v47, $0xE;
	[tilespmem:s5], [sflag:$0x1] =	stream.linear.gather [hbm4b:s25+s2], $0x400, $0x38;
	[tilespmem:$0x1A200] =	vst v63  }
0x1c9: {  	s25 =	sadd.s32 $0xF4280, s25;
	s5 =	simm.s32 $0x6E00  }
0x1ca: {  	[tilespmem:s5], [sflag:$0x1] =	stream.linear.gather [hbm4b:s25+s2], $0x400, $0x38;
	[tilespmem:$0x1A200] =	vst v63  }
0x1cb: {  	s5 =	spop (v2sf)  }
0x1cc: {  	s25 =	sand.u32 $0xFFFFF80, s5  }
0x1cd: {  	s5 =	simm.s32 $0x3200;
	s25 =	sadd.s32 s1, s25  }
0x1ce: {  	(v2sf) =	vpush v47, $0xF;
	[tilespmem:s5], [sflag:$0x1] =	stream.linear.gather [hbm4b:s25+s2], $0x400, $0x38;
	[tilespmem:$0x1A200] =	vst v63  }
0x1cf: {  	s25 =	sadd.s32 $0xF4280, s25;
	s5 =	simm.s32 $0x7200  }
0x1d0: {  	[tilespmem:s5], [sflag:$0x1] =	stream.linear.gather [hbm4b:s25+s2], $0x400, $0x38;
	[tilespmem:$0x1A200] =	vst v63  }
0x1d1: {  	s5 =	spop (v2sf)  }
0x1d2: {  	s25 =	sand.u32 $0xFFFFF80, s5  }
0x1d3: {  	s5 =	simm.s32 $0x3600;
	s25 =	sadd.s32 s1, s25  }
0x1d4: {  	[tilespmem:s5], [sflag:$0x1] =	stream.linear.gather [hbm4b:s25+s2], $0x400, $0x38;
	[tilespmem:$0x1A200] =	vst v63  }
0x1d5: {  	s25 =	sadd.s32 $0xF4280, s25;
	s5 =	simm.s32 $0x7600  }
0x1d6: {  	[tilespmem:s5], [sflag:$0x1] =	stream.linear.gather [hbm4b:s25+s2], $0x400, $0x38;
	[tilespmem:$0x1A200] =	vst v63  }
0x1d7: {  	s5 =	spop (v2sf)  }
0x1d8: {  	s25 =	sand.u32 $0xFFFFF80, s5  }
0x1d9: {  	s5 =	simm.s32 $0x3A00;
	s25 =	sadd.s32 s1, s25  }
0x1da: {  	[tilespmem:s5], [sflag:$0x1] =	stream.linear.gather [hbm4b:s25+s2], $0x400, $0x38;
	[tilespmem:$0x1A200] =	vst v63  }
0x1db: {  	s25 =	sadd.s32 $0xF4280, s25;
	s5 =	simm.s32 $0x7A00  }
0x1dc: {  	[tilespmem:s5], [sflag:$0x1] =	stream.linear.gather [hbm4b:s25+s2], $0x400, $0x38;
	[tilespmem:$0x1A200] =	vst v63  }
0x1dd: {  	s5 =	spop (v2sf)  }
0x1de: {  	s25 =	sand.u32 $0xFFFFF80, s5  }
0x1df: {  	s5 =	simm.s32 $0x3E00;
	s25 =	sadd.s32 s1, s25  }
0x1e0: {  	[tilespmem:s5], [sflag:$0x1] =	stream.linear.gather [hbm4b:s25+s2], $0x400, $0x38;
	[tilespmem:$0x1A200] =	vst v63  }
0x1e1: {  	s25 =	sadd.s32 $0xF4280, s25;
	s5 =	simm.s32 $0x7E00  }
0x1e2: {  	[tilespmem:s5], [sflag:$0x1] =	stream.linear.gather [hbm4b:s25+s2], $0x400, $0x38;
	[tilespmem:$0x1A200] =	vst v63  }
0x1e3: {  	_ =	swait.ge [sflag:s21], $0x8000  }
0x1e4: {  	[sflag:s21] =	ssyncset.done $0x0  }
0x1e5: {  	[sflag:s21] =	ssyncadd.s32 $0xFFFF8000  }
0x1e6: {  	v54 =	vld [tilespmem:s23+$0xFFFFFFF0];
	_ =	sdelay $0x4  }
0x1e7: {  	v47 =	vand.u32 $0x7F, v54  }
0x1e8: {  	v55 =	vor.u32 v1, v47  }
0x1e9: {  	s5 =	sadd.s32 $0xFFFFFFF0, s24  }
0x1ea: {  	v56 =	vmov s5  }
0x1eb: {  	v57 =	vor.u32 s5, v0;
	v49 =	vshll.u32 v56, $0x3  }
0x1ec: {  	v50 =	vand.u32 $0x7F, v57;
	v58 =	vand.u32 $0x3C00, v49  }
0x1ed: {  	v51 =	vor.u32 v50, v58;
	v48 =	vld.idx.msk [tilespmem:v55+s13+$0x0], $0xffff  }
0x1ee: {  	v59 =	vor.u32 v2, v47;
	_ =	sdelay $0x3  }
0x1ef: {  	[tilespmem:v51+s20+$0x0] =	vst.idx.msk $0xffff, v48  }
0x1f0: {  	v60 =	vor.u32 $0x80, v51;
	v48 =	vld.idx.msk [tilespmem:v59+s13+$0x0], $0xffff  }
0x1f1: {  	v61 =	vor.u32 v3, v47;
	_ =	sdelay $0x3  }
0x1f2: {  	[tilespmem:v60+s20+$0x0] =	vst.idx.msk $0xffff, v48  }
0x1f3: {  	v62 =	vor.u32 $0x100, v51;
	v48 =	vld.idx.msk [tilespmem:v61+s13+$0x0], $0xffff  }
0x1f4: {  	v63 =	vor.u32 v4, v47;
	_ =	sdelay $0x3  }
0x1f5: {  	[tilespmem:v62+s20+$0x0] =	vst.idx.msk $0xffff, v48  }
0x1f6: {  	v56 =	vor.u32 $0x180, v51;
	v48 =	vld.idx.msk [tilespmem:v63+s13+$0x0], $0xffff  }
0x1f7: {  	v57 =	vor.u32 v5, v47;
	_ =	sdelay $0x3  }
0x1f8: {  	[tilespmem:v56+s20+$0x0] =	vst.idx.msk $0xffff, v48  }
0x1f9: {  	v58 =	vor.u32 $0x200, v51;
	v48 =	vld.idx.msk [tilespmem:v57+s13+$0x0], $0xffff  }
0x1fa: {  	v59 =	vor.u32 v6, v47;
	_ =	sdelay $0x3  }
0x1fb: {  	[tilespmem:v58+s20+$0x0] =	vst.idx.msk $0xffff, v48  }
0x1fc: {  	v60 =	vor.u32 $0x280, v51;
	v48 =	vld.idx.msk [tilespmem:v59+s13+$0x0], $0xffff  }
0x1fd: {  	v61 =	vor.u32 v7, v47;
	_ =	sdelay $0x3  }
0x1fe: {  	[tilespmem:v60+s20+$0x0] =	vst.idx.msk $0xffff, v48  }
0x1ff: {  	v62 =	vor.u32 $0x300, v51;
	v48 =	vld.idx.msk [tilespmem:v61+s13+$0x0], $0xffff  }
0x200: {  	v63 =	vor.u32 v8, v47;
	_ =	sdelay $0x3  }
0x201: {  	v52 =	vor.u32 v50, v49;
	[tilespmem:v62+s20+$0x0] =	vst.idx.msk $0xffff, v48  }
0x202: {  	v48 =	vor.u32 $0x380, v52;
	v53 =	vld.idx.msk [tilespmem:v63+s13+$0x0], $0xffff  }
0x203: {  	v54 =	vor.u32 v9, v47;
	_ =	sdelay $0x3  }
0x204: {  	[tilespmem:v48+s20+$0x0] =	vst.idx.msk $0xffff, v53  }
0x205: {  	v55 =	vadd.s32 $0x1000, v51;
	v48 =	vld.idx.msk [tilespmem:v54+s13+$0x0], $0xffff  }
0x206: {  	v56 =	vor.u32 v10, v47;
	_ =	sdelay $0x3  }
0x207: {  	[tilespmem:v55+s20+$0x0] =	vst.idx.msk $0xffff, v48  }
0x208: {  	v57 =	vadd.s32 $0x1080, v51;
	v48 =	vld.idx.msk [tilespmem:v56+s13+$0x0], $0xffff  }
0x209: {  	v58 =	vor.u32 v11, v47;
	_ =	sdelay $0x3  }
0x20a: {  	[tilespmem:v57+s20+$0x0] =	vst.idx.msk $0xffff, v48  }
0x20b: {  	v59 =	vadd.s32 $0x1100, v51;
	v48 =	vld.idx.msk [tilespmem:v58+s13+$0x0], $0xffff  }
0x20c: {  	v60 =	vor.u32 v12, v47;
	_ =	sdelay $0x3  }
0x20d: {  	[tilespmem:v59+s20+$0x0] =	vst.idx.msk $0xffff, v48  }
0x20e: {  	v61 =	vadd.s32 $0x1180, v51;
	v48 =	vld.idx.msk [tilespmem:v60+s13+$0x0], $0xffff  }
0x20f: {  	v62 =	vor.u32 v13, v47;
	_ =	sdelay $0x3  }
0x210: {  	[tilespmem:v61+s20+$0x0] =	vst.idx.msk $0xffff, v48  }
0x211: {  	v63 =	vadd.s32 $0x1200, v51;
	v48 =	vld.idx.msk [tilespmem:v62+s13+$0x0], $0xffff  }
0x212: {  	v52 =	vor.u32 v14, v47;
	_ =	sdelay $0x3  }
0x213: {  	[tilespmem:v63+s20+$0x0] =	vst.idx.msk $0xffff, v48  }
0x214: {  	v53 =	vadd.s32 $0x1280, v51;
	v48 =	vld.idx.msk [tilespmem:v52+s13+$0x0], $0xffff  }
0x215: {  	v54 =	vor.u32 v15, v47;
	_ =	sdelay $0x3  }
0x216: {  	[tilespmem:v53+s20+$0x0] =	vst.idx.msk $0xffff, v48  }
0x217: {  	v55 =	vadd.s32 $0x1300, v51;
	v48 =	vld.idx.msk [tilespmem:v54+s13+$0x0], $0xffff  }
0x218: {  	v47 =	vor.u32 v16, v47;
	_ =	sdelay $0x3  }
0x219: {  	[tilespmem:v55+s20+$0x0] =	vst.idx.msk $0xffff, v48  }
0x21a: {  	v56 =	vadd.s32 $0x1380, v51;
	v47 =	vld.idx.msk [tilespmem:v47+s13+$0x0], $0xffff;
	_ =	sdelay $0x4  }
0x21b: {  	[tilespmem:v56+s20+$0x0] =	vst.idx.msk $0xffff, v47  }
0x21c: {  	v47 =	vld [tilespmem:s23+$0x20];
	_ =	sdelay $0x4  }
0x21d: {  	(v2sf) =	vpush v47, $0x0;
	_ =	sdelay $0x5  }
0x21e: {  	(v2sf) =	vpush v47, $0x1;
	_ =	sdelay $0x5  }
0x21f: {  	(v2sf) =	vpush v47, $0x2;
	_ =	sdelay $0x2  }
0x220: {  	s5 =	spop (v2sf)  }
0x221: {  	s25 =	sand.u32 $0xFFFFF80, s5  }
0x222: {  	s25 =	sadd.s32 s1, s25  }
0x223: {  	(v2sf) =	vpush v47, $0x3;
	[tilespmem:s13], [sflag:$0x2] =	stream.linear.gather [hbm4b:s25+s2], $0x400, $0x38;
	[tilespmem:$0x1A200] =	vst v63  }
0x224: {  	s5 =	simm.s32 $0xC200;
	s25 =	sadd.s32 $0xF4280, s25  }
0x225: {  	[tilespmem:s5], [sflag:$0x2] =	stream.linear.gather [hbm4b:s25+s2], $0x400, $0x38;
	[tilespmem:$0x1A200] =	vst v63  }
0x226: {  	s5 =	spop (v2sf)  }
0x227: {  	s25 =	sand.u32 $0xFFFFF80, s5  }
0x228: {  	s5 =	simm.s32 $0x8600;
	s25 =	sadd.s32 s1, s25  }
0x229: {  	(v2sf) =	vpush v47, $0x4;
	[tilespmem:s5], [sflag:$0x2] =	stream.linear.gather [hbm4b:s25+s2], $0x400, $0x38;
	[tilespmem:$0x1A200] =	vst v63  }
0x22a: {  	s25 =	sadd.s32 $0xF4280, s25;
	s5 =	simm.s32 $0xC600  }
0x22b: {  	[tilespmem:s5], [sflag:$0x2] =	stream.linear.gather [hbm4b:s25+s2], $0x400, $0x38;
	[tilespmem:$0x1A200] =	vst v63  }
0x22c: {  	s5 =	spop (v2sf)  }
0x22d: {  	s25 =	sand.u32 $0xFFFFF80, s5  }
0x22e: {  	s5 =	simm.s32 $0x8A00;
	s25 =	sadd.s32 s1, s25  }
0x22f: {  	(v2sf) =	vpush v47, $0x5;
	[tilespmem:s5], [sflag:$0x2] =	stream.linear.gather [hbm4b:s25+s2], $0x400, $0x38;
	[tilespmem:$0x1A200] =	vst v63  }
0x230: {  	s25 =	sadd.s32 $0xF4280, s25;
	s5 =	simm.s32 $0xCA00  }
0x231: {  	[tilespmem:s5], [sflag:$0x2] =	stream.linear.gather [hbm4b:s25+s2], $0x400, $0x38;
	[tilespmem:$0x1A200] =	vst v63  }
0x232: {  	s5 =	spop (v2sf)  }
0x233: {  	s25 =	sand.u32 $0xFFFFF80, s5  }
0x234: {  	s5 =	simm.s32 $0x8E00;
	s25 =	sadd.s32 s1, s25  }
0x235: {  	(v2sf) =	vpush v47, $0x6;
	[tilespmem:s5], [sflag:$0x2] =	stream.linear.gather [hbm4b:s25+s2], $0x400, $0x38;
	[tilespmem:$0x1A200] =	vst v63  }
0x236: {  	s25 =	sadd.s32 $0xF4280, s25;
	s5 =	simm.s32 $0xCE00  }
0x237: {  	[tilespmem:s5], [sflag:$0x2] =	stream.linear.gather [hbm4b:s25+s2], $0x400, $0x38;
	[tilespmem:$0x1A200] =	vst v63  }
0x238: {  	s5 =	spop (v2sf)  }
0x239: {  	s25 =	sand.u32 $0xFFFFF80, s5  }
0x23a: {  	s5 =	simm.s32 $0x9200;
	s25 =	sadd.s32 s1, s25  }
0x23b: {  	(v2sf) =	vpush v47, $0x7;
	[tilespmem:s5], [sflag:$0x2] =	stream.linear.gather [hbm4b:s25+s2], $0x400, $0x38;
	[tilespmem:$0x1A200] =	vst v63  }
0x23c: {  	s25 =	sadd.s32 $0xF4280, s25;
	s5 =	simm.s32 $0xD200  }
0x23d: {  	[tilespmem:s5], [sflag:$0x2] =	stream.linear.gather [hbm4b:s25+s2], $0x400, $0x38;
	[tilespmem:$0x1A200] =	vst v63  }
0x23e: {  	s5 =	spop (v2sf)  }
0x23f: {  	s25 =	sand.u32 $0xFFFFF80, s5  }
0x240: {  	s5 =	simm.s32 $0x9600;
	s25 =	sadd.s32 s1, s25  }
0x241: {  	(v2sf) =	vpush v47, $0x8;
	[tilespmem:s5], [sflag:$0x2] =	stream.linear.gather [hbm4b:s25+s2], $0x400, $0x38;
	[tilespmem:$0x1A200] =	vst v63  }
0x242: {  	s25 =	sadd.s32 $0xF4280, s25;
	s5 =	simm.s32 $0xD600  }
0x243: {  	[tilespmem:s5], [sflag:$0x2] =	stream.linear.gather [hbm4b:s25+s2], $0x400, $0x38;
	[tilespmem:$0x1A200] =	vst v63  }
0x244: {  	s5 =	spop (v2sf)  }
0x245: {  	s25 =	sand.u32 $0xFFFFF80, s5  }
0x246: {  	s5 =	simm.s32 $0x9A00;
	s25 =	sadd.s32 s1, s25  }
0x247: {  	(v2sf) =	vpush v47, $0x9;
	[tilespmem:s5], [sflag:$0x2] =	stream.linear.gather [hbm4b:s25+s2], $0x400, $0x38;
	[tilespmem:$0x1A200] =	vst v63  }
0x248: {  	s25 =	sadd.s32 $0xF4280, s25;
	s5 =	simm.s32 $0xDA00  }
0x249: {  	[tilespmem:s5], [sflag:$0x2] =	stream.linear.gather [hbm4b:s25+s2], $0x400, $0x38;
	[tilespmem:$0x1A200] =	vst v63  }
0x24a: {  	s5 =	spop (v2sf)  }
0x24b: {  	s25 =	sand.u32 $0xFFFFF80, s5  }
0x24c: {  	s5 =	simm.s32 $0x9E00;
	s25 =	sadd.s32 s1, s25  }
0x24d: {  	(v2sf) =	vpush v47, $0xA;
	[tilespmem:s5], [sflag:$0x2] =	stream.linear.gather [hbm4b:s25+s2], $0x400, $0x38;
	[tilespmem:$0x1A200] =	vst v63  }
0x24e: {  	s25 =	sadd.s32 $0xF4280, s25;
	s5 =	simm.s32 $0xDE00  }
0x24f: {  	[tilespmem:s5], [sflag:$0x2] =	stream.linear.gather [hbm4b:s25+s2], $0x400, $0x38;
	[tilespmem:$0x1A200] =	vst v63  }
0x250: {  	s5 =	spop (v2sf)  }
0x251: {  	s25 =	sand.u32 $0xFFFFF80, s5  }
0x252: {  	s5 =	simm.s32 $0xA200;
	s25 =	sadd.s32 s1, s25  }
0x253: {  	(v2sf) =	vpush v47, $0xB;
	[tilespmem:s5], [sflag:$0x2] =	stream.linear.gather [hbm4b:s25+s2], $0x400, $0x38;
	[tilespmem:$0x1A200] =	vst v63  }
0x254: {  	s25 =	sadd.s32 $0xF4280, s25;
	s5 =	simm.s32 $0xE200  }
0x255: {  	[tilespmem:s5], [sflag:$0x2] =	stream.linear.gather [hbm4b:s25+s2], $0x400, $0x38;
	[tilespmem:$0x1A200] =	vst v63  }
0x256: {  	s5 =	spop (v2sf)  }
0x257: {  	s25 =	sand.u32 $0xFFFFF80, s5  }
0x258: {  	s5 =	simm.s32 $0xA600;
	s25 =	sadd.s32 s1, s25  }
0x259: {  	(v2sf) =	vpush v47, $0xC;
	[tilespmem:s5], [sflag:$0x2] =	stream.linear.gather [hbm4b:s25+s2], $0x400, $0x38;
	[tilespmem:$0x1A200] =	vst v63  }
0x25a: {  	s25 =	sadd.s32 $0xF4280, s25;
	s5 =	simm.s32 $0xE600  }
0x25b: {  	[tilespmem:s5], [sflag:$0x2] =	stream.linear.gather [hbm4b:s25+s2], $0x400, $0x38;
	[tilespmem:$0x1A200] =	vst v63  }
0x25c: {  	s5 =	spop (v2sf)  }
0x25d: {  	s25 =	sand.u32 $0xFFFFF80, s5  }
0x25e: {  	s5 =	simm.s32 $0xAA00;
	s25 =	sadd.s32 s1, s25  }
0x25f: {  	(v2sf) =	vpush v47, $0xD;
	[tilespmem:s5], [sflag:$0x2] =	stream.linear.gather [hbm4b:s25+s2], $0x400, $0x38;
	[tilespmem:$0x1A200] =	vst v63  }
0x260: {  	s25 =	sadd.s32 $0xF4280, s25;
	s5 =	simm.s32 $0xEA00  }
0x261: {  	[tilespmem:s5], [sflag:$0x2] =	stream.linear.gather [hbm4b:s25+s2], $0x400, $0x38;
	[tilespmem:$0x1A200] =	vst v63  }
0x262: {  	s5 =	spop (v2sf)  }
0x263: {  	s25 =	sand.u32 $0xFFFFF80, s5  }
0x264: {  	s5 =	simm.s32 $0xAE00;
	s25 =	sadd.s32 s1, s25  }
0x265: {  	(v2sf) =	vpush v47, $0xE;
	[tilespmem:s5], [sflag:$0x2] =	stream.linear.gather [hbm4b:s25+s2], $0x400, $0x38;
	[tilespmem:$0x1A200] =	vst v63  }
0x266: {  	s25 =	sadd.s32 $0xF4280, s25  }
0x267: {  	[tilespmem:s6], [sflag:$0x2] =	stream.linear.gather [hbm4b:s25+s2], $0x400, $0x38;
	[tilespmem:$0x1A200] =	vst v63  }
0x268: {  	s5 =	spop (v2sf)  }
0x269: {  	s25 =	sand.u32 $0xFFFFF80, s5  }
0x26a: {  	s25 =	sadd.s32 s1, s25  }
0x26b: {  	(v2sf) =	vpush v47, $0xF;
	[tilespmem:s9], [sflag:$0x2] =	stream.linear.gather [hbm4b:s25+s2], $0x400, $0x38;
	[tilespmem:$0x1A200] =	vst v63  }
0x26c: {  	s25 =	sadd.s32 $0xF4280, s25  }
0x26d: {  	[tilespmem:s10], [sflag:$0x2] =	stream.linear.gather [hbm4b:s25+s2], $0x400, $0x38;
	[tilespmem:$0x1A200] =	vst v63  }
0x26e: {  	s5 =	spop (v2sf)  }
0x26f: {  	s25 =	sand.u32 $0xFFFFF80, s5  }
0x270: {  	s25 =	sadd.s32 s1, s25  }
0x271: {  	[tilespmem:s11], [sflag:$0x2] =	stream.linear.gather [hbm4b:s25+s2], $0x400, $0x38;
	[tilespmem:$0x1A200] =	vst v63  }
0x272: {  	s25 =	sadd.s32 $0xF4280, s25  }
0x273: {  	[tilespmem:s12], [sflag:$0x2] =	stream.linear.gather [hbm4b:s25+s2], $0x400, $0x38;
	[tilespmem:$0x1A200] =	vst v63  }
0x274: {  	s5 =	spop (v2sf)  }
0x275: {  	s25 =	sand.u32 $0xFFFFF80, s5  }
0x276: {  	s25 =	sadd.s32 s1, s25  }
0x277: {  	[tilespmem:s14], [sflag:$0x2] =	stream.linear.gather [hbm4b:s25+s2], $0x400, $0x38;
	[tilespmem:$0x1A200] =	vst v63  }
0x278: {  	s25 =	sadd.s32 $0xF4280, s25  }
0x279: {  	[tilespmem:s15], [sflag:$0x2] =	stream.linear.gather [hbm4b:s25+s2], $0x400, $0x38;
	[tilespmem:$0x1A200] =	vst v63  }
0x27a: {  	s5 =	spop (v2sf)  }
0x27b: {  	s25 =	sand.u32 $0xFFFFF80, s5  }
0x27c: {  	s25 =	sadd.s32 s1, s25  }
0x27d: {  	[tilespmem:s29], [sflag:$0x2] =	stream.linear.gather [hbm4b:s25+s2], $0x400, $0x38;
	[tilespmem:$0x1A200] =	vst v63  }
0x27e: {  	s25 =	sadd.s32 $0xF4280, s25  }
0x27f: {  	[tilespmem:s4], [sflag:$0x2] =	stream.linear.gather [hbm4b:s25+s2], $0x400, $0x38;
	[tilespmem:$0x1A200] =	vst v63  }
0x280: {  	_ =	swait.ge [sflag:s22], $0x8000  }
0x281: {  	[sflag:s22] =	ssyncset.done $0x0  }
0x282: {  	[sflag:s22] =	ssyncadd.s32 $0xFFFF8000  }
0x283: {  	v57 =	vld [tilespmem:s23+$0x0];
	_ =	sdelay $0x4  }
0x284: {  	v47 =	vand.u32 $0x7F, v57  }
0x285: {  	v58 =	vor.u32 v1, v47;
	_ =	sdelay $0x1  }
0x286: {  	v59 =	vmov s24  }
0x287: {  	v60 =	vor.u32 s24, v0;
	v49 =	vshll.u32 v59, $0x3  }
0x288: {  	v50 =	vand.u32 $0x7F, v60;
	v61 =	vand.u32 $0x3C00, v49  }
0x289: {  	v51 =	vor.u32 v50, v61;
	v48 =	vld.idx.msk [tilespmem:v58+s19+$0x0], $0xffff  }
0x28a: {  	v62 =	vor.u32 v2, v47;
	_ =	sdelay $0x3  }
0x28b: {  	[tilespmem:v51+s20+$0x0] =	vst.idx.msk $0xffff, v48  }
0x28c: {  	v63 =	vor.u32 $0x80, v51;
	v48 =	vld.idx.msk [tilespmem:v62+s19+$0x0], $0xffff  }
0x28d: {  	v56 =	vor.u32 v3, v47;
	_ =	sdelay $0x3  }
0x28e: {  	[tilespmem:v63+s20+$0x0] =	vst.idx.msk $0xffff, v48  }
0x28f: {  	v57 =	vor.u32 $0x100, v51;
	v48 =	vld.idx.msk [tilespmem:v56+s19+$0x0], $0xffff  }
0x290: {  	v58 =	vor.u32 v4, v47;
	_ =	sdelay $0x3  }
0x291: {  	[tilespmem:v57+s20+$0x0] =	vst.idx.msk $0xffff, v48  }
0x292: {  	v59 =	vor.u32 $0x180, v51;
	v48 =	vld.idx.msk [tilespmem:v58+s19+$0x0], $0xffff  }
0x293: {  	v60 =	vor.u32 v5, v47;
	_ =	sdelay $0x3  }
0x294: {  	[tilespmem:v59+s20+$0x0] =	vst.idx.msk $0xffff, v48  }
0x295: {  	v61 =	vor.u32 $0x200, v51;
	v48 =	vld.idx.msk [tilespmem:v60+s19+$0x0], $0xffff  }
0x296: {  	v62 =	vor.u32 v6, v47;
	_ =	sdelay $0x3  }
0x297: {  	[tilespmem:v61+s20+$0x0] =	vst.idx.msk $0xffff, v48  }
0x298: {  	v63 =	vor.u32 $0x280, v51;
	v48 =	vld.idx.msk [tilespmem:v62+s19+$0x0], $0xffff  }
0x299: {  	v56 =	vor.u32 v7, v47;
	_ =	sdelay $0x3  }
0x29a: {  	[tilespmem:v63+s20+$0x0] =	vst.idx.msk $0xffff, v48  }
0x29b: {  	v57 =	vor.u32 $0x300, v51;
	v48 =	vld.idx.msk [tilespmem:v56+s19+$0x0], $0xffff  }
0x29c: {  	v58 =	vor.u32 v8, v47;
	_ =	sdelay $0x3  }
0x29d: {  	v59 =	vor.u32 v50, v49;
	[tilespmem:v57+s20+$0x0] =	vst.idx.msk $0xffff, v48  }
0x29e: {  	v48 =	vor.u32 $0x380, v59;
	v60 =	vld.idx.msk [tilespmem:v58+s19+$0x0], $0xffff  }
0x29f: {  	v61 =	vor.u32 v9, v47;
	_ =	sdelay $0x3  }
0x2a0: {  	[tilespmem:v48+s20+$0x0] =	vst.idx.msk $0xffff, v60  }
0x2a1: {  	v62 =	vadd.s32 $0x1000, v51;
	v48 =	vld.idx.msk [tilespmem:v61+s19+$0x0], $0xffff  }
0x2a2: {  	v63 =	vor.u32 v10, v47;
	_ =	sdelay $0x3  }
0x2a3: {  	[tilespmem:v62+s20+$0x0] =	vst.idx.msk $0xffff, v48  }
0x2a4: {  	v52 =	vadd.s32 $0x1080, v51;
	v48 =	vld.idx.msk [tilespmem:v63+s19+$0x0], $0xffff  }
0x2a5: {  	v53 =	vor.u32 v11, v47;
	_ =	sdelay $0x3  }
0x2a6: {  	[tilespmem:v52+s20+$0x0] =	vst.idx.msk $0xffff, v48  }
0x2a7: {  	v54 =	vadd.s32 $0x1100, v51;
	v48 =	vld.idx.msk [tilespmem:v53+s19+$0x0], $0xffff  }
0x2a8: {  	v55 =	vor.u32 v12, v47;
	_ =	sdelay $0x3  }
0x2a9: {  	[tilespmem:v54+s20+$0x0] =	vst.idx.msk $0xffff, v48  }
0x2aa: {  	v56 =	vadd.s32 $0x1180, v51;
	v48 =	vld.idx.msk [tilespmem:v55+s19+$0x0], $0xffff  }
0x2ab: {  	v57 =	vor.u32 v13, v47;
	_ =	sdelay $0x3  }
0x2ac: {  	[tilespmem:v56+s20+$0x0] =	vst.idx.msk $0xffff, v48  }
0x2ad: {  	v58 =	vadd.s32 $0x1200, v51;
	v48 =	vld.idx.msk [tilespmem:v57+s19+$0x0], $0xffff  }
0x2ae: {  	v59 =	vor.u32 v14, v47;
	_ =	sdelay $0x3  }
0x2af: {  	[tilespmem:v58+s20+$0x0] =	vst.idx.msk $0xffff, v48  }
0x2b0: {  	v60 =	vadd.s32 $0x1280, v51;
	v48 =	vld.idx.msk [tilespmem:v59+s19+$0x0], $0xffff  }
0x2b1: {  	v61 =	vor.u32 v15, v47;
	_ =	sdelay $0x3  }
0x2b2: {  	[tilespmem:v60+s20+$0x0] =	vst.idx.msk $0xffff, v48  }
0x2b3: {  	v62 =	vadd.s32 $0x1300, v51;
	v48 =	vld.idx.msk [tilespmem:v61+s19+$0x0], $0xffff  }
0x2b4: {  	v47 =	vor.u32 v16, v47;
	_ =	sdelay $0x3  }
0x2b5: {  	[tilespmem:v62+s20+$0x0] =	vst.idx.msk $0xffff, v48  }
0x2b6: {  	p0 =	sne.s32 s24, $0x1D0;
	v63 =	vadd.s32 $0x1380, v51;
	v47 =	vld.idx.msk [tilespmem:v47+s19+$0x0], $0xffff  }
.Ltmp0:
0x2b7: {  	_ = 	snop;
	(pc) =	sbr.rel @p0 .LBB2_2-.Ltmp0, $2  }
0x2b8: {  	_ =	sdelay $0x2  }
0x2b9: {  	s24 =	sadd.s32 $0x30, s24;
	s23 =	sadd.s32 $0x30, s23;
	[tilespmem:v63+s20+$0x0] =	vst.idx.msk $0xffff, v47  }
0x2ba: {  	_ =	swait.ge [sflag:s7], $0x8000  }
0x2bb: {  	[sflag:s7] =	ssyncset.done $0x0  }
0x2bc: {  	[sflag:s7] =	ssyncadd.s32 $0xFFFF8000  }
0x2bd: {  	v47 =	vld [tilespmem:$0x1E0];
	_ =	sdelay $0x4  }
0x2be: {  	v47 =	vand.u32 $0x7F, v47  }
0x2bf: {  	v48 =	vor.u32 v1, v47;
	_ =	sdelay $0x4  }
0x2c0: {  	v48 =	vld.idx.msk [tilespmem:v48+s8+$0x0], $0xffff  }
0x2c1: {  	v49 =	vor.u32 v2, v47;
	_ =	sdelay $0x3  }
0x2c2: {  	[tilespmem:v17+s20+$0x0] =	vst.idx.msk $0xffff, v48  }
0x2c3: {  	v48 =	vld.idx.msk [tilespmem:v49+s8+$0x0], $0xffff  }
0x2c4: {  	v57 =	vor.u32 v3, v47;
	_ =	sdelay $0x3  }
0x2c5: {  	[tilespmem:v18+s20+$0x0] =	vst.idx.msk $0xffff, v48  }
0x2c6: {  	v48 =	vld.idx.msk [tilespmem:v57+s8+$0x0], $0xffff  }
0x2c7: {  	v58 =	vor.u32 v4, v47;
	_ =	sdelay $0x3  }
0x2c8: {  	[tilespmem:v19+s20+$0x0] =	vst.idx.msk $0xffff, v48  }
0x2c9: {  	v48 =	vld.idx.msk [tilespmem:v58+s8+$0x0], $0xffff  }
0x2ca: {  	v59 =	vor.u32 v5, v47;
	_ =	sdelay $0x3  }
0x2cb: {  	[tilespmem:v20+s20+$0x0] =	vst.idx.msk $0xffff, v48  }
0x2cc: {  	v48 =	vld.idx.msk [tilespmem:v59+s8+$0x0], $0xffff  }
0x2cd: {  	v60 =	vor.u32 v6, v47;
	_ =	sdelay $0x3  }
0x2ce: {  	[tilespmem:v21+s20+$0x0] =	vst.idx.msk $0xffff, v48  }
0x2cf: {  	v48 =	vld.idx.msk [tilespmem:v60+s8+$0x0], $0xffff  }
0x2d0: {  	v61 =	vor.u32 v7, v47;
	_ =	sdelay $0x3  }
0x2d1: {  	[tilespmem:v22+s20+$0x0] =	vst.idx.msk $0xffff, v48  }
0x2d2: {  	v48 =	vld.idx.msk [tilespmem:v61+s8+$0x0], $0xffff  }
0x2d3: {  	v62 =	vor.u32 v8, v47;
	_ =	sdelay $0x3  }
0x2d4: {  	[tilespmem:v23+s20+$0x0] =	vst.idx.msk $0xffff, v48  }
0x2d5: {  	v48 =	vld.idx.msk [tilespmem:v62+s8+$0x0], $0xffff  }
0x2d6: {  	v63 =	vor.u32 v9, v47;
	_ =	sdelay $0x3  }
0x2d7: {  	[tilespmem:v24+s20+$0x0] =	vst.idx.msk $0xffff, v48  }
0x2d8: {  	v48 =	vld.idx.msk [tilespmem:v63+s8+$0x0], $0xffff  }
0x2d9: {  	v52 =	vor.u32 v10, v47;
	_ =	sdelay $0x3  }
0x2da: {  	[tilespmem:v25+s20+$0x0] =	vst.idx.msk $0xffff, v48  }
0x2db: {  	v48 =	vld.idx.msk [tilespmem:v52+s8+$0x0], $0xffff  }
0x2dc: {  	v53 =	vor.u32 v11, v47;
	_ =	sdelay $0x3  }
0x2dd: {  	[tilespmem:v26+s20+$0x0] =	vst.idx.msk $0xffff, v48  }
0x2de: {  	v48 =	vld.idx.msk [tilespmem:v53+s8+$0x0], $0xffff  }
0x2df: {  	v54 =	vor.u32 v12, v47;
	_ =	sdelay $0x3  }
0x2e0: {  	[tilespmem:v27+s20+$0x0] =	vst.idx.msk $0xffff, v48  }
0x2e1: {  	v48 =	vld.idx.msk [tilespmem:v54+s8+$0x0], $0xffff  }
0x2e2: {  	v55 =	vor.u32 v13, v47;
	_ =	sdelay $0x3  }
0x2e3: {  	[tilespmem:v28+s20+$0x0] =	vst.idx.msk $0xffff, v48  }
0x2e4: {  	v48 =	vld.idx.msk [tilespmem:v55+s8+$0x0], $0xffff  }
0x2e5: {  	v56 =	vor.u32 v14, v47;
	_ =	sdelay $0x3  }
0x2e6: {  	[tilespmem:v29+s20+$0x0] =	vst.idx.msk $0xffff, v48  }
0x2e7: {  	v48 =	vld.idx.msk [tilespmem:v56+s8+$0x0], $0xffff  }
0x2e8: {  	v57 =	vor.u32 v15, v47;
	_ =	sdelay $0x3  }
0x2e9: {  	[tilespmem:v30+s20+$0x0] =	vst.idx.msk $0xffff, v48  }
0x2ea: {  	v48 =	vld.idx.msk [tilespmem:v57+s8+$0x0], $0xffff  }
0x2eb: {  	v47 =	vor.u32 v16, v47;
	_ =	sdelay $0x3  }
0x2ec: {  	[tilespmem:v31+s20+$0x0] =	vst.idx.msk $0xffff, v48  }
0x2ed: {  	v47 =	vld.idx.msk [tilespmem:v47+s8+$0x0], $0xffff;
	_ =	sdelay $0x4  }
0x2ee: {  	[tilespmem:v32+s20+$0x0] =	vst.idx.msk $0xffff, v47  }
0x2ef: {  	_ =	swait.ge [sflag:s21], $0x8000  }
0x2f0: {  	[sflag:s21] =	ssyncset.done $0x0  }
0x2f1: {  	[sflag:s21] =	ssyncadd.s32 $0xFFFF8000  }
0x2f2: {  	v58 =	vld [tilespmem:$0x1F0];
	_ =	sdelay $0x4  }
0x2f3: {  	v47 =	vand.u32 $0x7F, v58  }
0x2f4: {  	v59 =	vor.u32 v1, v47;
	_ =	sdelay $0x4  }
0x2f5: {  	v48 =	vld.idx.msk [tilespmem:v59+s13+$0x0], $0xffff  }
0x2f6: {  	v60 =	vor.u32 v2, v47;
	_ =	sdelay $0x3  }
0x2f7: {  	[tilespmem:v33+s20+$0x0] =	vst.idx.msk $0xffff, v48  }
0x2f8: {  	v48 =	vld.idx.msk [tilespmem:v60+s13+$0x0], $0xffff  }
0x2f9: {  	v61 =	vor.u32 v3, v47;
	_ =	sdelay $0x3  }
0x2fa: {  	[tilespmem:v34+s20+$0x0] =	vst.idx.msk $0xffff, v48  }
0x2fb: {  	v48 =	vld.idx.msk [tilespmem:v61+s13+$0x0], $0xffff  }
0x2fc: {  	v62 =	vor.u32 v4, v47;
	_ =	sdelay $0x3  }
0x2fd: {  	[tilespmem:v35+s20+$0x0] =	vst.idx.msk $0xffff, v48  }
0x2fe: {  	v48 =	vld.idx.msk [tilespmem:v62+s13+$0x0], $0xffff  }
0x2ff: {  	v63 =	vor.u32 v5, v47;
	_ =	sdelay $0x3  }
0x300: {  	[tilespmem:v36+s20+$0x0] =	vst.idx.msk $0xffff, v48  }
0x301: {  	v48 =	vld.idx.msk [tilespmem:v63+s13+$0x0], $0xffff  }
0x302: {  	v52 =	vor.u32 v6, v47;
	_ =	sdelay $0x3  }
0x303: {  	[tilespmem:v37+s20+$0x0] =	vst.idx.msk $0xffff, v48  }
0x304: {  	v48 =	vld.idx.msk [tilespmem:v52+s13+$0x0], $0xffff  }
0x305: {  	v53 =	vor.u32 v7, v47;
	_ =	sdelay $0x3  }
0x306: {  	[tilespmem:v38+s20+$0x0] =	vst.idx.msk $0xffff, v48  }
0x307: {  	v48 =	vld.idx.msk [tilespmem:v53+s13+$0x0], $0xffff  }
0x308: {  	v54 =	vor.u32 v8, v47;
	_ =	sdelay $0x3  }
0x309: {  	[tilespmem:v39+s20+$0x0] =	vst.idx.msk $0xffff, v48  }
0x30a: {  	v48 =	vld.idx.msk [tilespmem:v54+s13+$0x0], $0xffff  }
0x30b: {  	v55 =	vor.u32 v9, v47;
	_ =	sdelay $0x3  }
0x30c: {  	[tilespmem:v40+s20+$0x0] =	vst.idx.msk $0xffff, v48  }
0x30d: {  	v48 =	vld.idx.msk [tilespmem:v55+s13+$0x0], $0xffff  }
0x30e: {  	v56 =	vor.u32 v10, v47;
	_ =	sdelay $0x3  }
0x30f: {  	[tilespmem:v41+s20+$0x0] =	vst.idx.msk $0xffff, v48  }
0x310: {  	v48 =	vld.idx.msk [tilespmem:v56+s13+$0x0], $0xffff  }
0x311: {  	v57 =	vor.u32 v11, v47;
	_ =	sdelay $0x3  }
0x312: {  	[tilespmem:v42+s20+$0x0] =	vst.idx.msk $0xffff, v48  }
0x313: {  	v48 =	vld.idx.msk [tilespmem:v57+s13+$0x0], $0xffff  }
0x314: {  	v58 =	vor.u32 v12, v47;
	_ =	sdelay $0x3  }
0x315: {  	[tilespmem:v43+s20+$0x0] =	vst.idx.msk $0xffff, v48  }
0x316: {  	v48 =	vld.idx.msk [tilespmem:v58+s13+$0x0], $0xffff  }
0x317: {  	v59 =	vor.u32 v13, v47;
	_ =	sdelay $0x3  }
0x318: {  	[tilespmem:v44+s20+$0x0] =	vst.idx.msk $0xffff, v48  }
0x319: {  	v48 =	vld.idx.msk [tilespmem:v59+s13+$0x0], $0xffff  }
0x31a: {  	v60 =	vor.u32 v14, v47;
	_ =	sdelay $0x3  }
0x31b: {  	[tilespmem:v45+s20+$0x0] =	vst.idx.msk $0xffff, v48  }
0x31c: {  	v48 =	vld.idx.msk [tilespmem:v60+s13+$0x0], $0xffff  }
0x31d: {  	v61 =	vor.u32 v15, v47;
	_ =	sdelay $0x3  }
0x31e: {  	[tilespmem:v46+s20+$0x0] =	vst.idx.msk $0xffff, v48  }
0x31f: {  	v62 =	vor.u32 $0x1F70, v0;
	v48 =	vld.idx.msk [tilespmem:v61+s13+$0x0], $0xffff  }
0x320: {  	v47 =	vor.u32 v16, v47;
	_ =	sdelay $0x3  }
0x321: {  	[tilespmem:v62+s20+$0x0] =	vst.idx.msk $0xffff, v48  }
0x322: {  	v63 =	vor.u32 $0x1FF0, v0;
	v47 =	vld.idx.msk [tilespmem:v47+s13+$0x0], $0xffff;
	_ =	sdelay $0x2  }
0x323: {  	s23 =	sld [smem:$0x7F8];
	_ =	sdelay $0x1  }
0x324: {  	s0 =	simm.s32 $0x1000;
	s3 =	simm.s32 $0x20000;
	s18 =	simm.s32 $0x4;
	[tilespmem:v63+s20+$0x0] =	vst.idx.msk $0xffff, v47  }
0x325: {  	[hbm4b:s23+s0] =	stream.strided.scatter [tilespmem:s20], [sflag:$0x4], $0x2000, s3, s0, $0x38;
	[tilespmem:$0x1A200] =	vst v63  }
0x326: {  	_ =	swait.ge [sflag:s18], $0x2000  }
0x327: {  	s24 =	sld [smem:$0x7FD]  }
0x328: {  	s29 =	simm.s32 $0x4A00;
	s25 =	sld [smem:$0x7F9]  }
0x329: {  	s30 =	simm.s32 $0xE00;
	s4 =	simm.s32 $0x1200;
	s5 =	simm.s32 $0x5200  }
0x32a: {  	s6 =	simm.s32 $0x1600;
	s9 =	simm.s32 $0x5600;
	s3 =	sadd.s32 $0x1, s24  }
0x32b: {  	s10 =	simm.s32 $0x1A00;
	s11 =	simm.s32 $0x5A00;
	p0 =	sne.s32 s3, s25  }
.Ltmp1:
0x32c: {  	s12 =	simm.s32 $0x1E00;
	s14 =	simm.s32 $0x5E00;
	(pc) =	sbr.rel @p0 .LBB2_1-.Ltmp1, $4  }
0x32d: {  	s15 =	simm.s32 $0x2200;
	s16 =	simm.s32 $0x2600;
	s17 =	simm.s32 $0x6600  }
0x32e: {  	s31 =	simm.s32 $0x6A00;
	s0 =	simm.s32 $0x6200;
	[sflag:s18] =	ssyncset.done $0x0  }
0x32f: {  	[sflag:s18] =	ssyncadd.s32 $0xFFFFE000;
	s18 =	simm.s32 $0x2A00;
	s24 =	simm.s32 $0x4600  }
0x330: {  	[smem:$0x7FD] =	sst s3;
	s25 =	simm.s32 $0xA00;
	s3 =	simm.s32 $0x4E00  }
0x331: {  	_ =	sfence.sel $0x180000  }
0x332: {  	[bflag:$0x0] =	sbarrier.arrive $0xFFFF  }
0x333: {  	_ =	strace $0x90000047  }
0x334: {  	s0 =	stileid.u32;
	[bflag:$0x2] =	sbarrier.arrive $0xFFFF  }
0x335: {  	p0 =	sne.s32 s0, $0x0;
	s0 =	rddreg [dreg:$0x3]  }
0x336: {  	s0 =	sadd.s32 @!p0 $0x100000, s0  }
0x337: {  	[sflag:s0] =	ssyncadd.tile.s32 @!p0 $0x1;
	_ =	shalt  }
.Lfunc_end2:
_tile_overlayer_lowered:
.L_overlay_start_2:
0x338: {  	(tag) =	ssettag $0x2  }
0x339: {  	s0 =	rddreg [dreg:$0x0];
	s2 =	stileid.u32  }
0x33a: {  	s1 =	rddreg [dreg:$0x1];
	p0 =	sne.s32 s2, $0x0  }
0x33b: {  	s3 =	rddreg [dreg:$0x2];
	[bflag:$0x3] =	sbarrier.arrive $0xFFFF;
	s2 =	simm.s32 @!p0 $0x1C05  }
0x33c: {  	[timem:s3], [sflag:s2] =	dma.local @!p0 [hbm:s0], s1  }
0x33d: {  	s0 =	simm.s32 @!p0 $0x5  }
0x33e: {  	_ =	swait.ge @!p0 [sflag:s0], s1  }
0x33f: {  	s1 =	ssub.s32 @!p0 $0x0, s1;
	[sflag:s0] =	ssyncset.done @!p0 $0x0  }
0x340: {  	[sflag:s0] =	ssyncadd.s32 @!p0 s1  }
0x341: {  	[bflag:$0x3] =	sbarrier.arrive $0xFFFF  }
0x342: {  	_ =	shalt  }

</sc_bundles>
